<compile_context>
chip_gen: v7x
topology: tpu7x:2x2x1
jax: 0.10.2.dev20260603
libtpu: 0.0.44.dev20260713+nightly
codegen_flags: <defaults>
</compile_context>

<pallas_src>
import functools

import jax
import jax.numpy as jnp
from jax import lax
from jax.experimental import pallas as pl
from jax.experimental.pallas import tpu as pltpu
from jax.experimental.pallas import tpu_sc as plsc

N_CP = 20
CP_STEP = 40.0

NC = 2
NS = 16
NW = NC * NS
LANES = 16


@functools.partial(jax.jit, static_argnames=("b_per_w", "n_items"))
def _trend_sc(t, idx, m_tab, k_tab, d_flat, b_per_w, n_items):
    B = t.shape[0]
    n_groups = b_per_w // LANES
    mesh = plsc.VectorSubcoreMesh(core_axis_name="c", subcore_axis_name="s")

    @functools.partial(
        pl.kernel,
        mesh=mesh,
        compiler_params=pltpu.CompilerParams(
            needs_layout_passes=False, use_tc_tiling_on_sc=False
        ),
        out_type=jax.ShapeDtypeStruct((B,), jnp.float32),
        scratch_types=[
            pltpu.VMEM((b_per_w,), jnp.int32),
            pltpu.VMEM((N_CP * b_per_w,), jnp.int32),
            pltpu.VMEM((N_CP * b_per_w,), jnp.float32),
            pltpu.VMEM((b_per_w,), jnp.float32),
            pltpu.VMEM((b_per_w,), jnp.float32),
            pltpu.VMEM((b_per_w,), jnp.float32),
            pltpu.VMEM((b_per_w,), jnp.float32),
            pltpu.SemaphoreType.DMA,
            [pltpu.SemaphoreType.DMA] * N_CP,
        ],
    )
    def sc_kernel(t_hbm, idx_hbm, m_hbm, k_hbm, d_hbm, out_hbm,
                  id_v, jx_v, d_v, t_v, m_v, k_v, out_v, sem, dsems):
        wid = lax.axis_index("s") * NC + lax.axis_index("c")
        base = wid * b_per_w

        pltpu.sync_copy(idx_hbm.at[pl.ds(base, b_per_w)], id_v)
        mk_copies = [
            pltpu.async_copy(m_hbm.at[id_v], m_v, sem),
            pltpu.async_copy(k_hbm.at[id_v], k_v, sem),
        ]
        for g in range(b_per_w // LANES):
            ids = id_v[pl.ds(g * LANES, LANES)]
            for j in range(N_CP):
                jx_v[pl.ds(j * b_per_w + g * LANES, LANES)] = (
                    ids + jnp.int32(n_items * j)
                )
        d_copies = [pltpu.async_copy(d_hbm.at[jx_v], d_v, dsems[0])]
        pltpu.sync_copy(t_hbm.at[pl.ds(base, b_per_w)], t_v)
        for cp in mk_copies:
            cp.wait()
        for cp in d_copies:
            cp.wait()

        def body(g, carry):
            gb = g * LANES
            tg = t_v[pl.ds(gb, LANES)]
            acc = m_v[pl.ds(gb, LANES)] + k_v[pl.ds(gb, LANES)] * tg
            for j in range(N_CP):
                d = d_v[pl.ds(j * b_per_w + gb, LANES)]
                sj = jnp.float32(CP_STEP * (j + 1))
                acc += d * jnp.maximum(tg - sj, 0.0)
            out_v[pl.ds(gb, LANES)] = acc
            return carry

        lax.fori_loop(0, n_groups, body, 0)

        pltpu.sync_copy(out_v, out_hbm.at[pl.ds(base, b_per_w)])

    return sc_kernel(t, idx, m_tab, k_tab, d_flat)


def kernel(t, item_id, m_table, k_table, delta_table):
    B = t.shape[0]
    n_items = delta_table.shape[0]
    out = _trend_sc(
        t.reshape(B),
        item_id.reshape(B),
        m_table.reshape(-1),
        k_table.reshape(-1),
        delta_table.T.reshape(-1),
        b_per_w=B // NW,
        n_items=n_items,
    )
    return out.reshape(B, 1)

# --- scband reference (transcript-rebuilt; emitter-appended) ---
"""Pipeline reference for scband-linear-trend-62431644615007 (READ-ONLY COPY).

The authoritative reference and input builder live on the scoring server;
editing this copy changes nothing except your own understanding.
"""

import jax, jax.numpy as jnp
import numpy as np

N_ITEMS = 100000
N_CP = 20
T_LO = 0.0
T_HI = 1000
CP_RANGE = 0.8
B = 16384


def setup_inputs(seed: int = 0) -> dict:
    key = jax.random.key(seed)
    k1, k2, k3, k4, k5 = jax.random.split(key, 5)
    # t: time values spanning the configured t_range (fill=rand scaled to [0, 1000))
    t = jax.random.uniform(k1, (B, 1), dtype=jnp.float32, minval=0.0, maxval=1000.0)
    item_id = jax.random.randint(k2, (B, 1), 0, N_ITEMS, dtype=jnp.int32)
    # learned per-item parameters (Embedding tables): m (offset), k (slope), delta (changepoint adjustments)
    m_table = jax.random.normal(k3, (N_ITEMS, 1), dtype=jnp.float32) * 0.1
    k_table = jax.random.normal(k4, (N_ITEMS, 1), dtype=jnp.float32) * 0.1
    delta_table = jax.random.normal(k5, (N_ITEMS, N_CP), dtype=jnp.float32) * 0.01
    return {"t": t, "item_id": item_id, "m_table": m_table, "k_table": k_table, "delta_table": delta_table}


def reference(t, item_id, m_table, k_table, delta_table):
    idx = item_id[:, 0]
    # Embedding(input_length=1) + Reshape -> [B, 1] / [B, 1, N_CP]
    m = jnp.take(m_table, idx, axis=0)                    # [B, 1]
    k = jnp.take(k_table, idx, axis=0)                    # [B, 1]
    delta = jnp.take(delta_table, idx, axis=0)[:, None, :]  # [B, 1, N_CP]
    # changepoints = linspace(t_range[0], int(changepoint_range * t_range[1]), n_changepoints + 1)
    stop = float(int(CP_RANGE * T_HI))
    changepoints = jnp.linspace(T_LO, stop, N_CP + 1)
    s = changepoints.astype(jnp.float32)[1:]              # [N_CP]
    # trend computation
    a_t = t > s                                            # [B, N_CP] (broadcast)
    A = a_t.astype(jnp.float32)[:, None, :]                # [B, 1, N_CP]
    trend = (jnp.sum(A * delta, axis=-1) + k) * t          # [B, 1]
    gamma = -s[None, None, :] * delta                      # [B, 1, N_CP]
    offset = jnp.sum(A * gamma, axis=-1) + m               # [B, 1]
    return trend + offset

if __name__ == "__main__":
    import jax
    _d = setup_inputs()
    print(jax.jit(kernel)(*tuple(_d.values())))

</pallas_src>

<mosaic_0001>
#map = affine_map<(d0, d1) -> (0)>
module attributes {stable_mosaic.version = 14 : i64} {
  func.func @sc_kernel(%arg0: i32, %arg1: i32, %arg2: memref<16384xf32, #tpu.memory_space<hbm>>, %arg3: memref<16384xi32, #tpu.memory_space<hbm>>, %arg4: memref<100000xf32, #tpu.memory_space<hbm>>, %arg5: memref<100000xf32, #tpu.memory_space<hbm>>, %arg6: memref<2000000xf32, #tpu.memory_space<hbm>>, %arg7: memref<16384xf32, #tpu.memory_space<hbm>>, %arg8: memref<512xi32, #tpu.memory_space<vmem>>, %arg9: memref<10240xi32, #tpu.memory_space<vmem>>, %arg10: memref<10240xf32, #tpu.memory_space<vmem>>, %arg11: memref<512xf32, #tpu.memory_space<vmem>>, %arg12: memref<512xf32, #tpu.memory_space<vmem>>, %arg13: memref<512xf32, #tpu.memory_space<vmem>>, %arg14: memref<512xf32, #tpu.memory_space<vmem>>, %arg15: memref<!tpu.dma_semaphore, #tpu.memory_space<semaphore_mem>>, %arg16: memref<!tpu.dma_semaphore, #tpu.memory_space<semaphore_mem>>, %arg17: memref<!tpu.dma_semaphore, #tpu.memory_space<semaphore_mem>>, %arg18: memref<!tpu.dma_semaphore, #tpu.memory_space<semaphore_mem>>, %arg19: memref<!tpu.dma_semaphore, #tpu.memory_space<semaphore_mem>>, %arg20: memref<!tpu.dma_semaphore, #tpu.memory_space<semaphore_mem>>, %arg21: memref<!tpu.dma_semaphore, #tpu.memory_space<semaphore_mem>>, %arg22: memref<!tpu.dma_semaphore, #tpu.memory_space<semaphore_mem>>, %arg23: memref<!tpu.dma_semaphore, #tpu.memory_space<semaphore_mem>>, %arg24: memref<!tpu.dma_semaphore, #tpu.memory_space<semaphore_mem>>, %arg25: memref<!tpu.dma_semaphore, #tpu.memory_space<semaphore_mem>>, %arg26: memref<!tpu.dma_semaphore, #tpu.memory_space<semaphore_mem>>, %arg27: memref<!tpu.dma_semaphore, #tpu.memory_space<semaphore_mem>>, %arg28: memref<!tpu.dma_semaphore, #tpu.memory_space<semaphore_mem>>, %arg29: memref<!tpu.dma_semaphore, #tpu.memory_space<semaphore_mem>>, %arg30: memref<!tpu.dma_semaphore, #tpu.memory_space<semaphore_mem>>, %arg31: memref<!tpu.dma_semaphore, #tpu.memory_space<semaphore_mem>>, %arg32: memref<!tpu.dma_semaphore, #tpu.memory_space<semaphore_mem>>, %arg33: memref<!tpu.dma_semaphore, #tpu.memory_space<semaphore_mem>>, %arg34: memref<!tpu.dma_semaphore, #tpu.memory_space<semaphore_mem>>, %arg35: memref<!tpu.dma_semaphore, #tpu.memory_space<semaphore_mem>>) attributes {dimension_semantics = [#tpu.dimension_semantics<core_parallel>, #tpu.dimension_semantics<subcore_parallel>], iteration_bounds = array<i64: 2, 16>, scalar_prefetch = 0 : i64, scratch_operands = 28 : i64, tpu.core_type = #tpu.core_type<sc_vector_subcore>, window_params = [{transform_indices = #map}, {transform_indices = #map}, {transform_indices = #map}, {transform_indices = #map}, {transform_indices = #map}, {transform_indices = #map}]} {
    %mul3A = arith.constant 2 : i32
    %mul3A_0 = arith.muli %arg1, %mul3A : i32
    %add3A = arith.addi %mul3A_0, %arg0 : i32
    %mul3A_1 = arith.constant 512 : i32
    %mul3A_2 = arith.muli %add3A, %mul3A_1 : i32
    "tpu.region"() ({
      %run_scoped3A = tpu.sem_alloc : memref<!tpu.dma_semaphore, #tpu.memory_space<semaphore_mem>>
      %dma_start3A_3280 = tpu.memref_slice %arg3[%mul3A_2] : memref<16384xi32, #tpu.memory_space<hbm>> -> memref<512xi32, #tpu.memory_space<hbm>>
      %dma_start3A_3281 = tpu.memref_slice %arg3[%mul3A_2] : memref<16384xi32, #tpu.memory_space<hbm>> -> memref<512xi32, #tpu.memory_space<hbm>>
      tpu.enqueue_dma source(%dma_start3A_3281 : memref<512xi32, #tpu.memory_space<hbm>>) target(%arg8 : memref<512xi32, #tpu.memory_space<vmem>>) target_semaphore(%run_scoped3A : memref<!tpu.dma_semaphore, #tpu.memory_space<semaphore_mem>>)
      %dma_wait3A_3282 = tpu.memref_slice %arg3[%mul3A_2] : memref<16384xi32, #tpu.memory_space<hbm>> -> memref<512xi32, #tpu.memory_space<hbm>>
      %dma_wait3A_3283 = tpu.memref_slice %arg3[%mul3A_2] : memref<16384xi32, #tpu.memory_space<hbm>> -> memref<512xi32, #tpu.memory_space<hbm>>
      tpu.wait_dma2 semaphore(%run_scoped3A : memref<!tpu.dma_semaphore, #tpu.memory_space<semaphore_mem>>) src(%dma_wait3A_3283 : memref<512xi32, #tpu.memory_space<hbm>>) dst(%arg8 : memref<512xi32, #tpu.memory_space<vmem>>)
      tpu.yield
    }) : () -> ()
    %dma_start3A = arith.constant 0 : i32
    %dma_start3A_3 = tpu.memref_slice %arg4[%dma_start3A] : memref<100000xf32, #tpu.memory_space<hbm>> -> memref<100000xf32, #tpu.memory_space<hbm>>
    tpu.enqueue_indirect_dma source(%dma_start3A_3 : memref<100000xf32, #tpu.memory_space<hbm>>) target(%arg12 : memref<512xf32, #tpu.memory_space<vmem>>) offsets(%arg8 : memref<512xi32, #tpu.memory_space<vmem>>) semaphore(%arg15 : memref<!tpu.dma_semaphore, #tpu.memory_space<semaphore_mem>>)
    %dma_start3A_4 = arith.constant 0 : i32
    %dma_start3A_5 = tpu.memref_slice %arg5[%dma_start3A_4] : memref<100000xf32, #tpu.memory_space<hbm>> -> memref<100000xf32, #tpu.memory_space<hbm>>
    tpu.enqueue_indirect_dma source(%dma_start3A_5 : memref<100000xf32, #tpu.memory_space<hbm>>) target(%arg13 : memref<512xf32, #tpu.memory_space<vmem>>) offsets(%arg8 : memref<512xi32, #tpu.memory_space<vmem>>) semaphore(%arg15 : memref<!tpu.dma_semaphore, #tpu.memory_space<semaphore_mem>>)
    %get3A = arith.constant 0 : index
    %get3A_6 = tpu.vector_load %arg8[%get3A] {strides = array<i32>} : memref<512xi32, #tpu.memory_space<vmem>>, vector<16xi32>,
    %add3A_7 = arith.constant 0 : i32
    %add3A_8 = vector.broadcast %add3A_7 : i32 to vector<16xi32>
    %add3A_9 = arith.addi %get3A_6, %add3A_8 : vector<16xi32>
    %swap3A = arith.constant 0 : index
    %swap3A_10 = tpu.vector_load %arg9[%swap3A] {strides = array<i32>} : memref<10240xi32, #tpu.memory_space<vmem>>, vector<16xi32>,
    tpu.vector_store %arg9[%swap3A], %add3A_9 {strides = array<i32>} : memref<10240xi32, #tpu.memory_space<vmem>>, vector<16xi32>,
    %add3A_11 = arith.constant 100000 : i32
    %add3A_12 = vector.broadcast %add3A_11 : i32 to vector<16xi32>
    %add3A_13 = arith.addi %get3A_6, %add3A_12 : vector<16xi32>
    %swap3A_14 = arith.constant 512 : index
    %swap3A_15 = tpu.vector_load %arg9[%swap3A_14] {strides = array<i32>} : memref<10240xi32, #tpu.memory_space<vmem>>, vector<16xi32>,
    tpu.vector_store %arg9[%swap3A_14], %add3A_13 {strides = array<i32>} : memref<10240xi32, #tpu.memory_space<vmem>>, vector<16xi32>,
    %add3A_16 = arith.constant 200000 : i32
    %add3A_17 = vector.broadcast %add3A_16 : i32 to vector<16xi32>
    %add3A_18 = arith.addi %get3A_6, %add3A_17 : vector<16xi32>
    %swap3A_19 = arith.constant 1024 : index
    %swap3A_20 = tpu.vector_load %arg9[%swap3A_19] {strides = array<i32>} : memref<10240xi32, #tpu.memory_space<vmem>>, vector<16xi32>,
    tpu.vector_store %arg9[%swap3A_19], %add3A_18 {strides = array<i32>} : memref<10240xi32, #tpu.memory_space<vmem>>, vector<16xi32>,
    %add3A_21 = arith.constant 300000 : i32
    %add3A_22 = vector.broadcast %add3A_21 : i32 to vector<16xi32>
    %add3A_23 = arith.addi %get3A_6, %add3A_22 : vector<16xi32>
    %swap3A_24 = arith.constant 1536 : index
    %swap3A_25 = tpu.vector_load %arg9[%swap3A_24] {strides = array<i32>} : memref<10240xi32, #tpu.memory_space<vmem>>, vector<16xi32>,
    tpu.vector_store %arg9[%swap3A_24], %add3A_23 {strides = array<i32>} : memref<10240xi32, #tpu.memory_space<vmem>>, vector<16xi32>,
    %add3A_26 = arith.constant 400000 : i32
    %add3A_27 = vector.broadcast %add3A_26 : i32 to vector<16xi32>
    %add3A_28 = arith.addi %get3A_6, %add3A_27 : vector<16xi32>
    %swap3A_29 = arith.constant 2048 : index
    %swap3A_30 = tpu.vector_load %arg9[%swap3A_29] {strides = array<i32>} : memref<10240xi32, #tpu.memory_space<vmem>>, vector<16xi32>,
    tpu.vector_store %arg9[%swap3A_29], %add3A_28 {strides = array<i32>} : memref<10240xi32, #tpu.memory_space<vmem>>, vector<16xi32>,
    %add3A_31 = arith.constant 500000 : i32
    %add3A_32 = vector.broadcast %add3A_31 : i32 to vector<16xi32>
    %add3A_33 = arith.addi %get3A_6, %add3A_32 : vector<16xi32>
    %swap3A_34 = arith.constant 2560 : index
    %swap3A_35 = tpu.vector_load %arg9[%swap3A_34] {strides = array<i32>} : memref<10240xi32, #tpu.memory_space<vmem>>, vector<16xi32>,
    tpu.vector_store %arg9[%swap3A_34], %add3A_33 {strides = array<i32>} : memref<10240xi32, #tpu.memory_space<vmem>>, vector<16xi32>,
    %add3A_36 = arith.constant 600000 : i32
    %add3A_37 = vector.broadcast %add3A_36 : i32 to vector<16xi32>
    %add3A_38 = arith.addi %get3A_6, %add3A_37 : vector<16xi32>
    %swap3A_39 = arith.constant 3072 : index
    %swap3A_40 = tpu.vector_load %arg9[%swap3A_39] {strides = array<i32>} : memref<10240xi32, #tpu.memory_space<vmem>>, vector<16xi32>,
    tpu.vector_store %arg9[%swap3A_39], %add3A_38 {strides = array<i32>} : memref<10240xi32, #tpu.memory_space<vmem>>, vector<16xi32>,
    %add3A_41 = arith.constant 700000 : i32
    %add3A_42 = vector.broadcast %add3A_41 : i32 to vector<16xi32>
    %add3A_43 = arith.addi %get3A_6, %add3A_42 : vector<16xi32>
    %swap3A_44 = arith.constant 3584 : index
    %swap3A_45 = tpu.vector_load %arg9[%swap3A_44] {strides = array<i32>} : memref<10240xi32, #tpu.memory_space<vmem>>, vector<16xi32>,
    tpu.vector_store %arg9[%swap3A_44], %add3A_43 {strides = array<i32>} : memref<10240xi32, #tpu.memory_space<vmem>>, vector<16xi32>,
    %add3A_46 = arith.constant 800000 : i32
    %add3A_47 = vector.broadcast %add3A_46 : i32 to vector<16xi32>
    %add3A_48 = arith.addi %get3A_6, %add3A_47 : vector<16xi32>
    %swap3A_49 = arith.constant 4096 : index
    %swap3A_50 = tpu.vector_load %arg9[%swap3A_49] {strides = array<i32>} : memref<10240xi32, #tpu.memory_space<vmem>>, vector<16xi32>,
    tpu.vector_store %arg9[%swap3A_49], %add3A_48 {strides = array<i32>} : memref<10240xi32, #tpu.memory_space<vmem>>, vector<16xi32>,
    %add3A_51 = arith.constant 900000 : i32
    %add3A_52 = vector.broadcast %add3A_51 : i32 to vector<16xi32>
    %add3A_53 = arith.addi %get3A_6, %add3A_52 : vector<16xi32>
    %swap3A_54 = arith.constant 4608 : index
    %swap3A_55 = tpu.vector_load %arg9[%swap3A_54] {strides = array<i32>} : memref<10240xi32, #tpu.memory_space<vmem>>, vector<16xi32>,
    tpu.vector_store %arg9[%swap3A_54], %add3A_53 {strides = array<i32>} : memref<10240xi32, #tpu.memory_space<vmem>>, vector<16xi32>,
    %add3A_56 = arith.constant 1000000 : i32
    %add3A_57 = vector.broadcast %add3A_56 : i32 to vector<16xi32>
    %add3A_58 = arith.addi %get3A_6, %add3A_57 : vector<16xi32>
    %swap3A_59 = arith.constant 5120 : index
    %swap3A_60 = tpu.vector_load %arg9[%swap3A_59] {strides = array<i32>} : memref<10240xi32, #tpu.memory_space<vmem>>, vector<16xi32>,
    tpu.vector_store %arg9[%swap3A_59], %add3A_58 {strides = array<i32>} : memref<10240xi32, #tpu.memory_space<vmem>>, vector<16xi32>,
    %add3A_61 = arith.constant 1100000 : i32
    %add3A_62 = vector.broadcast %add3A_61 : i32 to vector<16xi32>
    %add3A_63 = arith.addi %get3A_6, %add3A_62 : vector<16xi32>
    %swap3A_64 = arith.constant 5632 : index
    %swap3A_65 = tpu.vector_load %arg9[%swap3A_64] {strides = array<i32>} : memref<10240xi32, #tpu.memory_space<vmem>>, vector<16xi32>,
    tpu.vector_store %arg9[%swap3A_64], %add3A_63 {strides = array<i32>} : memref<10240xi32, #tpu.memory_space<vmem>>, vector<16xi32>,
    %add3A_66 = arith.constant 1200000 : i32
    %add3A_67 = vector.broadcast %add3A_66 : i32 to vector<16xi32>
    %add3A_68 = arith.addi %get3A_6, %add3A_67 : vector<16xi32>
    %swap3A_69 = arith.constant 6144 : index
    %swap3A_70 = tpu.vector_load %arg9[%swap3A_69] {strides = array<i32>} : memref<10240xi32, #tpu.memory_space<vmem>>, vector<16xi32>,
    tpu.vector_store %arg9[%swap3A_69], %add3A_68 {strides = array<i32>} : memref<10240xi32, #tpu.memory_space<vmem>>, vector<16xi32>,
    %add3A_71 = arith.constant 1300000 : i32
    %add3A_72 = vector.broadcast %add3A_71 : i32 to vector<16xi32>
    %add3A_73 = arith.addi %get3A_6, %add3A_72 : vector<16xi32>
    %swap3A_74 = arith.constant 6656 : index
    %swap3A_75 = tpu.vector_load %arg9[%swap3A_74] {strides = array<i32>} : memref<10240xi32, #tpu.memory_space<vmem>>, vector<16xi32>,
    tpu.vector_store %arg9[%swap3A_74], %add3A_73 {strides = array<i32>} : memref<10240xi32, #tpu.memory_space<vmem>>, vector<16xi32>,
    %add3A_76 = arith.constant 1400000 : i32
    %add3A_77 = vector.broadcast %add3A_76 : i32 to vector<16xi32>
    %add3A_78 = arith.addi %get3A_6, %add3A_77 : vector<16xi32>
    %swap3A_79 = arith.constant 7168 : index
    %swap3A_80 = tpu.vector_load %arg9[%swap3A_79] {strides = array<i32>} : memref<10240xi32, #tpu.memory_space<vmem>>, vector<16xi32>,
    tpu.vector_store %arg9[%swap3A_79], %add3A_78 {strides = array<i32>} : memref<10240xi32, #tpu.memory_space<vmem>>, vector<16xi32>,
    %add3A_81 = arith.constant 1500000 : i32
    %add3A_82 = vector.broadcast %add3A_81 : i32 to vector<16xi32>
    %add3A_83 = arith.addi %get3A_6, %add3A_82 : vector<16xi32>
    %swap3A_84 = arith.constant 7680 : index
    %swap3A_85 = tpu.vector_load %arg9[%swap3A_84] {strides = array<i32>} : memref<10240xi32, #tpu.memory_space<vmem>>, vector<16xi32>,
    tpu.vector_store %arg9[%swap3A_84], %add3A_83 {strides = array<i32>} : memref<10240xi32, #tpu.memory_space<vmem>>, vector<16xi32>,
    %add3A_86 = arith.constant 1600000 : i32
    %add3A_87 = vector.broadcast %add3A_86 : i32 to vector<16xi32>
    %add3A_88 = arith.addi %get3A_6, %add3A_87 : vector<16xi32>
    %swap3A_89 = arith.constant 8192 : index
    %swap3A_90 = tpu.vector_load %arg9[%swap3A_89] {strides = array<i32>} : memref<10240xi32, #tpu.memory_space<vmem>>, vector<16xi32>,
    tpu.vector_store %arg9[%swap3A_89], %add3A_88 {strides = array<i32>} : memref<10240xi32, #tpu.memory_space<vmem>>, vector<16xi32>,
    %add3A_91 = arith.constant 1700000 : i32
    %add3A_92 = vector.broadcast %add3A_91 : i32 to vector<16xi32>
    %add3A_93 = arith.addi %get3A_6, %add3A_92 : vector<16xi32>
    %swap3A_94 = arith.constant 8704 : index
    %swap3A_95 = tpu.vector_load %arg9[%swap3A_94] {strides = array<i32>} : memref<10240xi32, #tpu.memory_space<vmem>>, vector<16xi32>,
    tpu.vector_store %arg9[%swap3A_94], %add3A_93 {strides = array<i32>} : memref<10240xi32, #tpu.memory_space<vmem>>, vector<16xi32>,
    %add3A_96 = arith.constant 1800000 : i32
    %add3A_97 = vector.broadcast %add3A_96 : i32 to vector<16xi32>
    %add3A_98 = arith.addi %get3A_6, %add3A_97 : vector<16xi32>
    %swap3A_99 = arith.constant 9216 : index
    %swap3A_100 = tpu.vector_load %arg9[%swap3A_99] {strides = array<i32>} : memref<10240xi32, #tpu.memory_space<vmem>>, vector<16xi32>,
    tpu.vector_store %arg9[%swap3A_99], %add3A_98 {strides = array<i32>} : memref<10240xi32, #tpu.memory_space<vmem>>, vector<16xi32>,
    %add3A_101 = arith.constant 1900000 : i32
    %add3A_102 = vector.broadcast %add3A_101 : i32 to vector<16xi32>
    %add3A_103 = arith.addi %get3A_6, %add3A_102 : vector<16xi32>
    %swap3A_104 = arith.constant 9728 : index
    %swap3A_105 = tpu.vector_load %arg9[%swap3A_104] {strides = array<i32>} : memref<10240xi32, #tpu.memory_space<vmem>>, vector<16xi32>,
    tpu.vector_store %arg9[%swap3A_104], %add3A_103 {strides = array<i32>} : memref<10240xi32, #tpu.memory_space<vmem>>, vector<16xi32>,
    %get3A_106 = arith.constant 16 : index
    %get3A_107 = tpu.vector_load %arg8[%get3A_106] {strides = array<i32>} : memref<512xi32, #tpu.memory_space<vmem>>, vector<16xi32>,
    %add3A_108 = arith.constant 0 : i32
    %add3A_109 = vector.broadcast %add3A_108 : i32 to vector<16xi32>
    %add3A_110 = arith.addi %get3A_107, %add3A_109 : vector<16xi32>
    %swap3A_111 = arith.constant 16 : index
    %swap3A_112 = tpu.vector_load %arg9[%swap3A_111] {strides = array<i32>} : memref<10240xi32, #tpu.memory_space<vmem>>, vector<16xi32>,
    tpu.vector_store %arg9[%swap3A_111], %add3A_110 {strides = array<i32>} : memref<10240xi32, #tpu.memory_space<vmem>>, vector<16xi32>,
    %add3A_113 = arith.constant 100000 : i32
    %add3A_114 = vector.broadcast %add3A_113 : i32 to vector<16xi32>
    %add3A_115 = arith.addi %get3A_107, %add3A_114 : vector<16xi32>
    %swap3A_116 = arith.constant 528 : index
    %swap3A_117 = tpu.vector_load %arg9[%swap3A_116] {strides = array<i32>} : memref<10240xi32, #tpu.memory_space<vmem>>, vector<16xi32>,
    tpu.vector_store %arg9[%swap3A_116], %add3A_115 {strides = array<i32>} : memref<10240xi32, #tpu.memory_space<vmem>>, vector<16xi32>,
    %add3A_118 = arith.constant 200000 : i32
    %add3A_119 = vector.broadcast %add3A_118 : i32 to vector<16xi32>
    %add3A_120 = arith.addi %get3A_107, %add3A_119 : vector<16xi32>
    %swap3A_121 = arith.constant 1040 : index
    %swap3A_122 = tpu.vector_load %arg9[%swap3A_121] {strides = array<i32>} : memref<10240xi32, #tpu.memory_space<vmem>>, vector<16xi32>,
    tpu.vector_store %arg9[%swap3A_121], %add3A_120 {strides = array<i32>} : memref<10240xi32, #tpu.memory_space<vmem>>, vector<16xi32>,
    %add3A_123 = arith.constant 300000 : i32
    %add3A_124 = vector.broadcast %add3A_123 : i32 to vector<16xi32>
    %add3A_125 = arith.addi %get3A_107, %add3A_124 : vector<16xi32>
    %swap3A_126 = arith.constant 1552 : index
    %swap3A_127 = tpu.vector_load %arg9[%swap3A_126] {strides = array<i32>} : memref<10240xi32, #tpu.memory_space<vmem>>, vector<16xi32>,
    tpu.vector_store %arg9[%swap3A_126], %add3A_125 {strides = array<i32>} : memref<10240xi32, #tpu.memory_space<vmem>>, vector<16xi32>,
    %add3A_128 = arith.constant 400000 : i32
    %add3A_129 = vector.broadcast %add3A_128 : i32 to vector<16xi32>
    %add3A_130 = arith.addi %get3A_107, %add3A_129 : vector<16xi32>
    %swap3A_131 = arith.constant 2064 : index
    %swap3A_132 = tpu.vector_load %arg9[%swap3A_131] {strides = array<i32>} : memref<10240xi32, #tpu.memory_space<vmem>>, vector<16xi32>,
    tpu.vector_store %arg9[%swap3A_131], %add3A_130 {strides = array<i32>} : memref<10240xi32, #tpu.memory_space<vmem>>, vector<16xi32>,
    %add3A_133 = arith.constant 500000 : i32
    %add3A_134 = vector.broadcast %add3A_133 : i32 to vector<16xi32>
    %add3A_135 = arith.addi %get3A_107, %add3A_134 : vector<16xi32>
    %swap3A_136 = arith.constant 2576 : index
    %swap3A_137 = tpu.vector_load %arg9[%swap3A_136] {strides = array<i32>} : memref<10240xi32, #tpu.memory_space<vmem>>, vector<16xi32>,
    tpu.vector_store %arg9[%swap3A_136], %add3A_135 {strides = array<i32>} : memref<10240xi32, #tpu.memory_space<vmem>>, vector<16xi32>,
    %add3A_138 = arith.constant 600000 : i32
    %add3A_139 = vector.broadcast %add3A_138 : i32 to vector<16xi32>
    %add3A_140 = arith.addi %get3A_107, %add3A_139 : vector<16xi32>
    %swap3A_141 = arith.constant 3088 : index
    %swap3A_142 = tpu.vector_load %arg9[%swap3A_141] {strides = array<i32>} : memref<10240xi32, #tpu.memory_space<vmem>>, vector<16xi32>,
    tpu.vector_store %arg9[%swap3A_141], %add3A_140 {strides = array<i32>} : memref<10240xi32, #tpu.memory_space<vmem>>, vector<16xi32>,
    %add3A_143 = arith.constant 700000 : i32
    %add3A_144 = vector.broadcast %add3A_143 : i32 to vector<16xi32>
    %add3A_145 = arith.addi %get3A_107, %add3A_144 : vector<16xi32>
    %swap3A_146 = arith.constant 3600 : index
    %swap3A_147 = tpu.vector_load %arg9[%swap3A_146] {strides = array<i32>} : memref<10240xi32, #tpu.memory_space<vmem>>, vector<16xi32>,
    tpu.vector_store %arg9[%swap3A_146], %add3A_145 {strides = array<i32>} : memref<10240xi32, #tpu.memory_space<vmem>>, vector<16xi32>,
    %add3A_148 = arith.constant 800000 : i32
    %add3A_149 = vector.broadcast %add3A_148 : i32 to vector<16xi32>
    %add3A_150 = arith.addi %get3A_107, %add3A_149 : vector<16xi32>
    %swap3A_151 = arith.constant 4112 : index
    %swap3A_152 = tpu.vector_load %arg9[%swap3A_151] {strides = array<i32>} : memref<10240xi32, #tpu.memory_space<vmem>>, vector<16xi32>,
    tpu.vector_store %arg9[%swap3A_151], %add3A_150 {strides = array<i32>} : memref<10240xi32, #tpu.memory_space<vmem>>, vector<16xi32>,
    %add3A_153 = arith.constant 900000 : i32
    %add3A_154 = vector.broadcast %add3A_153 : i32 to vector<16xi32>
    %add3A_155 = arith.addi %get3A_107, %add3A_154 : vector<16xi32>
    %swap3A_156 = arith.constant 4624 : index
    %swap3A_157 = tpu.vector_load %arg9[%swap3A_156] {strides = array<i32>} : memref<10240xi32, #tpu.memory_space<vmem>>, vector<16xi32>,
    tpu.vector_store %arg9[%swap3A_156], %add3A_155 {strides = array<i32>} : memref<10240xi32, #tpu.memory_space<vmem>>, vector<16xi32>,
    %add3A_158 = arith.constant 1000000 : i32
    %add3A_159 = vector.broadcast %add3A_158 : i32 to vector<16xi32>
    %add3A_160 = arith.addi %get3A_107, %add3A_159 : vector<16xi32>
    %swap3A_161 = arith.constant 5136 : index
    %swap3A_162 = tpu.vector_load %arg9[%swap3A_161] {strides = array<i32>} : memref<10240xi32, #tpu.memory_space<vmem>>, vector<16xi32>,
    tpu.vector_store %arg9[%swap3A_161], %add3A_160 {strides = array<i32>} : memref<10240xi32, #tpu.memory_space<vmem>>, vector<16xi32>,
    %add3A_163 = arith.constant 1100000 : i32
    %add3A_164 = vector.broadcast %add3A_163 : i32 to vector<16xi32>
    %add3A_165 = arith.addi %get3A_107, %add3A_164 : vector<16xi32>
    %swap3A_166 = arith.constant 5648 : index
    %swap3A_167 = tpu.vector_load %arg9[%swap3A_166] {strides = array<i32>} : memref<10240xi32, #tpu.memory_space<vmem>>, vector<16xi32>,
    tpu.vector_store %arg9[%swap3A_166], %add3A_165 {strides = array<i32>} : memref<10240xi32, #tpu.memory_space<vmem>>, vector<16xi32>,
    %add3A_168 = arith.constant 1200000 : i32
    %add3A_169 = vector.broadcast %add3A_168 : i32 to vector<16xi32>
    %add3A_170 = arith.addi %get3A_107, %add3A_169 : vector<16xi32>
    %swap3A_171 = arith.constant 6160 : index
    %swap3A_172 = tpu.vector_load %arg9[%swap3A_171] {strides = array<i32>} : memref<10240xi32, #tpu.memory_space<vmem>>, vector<16xi32>,
    tpu.vector_store %arg9[%swap3A_171], %add3A_170 {strides = array<i32>} : memref<10240xi32, #tpu.memory_space<vmem>>, vector<16xi32>,
    %add3A_173 = arith.constant 1300000 : i32
    %add3A_174 = vector.broadcast %add3A_173 : i32 to vector<16xi32>
    %add3A_175 = arith.addi %get3A_107, %add3A_174 : vector<16xi32>
    %swap3A_176 = arith.constant 6672 : index
    %swap3A_177 = tpu.vector_load %arg9[%swap3A_176] {strides = array<i32>} : memref<10240xi32, #tpu.memory_space<vmem>>, vector<16xi32>,
    tpu.vector_store %arg9[%swap3A_176], %add3A_175 {strides = array<i32>} : memref<10240xi32, #tpu.memory_space<vmem>>, vector<16xi32>,
    %add3A_178 = arith.constant 1400000 : i32
    %add3A_179 = vector.broadcast %add3A_178 : i32 to vector<16xi32>
    %add3A_180 = arith.addi %get3A_107, %add3A_179 : vector<16xi32>
    %swap3A_181 = arith.constant 7184 : index
    %swap3A_182 = tpu.vector_load %arg9[%swap3A_181] {strides = array<i32>} : memref<10240xi32, #tpu.memory_space<vmem>>, vector<16xi32>,
    tpu.vector_store %arg9[%swap3A_181], %add3A_180 {strides = array<i32>} : memref<10240xi32, #tpu.memory_space<vmem>>, vector<16xi32>,
    %add3A_183 = arith.constant 1500000 : i32
    %add3A_184 = vector.broadcast %add3A_183 : i32 to vector<16xi32>
    %add3A_185 = arith.addi %get3A_107, %add3A_184 : vector<16xi32>
    %swap3A_186 = arith.constant 7696 : index
    %swap3A_187 = tpu.vector_load %arg9[%swap3A_186] {strides = array<i32>} : memref<10240xi32, #tpu.memory_space<vmem>>, vector<16xi32>,
    tpu.vector_store %arg9[%swap3A_186], %add3A_185 {strides = array<i32>} : memref<10240xi32, #tpu.memory_space<vmem>>, vector<16xi32>,
    %add3A_188 = arith.constant 1600000 : i32
    %add3A_189 = vector.broadcast %add3A_188 : i32 to vector<16xi32>
    %add3A_190 = arith.addi %get3A_107, %add3A_189 : vector<16xi32>
    %swap3A_191 = arith.constant 8208 : index
    %swap3A_192 = tpu.vector_load %arg9[%swap3A_191] {strides = array<i32>} : memref<10240xi32, #tpu.memory_space<vmem>>, vector<16xi32>,
    tpu.vector_store %arg9[%swap3A_191], %add3A_190 {strides = array<i32>} : memref<10240xi32, #tpu.memory_space<vmem>>, vector<16xi32>,
    %add3A_193 = arith.constant 1700000 : i32
    %add3A_194 = vector.broadcast %add3A_193 : i32 to vector<16xi32>
    %add3A_195 = arith.addi %get3A_107, %add3A_194 : vector<16xi32>
    %swap3A_196 = arith.constant 8720 : index
    %swap3A_197 = tpu.vector_load %arg9[%swap3A_196] {strides = array<i32>} : memref<10240xi32, #tpu.memory_space<vmem>>, vector<16xi32>,
    tpu.vector_store %arg9[%swap3A_196], %add3A_195 {strides = array<i32>} : memref<10240xi32, #tpu.memory_space<vmem>>, vector<16xi32>,
    %add3A_198 = arith.constant 1800000 : i32
    %add3A_199 = vector.broadcast %add3A_198 : i32 to vector<16xi32>
    %add3A_200 = arith.addi %get3A_107, %add3A_199 : vector<16xi32>
    %swap3A_201 = arith.constant 9232 : index
    %swap3A_202 = tpu.vector_load %arg9[%swap3A_201] {strides = array<i32>} : memref<10240xi32, #tpu.memory_space<vmem>>, vector<16xi32>,
    tpu.vector_store %arg9[%swap3A_201], %add3A_200 {strides = array<i32>} : memref<10240xi32, #tpu.memory_space<vmem>>, vector<16xi32>,
    %add3A_203 = arith.constant 1900000 : i32
    %add3A_204 = vector.broadcast %add3A_203 : i32 to vector<16xi32>
    %add3A_205 = arith.addi %get3A_107, %add3A_204 : vector<16xi32>
    %swap3A_206 = arith.constant 9744 : index
    %swap3A_207 = tpu.vector_load %arg9[%swap3A_206] {strides = array<i32>} : memref<10240xi32, #tpu.memory_space<vmem>>, vector<16xi32>,
    tpu.vector_store %arg9[%swap3A_206], %add3A_205 {strides = array<i32>} : memref<10240xi32, #tpu.memory_space<vmem>>, vector<16xi32>,
    %get3A_208 = arith.constant 32 : index
    %get3A_209 = tpu.vector_load %arg8[%get3A_208] {strides = array<i32>} : memref<512xi32, #tpu.memory_space<vmem>>, vector<16xi32>,
    %add3A_210 = arith.constant 0 : i32
    %add3A_211 = vector.broadcast %add3A_210 : i32 to vector<16xi32>
    %add3A_212 = arith.addi %get3A_209, %add3A_211 : vector<16xi32>
    %swap3A_213 = arith.constant 32 : index
    %swap3A_214 = tpu.vector_load %arg9[%swap3A_213] {strides = array<i32>} : memref<10240xi32, #tpu.memory_space<vmem>>, vector<16xi32>,
    tpu.vector_store %arg9[%swap3A_213], %add3A_212 {strides = array<i32>} : memref<10240xi32, #tpu.memory_space<vmem>>, vector<16xi32>,
    %add3A_215 = arith.constant 100000 : i32
    %add3A_216 = vector.broadcast %add3A_215 : i32 to vector<16xi32>
    %add3A_217 = arith.addi %get3A_209, %add3A_216 : vector<16xi32>
    %swap3A_218 = arith.constant 544 : index
    %swap3A_219 = tpu.vector_load %arg9[%swap3A_218] {strides = array<i32>} : memref<10240xi32, #tpu.memory_space<vmem>>, vector<16xi32>,
    tpu.vector_store %arg9[%swap3A_218], %add3A_217 {strides = array<i32>} : memref<10240xi32, #tpu.memory_space<vmem>>, vector<16xi32>,
    %add3A_220 = arith.constant 200000 : i32
    %add3A_221 = vector.broadcast %add3A_220 : i32 to vector<16xi32>
    %add3A_222 = arith.addi %get3A_209, %add3A_221 : vector<16xi32>
    %swap3A_223 = arith.constant 1056 : index
    %swap3A_224 = tpu.vector_load %arg9[%swap3A_223] {strides = array<i32>} : memref<10240xi32, #tpu.memory_space<vmem>>, vector<16xi32>,
    tpu.vector_store %arg9[%swap3A_223], %add3A_222 {strides = array<i32>} : memref<10240xi32, #tpu.memory_space<vmem>>, vector<16xi32>,
    %add3A_225 = arith.constant 300000 : i32
    %add3A_226 = vector.broadcast %add3A_225 : i32 to vector<16xi32>
    %add3A_227 = arith.addi %get3A_209, %add3A_226 : vector<16xi32>
    %swap3A_228 = arith.constant 1568 : index
    %swap3A_229 = tpu.vector_load %arg9[%swap3A_228] {strides = array<i32>} : memref<10240xi32, #tpu.memory_space<vmem>>, vector<16xi32>,
    tpu.vector_store %arg9[%swap3A_228], %add3A_227 {strides = array<i32>} : memref<10240xi32, #tpu.memory_space<vmem>>, vector<16xi32>,
    %add3A_230 = arith.constant 400000 : i32
    %add3A_231 = vector.broadcast %add3A_230 : i32 to vector<16xi32>
    %add3A_232 = arith.addi %get3A_209, %add3A_231 : vector<16xi32>
    %swap3A_233 = arith.constant 2080 : index
    %swap3A_234 = tpu.vector_load %arg9[%swap3A_233] {strides = array<i32>} : memref<10240xi32, #tpu.memory_space<vmem>>, vector<16xi32>,
    tpu.vector_store %arg9[%swap3A_233], %add3A_232 {strides = array<i32>} : memref<10240xi32, #tpu.memory_space<vmem>>, vector<16xi32>,
    %add3A_235 = arith.constant 500000 : i32
    %add3A_236 = vector.broadcast %add3A_235 : i32 to vector<16xi32>
    %add3A_237 = arith.addi %get3A_209, %add3A_236 : vector<16xi32>
    %swap3A_238 = arith.constant 2592 : index
    %swap3A_239 = tpu.vector_load %arg9[%swap3A_238] {strides = array<i32>} : memref<10240xi32, #tpu.memory_space<vmem>>, vector<16xi32>,
    tpu.vector_store %arg9[%swap3A_238], %add3A_237 {strides = array<i32>} : memref<10240xi32, #tpu.memory_space<vmem>>, vector<16xi32>,
    %add3A_240 = arith.constant 600000 : i32
    %add3A_241 = vector.broadcast %add3A_240 : i32 to vector<16xi32>
    %add3A_242 = arith.addi %get3A_209, %add3A_241 : vector<16xi32>
    %swap3A_243 = arith.constant 3104 : index
    %swap3A_244 = tpu.vector_load %arg9[%swap3A_243] {strides = array<i32>} : memref<10240xi32, #tpu.memory_space<vmem>>, vector<16xi32>,
    tpu.vector_store %arg9[%swap3A_243], %add3A_242 {strides = array<i32>} : memref<10240xi32, #tpu.memory_space<vmem>>, vector<16xi32>,
    %add3A_245 = arith.constant 700000 : i32
    %add3A_246 = vector.broadcast %add3A_245 : i32 to vector<16xi32>
    %add3A_247 = arith.addi %get3A_209, %add3A_246 : vector<16xi32>
    %swap3A_248 = arith.constant 3616 : index
    %swap3A_249 = tpu.vector_load %arg9[%swap3A_248] {strides = array<i32>} : memref<10240xi32, #tpu.memory_space<vmem>>, vector<16xi32>,
    tpu.vector_store %arg9[%swap3A_248], %add3A_247 {strides = array<i32>} : memref<10240xi32, #tpu.memory_space<vmem>>, vector<16xi32>,
    %add3A_250 = arith.constant 800000 : i32
    %add3A_251 = vector.broadcast %add3A_250 : i32 to vector<16xi32>
    %add3A_252 = arith.addi %get3A_209, %add3A_251 : vector<16xi32>
    %swap3A_253 = arith.constant 4128 : index
    %swap3A_254 = tpu.vector_load %arg9[%swap3A_253] {strides = array<i32>} : memref<10240xi32, #tpu.memory_space<vmem>>, vector<16xi32>,
    tpu.vector_store %arg9[%swap3A_253], %add3A_252 {strides = array<i32>} : memref<10240xi32, #tpu.memory_space<vmem>>, vector<16xi32>,
    %add3A_255 = arith.constant 900000 : i32
    %add3A_256 = vector.broadcast %add3A_255 : i32 to vector<16xi32>
    %add3A_257 = arith.addi %get3A_209, %add3A_256 : vector<16xi32>
    %swap3A_258 = arith.constant 4640 : index
    %swap3A_259 = tpu.vector_load %arg9[%swap3A_258] {strides = array<i32>} : memref<10240xi32, #tpu.memory_space<vmem>>, vector<16xi32>,
    tpu.vector_store %arg9[%swap3A_258], %add3A_257 {strides = array<i32>} : memref<10240xi32, #tpu.memory_space<vmem>>, vector<16xi32>,
    %add3A_260 = arith.constant 1000000 : i32
    %add3A_261 = vector.broadcast %add3A_260 : i32 to vector<16xi32>
    %add3A_262 = arith.addi %get3A_209, %add3A_261 : vector<16xi32>
    %swap3A_263 = arith.constant 5152 : index
    %swap3A_264 = tpu.vector_load %arg9[%swap3A_263] {strides = array<i32>} : memref<10240xi32, #tpu.memory_space<vmem>>, vector<16xi32>,
    tpu.vector_store %arg9[%swap3A_263], %add3A_262 {strides = array<i32>} : memref<10240xi32, #tpu.memory_space<vmem>>, vector<16xi32>,
    %add3A_265 = arith.constant 1100000 : i32
    %add3A_266 = vector.broadcast %add3A_265 : i32 to vector<16xi32>
    %add3A_267 = arith.addi %get3A_209, %add3A_266 : vector<16xi32>
    %swap3A_268 = arith.constant 5664 : index
    %swap3A_269 = tpu.vector_load %arg9[%swap3A_268] {strides = array<i32>} : memref<10240xi32, #tpu.memory_space<vmem>>, vector<16xi32>,
    tpu.vector_store %arg9[%swap3A_268], %add3A_267 {strides = array<i32>} : memref<10240xi32, #tpu.memory_space<vmem>>, vector<16xi32>,
    %add3A_270 = arith.constant 1200000 : i32
    %add3A_271 = vector.broadcast %add3A_270 : i32 to vector<16xi32>
    %add3A_272 = arith.addi %get3A_209, %add3A_271 : vector<16xi32>
    %swap3A_273 = arith.constant 6176 : index
    %swap3A_274 = tpu.vector_load %arg9[%swap3A_273] {strides = array<i32>} : memref<10240xi32, #tpu.memory_space<vmem>>, vector<16xi32>,
    tpu.vector_store %arg9[%swap3A_273], %add3A_272 {strides = array<i32>} : memref<10240xi32, #tpu.memory_space<vmem>>, vector<16xi32>,
    %add3A_275 = arith.constant 1300000 : i32
    %add3A_276 = vector.broadcast %add3A_275 : i32 to vector<16xi32>
    %add3A_277 = arith.addi %get3A_209, %add3A_276 : vector<16xi32>
    %swap3A_278 = arith.constant 6688 : index
    %swap3A_279 = tpu.vector_load %arg9[%swap3A_278] {strides = array<i32>} : memref<10240xi32, #tpu.memory_space<vmem>>, vector<16xi32>,
    tpu.vector_store %arg9[%swap3A_278], %add3A_277 {strides = array<i32>} : memref<10240xi32, #tpu.memory_space<vmem>>, vector<16xi32>,
    %add3A_280 = arith.constant 1400000 : i32
    %add3A_281 = vector.broadcast %add3A_280 : i32 to vector<16xi32>
    %add3A_282 = arith.addi %get3A_209, %add3A_281 : vector<16xi32>
    %swap3A_283 = arith.constant 7200 : index
    %swap3A_284 = tpu.vector_load %arg9[%swap3A_283] {strides = array<i32>} : memref<10240xi32, #tpu.memory_space<vmem>>, vector<16xi32>,
    tpu.vector_store %arg9[%swap3A_283], %add3A_282 {strides = array<i32>} : memref<10240xi32, #tpu.memory_space<vmem>>, vector<16xi32>,
    %add3A_285 = arith.constant 1500000 : i32
    %add3A_286 = vector.broadcast %add3A_285 : i32 to vector<16xi32>
    %add3A_287 = arith.addi %get3A_209, %add3A_286 : vector<16xi32>
    %swap3A_288 = arith.constant 7712 : index
    %swap3A_289 = tpu.vector_load %arg9[%swap3A_288] {strides = array<i32>} : memref<10240xi32, #tpu.memory_space<vmem>>, vector<16xi32>,
    tpu.vector_store %arg9[%swap3A_288], %add3A_287 {strides = array<i32>} : memref<10240xi32, #tpu.memory_space<vmem>>, vector<16xi32>,
    %add3A_290 = arith.constant 1600000 : i32
    %add3A_291 = vector.broadcast %add3A_290 : i32 to vector<16xi32>
    %add3A_292 = arith.addi %get3A_209, %add3A_291 : vector<16xi32>
    %swap3A_293 = arith.constant 8224 : index
    %swap3A_294 = tpu.vector_load %arg9[%swap3A_293] {strides = array<i32>} : memref<10240xi32, #tpu.memory_space<vmem>>, vector<16xi32>,
    tpu.vector_store %arg9[%swap3A_293], %add3A_292 {strides = array<i32>} : memref<10240xi32, #tpu.memory_space<vmem>>, vector<16xi32>,
    %add3A_295 = arith.constant 1700000 : i32
    %add3A_296 = vector.broadcast %add3A_295 : i32 to vector<16xi32>
    %add3A_297 = arith.addi %get3A_209, %add3A_296 : vector<16xi32>
    %swap3A_298 = arith.constant 8736 : index
    %swap3A_299 = tpu.vector_load %arg9[%swap3A_298] {strides = array<i32>} : memref<10240xi32, #tpu.memory_space<vmem>>, vector<16xi32>,
    tpu.vector_store %arg9[%swap3A_298], %add3A_297 {strides = array<i32>} : memref<10240xi32, #tpu.memory_space<vmem>>, vector<16xi32>,
    %add3A_300 = arith.constant 1800000 : i32
    %add3A_301 = vector.broadcast %add3A_300 : i32 to vector<16xi32>
    %add3A_302 = arith.addi %get3A_209, %add3A_301 : vector<16xi32>
    %swap3A_303 = arith.constant 9248 : index
    %swap3A_304 = tpu.vector_load %arg9[%swap3A_303] {strides = array<i32>} : memref<10240xi32, #tpu.memory_space<vmem>>, vector<16xi32>,
    tpu.vector_store %arg9[%swap3A_303], %add3A_302 {strides = array<i32>} : memref<10240xi32, #tpu.memory_space<vmem>>, vector<16xi32>,
    %add3A_305 = arith.constant 1900000 : i32
    %add3A_306 = vector.broadcast %add3A_305 : i32 to vector<16xi32>
    %add3A_307 = arith.addi %get3A_209, %add3A_306 : vector<16xi32>
    %swap3A_308 = arith.constant 9760 : index
    %swap3A_309 = tpu.vector_load %arg9[%swap3A_308] {strides = array<i32>} : memref<10240xi32, #tpu.memory_space<vmem>>, vector<16xi32>,
    tpu.vector_store %arg9[%swap3A_308], %add3A_307 {strides = array<i32>} : memref<10240xi32, #tpu.memory_space<vmem>>, vector<16xi32>,
    %get3A_310 = arith.constant 48 : index
    %get3A_311 = tpu.vector_load %arg8[%get3A_310] {strides = array<i32>} : memref<512xi32, #tpu.memory_space<vmem>>, vector<16xi32>,
    %add3A_312 = arith.constant 0 : i32
    %add3A_313 = vector.broadcast %add3A_312 : i32 to vector<16xi32>
    %add3A_314 = arith.addi %get3A_311, %add3A_313 : vector<16xi32>
    %swap3A_315 = arith.constant 48 : index
    %swap3A_316 = tpu.vector_load %arg9[%swap3A_315] {strides = array<i32>} : memref<10240xi32, #tpu.memory_space<vmem>>, vector<16xi32>,
    tpu.vector_store %arg9[%swap3A_315], %add3A_314 {strides = array<i32>} : memref<10240xi32, #tpu.memory_space<vmem>>, vector<16xi32>,
    %add3A_317 = arith.constant 100000 : i32
    %add3A_318 = vector.broadcast %add3A_317 : i32 to vector<16xi32>
    %add3A_319 = arith.addi %get3A_311, %add3A_318 : vector<16xi32>
    %swap3A_320 = arith.constant 560 : index
    %swap3A_321 = tpu.vector_load %arg9[%swap3A_320] {strides = array<i32>} : memref<10240xi32, #tpu.memory_space<vmem>>, vector<16xi32>,
    tpu.vector_store %arg9[%swap3A_320], %add3A_319 {strides = array<i32>} : memref<10240xi32, #tpu.memory_space<vmem>>, vector<16xi32>,
    %add3A_322 = arith.constant 200000 : i32
    %add3A_323 = vector.broadcast %add3A_322 : i32 to vector<16xi32>
    %add3A_324 = arith.addi %get3A_311, %add3A_323 : vector<16xi32>
    %swap3A_325 = arith.constant 1072 : index
    %swap3A_326 = tpu.vector_load %arg9[%swap3A_325] {strides = array<i32>} : memref<10240xi32, #tpu.memory_space<vmem>>, vector<16xi32>,
    tpu.vector_store %arg9[%swap3A_325], %add3A_324 {strides = array<i32>} : memref<10240xi32, #tpu.memory_space<vmem>>, vector<16xi32>,
    %add3A_327 = arith.constant 300000 : i32
    %add3A_328 = vector.broadcast %add3A_327 : i32 to vector<16xi32>
    %add3A_329 = arith.addi %get3A_311, %add3A_328 : vector<16xi32>
    %swap3A_330 = arith.constant 1584 : index
    %swap3A_331 = tpu.vector_load %arg9[%swap3A_330] {strides = array<i32>} : memref<10240xi32, #tpu.memory_space<vmem>>, vector<16xi32>,
    tpu.vector_store %arg9[%swap3A_330], %add3A_329 {strides = array<i32>} : memref<10240xi32, #tpu.memory_space<vmem>>, vector<16xi32>,
    %add3A_332 = arith.constant 400000 : i32
    %add3A_333 = vector.broadcast %add3A_332 : i32 to vector<16xi32>
    %add3A_334 = arith.addi %get3A_311, %add3A_333 : vector<16xi32>
    %swap3A_335 = arith.constant 2096 : index
    %swap3A_336 = tpu.vector_load %arg9[%swap3A_335] {strides = array<i32>} : memref<10240xi32, #tpu.memory_space<vmem>>, vector<16xi32>,
    tpu.vector_store %arg9[%swap3A_335], %add3A_334 {strides = array<i32>} : memref<10240xi32, #tpu.memory_space<vmem>>, vector<16xi32>,
    %add3A_337 = arith.constant 500000 : i32
    %add3A_338 = vector.broadcast %add3A_337 : i32 to vector<16xi32>
    %add3A_339 = arith.addi %get3A_311, %add3A_338 : vector<16xi32>
    %swap3A_340 = arith.constant 2608 : index
    %swap3A_341 = tpu.vector_load %arg9[%swap3A_340] {strides = array<i32>} : memref<10240xi32, #tpu.memory_space<vmem>>, vector<16xi32>,
    tpu.vector_store %arg9[%swap3A_340], %add3A_339 {strides = array<i32>} : memref<10240xi32, #tpu.memory_space<vmem>>, vector<16xi32>,
    %add3A_342 = arith.constant 600000 : i32
    %add3A_343 = vector.broadcast %add3A_342 : i32 to vector<16xi32>
    %add3A_344 = arith.addi %get3A_311, %add3A_343 : vector<16xi32>
    %swap3A_345 = arith.constant 3120 : index
    %swap3A_346 = tpu.vector_load %arg9[%swap3A_345] {strides = array<i32>} : memref<10240xi32, #tpu.memory_space<vmem>>, vector<16xi32>,
    tpu.vector_store %arg9[%swap3A_345], %add3A_344 {strides = array<i32>} : memref<10240xi32, #tpu.memory_space<vmem>>, vector<16xi32>,
    %add3A_347 = arith.constant 700000 : i32
    %add3A_348 = vector.broadcast %add3A_347 : i32 to vector<16xi32>
    %add3A_349 = arith.addi %get3A_311, %add3A_348 : vector<16xi32>
    %swap3A_350 = arith.constant 3632 : index
    %swap3A_351 = tpu.vector_load %arg9[%swap3A_350] {strides = array<i32>} : memref<10240xi32, #tpu.memory_space<vmem>>, vector<16xi32>,
    tpu.vector_store %arg9[%swap3A_350], %add3A_349 {strides = array<i32>} : memref<10240xi32, #tpu.memory_space<vmem>>, vector<16xi32>,
    %add3A_352 = arith.constant 800000 : i32
    %add3A_353 = vector.broadcast %add3A_352 : i32 to vector<16xi32>
    %add3A_354 = arith.addi %get3A_311, %add3A_353 : vector<16xi32>
    %swap3A_355 = arith.constant 4144 : index
    %swap3A_356 = tpu.vector_load %arg9[%swap3A_355] {strides = array<i32>} : memref<10240xi32, #tpu.memory_space<vmem>>, vector<16xi32>,
    tpu.vector_store %arg9[%swap3A_355], %add3A_354 {strides = array<i32>} : memref<10240xi32, #tpu.memory_space<vmem>>, vector<16xi32>,
    %add3A_357 = arith.constant 900000 : i32
    %add3A_358 = vector.broadcast %add3A_357 : i32 to vector<16xi32>
    %add3A_359 = arith.addi %get3A_311, %add3A_358 : vector<16xi32>
    %swap3A_360 = arith.constant 4656 : index
    %swap3A_361 = tpu.vector_load %arg9[%swap3A_360] {strides = array<i32>} : memref<10240xi32, #tpu.memory_space<vmem>>, vector<16xi32>,
    tpu.vector_store %arg9[%swap3A_360], %add3A_359 {strides = array<i32>} : memref<10240xi32, #tpu.memory_space<vmem>>, vector<16xi32>,
    %add3A_362 = arith.constant 1000000 : i32
    %add3A_363 = vector.broadcast %add3A_362 : i32 to vector<16xi32>
    %add3A_364 = arith.addi %get3A_311, %add3A_363 : vector<16xi32>
    %swap3A_365 = arith.constant 5168 : index
    %swap3A_366 = tpu.vector_load %arg9[%swap3A_365] {strides = array<i32>} : memref<10240xi32, #tpu.memory_space<vmem>>, vector<16xi32>,
    tpu.vector_store %arg9[%swap3A_365], %add3A_364 {strides = array<i32>} : memref<10240xi32, #tpu.memory_space<vmem>>, vector<16xi32>,
    %add3A_367 = arith.constant 1100000 : i32
    %add3A_368 = vector.broadcast %add3A_367 : i32 to vector<16xi32>
    %add3A_369 = arith.addi %get3A_311, %add3A_368 : vector<16xi32>
    %swap3A_370 = arith.constant 5680 : index
    %swap3A_371 = tpu.vector_load %arg9[%swap3A_370] {strides = array<i32>} : memref<10240xi32, #tpu.memory_space<vmem>>, vector<16xi32>,
    tpu.vector_store %arg9[%swap3A_370], %add3A_369 {strides = array<i32>} : memref<10240xi32, #tpu.memory_space<vmem>>, vector<16xi32>,
    %add3A_372 = arith.constant 1200000 : i32
    %add3A_373 = vector.broadcast %add3A_372 : i32 to vector<16xi32>
    %add3A_374 = arith.addi %get3A_311, %add3A_373 : vector<16xi32>
    %swap3A_375 = arith.constant 6192 : index
    %swap3A_376 = tpu.vector_load %arg9[%swap3A_375] {strides = array<i32>} : memref<10240xi32, #tpu.memory_space<vmem>>, vector<16xi32>,
    tpu.vector_store %arg9[%swap3A_375], %add3A_374 {strides = array<i32>} : memref<10240xi32, #tpu.memory_space<vmem>>, vector<16xi32>,
    %add3A_377 = arith.constant 1300000 : i32
    %add3A_378 = vector.broadcast %add3A_377 : i32 to vector<16xi32>
    %add3A_379 = arith.addi %get3A_311, %add3A_378 : vector<16xi32>
    %swap3A_380 = arith.constant 6704 : index
    %swap3A_381 = tpu.vector_load %arg9[%swap3A_380] {strides = array<i32>} : memref<10240xi32, #tpu.memory_space<vmem>>, vector<16xi32>,
    tpu.vector_store %arg9[%swap3A_380], %add3A_379 {strides = array<i32>} : memref<10240xi32, #tpu.memory_space<vmem>>, vector<16xi32>,
    %add3A_382 = arith.constant 1400000 : i32
    %add3A_383 = vector.broadcast %add3A_382 : i32 to vector<16xi32>
    %add3A_384 = arith.addi %get3A_311, %add3A_383 : vector<16xi32>
    %swap3A_385 = arith.constant 7216 : index
    %swap3A_386 = tpu.vector_load %arg9[%swap3A_385] {strides = array<i32>} : memref<10240xi32, #tpu.memory_space<vmem>>, vector<16xi32>,
    tpu.vector_store %arg9[%swap3A_385], %add3A_384 {strides = array<i32>} : memref<10240xi32, #tpu.memory_space<vmem>>, vector<16xi32>,
    %add3A_387 = arith.constant 1500000 : i32
    %add3A_388 = vector.broadcast %add3A_387 : i32 to vector<16xi32>
    %add3A_389 = arith.addi %get3A_311, %add3A_388 : vector<16xi32>
    %swap3A_390 = arith.constant 7728 : index
    %swap3A_391 = tpu.vector_load %arg9[%swap3A_390] {strides = array<i32>} : memref<10240xi32, #tpu.memory_space<vmem>>, vector<16xi32>,
    tpu.vector_store %arg9[%swap3A_390], %add3A_389 {strides = array<i32>} : memref<10240xi32, #tpu.memory_space<vmem>>, vector<16xi32>,
    %add3A_392 = arith.constant 1600000 : i32
    %add3A_393 = vector.broadcast %add3A_392 : i32 to vector<16xi32>
    %add3A_394 = arith.addi %get3A_311, %add3A_393 : vector<16xi32>
    %swap3A_395 = arith.constant 8240 : index
    %swap3A_396 = tpu.vector_load %arg9[%swap3A_395] {strides = array<i32>} : memref<10240xi32, #tpu.memory_space<vmem>>, vector<16xi32>,
    tpu.vector_store %arg9[%swap3A_395], %add3A_394 {strides = array<i32>} : memref<10240xi32, #tpu.memory_space<vmem>>, vector<16xi32>,
    %add3A_397 = arith.constant 1700000 : i32
    %add3A_398 = vector.broadcast %add3A_397 : i32 to vector<16xi32>
    %add3A_399 = arith.addi %get3A_311, %add3A_398 : vector<16xi32>
    %swap3A_400 = arith.constant 8752 : index
    %swap3A_401 = tpu.vector_load %arg9[%swap3A_400] {strides = array<i32>} : memref<10240xi32, #tpu.memory_space<vmem>>, vector<16xi32>,
    tpu.vector_store %arg9[%swap3A_400], %add3A_399 {strides = array<i32>} : memref<10240xi32, #tpu.memory_space<vmem>>, vector<16xi32>,
    %add3A_402 = arith.constant 1800000 : i32
    %add3A_403 = vector.broadcast %add3A_402 : i32 to vector<16xi32>
    %add3A_404 = arith.addi %get3A_311, %add3A_403 : vector<16xi32>
    %swap3A_405 = arith.constant 9264 : index
    %swap3A_406 = tpu.vector_load %arg9[%swap3A_405] {strides = array<i32>} : memref<10240xi32, #tpu.memory_space<vmem>>, vector<16xi32>,
    tpu.vector_store %arg9[%swap3A_405], %add3A_404 {strides = array<i32>} : memref<10240xi32, #tpu.memory_space<vmem>>, vector<16xi32>,
    %add3A_407 = arith.constant 1900000 : i32
    %add3A_408 = vector.broadcast %add3A_407 : i32 to vector<16xi32>
    %add3A_409 = arith.addi %get3A_311, %add3A_408 : vector<16xi32>
    %swap3A_410 = arith.constant 9776 : index
    %swap3A_411 = tpu.vector_load %arg9[%swap3A_410] {strides = array<i32>} : memref<10240xi32, #tpu.memory_space<vmem>>, vector<16xi32>,
    tpu.vector_store %arg9[%swap3A_410], %add3A_409 {strides = array<i32>} : memref<10240xi32, #tpu.memory_space<vmem>>, vector<16xi32>,
    %get3A_412 = arith.constant 64 : index
    %get3A_413 = tpu.vector_load %arg8[%get3A_412] {strides = array<i32>} : memref<512xi32, #tpu.memory_space<vmem>>, vector<16xi32>,
    %add3A_414 = arith.constant 0 : i32
    %add3A_415 = vector.broadcast %add3A_414 : i32 to vector<16xi32>
    %add3A_416 = arith.addi %get3A_413, %add3A_415 : vector<16xi32>
    %swap3A_417 = arith.constant 64 : index
    %swap3A_418 = tpu.vector_load %arg9[%swap3A_417] {strides = array<i32>} : memref<10240xi32, #tpu.memory_space<vmem>>, vector<16xi32>,
    tpu.vector_store %arg9[%swap3A_417], %add3A_416 {strides = array<i32>} : memref<10240xi32, #tpu.memory_space<vmem>>, vector<16xi32>,
    %add3A_419 = arith.constant 100000 : i32
    %add3A_420 = vector.broadcast %add3A_419 : i32 to vector<16xi32>
    %add3A_421 = arith.addi %get3A_413, %add3A_420 : vector<16xi32>
    %swap3A_422 = arith.constant 576 : index
    %swap3A_423 = tpu.vector_load %arg9[%swap3A_422] {strides = array<i32>} : memref<10240xi32, #tpu.memory_space<vmem>>, vector<16xi32>,
    tpu.vector_store %arg9[%swap3A_422], %add3A_421 {strides = array<i32>} : memref<10240xi32, #tpu.memory_space<vmem>>, vector<16xi32>,
    %add3A_424 = arith.constant 200000 : i32
    %add3A_425 = vector.broadcast %add3A_424 : i32 to vector<16xi32>
    %add3A_426 = arith.addi %get3A_413, %add3A_425 : vector<16xi32>
    %swap3A_427 = arith.constant 1088 : index
    %swap3A_428 = tpu.vector_load %arg9[%swap3A_427] {strides = array<i32>} : memref<10240xi32, #tpu.memory_space<vmem>>, vector<16xi32>,
    tpu.vector_store %arg9[%swap3A_427], %add3A_426 {strides = array<i32>} : memref<10240xi32, #tpu.memory_space<vmem>>, vector<16xi32>,
    %add3A_429 = arith.constant 300000 : i32
    %add3A_430 = vector.broadcast %add3A_429 : i32 to vector<16xi32>
    %add3A_431 = arith.addi %get3A_413, %add3A_430 : vector<16xi32>
    %swap3A_432 = arith.constant 1600 : index
    %swap3A_433 = tpu.vector_load %arg9[%swap3A_432] {strides = array<i32>} : memref<10240xi32, #tpu.memory_space<vmem>>, vector<16xi32>,
    tpu.vector_store %arg9[%swap3A_432], %add3A_431 {strides = array<i32>} : memref<10240xi32, #tpu.memory_space<vmem>>, vector<16xi32>,
    %add3A_434 = arith.constant 400000 : i32
    %add3A_435 = vector.broadcast %add3A_434 : i32 to vector<16xi32>
    %add3A_436 = arith.addi %get3A_413, %add3A_435 : vector<16xi32>
    %swap3A_437 = arith.constant 2112 : index
    %swap3A_438 = tpu.vector_load %arg9[%swap3A_437] {strides = array<i32>} : memref<10240xi32, #tpu.memory_space<vmem>>, vector<16xi32>,
    tpu.vector_store %arg9[%swap3A_437], %add3A_436 {strides = array<i32>} : memref<10240xi32, #tpu.memory_space<vmem>>, vector<16xi32>,
    %add3A_439 = arith.constant 500000 : i32
    %add3A_440 = vector.broadcast %add3A_439 : i32 to vector<16xi32>
    %add3A_441 = arith.addi %get3A_413, %add3A_440 : vector<16xi32>
    %swap3A_442 = arith.constant 2624 : index
    %swap3A_443 = tpu.vector_load %arg9[%swap3A_442] {strides = array<i32>} : memref<10240xi32, #tpu.memory_space<vmem>>, vector<16xi32>,
    tpu.vector_store %arg9[%swap3A_442], %add3A_441 {strides = array<i32>} : memref<10240xi32, #tpu.memory_space<vmem>>, vector<16xi32>,
    %add3A_444 = arith.constant 600000 : i32
    %add3A_445 = vector.broadcast %add3A_444 : i32 to vector<16xi32>
    %add3A_446 = arith.addi %get3A_413, %add3A_445 : vector<16xi32>
    %swap3A_447 = arith.constant 3136 : index
    %swap3A_448 = tpu.vector_load %arg9[%swap3A_447] {strides = array<i32>} : memref<10240xi32, #tpu.memory_space<vmem>>, vector<16xi32>,
    tpu.vector_store %arg9[%swap3A_447], %add3A_446 {strides = array<i32>} : memref<10240xi32, #tpu.memory_space<vmem>>, vector<16xi32>,
    %add3A_449 = arith.constant 700000 : i32
    %add3A_450 = vector.broadcast %add3A_449 : i32 to vector<16xi32>
    %add3A_451 = arith.addi %get3A_413, %add3A_450 : vector<16xi32>
    %swap3A_452 = arith.constant 3648 : index
    %swap3A_453 = tpu.vector_load %arg9[%swap3A_452] {strides = array<i32>} : memref<10240xi32, #tpu.memory_space<vmem>>, vector<16xi32>,
    tpu.vector_store %arg9[%swap3A_452], %add3A_451 {strides = array<i32>} : memref<10240xi32, #tpu.memory_space<vmem>>, vector<16xi32>,
    %add3A_454 = arith.constant 800000 : i32
    %add3A_455 = vector.broadcast %add3A_454 : i32 to vector<16xi32>
    %add3A_456 = arith.addi %get3A_413, %add3A_455 : vector<16xi32>
    %swap3A_457 = arith.constant 4160 : index
    %swap3A_458 = tpu.vector_load %arg9[%swap3A_457] {strides = array<i32>} : memref<10240xi32, #tpu.memory_space<vmem>>, vector<16xi32>,
    tpu.vector_store %arg9[%swap3A_457], %add3A_456 {strides = array<i32>} : memref<10240xi32, #tpu.memory_space<vmem>>, vector<16xi32>,
    %add3A_459 = arith.constant 900000 : i32
    %add3A_460 = vector.broadcast %add3A_459 : i32 to vector<16xi32>
    %add3A_461 = arith.addi %get3A_413, %add3A_460 : vector<16xi32>
    %swap3A_462 = arith.constant 4672 : index
    %swap3A_463 = tpu.vector_load %arg9[%swap3A_462] {strides = array<i32>} : memref<10240xi32, #tpu.memory_space<vmem>>, vector<16xi32>,
    tpu.vector_store %arg9[%swap3A_462], %add3A_461 {strides = array<i32>} : memref<10240xi32, #tpu.memory_space<vmem>>, vector<16xi32>,
    %add3A_464 = arith.constant 1000000 : i32
    %add3A_465 = vector.broadcast %add3A_464 : i32 to vector<16xi32>
    %add3A_466 = arith.addi %get3A_413, %add3A_465 : vector<16xi32>
    %swap3A_467 = arith.constant 5184 : index
    %swap3A_468 = tpu.vector_load %arg9[%swap3A_467] {strides = array<i32>} : memref<10240xi32, #tpu.memory_space<vmem>>, vector<16xi32>,
    tpu.vector_store %arg9[%swap3A_467], %add3A_466 {strides = array<i32>} : memref<10240xi32, #tpu.memory_space<vmem>>, vector<16xi32>,
    %add3A_469 = arith.constant 1100000 : i32
    %add3A_470 = vector.broadcast %add3A_469 : i32 to vector<16xi32>
    %add3A_471 = arith.addi %get3A_413, %add3A_470 : vector<16xi32>
    %swap3A_472 = arith.constant 5696 : index
    %swap3A_473 = tpu.vector_load %arg9[%swap3A_472] {strides = array<i32>} : memref<10240xi32, #tpu.memory_space<vmem>>, vector<16xi32>,
    tpu.vector_store %arg9[%swap3A_472], %add3A_471 {strides = array<i32>} : memref<10240xi32, #tpu.memory_space<vmem>>, vector<16xi32>,
    %add3A_474 = arith.constant 1200000 : i32
    %add3A_475 = vector.broadcast %add3A_474 : i32 to vector<16xi32>
    %add3A_476 = arith.addi %get3A_413, %add3A_475 : vector<16xi32>
    %swap3A_477 = arith.constant 6208 : index
    %swap3A_478 = tpu.vector_load %arg9[%swap3A_477] {strides = array<i32>} : memref<10240xi32, #tpu.memory_space<vmem>>, vector<16xi32>,
    tpu.vector_store %arg9[%swap3A_477], %add3A_476 {strides = array<i32>} : memref<10240xi32, #tpu.memory_space<vmem>>, vector<16xi32>,
    %add3A_479 = arith.constant 1300000 : i32
    %add3A_480 = vector.broadcast %add3A_479 : i32 to vector<16xi32>
    %add3A_481 = arith.addi %get3A_413, %add3A_480 : vector<16xi32>
    %swap3A_482 = arith.constant 6720 : index
    %swap3A_483 = tpu.vector_load %arg9[%swap3A_482] {strides = array<i32>} : memref<10240xi32, #tpu.memory_space<vmem>>, vector<16xi32>,
    tpu.vector_store %arg9[%swap3A_482], %add3A_481 {strides = array<i32>} : memref<10240xi32, #tpu.memory_space<vmem>>, vector<16xi32>,
    %add3A_484 = arith.constant 1400000 : i32
    %add3A_485 = vector.broadcast %add3A_484 : i32 to vector<16xi32>
    %add3A_486 = arith.addi %get3A_413, %add3A_485 : vector<16xi32>
    %swap3A_487 = arith.constant 7232 : index
    %swap3A_488 = tpu.vector_load %arg9[%swap3A_487] {strides = array<i32>} : memref<10240xi32, #tpu.memory_space<vmem>>, vector<16xi32>,
    tpu.vector_store %arg9[%swap3A_487], %add3A_486 {strides = array<i32>} : memref<10240xi32, #tpu.memory_space<vmem>>, vector<16xi32>,
    %add3A_489 = arith.constant 1500000 : i32
    %add3A_490 = vector.broadcast %add3A_489 : i32 to vector<16xi32>
    %add3A_491 = arith.addi %get3A_413, %add3A_490 : vector<16xi32>
    %swap3A_492 = arith.constant 7744 : index
    %swap3A_493 = tpu.vector_load %arg9[%swap3A_492] {strides = array<i32>} : memref<10240xi32, #tpu.memory_space<vmem>>, vector<16xi32>,
    tpu.vector_store %arg9[%swap3A_492], %add3A_491 {strides = array<i32>} : memref<10240xi32, #tpu.memory_space<vmem>>, vector<16xi32>,
    %add3A_494 = arith.constant 1600000 : i32
    %add3A_495 = vector.broadcast %add3A_494 : i32 to vector<16xi32>
    %add3A_496 = arith.addi %get3A_413, %add3A_495 : vector<16xi32>
    %swap3A_497 = arith.constant 8256 : index
    %swap3A_498 = tpu.vector_load %arg9[%swap3A_497] {strides = array<i32>} : memref<10240xi32, #tpu.memory_space<vmem>>, vector<16xi32>,
    tpu.vector_store %arg9[%swap3A_497], %add3A_496 {strides = array<i32>} : memref<10240xi32, #tpu.memory_space<vmem>>, vector<16xi32>,
    %add3A_499 = arith.constant 1700000 : i32
    %add3A_500 = vector.broadcast %add3A_499 : i32 to vector<16xi32>
    %add3A_501 = arith.addi %get3A_413, %add3A_500 : vector<16xi32>
    %swap3A_502 = arith.constant 8768 : index
    %swap3A_503 = tpu.vector_load %arg9[%swap3A_502] {strides = array<i32>} : memref<10240xi32, #tpu.memory_space<vmem>>, vector<16xi32>,
    tpu.vector_store %arg9[%swap3A_502], %add3A_501 {strides = array<i32>} : memref<10240xi32, #tpu.memory_space<vmem>>, vector<16xi32>,
    %add3A_504 = arith.constant 1800000 : i32
    %add3A_505 = vector.broadcast %add3A_504 : i32 to vector<16xi32>
    %add3A_506 = arith.addi %get3A_413, %add3A_505 : vector<16xi32>
    %swap3A_507 = arith.constant 9280 : index
    %swap3A_508 = tpu.vector_load %arg9[%swap3A_507] {strides = array<i32>} : memref<10240xi32, #tpu.memory_space<vmem>>, vector<16xi32>,
    tpu.vector_store %arg9[%swap3A_507], %add3A_506 {strides = array<i32>} : memref<10240xi32, #tpu.memory_space<vmem>>, vector<16xi32>,
    %add3A_509 = arith.constant 1900000 : i32
    %add3A_510 = vector.broadcast %add3A_509 : i32 to vector<16xi32>
    %add3A_511 = arith.addi %get3A_413, %add3A_510 : vector<16xi32>
    %swap3A_512 = arith.constant 9792 : index
    %swap3A_513 = tpu.vector_load %arg9[%swap3A_512] {strides = array<i32>} : memref<10240xi32, #tpu.memory_space<vmem>>, vector<16xi32>,
    tpu.vector_store %arg9[%swap3A_512], %add3A_511 {strides = array<i32>} : memref<10240xi32, #tpu.memory_space<vmem>>, vector<16xi32>,
    %get3A_514 = arith.constant 80 : index
    %get3A_515 = tpu.vector_load %arg8[%get3A_514] {strides = array<i32>} : memref<512xi32, #tpu.memory_space<vmem>>, vector<16xi32>,
    %add3A_516 = arith.constant 0 : i32
    %add3A_517 = vector.broadcast %add3A_516 : i32 to vector<16xi32>
    %add3A_518 = arith.addi %get3A_515, %add3A_517 : vector<16xi32>
    %swap3A_519 = arith.constant 80 : index
    %swap3A_520 = tpu.vector_load %arg9[%swap3A_519] {strides = array<i32>} : memref<10240xi32, #tpu.memory_space<vmem>>, vector<16xi32>,
    tpu.vector_store %arg9[%swap3A_519], %add3A_518 {strides = array<i32>} : memref<10240xi32, #tpu.memory_space<vmem>>, vector<16xi32>,
    %add3A_521 = arith.constant 100000 : i32
    %add3A_522 = vector.broadcast %add3A_521 : i32 to vector<16xi32>
    %add3A_523 = arith.addi %get3A_515, %add3A_522 : vector<16xi32>
    %swap3A_524 = arith.constant 592 : index
    %swap3A_525 = tpu.vector_load %arg9[%swap3A_524] {strides = array<i32>} : memref<10240xi32, #tpu.memory_space<vmem>>, vector<16xi32>,
    tpu.vector_store %arg9[%swap3A_524], %add3A_523 {strides = array<i32>} : memref<10240xi32, #tpu.memory_space<vmem>>, vector<16xi32>,
    %add3A_526 = arith.constant 200000 : i32
    %add3A_527 = vector.broadcast %add3A_526 : i32 to vector<16xi32>
    %add3A_528 = arith.addi %get3A_515, %add3A_527 : vector<16xi32>
    %swap3A_529 = arith.constant 1104 : index
    %swap3A_530 = tpu.vector_load %arg9[%swap3A_529] {strides = array<i32>} : memref<10240xi32, #tpu.memory_space<vmem>>, vector<16xi32>,
    tpu.vector_store %arg9[%swap3A_529], %add3A_528 {strides = array<i32>} : memref<10240xi32, #tpu.memory_space<vmem>>, vector<16xi32>,
    %add3A_531 = arith.constant 300000 : i32
    %add3A_532 = vector.broadcast %add3A_531 : i32 to vector<16xi32>
    %add3A_533 = arith.addi %get3A_515, %add3A_532 : vector<16xi32>
    %swap3A_534 = arith.constant 1616 : index
    %swap3A_535 = tpu.vector_load %arg9[%swap3A_534] {strides = array<i32>} : memref<10240xi32, #tpu.memory_space<vmem>>, vector<16xi32>,
    tpu.vector_store %arg9[%swap3A_534], %add3A_533 {strides = array<i32>} : memref<10240xi32, #tpu.memory_space<vmem>>, vector<16xi32>,
    %add3A_536 = arith.constant 400000 : i32
    %add3A_537 = vector.broadcast %add3A_536 : i32 to vector<16xi32>
    %add3A_538 = arith.addi %get3A_515, %add3A_537 : vector<16xi32>
    %swap3A_539 = arith.constant 2128 : index
    %swap3A_540 = tpu.vector_load %arg9[%swap3A_539] {strides = array<i32>} : memref<10240xi32, #tpu.memory_space<vmem>>, vector<16xi32>,
    tpu.vector_store %arg9[%swap3A_539], %add3A_538 {strides = array<i32>} : memref<10240xi32, #tpu.memory_space<vmem>>, vector<16xi32>,
    %add3A_541 = arith.constant 500000 : i32
    %add3A_542 = vector.broadcast %add3A_541 : i32 to vector<16xi32>
    %add3A_543 = arith.addi %get3A_515, %add3A_542 : vector<16xi32>
    %swap3A_544 = arith.constant 2640 : index
    %swap3A_545 = tpu.vector_load %arg9[%swap3A_544] {strides = array<i32>} : memref<10240xi32, #tpu.memory_space<vmem>>, vector<16xi32>,
    tpu.vector_store %arg9[%swap3A_544], %add3A_543 {strides = array<i32>} : memref<10240xi32, #tpu.memory_space<vmem>>, vector<16xi32>,
    %add3A_546 = arith.constant 600000 : i32
    %add3A_547 = vector.broadcast %add3A_546 : i32 to vector<16xi32>
    %add3A_548 = arith.addi %get3A_515, %add3A_547 : vector<16xi32>
    %swap3A_549 = arith.constant 3152 : index
    %swap3A_550 = tpu.vector_load %arg9[%swap3A_549] {strides = array<i32>} : memref<10240xi32, #tpu.memory_space<vmem>>, vector<16xi32>,
    tpu.vector_store %arg9[%swap3A_549], %add3A_548 {strides = array<i32>} : memref<10240xi32, #tpu.memory_space<vmem>>, vector<16xi32>,
    %add3A_551 = arith.constant 700000 : i32
    %add3A_552 = vector.broadcast %add3A_551 : i32 to vector<16xi32>
    %add3A_553 = arith.addi %get3A_515, %add3A_552 : vector<16xi32>
    %swap3A_554 = arith.constant 3664 : index
    %swap3A_555 = tpu.vector_load %arg9[%swap3A_554] {strides = array<i32>} : memref<10240xi32, #tpu.memory_space<vmem>>, vector<16xi32>,
    tpu.vector_store %arg9[%swap3A_554], %add3A_553 {strides = array<i32>} : memref<10240xi32, #tpu.memory_space<vmem>>, vector<16xi32>,
    %add3A_556 = arith.constant 800000 : i32
    %add3A_557 = vector.broadcast %add3A_556 : i32 to vector<16xi32>
    %add3A_558 = arith.addi %get3A_515, %add3A_557 : vector<16xi32>
    %swap3A_559 = arith.constant 4176 : index
    %swap3A_560 = tpu.vector_load %arg9[%swap3A_559] {strides = array<i32>} : memref<10240xi32, #tpu.memory_space<vmem>>, vector<16xi32>,
    tpu.vector_store %arg9[%swap3A_559], %add3A_558 {strides = array<i32>} : memref<10240xi32, #tpu.memory_space<vmem>>, vector<16xi32>,
    %add3A_561 = arith.constant 900000 : i32
    %add3A_562 = vector.broadcast %add3A_561 : i32 to vector<16xi32>
    %add3A_563 = arith.addi %get3A_515, %add3A_562 : vector<16xi32>
    %swap3A_564 = arith.constant 4688 : index
    %swap3A_565 = tpu.vector_load %arg9[%swap3A_564] {strides = array<i32>} : memref<10240xi32, #tpu.memory_space<vmem>>, vector<16xi32>,
    tpu.vector_store %arg9[%swap3A_564], %add3A_563 {strides = array<i32>} : memref<10240xi32, #tpu.memory_space<vmem>>, vector<16xi32>,
    %add3A_566 = arith.constant 1000000 : i32
    %add3A_567 = vector.broadcast %add3A_566 : i32 to vector<16xi32>
    %add3A_568 = arith.addi %get3A_515, %add3A_567 : vector<16xi32>
    %swap3A_569 = arith.constant 5200 : index
    %swap3A_570 = tpu.vector_load %arg9[%swap3A_569] {strides = array<i32>} : memref<10240xi32, #tpu.memory_space<vmem>>, vector<16xi32>,
    tpu.vector_store %arg9[%swap3A_569], %add3A_568 {strides = array<i32>} : memref<10240xi32, #tpu.memory_space<vmem>>, vector<16xi32>,
    %add3A_571 = arith.constant 1100000 : i32
    %add3A_572 = vector.broadcast %add3A_571 : i32 to vector<16xi32>
    %add3A_573 = arith.addi %get3A_515, %add3A_572 : vector<16xi32>
    %swap3A_574 = arith.constant 5712 : index
    %swap3A_575 = tpu.vector_load %arg9[%swap3A_574] {strides = array<i32>} : memref<10240xi32, #tpu.memory_space<vmem>>, vector<16xi32>,
    tpu.vector_store %arg9[%swap3A_574], %add3A_573 {strides = array<i32>} : memref<10240xi32, #tpu.memory_space<vmem>>, vector<16xi32>,
    %add3A_576 = arith.constant 1200000 : i32
    %add3A_577 = vector.broadcast %add3A_576 : i32 to vector<16xi32>
    %add3A_578 = arith.addi %get3A_515, %add3A_577 : vector<16xi32>
    %swap3A_579 = arith.constant 6224 : index
    %swap3A_580 = tpu.vector_load %arg9[%swap3A_579] {strides = array<i32>} : memref<10240xi32, #tpu.memory_space<vmem>>, vector<16xi32>,
    tpu.vector_store %arg9[%swap3A_579], %add3A_578 {strides = array<i32>} : memref<10240xi32, #tpu.memory_space<vmem>>, vector<16xi32>,
    %add3A_581 = arith.constant 1300000 : i32
    %add3A_582 = vector.broadcast %add3A_581 : i32 to vector<16xi32>
    %add3A_583 = arith.addi %get3A_515, %add3A_582 : vector<16xi32>
    %swap3A_584 = arith.constant 6736 : index
    %swap3A_585 = tpu.vector_load %arg9[%swap3A_584] {strides = array<i32>} : memref<10240xi32, #tpu.memory_space<vmem>>, vector<16xi32>,
    tpu.vector_store %arg9[%swap3A_584], %add3A_583 {strides = array<i32>} : memref<10240xi32, #tpu.memory_space<vmem>>, vector<16xi32>,
    %add3A_586 = arith.constant 1400000 : i32
    %add3A_587 = vector.broadcast %add3A_586 : i32 to vector<16xi32>
    %add3A_588 = arith.addi %get3A_515, %add3A_587 : vector<16xi32>
    %swap3A_589 = arith.constant 7248 : index
    %swap3A_590 = tpu.vector_load %arg9[%swap3A_589] {strides = array<i32>} : memref<10240xi32, #tpu.memory_space<vmem>>, vector<16xi32>,
    tpu.vector_store %arg9[%swap3A_589], %add3A_588 {strides = array<i32>} : memref<10240xi32, #tpu.memory_space<vmem>>, vector<16xi32>,
    %add3A_591 = arith.constant 1500000 : i32
    %add3A_592 = vector.broadcast %add3A_591 : i32 to vector<16xi32>
    %add3A_593 = arith.addi %get3A_515, %add3A_592 : vector<16xi32>
    %swap3A_594 = arith.constant 7760 : index
    %swap3A_595 = tpu.vector_load %arg9[%swap3A_594] {strides = array<i32>} : memref<10240xi32, #tpu.memory_space<vmem>>, vector<16xi32>,
    tpu.vector_store %arg9[%swap3A_594], %add3A_593 {strides = array<i32>} : memref<10240xi32, #tpu.memory_space<vmem>>, vector<16xi32>,
    %add3A_596 = arith.constant 1600000 : i32
    %add3A_597 = vector.broadcast %add3A_596 : i32 to vector<16xi32>
    %add3A_598 = arith.addi %get3A_515, %add3A_597 : vector<16xi32>
    %swap3A_599 = arith.constant 8272 : index
    %swap3A_600 = tpu.vector_load %arg9[%swap3A_599] {strides = array<i32>} : memref<10240xi32, #tpu.memory_space<vmem>>, vector<16xi32>,
    tpu.vector_store %arg9[%swap3A_599], %add3A_598 {strides = array<i32>} : memref<10240xi32, #tpu.memory_space<vmem>>, vector<16xi32>,
    %add3A_601 = arith.constant 1700000 : i32
    %add3A_602 = vector.broadcast %add3A_601 : i32 to vector<16xi32>
    %add3A_603 = arith.addi %get3A_515, %add3A_602 : vector<16xi32>
    %swap3A_604 = arith.constant 8784 : index
    %swap3A_605 = tpu.vector_load %arg9[%swap3A_604] {strides = array<i32>} : memref<10240xi32, #tpu.memory_space<vmem>>, vector<16xi32>,
    tpu.vector_store %arg9[%swap3A_604], %add3A_603 {strides = array<i32>} : memref<10240xi32, #tpu.memory_space<vmem>>, vector<16xi32>,
    %add3A_606 = arith.constant 1800000 : i32
    %add3A_607 = vector.broadcast %add3A_606 : i32 to vector<16xi32>
    %add3A_608 = arith.addi %get3A_515, %add3A_607 : vector<16xi32>
    %swap3A_609 = arith.constant 9296 : index
    %swap3A_610 = tpu.vector_load %arg9[%swap3A_609] {strides = array<i32>} : memref<10240xi32, #tpu.memory_space<vmem>>, vector<16xi32>,
    tpu.vector_store %arg9[%swap3A_609], %add3A_608 {strides = array<i32>} : memref<10240xi32, #tpu.memory_space<vmem>>, vector<16xi32>,
    %add3A_611 = arith.constant 1900000 : i32
    %add3A_612 = vector.broadcast %add3A_611 : i32 to vector<16xi32>
    %add3A_613 = arith.addi %get3A_515, %add3A_612 : vector<16xi32>
    %swap3A_614 = arith.constant 9808 : index
    %swap3A_615 = tpu.vector_load %arg9[%swap3A_614] {strides = array<i32>} : memref<10240xi32, #tpu.memory_space<vmem>>, vector<16xi32>,
    tpu.vector_store %arg9[%swap3A_614], %add3A_613 {strides = array<i32>} : memref<10240xi32, #tpu.memory_space<vmem>>, vector<16xi32>,
    %get3A_616 = arith.constant 96 : index
    %get3A_617 = tpu.vector_load %arg8[%get3A_616] {strides = array<i32>} : memref<512xi32, #tpu.memory_space<vmem>>, vector<16xi32>,
    %add3A_618 = arith.constant 0 : i32
    %add3A_619 = vector.broadcast %add3A_618 : i32 to vector<16xi32>
    %add3A_620 = arith.addi %get3A_617, %add3A_619 : vector<16xi32>
    %swap3A_621 = arith.constant 96 : index
    %swap3A_622 = tpu.vector_load %arg9[%swap3A_621] {strides = array<i32>} : memref<10240xi32, #tpu.memory_space<vmem>>, vector<16xi32>,
    tpu.vector_store %arg9[%swap3A_621], %add3A_620 {strides = array<i32>} : memref<10240xi32, #tpu.memory_space<vmem>>, vector<16xi32>,
    %add3A_623 = arith.constant 100000 : i32
    %add3A_624 = vector.broadcast %add3A_623 : i32 to vector<16xi32>
    %add3A_625 = arith.addi %get3A_617, %add3A_624 : vector<16xi32>
    %swap3A_626 = arith.constant 608 : index
    %swap3A_627 = tpu.vector_load %arg9[%swap3A_626] {strides = array<i32>} : memref<10240xi32, #tpu.memory_space<vmem>>, vector<16xi32>,
    tpu.vector_store %arg9[%swap3A_626], %add3A_625 {strides = array<i32>} : memref<10240xi32, #tpu.memory_space<vmem>>, vector<16xi32>,
    %add3A_628 = arith.constant 200000 : i32
    %add3A_629 = vector.broadcast %add3A_628 : i32 to vector<16xi32>
    %add3A_630 = arith.addi %get3A_617, %add3A_629 : vector<16xi32>
    %swap3A_631 = arith.constant 1120 : index
    %swap3A_632 = tpu.vector_load %arg9[%swap3A_631] {strides = array<i32>} : memref<10240xi32, #tpu.memory_space<vmem>>, vector<16xi32>,
    tpu.vector_store %arg9[%swap3A_631], %add3A_630 {strides = array<i32>} : memref<10240xi32, #tpu.memory_space<vmem>>, vector<16xi32>,
    %add3A_633 = arith.constant 300000 : i32
    %add3A_634 = vector.broadcast %add3A_633 : i32 to vector<16xi32>
    %add3A_635 = arith.addi %get3A_617, %add3A_634 : vector<16xi32>
    %swap3A_636 = arith.constant 1632 : index
    %swap3A_637 = tpu.vector_load %arg9[%swap3A_636] {strides = array<i32>} : memref<10240xi32, #tpu.memory_space<vmem>>, vector<16xi32>,
    tpu.vector_store %arg9[%swap3A_636], %add3A_635 {strides = array<i32>} : memref<10240xi32, #tpu.memory_space<vmem>>, vector<16xi32>,
    %add3A_638 = arith.constant 400000 : i32
    %add3A_639 = vector.broadcast %add3A_638 : i32 to vector<16xi32>
    %add3A_640 = arith.addi %get3A_617, %add3A_639 : vector<16xi32>
    %swap3A_641 = arith.constant 2144 : index
    %swap3A_642 = tpu.vector_load %arg9[%swap3A_641] {strides = array<i32>} : memref<10240xi32, #tpu.memory_space<vmem>>, vector<16xi32>,
    tpu.vector_store %arg9[%swap3A_641], %add3A_640 {strides = array<i32>} : memref<10240xi32, #tpu.memory_space<vmem>>, vector<16xi32>,
    %add3A_643 = arith.constant 500000 : i32
    %add3A_644 = vector.broadcast %add3A_643 : i32 to vector<16xi32>
    %add3A_645 = arith.addi %get3A_617, %add3A_644 : vector<16xi32>
    %swap3A_646 = arith.constant 2656 : index
    %swap3A_647 = tpu.vector_load %arg9[%swap3A_646] {strides = array<i32>} : memref<10240xi32, #tpu.memory_space<vmem>>, vector<16xi32>,
    tpu.vector_store %arg9[%swap3A_646], %add3A_645 {strides = array<i32>} : memref<10240xi32, #tpu.memory_space<vmem>>, vector<16xi32>,
    %add3A_648 = arith.constant 600000 : i32
    %add3A_649 = vector.broadcast %add3A_648 : i32 to vector<16xi32>
    %add3A_650 = arith.addi %get3A_617, %add3A_649 : vector<16xi32>
    %swap3A_651 = arith.constant 3168 : index
    %swap3A_652 = tpu.vector_load %arg9[%swap3A_651] {strides = array<i32>} : memref<10240xi32, #tpu.memory_space<vmem>>, vector<16xi32>,
    tpu.vector_store %arg9[%swap3A_651], %add3A_650 {strides = array<i32>} : memref<10240xi32, #tpu.memory_space<vmem>>, vector<16xi32>,
    %add3A_653 = arith.constant 700000 : i32
    %add3A_654 = vector.broadcast %add3A_653 : i32 to vector<16xi32>
    %add3A_655 = arith.addi %get3A_617, %add3A_654 : vector<16xi32>
    %swap3A_656 = arith.constant 3680 : index
    %swap3A_657 = tpu.vector_load %arg9[%swap3A_656] {strides = array<i32>} : memref<10240xi32, #tpu.memory_space<vmem>>, vector<16xi32>,
    tpu.vector_store %arg9[%swap3A_656], %add3A_655 {strides = array<i32>} : memref<10240xi32, #tpu.memory_space<vmem>>, vector<16xi32>,
    %add3A_658 = arith.constant 800000 : i32
    %add3A_659 = vector.broadcast %add3A_658 : i32 to vector<16xi32>
    %add3A_660 = arith.addi %get3A_617, %add3A_659 : vector<16xi32>
    %swap3A_661 = arith.constant 4192 : index
    %swap3A_662 = tpu.vector_load %arg9[%swap3A_661] {strides = array<i32>} : memref<10240xi32, #tpu.memory_space<vmem>>, vector<16xi32>,
    tpu.vector_store %arg9[%swap3A_661], %add3A_660 {strides = array<i32>} : memref<10240xi32, #tpu.memory_space<vmem>>, vector<16xi32>,
    %add3A_663 = arith.constant 900000 : i32
    %add3A_664 = vector.broadcast %add3A_663 : i32 to vector<16xi32>
    %add3A_665 = arith.addi %get3A_617, %add3A_664 : vector<16xi32>
    %swap3A_666 = arith.constant 4704 : index
    %swap3A_667 = tpu.vector_load %arg9[%swap3A_666] {strides = array<i32>} : memref<10240xi32, #tpu.memory_space<vmem>>, vector<16xi32>,
    tpu.vector_store %arg9[%swap3A_666], %add3A_665 {strides = array<i32>} : memref<10240xi32, #tpu.memory_space<vmem>>, vector<16xi32>,
    %add3A_668 = arith.constant 1000000 : i32
    %add3A_669 = vector.broadcast %add3A_668 : i32 to vector<16xi32>
    %add3A_670 = arith.addi %get3A_617, %add3A_669 : vector<16xi32>
    %swap3A_671 = arith.constant 5216 : index
    %swap3A_672 = tpu.vector_load %arg9[%swap3A_671] {strides = array<i32>} : memref<10240xi32, #tpu.memory_space<vmem>>, vector<16xi32>,
    tpu.vector_store %arg9[%swap3A_671], %add3A_670 {strides = array<i32>} : memref<10240xi32, #tpu.memory_space<vmem>>, vector<16xi32>,
    %add3A_673 = arith.constant 1100000 : i32
    %add3A_674 = vector.broadcast %add3A_673 : i32 to vector<16xi32>
    %add3A_675 = arith.addi %get3A_617, %add3A_674 : vector<16xi32>
    %swap3A_676 = arith.constant 5728 : index
    %swap3A_677 = tpu.vector_load %arg9[%swap3A_676] {strides = array<i32>} : memref<10240xi32, #tpu.memory_space<vmem>>, vector<16xi32>,
    tpu.vector_store %arg9[%swap3A_676], %add3A_675 {strides = array<i32>} : memref<10240xi32, #tpu.memory_space<vmem>>, vector<16xi32>,
    %add3A_678 = arith.constant 1200000 : i32
    %add3A_679 = vector.broadcast %add3A_678 : i32 to vector<16xi32>
    %add3A_680 = arith.addi %get3A_617, %add3A_679 : vector<16xi32>
    %swap3A_681 = arith.constant 6240 : index
    %swap3A_682 = tpu.vector_load %arg9[%swap3A_681] {strides = array<i32>} : memref<10240xi32, #tpu.memory_space<vmem>>, vector<16xi32>,
    tpu.vector_store %arg9[%swap3A_681], %add3A_680 {strides = array<i32>} : memref<10240xi32, #tpu.memory_space<vmem>>, vector<16xi32>,
    %add3A_683 = arith.constant 1300000 : i32
    %add3A_684 = vector.broadcast %add3A_683 : i32 to vector<16xi32>
    %add3A_685 = arith.addi %get3A_617, %add3A_684 : vector<16xi32>
    %swap3A_686 = arith.constant 6752 : index
    %swap3A_687 = tpu.vector_load %arg9[%swap3A_686] {strides = array<i32>} : memref<10240xi32, #tpu.memory_space<vmem>>, vector<16xi32>,
    tpu.vector_store %arg9[%swap3A_686], %add3A_685 {strides = array<i32>} : memref<10240xi32, #tpu.memory_space<vmem>>, vector<16xi32>,
    %add3A_688 = arith.constant 1400000 : i32
    %add3A_689 = vector.broadcast %add3A_688 : i32 to vector<16xi32>
    %add3A_690 = arith.addi %get3A_617, %add3A_689 : vector<16xi32>
    %swap3A_691 = arith.constant 7264 : index
    %swap3A_692 = tpu.vector_load %arg9[%swap3A_691] {strides = array<i32>} : memref<10240xi32, #tpu.memory_space<vmem>>, vector<16xi32>,
    tpu.vector_store %arg9[%swap3A_691], %add3A_690 {strides = array<i32>} : memref<10240xi32, #tpu.memory_space<vmem>>, vector<16xi32>,
    %add3A_693 = arith.constant 1500000 : i32
    %add3A_694 = vector.broadcast %add3A_693 : i32 to vector<16xi32>
    %add3A_695 = arith.addi %get3A_617, %add3A_694 : vector<16xi32>
    %swap3A_696 = arith.constant 7776 : index
    %swap3A_697 = tpu.vector_load %arg9[%swap3A_696] {strides = array<i32>} : memref<10240xi32, #tpu.memory_space<vmem>>, vector<16xi32>,
    tpu.vector_store %arg9[%swap3A_696], %add3A_695 {strides = array<i32>} : memref<10240xi32, #tpu.memory_space<vmem>>, vector<16xi32>,
    %add3A_698 = arith.constant 1600000 : i32
    %add3A_699 = vector.broadcast %add3A_698 : i32 to vector<16xi32>
    %add3A_700 = arith.addi %get3A_617, %add3A_699 : vector<16xi32>
    %swap3A_701 = arith.constant 8288 : index
    %swap3A_702 = tpu.vector_load %arg9[%swap3A_701] {strides = array<i32>} : memref<10240xi32, #tpu.memory_space<vmem>>, vector<16xi32>,
    tpu.vector_store %arg9[%swap3A_701], %add3A_700 {strides = array<i32>} : memref<10240xi32, #tpu.memory_space<vmem>>, vector<16xi32>,
    %add3A_703 = arith.constant 1700000 : i32
    %add3A_704 = vector.broadcast %add3A_703 : i32 to vector<16xi32>
    %add3A_705 = arith.addi %get3A_617, %add3A_704 : vector<16xi32>
    %swap3A_706 = arith.constant 8800 : index
    %swap3A_707 = tpu.vector_load %arg9[%swap3A_706] {strides = array<i32>} : memref<10240xi32, #tpu.memory_space<vmem>>, vector<16xi32>,
    tpu.vector_store %arg9[%swap3A_706], %add3A_705 {strides = array<i32>} : memref<10240xi32, #tpu.memory_space<vmem>>, vector<16xi32>,
    %add3A_708 = arith.constant 1800000 : i32
    %add3A_709 = vector.broadcast %add3A_708 : i32 to vector<16xi32>
    %add3A_710 = arith.addi %get3A_617, %add3A_709 : vector<16xi32>
    %swap3A_711 = arith.constant 9312 : index
    %swap3A_712 = tpu.vector_load %arg9[%swap3A_711] {strides = array<i32>} : memref<10240xi32, #tpu.memory_space<vmem>>, vector<16xi32>,
    tpu.vector_store %arg9[%swap3A_711], %add3A_710 {strides = array<i32>} : memref<10240xi32, #tpu.memory_space<vmem>>, vector<16xi32>,
    %add3A_713 = arith.constant 1900000 : i32
    %add3A_714 = vector.broadcast %add3A_713 : i32 to vector<16xi32>
    %add3A_715 = arith.addi %get3A_617, %add3A_714 : vector<16xi32>
    %swap3A_716 = arith.constant 9824 : index
    %swap3A_717 = tpu.vector_load %arg9[%swap3A_716] {strides = array<i32>} : memref<10240xi32, #tpu.memory_space<vmem>>, vector<16xi32>,
    tpu.vector_store %arg9[%swap3A_716], %add3A_715 {strides = array<i32>} : memref<10240xi32, #tpu.memory_space<vmem>>, vector<16xi32>,
    %get3A_718 = arith.constant 112 : index
    %get3A_719 = tpu.vector_load %arg8[%get3A_718] {strides = array<i32>} : memref<512xi32, #tpu.memory_space<vmem>>, vector<16xi32>,
    %add3A_720 = arith.constant 0 : i32
    %add3A_721 = vector.broadcast %add3A_720 : i32 to vector<16xi32>
    %add3A_722 = arith.addi %get3A_719, %add3A_721 : vector<16xi32>
    %swap3A_723 = arith.constant 112 : index
    %swap3A_724 = tpu.vector_load %arg9[%swap3A_723] {strides = array<i32>} : memref<10240xi32, #tpu.memory_space<vmem>>, vector<16xi32>,
    tpu.vector_store %arg9[%swap3A_723], %add3A_722 {strides = array<i32>} : memref<10240xi32, #tpu.memory_space<vmem>>, vector<16xi32>,
    %add3A_725 = arith.constant 100000 : i32
    %add3A_726 = vector.broadcast %add3A_725 : i32 to vector<16xi32>
    %add3A_727 = arith.addi %get3A_719, %add3A_726 : vector<16xi32>
    %swap3A_728 = arith.constant 624 : index
    %swap3A_729 = tpu.vector_load %arg9[%swap3A_728] {strides = array<i32>} : memref<10240xi32, #tpu.memory_space<vmem>>, vector<16xi32>,
    tpu.vector_store %arg9[%swap3A_728], %add3A_727 {strides = array<i32>} : memref<10240xi32, #tpu.memory_space<vmem>>, vector<16xi32>,
    %add3A_730 = arith.constant 200000 : i32
    %add3A_731 = vector.broadcast %add3A_730 : i32 to vector<16xi32>
    %add3A_732 = arith.addi %get3A_719, %add3A_731 : vector<16xi32>
    %swap3A_733 = arith.constant 1136 : index
    %swap3A_734 = tpu.vector_load %arg9[%swap3A_733] {strides = array<i32>} : memref<10240xi32, #tpu.memory_space<vmem>>, vector<16xi32>,
    tpu.vector_store %arg9[%swap3A_733], %add3A_732 {strides = array<i32>} : memref<10240xi32, #tpu.memory_space<vmem>>, vector<16xi32>,
    %add3A_735 = arith.constant 300000 : i32
    %add3A_736 = vector.broadcast %add3A_735 : i32 to vector<16xi32>
    %add3A_737 = arith.addi %get3A_719, %add3A_736 : vector<16xi32>
    %swap3A_738 = arith.constant 1648 : index
    %swap3A_739 = tpu.vector_load %arg9[%swap3A_738] {strides = array<i32>} : memref<10240xi32, #tpu.memory_space<vmem>>, vector<16xi32>,
    tpu.vector_store %arg9[%swap3A_738], %add3A_737 {strides = array<i32>} : memref<10240xi32, #tpu.memory_space<vmem>>, vector<16xi32>,
    %add3A_740 = arith.constant 400000 : i32
    %add3A_741 = vector.broadcast %add3A_740 : i32 to vector<16xi32>
    %add3A_742 = arith.addi %get3A_719, %add3A_741 : vector<16xi32>
    %swap3A_743 = arith.constant 2160 : index
    %swap3A_744 = tpu.vector_load %arg9[%swap3A_743] {strides = array<i32>} : memref<10240xi32, #tpu.memory_space<vmem>>, vector<16xi32>,
    tpu.vector_store %arg9[%swap3A_743], %add3A_742 {strides = array<i32>} : memref<10240xi32, #tpu.memory_space<vmem>>, vector<16xi32>,
    %add3A_745 = arith.constant 500000 : i32
    %add3A_746 = vector.broadcast %add3A_745 : i32 to vector<16xi32>
    %add3A_747 = arith.addi %get3A_719, %add3A_746 : vector<16xi32>
    %swap3A_748 = arith.constant 2672 : index
    %swap3A_749 = tpu.vector_load %arg9[%swap3A_748] {strides = array<i32>} : memref<10240xi32, #tpu.memory_space<vmem>>, vector<16xi32>,
    tpu.vector_store %arg9[%swap3A_748], %add3A_747 {strides = array<i32>} : memref<10240xi32, #tpu.memory_space<vmem>>, vector<16xi32>,
    %add3A_750 = arith.constant 600000 : i32
    %add3A_751 = vector.broadcast %add3A_750 : i32 to vector<16xi32>
    %add3A_752 = arith.addi %get3A_719, %add3A_751 : vector<16xi32>
    %swap3A_753 = arith.constant 3184 : index
    %swap3A_754 = tpu.vector_load %arg9[%swap3A_753] {strides = array<i32>} : memref<10240xi32, #tpu.memory_space<vmem>>, vector<16xi32>,
    tpu.vector_store %arg9[%swap3A_753], %add3A_752 {strides = array<i32>} : memref<10240xi32, #tpu.memory_space<vmem>>, vector<16xi32>,
    %add3A_755 = arith.constant 700000 : i32
    %add3A_756 = vector.broadcast %add3A_755 : i32 to vector<16xi32>
    %add3A_757 = arith.addi %get3A_719, %add3A_756 : vector<16xi32>
    %swap3A_758 = arith.constant 3696 : index
    %swap3A_759 = tpu.vector_load %arg9[%swap3A_758] {strides = array<i32>} : memref<10240xi32, #tpu.memory_space<vmem>>, vector<16xi32>,
    tpu.vector_store %arg9[%swap3A_758], %add3A_757 {strides = array<i32>} : memref<10240xi32, #tpu.memory_space<vmem>>, vector<16xi32>,
    %add3A_760 = arith.constant 800000 : i32
    %add3A_761 = vector.broadcast %add3A_760 : i32 to vector<16xi32>
    %add3A_762 = arith.addi %get3A_719, %add3A_761 : vector<16xi32>
    %swap3A_763 = arith.constant 4208 : index
    %swap3A_764 = tpu.vector_load %arg9[%swap3A_763] {strides = array<i32>} : memref<10240xi32, #tpu.memory_space<vmem>>, vector<16xi32>,
    tpu.vector_store %arg9[%swap3A_763], %add3A_762 {strides = array<i32>} : memref<10240xi32, #tpu.memory_space<vmem>>, vector<16xi32>,
    %add3A_765 = arith.constant 900000 : i32
    %add3A_766 = vector.broadcast %add3A_765 : i32 to vector<16xi32>
    %add3A_767 = arith.addi %get3A_719, %add3A_766 : vector<16xi32>
    %swap3A_768 = arith.constant 4720 : index
    %swap3A_769 = tpu.vector_load %arg9[%swap3A_768] {strides = array<i32>} : memref<10240xi32, #tpu.memory_space<vmem>>, vector<16xi32>,
    tpu.vector_store %arg9[%swap3A_768], %add3A_767 {strides = array<i32>} : memref<10240xi32, #tpu.memory_space<vmem>>, vector<16xi32>,
    %add3A_770 = arith.constant 1000000 : i32
    %add3A_771 = vector.broadcast %add3A_770 : i32 to vector<16xi32>
    %add3A_772 = arith.addi %get3A_719, %add3A_771 : vector<16xi32>
    %swap3A_773 = arith.constant 5232 : index
    %swap3A_774 = tpu.vector_load %arg9[%swap3A_773] {strides = array<i32>} : memref<10240xi32, #tpu.memory_space<vmem>>, vector<16xi32>,
    tpu.vector_store %arg9[%swap3A_773], %add3A_772 {strides = array<i32>} : memref<10240xi32, #tpu.memory_space<vmem>>, vector<16xi32>,
    %add3A_775 = arith.constant 1100000 : i32
    %add3A_776 = vector.broadcast %add3A_775 : i32 to vector<16xi32>
    %add3A_777 = arith.addi %get3A_719, %add3A_776 : vector<16xi32>
    %swap3A_778 = arith.constant 5744 : index
    %swap3A_779 = tpu.vector_load %arg9[%swap3A_778] {strides = array<i32>} : memref<10240xi32, #tpu.memory_space<vmem>>, vector<16xi32>,
    tpu.vector_store %arg9[%swap3A_778], %add3A_777 {strides = array<i32>} : memref<10240xi32, #tpu.memory_space<vmem>>, vector<16xi32>,
    %add3A_780 = arith.constant 1200000 : i32
    %add3A_781 = vector.broadcast %add3A_780 : i32 to vector<16xi32>
    %add3A_782 = arith.addi %get3A_719, %add3A_781 : vector<16xi32>
    %swap3A_783 = arith.constant 6256 : index
    %swap3A_784 = tpu.vector_load %arg9[%swap3A_783] {strides = array<i32>} : memref<10240xi32, #tpu.memory_space<vmem>>, vector<16xi32>,
    tpu.vector_store %arg9[%swap3A_783], %add3A_782 {strides = array<i32>} : memref<10240xi32, #tpu.memory_space<vmem>>, vector<16xi32>,
    %add3A_785 = arith.constant 1300000 : i32
    %add3A_786 = vector.broadcast %add3A_785 : i32 to vector<16xi32>
    %add3A_787 = arith.addi %get3A_719, %add3A_786 : vector<16xi32>
    %swap3A_788 = arith.constant 6768 : index
    %swap3A_789 = tpu.vector_load %arg9[%swap3A_788] {strides = array<i32>} : memref<10240xi32, #tpu.memory_space<vmem>>, vector<16xi32>,
    tpu.vector_store %arg9[%swap3A_788], %add3A_787 {strides = array<i32>} : memref<10240xi32, #tpu.memory_space<vmem>>, vector<16xi32>,
    %add3A_790 = arith.constant 1400000 : i32
    %add3A_791 = vector.broadcast %add3A_790 : i32 to vector<16xi32>
    %add3A_792 = arith.addi %get3A_719, %add3A_791 : vector<16xi32>
    %swap3A_793 = arith.constant 7280 : index
    %swap3A_794 = tpu.vector_load %arg9[%swap3A_793] {strides = array<i32>} : memref<10240xi32, #tpu.memory_space<vmem>>, vector<16xi32>,
    tpu.vector_store %arg9[%swap3A_793], %add3A_792 {strides = array<i32>} : memref<10240xi32, #tpu.memory_space<vmem>>, vector<16xi32>,
    %add3A_795 = arith.constant 1500000 : i32
    %add3A_796 = vector.broadcast %add3A_795 : i32 to vector<16xi32>
    %add3A_797 = arith.addi %get3A_719, %add3A_796 : vector<16xi32>
    %swap3A_798 = arith.constant 7792 : index
    %swap3A_799 = tpu.vector_load %arg9[%swap3A_798] {strides = array<i32>} : memref<10240xi32, #tpu.memory_space<vmem>>, vector<16xi32>,
    tpu.vector_store %arg9[%swap3A_798], %add3A_797 {strides = array<i32>} : memref<10240xi32, #tpu.memory_space<vmem>>, vector<16xi32>,
    %add3A_800 = arith.constant 1600000 : i32
    %add3A_801 = vector.broadcast %add3A_800 : i32 to vector<16xi32>
    %add3A_802 = arith.addi %get3A_719, %add3A_801 : vector<16xi32>
    %swap3A_803 = arith.constant 8304 : index
    %swap3A_804 = tpu.vector_load %arg9[%swap3A_803] {strides = array<i32>} : memref<10240xi32, #tpu.memory_space<vmem>>, vector<16xi32>,
    tpu.vector_store %arg9[%swap3A_803], %add3A_802 {strides = array<i32>} : memref<10240xi32, #tpu.memory_space<vmem>>, vector<16xi32>,
    %add3A_805 = arith.constant 1700000 : i32
    %add3A_806 = vector.broadcast %add3A_805 : i32 to vector<16xi32>
    %add3A_807 = arith.addi %get3A_719, %add3A_806 : vector<16xi32>
    %swap3A_808 = arith.constant 8816 : index
    %swap3A_809 = tpu.vector_load %arg9[%swap3A_808] {strides = array<i32>} : memref<10240xi32, #tpu.memory_space<vmem>>, vector<16xi32>,
    tpu.vector_store %arg9[%swap3A_808], %add3A_807 {strides = array<i32>} : memref<10240xi32, #tpu.memory_space<vmem>>, vector<16xi32>,
    %add3A_810 = arith.constant 1800000 : i32
    %add3A_811 = vector.broadcast %add3A_810 : i32 to vector<16xi32>
    %add3A_812 = arith.addi %get3A_719, %add3A_811 : vector<16xi32>
    %swap3A_813 = arith.constant 9328 : index
    %swap3A_814 = tpu.vector_load %arg9[%swap3A_813] {strides = array<i32>} : memref<10240xi32, #tpu.memory_space<vmem>>, vector<16xi32>,
    tpu.vector_store %arg9[%swap3A_813], %add3A_812 {strides = array<i32>} : memref<10240xi32, #tpu.memory_space<vmem>>, vector<16xi32>,
    %add3A_815 = arith.constant 1900000 : i32
    %add3A_816 = vector.broadcast %add3A_815 : i32 to vector<16xi32>
    %add3A_817 = arith.addi %get3A_719, %add3A_816 : vector<16xi32>
    %swap3A_818 = arith.constant 9840 : index
    %swap3A_819 = tpu.vector_load %arg9[%swap3A_818] {strides = array<i32>} : memref<10240xi32, #tpu.memory_space<vmem>>, vector<16xi32>,
    tpu.vector_store %arg9[%swap3A_818], %add3A_817 {strides = array<i32>} : memref<10240xi32, #tpu.memory_space<vmem>>, vector<16xi32>,
    %get3A_820 = arith.constant 128 : index
    %get3A_821 = tpu.vector_load %arg8[%get3A_820] {strides = array<i32>} : memref<512xi32, #tpu.memory_space<vmem>>, vector<16xi32>,
    %add3A_822 = arith.constant 0 : i32
    %add3A_823 = vector.broadcast %add3A_822 : i32 to vector<16xi32>
    %add3A_824 = arith.addi %get3A_821, %add3A_823 : vector<16xi32>
    %swap3A_825 = arith.constant 128 : index
    %swap3A_826 = tpu.vector_load %arg9[%swap3A_825] {strides = array<i32>} : memref<10240xi32, #tpu.memory_space<vmem>>, vector<16xi32>,
    tpu.vector_store %arg9[%swap3A_825], %add3A_824 {strides = array<i32>} : memref<10240xi32, #tpu.memory_space<vmem>>, vector<16xi32>,
    %add3A_827 = arith.constant 100000 : i32
    %add3A_828 = vector.broadcast %add3A_827 : i32 to vector<16xi32>
    %add3A_829 = arith.addi %get3A_821, %add3A_828 : vector<16xi32>
    %swap3A_830 = arith.constant 640 : index
    %swap3A_831 = tpu.vector_load %arg9[%swap3A_830] {strides = array<i32>} : memref<10240xi32, #tpu.memory_space<vmem>>, vector<16xi32>,
    tpu.vector_store %arg9[%swap3A_830], %add3A_829 {strides = array<i32>} : memref<10240xi32, #tpu.memory_space<vmem>>, vector<16xi32>,
    %add3A_832 = arith.constant 200000 : i32
    %add3A_833 = vector.broadcast %add3A_832 : i32 to vector<16xi32>
    %add3A_834 = arith.addi %get3A_821, %add3A_833 : vector<16xi32>
    %swap3A_835 = arith.constant 1152 : index
    %swap3A_836 = tpu.vector_load %arg9[%swap3A_835] {strides = array<i32>} : memref<10240xi32, #tpu.memory_space<vmem>>, vector<16xi32>,
    tpu.vector_store %arg9[%swap3A_835], %add3A_834 {strides = array<i32>} : memref<10240xi32, #tpu.memory_space<vmem>>, vector<16xi32>,
    %add3A_837 = arith.constant 300000 : i32
    %add3A_838 = vector.broadcast %add3A_837 : i32 to vector<16xi32>
    %add3A_839 = arith.addi %get3A_821, %add3A_838 : vector<16xi32>
    %swap3A_840 = arith.constant 1664 : index
    %swap3A_841 = tpu.vector_load %arg9[%swap3A_840] {strides = array<i32>} : memref<10240xi32, #tpu.memory_space<vmem>>, vector<16xi32>,
    tpu.vector_store %arg9[%swap3A_840], %add3A_839 {strides = array<i32>} : memref<10240xi32, #tpu.memory_space<vmem>>, vector<16xi32>,
    %add3A_842 = arith.constant 400000 : i32
    %add3A_843 = vector.broadcast %add3A_842 : i32 to vector<16xi32>
    %add3A_844 = arith.addi %get3A_821, %add3A_843 : vector<16xi32>
    %swap3A_845 = arith.constant 2176 : index
    %swap3A_846 = tpu.vector_load %arg9[%swap3A_845] {strides = array<i32>} : memref<10240xi32, #tpu.memory_space<vmem>>, vector<16xi32>,
    tpu.vector_store %arg9[%swap3A_845], %add3A_844 {strides = array<i32>} : memref<10240xi32, #tpu.memory_space<vmem>>, vector<16xi32>,
    %add3A_847 = arith.constant 500000 : i32
    %add3A_848 = vector.broadcast %add3A_847 : i32 to vector<16xi32>
    %add3A_849 = arith.addi %get3A_821, %add3A_848 : vector<16xi32>
    %swap3A_850 = arith.constant 2688 : index
    %swap3A_851 = tpu.vector_load %arg9[%swap3A_850] {strides = array<i32>} : memref<10240xi32, #tpu.memory_space<vmem>>, vector<16xi32>,
    tpu.vector_store %arg9[%swap3A_850], %add3A_849 {strides = array<i32>} : memref<10240xi32, #tpu.memory_space<vmem>>, vector<16xi32>,
    %add3A_852 = arith.constant 600000 : i32
    %add3A_853 = vector.broadcast %add3A_852 : i32 to vector<16xi32>
    %add3A_854 = arith.addi %get3A_821, %add3A_853 : vector<16xi32>
    %swap3A_855 = arith.constant 3200 : index
    %swap3A_856 = tpu.vector_load %arg9[%swap3A_855] {strides = array<i32>} : memref<10240xi32, #tpu.memory_space<vmem>>, vector<16xi32>,
    tpu.vector_store %arg9[%swap3A_855], %add3A_854 {strides = array<i32>} : memref<10240xi32, #tpu.memory_space<vmem>>, vector<16xi32>,
    %add3A_857 = arith.constant 700000 : i32
    %add3A_858 = vector.broadcast %add3A_857 : i32 to vector<16xi32>
    %add3A_859 = arith.addi %get3A_821, %add3A_858 : vector<16xi32>
    %swap3A_860 = arith.constant 3712 : index
    %swap3A_861 = tpu.vector_load %arg9[%swap3A_860] {strides = array<i32>} : memref<10240xi32, #tpu.memory_space<vmem>>, vector<16xi32>,
    tpu.vector_store %arg9[%swap3A_860], %add3A_859 {strides = array<i32>} : memref<10240xi32, #tpu.memory_space<vmem>>, vector<16xi32>,
    %add3A_862 = arith.constant 800000 : i32
    %add3A_863 = vector.broadcast %add3A_862 : i32 to vector<16xi32>
    %add3A_864 = arith.addi %get3A_821, %add3A_863 : vector<16xi32>
    %swap3A_865 = arith.constant 4224 : index
    %swap3A_866 = tpu.vector_load %arg9[%swap3A_865] {strides = array<i32>} : memref<10240xi32, #tpu.memory_space<vmem>>, vector<16xi32>,
    tpu.vector_store %arg9[%swap3A_865], %add3A_864 {strides = array<i32>} : memref<10240xi32, #tpu.memory_space<vmem>>, vector<16xi32>,
    %add3A_867 = arith.constant 900000 : i32
    %add3A_868 = vector.broadcast %add3A_867 : i32 to vector<16xi32>
    %add3A_869 = arith.addi %get3A_821, %add3A_868 : vector<16xi32>
    %swap3A_870 = arith.constant 4736 : index
    %swap3A_871 = tpu.vector_load %arg9[%swap3A_870] {strides = array<i32>} : memref<10240xi32, #tpu.memory_space<vmem>>, vector<16xi32>,
    tpu.vector_store %arg9[%swap3A_870], %add3A_869 {strides = array<i32>} : memref<10240xi32, #tpu.memory_space<vmem>>, vector<16xi32>,
    %add3A_872 = arith.constant 1000000 : i32
    %add3A_873 = vector.broadcast %add3A_872 : i32 to vector<16xi32>
    %add3A_874 = arith.addi %get3A_821, %add3A_873 : vector<16xi32>
    %swap3A_875 = arith.constant 5248 : index
    %swap3A_876 = tpu.vector_load %arg9[%swap3A_875] {strides = array<i32>} : memref<10240xi32, #tpu.memory_space<vmem>>, vector<16xi32>,
    tpu.vector_store %arg9[%swap3A_875], %add3A_874 {strides = array<i32>} : memref<10240xi32, #tpu.memory_space<vmem>>, vector<16xi32>,
    %add3A_877 = arith.constant 1100000 : i32
    %add3A_878 = vector.broadcast %add3A_877 : i32 to vector<16xi32>
    %add3A_879 = arith.addi %get3A_821, %add3A_878 : vector<16xi32>
    %swap3A_880 = arith.constant 5760 : index
    %swap3A_881 = tpu.vector_load %arg9[%swap3A_880] {strides = array<i32>} : memref<10240xi32, #tpu.memory_space<vmem>>, vector<16xi32>,
    tpu.vector_store %arg9[%swap3A_880], %add3A_879 {strides = array<i32>} : memref<10240xi32, #tpu.memory_space<vmem>>, vector<16xi32>,
    %add3A_882 = arith.constant 1200000 : i32
    %add3A_883 = vector.broadcast %add3A_882 : i32 to vector<16xi32>
    %add3A_884 = arith.addi %get3A_821, %add3A_883 : vector<16xi32>
    %swap3A_885 = arith.constant 6272 : index
    %swap3A_886 = tpu.vector_load %arg9[%swap3A_885] {strides = array<i32>} : memref<10240xi32, #tpu.memory_space<vmem>>, vector<16xi32>,
    tpu.vector_store %arg9[%swap3A_885], %add3A_884 {strides = array<i32>} : memref<10240xi32, #tpu.memory_space<vmem>>, vector<16xi32>,
    %add3A_887 = arith.constant 1300000 : i32
    %add3A_888 = vector.broadcast %add3A_887 : i32 to vector<16xi32>
    %add3A_889 = arith.addi %get3A_821, %add3A_888 : vector<16xi32>
    %swap3A_890 = arith.constant 6784 : index
    %swap3A_891 = tpu.vector_load %arg9[%swap3A_890] {strides = array<i32>} : memref<10240xi32, #tpu.memory_space<vmem>>, vector<16xi32>,
    tpu.vector_store %arg9[%swap3A_890], %add3A_889 {strides = array<i32>} : memref<10240xi32, #tpu.memory_space<vmem>>, vector<16xi32>,
    %add3A_892 = arith.constant 1400000 : i32
    %add3A_893 = vector.broadcast %add3A_892 : i32 to vector<16xi32>
    %add3A_894 = arith.addi %get3A_821, %add3A_893 : vector<16xi32>
    %swap3A_895 = arith.constant 7296 : index
    %swap3A_896 = tpu.vector_load %arg9[%swap3A_895] {strides = array<i32>} : memref<10240xi32, #tpu.memory_space<vmem>>, vector<16xi32>,
    tpu.vector_store %arg9[%swap3A_895], %add3A_894 {strides = array<i32>} : memref<10240xi32, #tpu.memory_space<vmem>>, vector<16xi32>,
    %add3A_897 = arith.constant 1500000 : i32
    %add3A_898 = vector.broadcast %add3A_897 : i32 to vector<16xi32>
    %add3A_899 = arith.addi %get3A_821, %add3A_898 : vector<16xi32>
    %swap3A_900 = arith.constant 7808 : index
    %swap3A_901 = tpu.vector_load %arg9[%swap3A_900] {strides = array<i32>} : memref<10240xi32, #tpu.memory_space<vmem>>, vector<16xi32>,
    tpu.vector_store %arg9[%swap3A_900], %add3A_899 {strides = array<i32>} : memref<10240xi32, #tpu.memory_space<vmem>>, vector<16xi32>,
    %add3A_902 = arith.constant 1600000 : i32
    %add3A_903 = vector.broadcast %add3A_902 : i32 to vector<16xi32>
    %add3A_904 = arith.addi %get3A_821, %add3A_903 : vector<16xi32>
    %swap3A_905 = arith.constant 8320 : index
    %swap3A_906 = tpu.vector_load %arg9[%swap3A_905] {strides = array<i32>} : memref<10240xi32, #tpu.memory_space<vmem>>, vector<16xi32>,
    tpu.vector_store %arg9[%swap3A_905], %add3A_904 {strides = array<i32>} : memref<10240xi32, #tpu.memory_space<vmem>>, vector<16xi32>,
    %add3A_907 = arith.constant 1700000 : i32
    %add3A_908 = vector.broadcast %add3A_907 : i32 to vector<16xi32>
    %add3A_909 = arith.addi %get3A_821, %add3A_908 : vector<16xi32>
    %swap3A_910 = arith.constant 8832 : index
    %swap3A_911 = tpu.vector_load %arg9[%swap3A_910] {strides = array<i32>} : memref<10240xi32, #tpu.memory_space<vmem>>, vector<16xi32>,
    tpu.vector_store %arg9[%swap3A_910], %add3A_909 {strides = array<i32>} : memref<10240xi32, #tpu.memory_space<vmem>>, vector<16xi32>,
    %add3A_912 = arith.constant 1800000 : i32
    %add3A_913 = vector.broadcast %add3A_912 : i32 to vector<16xi32>
    %add3A_914 = arith.addi %get3A_821, %add3A_913 : vector<16xi32>
    %swap3A_915 = arith.constant 9344 : index
    %swap3A_916 = tpu.vector_load %arg9[%swap3A_915] {strides = array<i32>} : memref<10240xi32, #tpu.memory_space<vmem>>, vector<16xi32>,
    tpu.vector_store %arg9[%swap3A_915], %add3A_914 {strides = array<i32>} : memref<10240xi32, #tpu.memory_space<vmem>>, vector<16xi32>,
    %add3A_917 = arith.constant 1900000 : i32
    %add3A_918 = vector.broadcast %add3A_917 : i32 to vector<16xi32>
    %add3A_919 = arith.addi %get3A_821, %add3A_918 : vector<16xi32>
    %swap3A_920 = arith.constant 9856 : index
    %swap3A_921 = tpu.vector_load %arg9[%swap3A_920] {strides = array<i32>} : memref<10240xi32, #tpu.memory_space<vmem>>, vector<16xi32>,
    tpu.vector_store %arg9[%swap3A_920], %add3A_919 {strides = array<i32>} : memref<10240xi32, #tpu.memory_space<vmem>>, vector<16xi32>,
    %get3A_922 = arith.constant 144 : index
    %get3A_923 = tpu.vector_load %arg8[%get3A_922] {strides = array<i32>} : memref<512xi32, #tpu.memory_space<vmem>>, vector<16xi32>,
    %add3A_924 = arith.constant 0 : i32
    %add3A_925 = vector.broadcast %add3A_924 : i32 to vector<16xi32>
    %add3A_926 = arith.addi %get3A_923, %add3A_925 : vector<16xi32>
    %swap3A_927 = arith.constant 144 : index
    %swap3A_928 = tpu.vector_load %arg9[%swap3A_927] {strides = array<i32>} : memref<10240xi32, #tpu.memory_space<vmem>>, vector<16xi32>,
    tpu.vector_store %arg9[%swap3A_927], %add3A_926 {strides = array<i32>} : memref<10240xi32, #tpu.memory_space<vmem>>, vector<16xi32>,
    %add3A_929 = arith.constant 100000 : i32
    %add3A_930 = vector.broadcast %add3A_929 : i32 to vector<16xi32>
    %add3A_931 = arith.addi %get3A_923, %add3A_930 : vector<16xi32>
    %swap3A_932 = arith.constant 656 : index
    %swap3A_933 = tpu.vector_load %arg9[%swap3A_932] {strides = array<i32>} : memref<10240xi32, #tpu.memory_space<vmem>>, vector<16xi32>,
    tpu.vector_store %arg9[%swap3A_932], %add3A_931 {strides = array<i32>} : memref<10240xi32, #tpu.memory_space<vmem>>, vector<16xi32>,
    %add3A_934 = arith.constant 200000 : i32
    %add3A_935 = vector.broadcast %add3A_934 : i32 to vector<16xi32>
    %add3A_936 = arith.addi %get3A_923, %add3A_935 : vector<16xi32>
    %swap3A_937 = arith.constant 1168 : index
    %swap3A_938 = tpu.vector_load %arg9[%swap3A_937] {strides = array<i32>} : memref<10240xi32, #tpu.memory_space<vmem>>, vector<16xi32>,
    tpu.vector_store %arg9[%swap3A_937], %add3A_936 {strides = array<i32>} : memref<10240xi32, #tpu.memory_space<vmem>>, vector<16xi32>,
    %add3A_939 = arith.constant 300000 : i32
    %add3A_940 = vector.broadcast %add3A_939 : i32 to vector<16xi32>
    %add3A_941 = arith.addi %get3A_923, %add3A_940 : vector<16xi32>
    %swap3A_942 = arith.constant 1680 : index
    %swap3A_943 = tpu.vector_load %arg9[%swap3A_942] {strides = array<i32>} : memref<10240xi32, #tpu.memory_space<vmem>>, vector<16xi32>,
    tpu.vector_store %arg9[%swap3A_942], %add3A_941 {strides = array<i32>} : memref<10240xi32, #tpu.memory_space<vmem>>, vector<16xi32>,
    %add3A_944 = arith.constant 400000 : i32
    %add3A_945 = vector.broadcast %add3A_944 : i32 to vector<16xi32>
    %add3A_946 = arith.addi %get3A_923, %add3A_945 : vector<16xi32>
    %swap3A_947 = arith.constant 2192 : index
    %swap3A_948 = tpu.vector_load %arg9[%swap3A_947] {strides = array<i32>} : memref<10240xi32, #tpu.memory_space<vmem>>, vector<16xi32>,
    tpu.vector_store %arg9[%swap3A_947], %add3A_946 {strides = array<i32>} : memref<10240xi32, #tpu.memory_space<vmem>>, vector<16xi32>,
    %add3A_949 = arith.constant 500000 : i32
    %add3A_950 = vector.broadcast %add3A_949 : i32 to vector<16xi32>
    %add3A_951 = arith.addi %get3A_923, %add3A_950 : vector<16xi32>
    %swap3A_952 = arith.constant 2704 : index
    %swap3A_953 = tpu.vector_load %arg9[%swap3A_952] {strides = array<i32>} : memref<10240xi32, #tpu.memory_space<vmem>>, vector<16xi32>,
    tpu.vector_store %arg9[%swap3A_952], %add3A_951 {strides = array<i32>} : memref<10240xi32, #tpu.memory_space<vmem>>, vector<16xi32>,
    %add3A_954 = arith.constant 600000 : i32
    %add3A_955 = vector.broadcast %add3A_954 : i32 to vector<16xi32>
    %add3A_956 = arith.addi %get3A_923, %add3A_955 : vector<16xi32>
    %swap3A_957 = arith.constant 3216 : index
    %swap3A_958 = tpu.vector_load %arg9[%swap3A_957] {strides = array<i32>} : memref<10240xi32, #tpu.memory_space<vmem>>, vector<16xi32>,
    tpu.vector_store %arg9[%swap3A_957], %add3A_956 {strides = array<i32>} : memref<10240xi32, #tpu.memory_space<vmem>>, vector<16xi32>,
    %add3A_959 = arith.constant 700000 : i32
    %add3A_960 = vector.broadcast %add3A_959 : i32 to vector<16xi32>
    %add3A_961 = arith.addi %get3A_923, %add3A_960 : vector<16xi32>
    %swap3A_962 = arith.constant 3728 : index
    %swap3A_963 = tpu.vector_load %arg9[%swap3A_962] {strides = array<i32>} : memref<10240xi32, #tpu.memory_space<vmem>>, vector<16xi32>,
    tpu.vector_store %arg9[%swap3A_962], %add3A_961 {strides = array<i32>} : memref<10240xi32, #tpu.memory_space<vmem>>, vector<16xi32>,
    %add3A_964 = arith.constant 800000 : i32
    %add3A_965 = vector.broadcast %add3A_964 : i32 to vector<16xi32>
    %add3A_966 = arith.addi %get3A_923, %add3A_965 : vector<16xi32>
    %swap3A_967 = arith.constant 4240 : index
    %swap3A_968 = tpu.vector_load %arg9[%swap3A_967] {strides = array<i32>} : memref<10240xi32, #tpu.memory_space<vmem>>, vector<16xi32>,
    tpu.vector_store %arg9[%swap3A_967], %add3A_966 {strides = array<i32>} : memref<10240xi32, #tpu.memory_space<vmem>>, vector<16xi32>,
    %add3A_969 = arith.constant 900000 : i32
    %add3A_970 = vector.broadcast %add3A_969 : i32 to vector<16xi32>
    %add3A_971 = arith.addi %get3A_923, %add3A_970 : vector<16xi32>
    %swap3A_972 = arith.constant 4752 : index
    %swap3A_973 = tpu.vector_load %arg9[%swap3A_972] {strides = array<i32>} : memref<10240xi32, #tpu.memory_space<vmem>>, vector<16xi32>,
    tpu.vector_store %arg9[%swap3A_972], %add3A_971 {strides = array<i32>} : memref<10240xi32, #tpu.memory_space<vmem>>, vector<16xi32>,
    %add3A_974 = arith.constant 1000000 : i32
    %add3A_975 = vector.broadcast %add3A_974 : i32 to vector<16xi32>
    %add3A_976 = arith.addi %get3A_923, %add3A_975 : vector<16xi32>
    %swap3A_977 = arith.constant 5264 : index
    %swap3A_978 = tpu.vector_load %arg9[%swap3A_977] {strides = array<i32>} : memref<10240xi32, #tpu.memory_space<vmem>>, vector<16xi32>,
    tpu.vector_store %arg9[%swap3A_977], %add3A_976 {strides = array<i32>} : memref<10240xi32, #tpu.memory_space<vmem>>, vector<16xi32>,
    %add3A_979 = arith.constant 1100000 : i32
    %add3A_980 = vector.broadcast %add3A_979 : i32 to vector<16xi32>
    %add3A_981 = arith.addi %get3A_923, %add3A_980 : vector<16xi32>
    %swap3A_982 = arith.constant 5776 : index
    %swap3A_983 = tpu.vector_load %arg9[%swap3A_982] {strides = array<i32>} : memref<10240xi32, #tpu.memory_space<vmem>>, vector<16xi32>,
    tpu.vector_store %arg9[%swap3A_982], %add3A_981 {strides = array<i32>} : memref<10240xi32, #tpu.memory_space<vmem>>, vector<16xi32>,
    %add3A_984 = arith.constant 1200000 : i32
    %add3A_985 = vector.broadcast %add3A_984 : i32 to vector<16xi32>
    %add3A_986 = arith.addi %get3A_923, %add3A_985 : vector<16xi32>
    %swap3A_987 = arith.constant 6288 : index
    %swap3A_988 = tpu.vector_load %arg9[%swap3A_987] {strides = array<i32>} : memref<10240xi32, #tpu.memory_space<vmem>>, vector<16xi32>,
    tpu.vector_store %arg9[%swap3A_987], %add3A_986 {strides = array<i32>} : memref<10240xi32, #tpu.memory_space<vmem>>, vector<16xi32>,
    %add3A_989 = arith.constant 1300000 : i32
    %add3A_990 = vector.broadcast %add3A_989 : i32 to vector<16xi32>
    %add3A_991 = arith.addi %get3A_923, %add3A_990 : vector<16xi32>
    %swap3A_992 = arith.constant 6800 : index
    %swap3A_993 = tpu.vector_load %arg9[%swap3A_992] {strides = array<i32>} : memref<10240xi32, #tpu.memory_space<vmem>>, vector<16xi32>,
    tpu.vector_store %arg9[%swap3A_992], %add3A_991 {strides = array<i32>} : memref<10240xi32, #tpu.memory_space<vmem>>, vector<16xi32>,
    %add3A_994 = arith.constant 1400000 : i32
    %add3A_995 = vector.broadcast %add3A_994 : i32 to vector<16xi32>
    %add3A_996 = arith.addi %get3A_923, %add3A_995 : vector<16xi32>
    %swap3A_997 = arith.constant 7312 : index
    %swap3A_998 = tpu.vector_load %arg9[%swap3A_997] {strides = array<i32>} : memref<10240xi32, #tpu.memory_space<vmem>>, vector<16xi32>,
    tpu.vector_store %arg9[%swap3A_997], %add3A_996 {strides = array<i32>} : memref<10240xi32, #tpu.memory_space<vmem>>, vector<16xi32>,
    %add3A_999 = arith.constant 1500000 : i32
    %add3A_1000 = vector.broadcast %add3A_999 : i32 to vector<16xi32>
    %add3A_1001 = arith.addi %get3A_923, %add3A_1000 : vector<16xi32>
    %swap3A_1002 = arith.constant 7824 : index
    %swap3A_1003 = tpu.vector_load %arg9[%swap3A_1002] {strides = array<i32>} : memref<10240xi32, #tpu.memory_space<vmem>>, vector<16xi32>,
    tpu.vector_store %arg9[%swap3A_1002], %add3A_1001 {strides = array<i32>} : memref<10240xi32, #tpu.memory_space<vmem>>, vector<16xi32>,
    %add3A_1004 = arith.constant 1600000 : i32
    %add3A_1005 = vector.broadcast %add3A_1004 : i32 to vector<16xi32>
    %add3A_1006 = arith.addi %get3A_923, %add3A_1005 : vector<16xi32>
    %swap3A_1007 = arith.constant 8336 : index
    %swap3A_1008 = tpu.vector_load %arg9[%swap3A_1007] {strides = array<i32>} : memref<10240xi32, #tpu.memory_space<vmem>>, vector<16xi32>,
    tpu.vector_store %arg9[%swap3A_1007], %add3A_1006 {strides = array<i32>} : memref<10240xi32, #tpu.memory_space<vmem>>, vector<16xi32>,
    %add3A_1009 = arith.constant 1700000 : i32
    %add3A_1010 = vector.broadcast %add3A_1009 : i32 to vector<16xi32>
    %add3A_1011 = arith.addi %get3A_923, %add3A_1010 : vector<16xi32>
    %swap3A_1012 = arith.constant 8848 : index
    %swap3A_1013 = tpu.vector_load %arg9[%swap3A_1012] {strides = array<i32>} : memref<10240xi32, #tpu.memory_space<vmem>>, vector<16xi32>,
    tpu.vector_store %arg9[%swap3A_1012], %add3A_1011 {strides = array<i32>} : memref<10240xi32, #tpu.memory_space<vmem>>, vector<16xi32>,
    %add3A_1014 = arith.constant 1800000 : i32
    %add3A_1015 = vector.broadcast %add3A_1014 : i32 to vector<16xi32>
    %add3A_1016 = arith.addi %get3A_923, %add3A_1015 : vector<16xi32>
    %swap3A_1017 = arith.constant 9360 : index
    %swap3A_1018 = tpu.vector_load %arg9[%swap3A_1017] {strides = array<i32>} : memref<10240xi32, #tpu.memory_space<vmem>>, vector<16xi32>,
    tpu.vector_store %arg9[%swap3A_1017], %add3A_1016 {strides = array<i32>} : memref<10240xi32, #tpu.memory_space<vmem>>, vector<16xi32>,
    %add3A_1019 = arith.constant 1900000 : i32
    %add3A_1020 = vector.broadcast %add3A_1019 : i32 to vector<16xi32>
    %add3A_1021 = arith.addi %get3A_923, %add3A_1020 : vector<16xi32>
    %swap3A_1022 = arith.constant 9872 : index
    %swap3A_1023 = tpu.vector_load %arg9[%swap3A_1022] {strides = array<i32>} : memref<10240xi32, #tpu.memory_space<vmem>>, vector<16xi32>,
    tpu.vector_store %arg9[%swap3A_1022], %add3A_1021 {strides = array<i32>} : memref<10240xi32, #tpu.memory_space<vmem>>, vector<16xi32>,
    %get3A_1024 = arith.constant 160 : index
    %get3A_1025 = tpu.vector_load %arg8[%get3A_1024] {strides = array<i32>} : memref<512xi32, #tpu.memory_space<vmem>>, vector<16xi32>,
    %add3A_1026 = arith.constant 0 : i32
    %add3A_1027 = vector.broadcast %add3A_1026 : i32 to vector<16xi32>
    %add3A_1028 = arith.addi %get3A_1025, %add3A_1027 : vector<16xi32>
    %swap3A_1029 = arith.constant 160 : index
    %swap3A_1030 = tpu.vector_load %arg9[%swap3A_1029] {strides = array<i32>} : memref<10240xi32, #tpu.memory_space<vmem>>, vector<16xi32>,
    tpu.vector_store %arg9[%swap3A_1029], %add3A_1028 {strides = array<i32>} : memref<10240xi32, #tpu.memory_space<vmem>>, vector<16xi32>,
    %add3A_1031 = arith.constant 100000 : i32
    %add3A_1032 = vector.broadcast %add3A_1031 : i32 to vector<16xi32>
    %add3A_1033 = arith.addi %get3A_1025, %add3A_1032 : vector<16xi32>
    %swap3A_1034 = arith.constant 672 : index
    %swap3A_1035 = tpu.vector_load %arg9[%swap3A_1034] {strides = array<i32>} : memref<10240xi32, #tpu.memory_space<vmem>>, vector<16xi32>,
    tpu.vector_store %arg9[%swap3A_1034], %add3A_1033 {strides = array<i32>} : memref<10240xi32, #tpu.memory_space<vmem>>, vector<16xi32>,
    %add3A_1036 = arith.constant 200000 : i32
    %add3A_1037 = vector.broadcast %add3A_1036 : i32 to vector<16xi32>
    %add3A_1038 = arith.addi %get3A_1025, %add3A_1037 : vector<16xi32>
    %swap3A_1039 = arith.constant 1184 : index
    %swap3A_1040 = tpu.vector_load %arg9[%swap3A_1039] {strides = array<i32>} : memref<10240xi32, #tpu.memory_space<vmem>>, vector<16xi32>,
    tpu.vector_store %arg9[%swap3A_1039], %add3A_1038 {strides = array<i32>} : memref<10240xi32, #tpu.memory_space<vmem>>, vector<16xi32>,
    %add3A_1041 = arith.constant 300000 : i32
    %add3A_1042 = vector.broadcast %add3A_1041 : i32 to vector<16xi32>
    %add3A_1043 = arith.addi %get3A_1025, %add3A_1042 : vector<16xi32>
    %swap3A_1044 = arith.constant 1696 : index
    %swap3A_1045 = tpu.vector_load %arg9[%swap3A_1044] {strides = array<i32>} : memref<10240xi32, #tpu.memory_space<vmem>>, vector<16xi32>,
    tpu.vector_store %arg9[%swap3A_1044], %add3A_1043 {strides = array<i32>} : memref<10240xi32, #tpu.memory_space<vmem>>, vector<16xi32>,
    %add3A_1046 = arith.constant 400000 : i32
    %add3A_1047 = vector.broadcast %add3A_1046 : i32 to vector<16xi32>
    %add3A_1048 = arith.addi %get3A_1025, %add3A_1047 : vector<16xi32>
    %swap3A_1049 = arith.constant 2208 : index
    %swap3A_1050 = tpu.vector_load %arg9[%swap3A_1049] {strides = array<i32>} : memref<10240xi32, #tpu.memory_space<vmem>>, vector<16xi32>,
    tpu.vector_store %arg9[%swap3A_1049], %add3A_1048 {strides = array<i32>} : memref<10240xi32, #tpu.memory_space<vmem>>, vector<16xi32>,
    %add3A_1051 = arith.constant 500000 : i32
    %add3A_1052 = vector.broadcast %add3A_1051 : i32 to vector<16xi32>
    %add3A_1053 = arith.addi %get3A_1025, %add3A_1052 : vector<16xi32>
    %swap3A_1054 = arith.constant 2720 : index
    %swap3A_1055 = tpu.vector_load %arg9[%swap3A_1054] {strides = array<i32>} : memref<10240xi32, #tpu.memory_space<vmem>>, vector<16xi32>,
    tpu.vector_store %arg9[%swap3A_1054], %add3A_1053 {strides = array<i32>} : memref<10240xi32, #tpu.memory_space<vmem>>, vector<16xi32>,
    %add3A_1056 = arith.constant 600000 : i32
    %add3A_1057 = vector.broadcast %add3A_1056 : i32 to vector<16xi32>
    %add3A_1058 = arith.addi %get3A_1025, %add3A_1057 : vector<16xi32>
    %swap3A_1059 = arith.constant 3232 : index
    %swap3A_1060 = tpu.vector_load %arg9[%swap3A_1059] {strides = array<i32>} : memref<10240xi32, #tpu.memory_space<vmem>>, vector<16xi32>,
    tpu.vector_store %arg9[%swap3A_1059], %add3A_1058 {strides = array<i32>} : memref<10240xi32, #tpu.memory_space<vmem>>, vector<16xi32>,
    %add3A_1061 = arith.constant 700000 : i32
    %add3A_1062 = vector.broadcast %add3A_1061 : i32 to vector<16xi32>
    %add3A_1063 = arith.addi %get3A_1025, %add3A_1062 : vector<16xi32>
    %swap3A_1064 = arith.constant 3744 : index
    %swap3A_1065 = tpu.vector_load %arg9[%swap3A_1064] {strides = array<i32>} : memref<10240xi32, #tpu.memory_space<vmem>>, vector<16xi32>,
    tpu.vector_store %arg9[%swap3A_1064], %add3A_1063 {strides = array<i32>} : memref<10240xi32, #tpu.memory_space<vmem>>, vector<16xi32>,
    %add3A_1066 = arith.constant 800000 : i32
    %add3A_1067 = vector.broadcast %add3A_1066 : i32 to vector<16xi32>
    %add3A_1068 = arith.addi %get3A_1025, %add3A_1067 : vector<16xi32>
    %swap3A_1069 = arith.constant 4256 : index
    %swap3A_1070 = tpu.vector_load %arg9[%swap3A_1069] {strides = array<i32>} : memref<10240xi32, #tpu.memory_space<vmem>>, vector<16xi32>,
    tpu.vector_store %arg9[%swap3A_1069], %add3A_1068 {strides = array<i32>} : memref<10240xi32, #tpu.memory_space<vmem>>, vector<16xi32>,
    %add3A_1071 = arith.constant 900000 : i32
    %add3A_1072 = vector.broadcast %add3A_1071 : i32 to vector<16xi32>
    %add3A_1073 = arith.addi %get3A_1025, %add3A_1072 : vector<16xi32>
    %swap3A_1074 = arith.constant 4768 : index
    %swap3A_1075 = tpu.vector_load %arg9[%swap3A_1074] {strides = array<i32>} : memref<10240xi32, #tpu.memory_space<vmem>>, vector<16xi32>,
    tpu.vector_store %arg9[%swap3A_1074], %add3A_1073 {strides = array<i32>} : memref<10240xi32, #tpu.memory_space<vmem>>, vector<16xi32>,
    %add3A_1076 = arith.constant 1000000 : i32
    %add3A_1077 = vector.broadcast %add3A_1076 : i32 to vector<16xi32>
    %add3A_1078 = arith.addi %get3A_1025, %add3A_1077 : vector<16xi32>
    %swap3A_1079 = arith.constant 5280 : index
    %swap3A_1080 = tpu.vector_load %arg9[%swap3A_1079] {strides = array<i32>} : memref<10240xi32, #tpu.memory_space<vmem>>, vector<16xi32>,
    tpu.vector_store %arg9[%swap3A_1079], %add3A_1078 {strides = array<i32>} : memref<10240xi32, #tpu.memory_space<vmem>>, vector<16xi32>,
    %add3A_1081 = arith.constant 1100000 : i32
    %add3A_1082 = vector.broadcast %add3A_1081 : i32 to vector<16xi32>
    %add3A_1083 = arith.addi %get3A_1025, %add3A_1082 : vector<16xi32>
    %swap3A_1084 = arith.constant 5792 : index
    %swap3A_1085 = tpu.vector_load %arg9[%swap3A_1084] {strides = array<i32>} : memref<10240xi32, #tpu.memory_space<vmem>>, vector<16xi32>,
    tpu.vector_store %arg9[%swap3A_1084], %add3A_1083 {strides = array<i32>} : memref<10240xi32, #tpu.memory_space<vmem>>, vector<16xi32>,
    %add3A_1086 = arith.constant 1200000 : i32
    %add3A_1087 = vector.broadcast %add3A_1086 : i32 to vector<16xi32>
    %add3A_1088 = arith.addi %get3A_1025, %add3A_1087 : vector<16xi32>
    %swap3A_1089 = arith.constant 6304 : index
    %swap3A_1090 = tpu.vector_load %arg9[%swap3A_1089] {strides = array<i32>} : memref<10240xi32, #tpu.memory_space<vmem>>, vector<16xi32>,
    tpu.vector_store %arg9[%swap3A_1089], %add3A_1088 {strides = array<i32>} : memref<10240xi32, #tpu.memory_space<vmem>>, vector<16xi32>,
    %add3A_1091 = arith.constant 1300000 : i32
    %add3A_1092 = vector.broadcast %add3A_1091 : i32 to vector<16xi32>
    %add3A_1093 = arith.addi %get3A_1025, %add3A_1092 : vector<16xi32>
    %swap3A_1094 = arith.constant 6816 : index
    %swap3A_1095 = tpu.vector_load %arg9[%swap3A_1094] {strides = array<i32>} : memref<10240xi32, #tpu.memory_space<vmem>>, vector<16xi32>,
    tpu.vector_store %arg9[%swap3A_1094], %add3A_1093 {strides = array<i32>} : memref<10240xi32, #tpu.memory_space<vmem>>, vector<16xi32>,
    %add3A_1096 = arith.constant 1400000 : i32
    %add3A_1097 = vector.broadcast %add3A_1096 : i32 to vector<16xi32>
    %add3A_1098 = arith.addi %get3A_1025, %add3A_1097 : vector<16xi32>
    %swap3A_1099 = arith.constant 7328 : index
    %swap3A_1100 = tpu.vector_load %arg9[%swap3A_1099] {strides = array<i32>} : memref<10240xi32, #tpu.memory_space<vmem>>, vector<16xi32>,
    tpu.vector_store %arg9[%swap3A_1099], %add3A_1098 {strides = array<i32>} : memref<10240xi32, #tpu.memory_space<vmem>>, vector<16xi32>,
    %add3A_1101 = arith.constant 1500000 : i32
    %add3A_1102 = vector.broadcast %add3A_1101 : i32 to vector<16xi32>
    %add3A_1103 = arith.addi %get3A_1025, %add3A_1102 : vector<16xi32>
    %swap3A_1104 = arith.constant 7840 : index
    %swap3A_1105 = tpu.vector_load %arg9[%swap3A_1104] {strides = array<i32>} : memref<10240xi32, #tpu.memory_space<vmem>>, vector<16xi32>,
    tpu.vector_store %arg9[%swap3A_1104], %add3A_1103 {strides = array<i32>} : memref<10240xi32, #tpu.memory_space<vmem>>, vector<16xi32>,
    %add3A_1106 = arith.constant 1600000 : i32
    %add3A_1107 = vector.broadcast %add3A_1106 : i32 to vector<16xi32>
    %add3A_1108 = arith.addi %get3A_1025, %add3A_1107 : vector<16xi32>
    %swap3A_1109 = arith.constant 8352 : index
    %swap3A_1110 = tpu.vector_load %arg9[%swap3A_1109] {strides = array<i32>} : memref<10240xi32, #tpu.memory_space<vmem>>, vector<16xi32>,
    tpu.vector_store %arg9[%swap3A_1109], %add3A_1108 {strides = array<i32>} : memref<10240xi32, #tpu.memory_space<vmem>>, vector<16xi32>,
    %add3A_1111 = arith.constant 1700000 : i32
    %add3A_1112 = vector.broadcast %add3A_1111 : i32 to vector<16xi32>
    %add3A_1113 = arith.addi %get3A_1025, %add3A_1112 : vector<16xi32>
    %swap3A_1114 = arith.constant 8864 : index
    %swap3A_1115 = tpu.vector_load %arg9[%swap3A_1114] {strides = array<i32>} : memref<10240xi32, #tpu.memory_space<vmem>>, vector<16xi32>,
    tpu.vector_store %arg9[%swap3A_1114], %add3A_1113 {strides = array<i32>} : memref<10240xi32, #tpu.memory_space<vmem>>, vector<16xi32>,
    %add3A_1116 = arith.constant 1800000 : i32
    %add3A_1117 = vector.broadcast %add3A_1116 : i32 to vector<16xi32>
    %add3A_1118 = arith.addi %get3A_1025, %add3A_1117 : vector<16xi32>
    %swap3A_1119 = arith.constant 9376 : index
    %swap3A_1120 = tpu.vector_load %arg9[%swap3A_1119] {strides = array<i32>} : memref<10240xi32, #tpu.memory_space<vmem>>, vector<16xi32>,
    tpu.vector_store %arg9[%swap3A_1119], %add3A_1118 {strides = array<i32>} : memref<10240xi32, #tpu.memory_space<vmem>>, vector<16xi32>,
    %add3A_1121 = arith.constant 1900000 : i32
    %add3A_1122 = vector.broadcast %add3A_1121 : i32 to vector<16xi32>
    %add3A_1123 = arith.addi %get3A_1025, %add3A_1122 : vector<16xi32>
    %swap3A_1124 = arith.constant 9888 : index
    %swap3A_1125 = tpu.vector_load %arg9[%swap3A_1124] {strides = array<i32>} : memref<10240xi32, #tpu.memory_space<vmem>>, vector<16xi32>,
    tpu.vector_store %arg9[%swap3A_1124], %add3A_1123 {strides = array<i32>} : memref<10240xi32, #tpu.memory_space<vmem>>, vector<16xi32>,
    %get3A_1126 = arith.constant 176 : index
    %get3A_1127 = tpu.vector_load %arg8[%get3A_1126] {strides = array<i32>} : memref<512xi32, #tpu.memory_space<vmem>>, vector<16xi32>,
    %add3A_1128 = arith.constant 0 : i32
    %add3A_1129 = vector.broadcast %add3A_1128 : i32 to vector<16xi32>
    %add3A_1130 = arith.addi %get3A_1127, %add3A_1129 : vector<16xi32>
    %swap3A_1131 = arith.constant 176 : index
    %swap3A_1132 = tpu.vector_load %arg9[%swap3A_1131] {strides = array<i32>} : memref<10240xi32, #tpu.memory_space<vmem>>, vector<16xi32>,
    tpu.vector_store %arg9[%swap3A_1131], %add3A_1130 {strides = array<i32>} : memref<10240xi32, #tpu.memory_space<vmem>>, vector<16xi32>,
    %add3A_1133 = arith.constant 100000 : i32
    %add3A_1134 = vector.broadcast %add3A_1133 : i32 to vector<16xi32>
    %add3A_1135 = arith.addi %get3A_1127, %add3A_1134 : vector<16xi32>
    %swap3A_1136 = arith.constant 688 : index
    %swap3A_1137 = tpu.vector_load %arg9[%swap3A_1136] {strides = array<i32>} : memref<10240xi32, #tpu.memory_space<vmem>>, vector<16xi32>,
    tpu.vector_store %arg9[%swap3A_1136], %add3A_1135 {strides = array<i32>} : memref<10240xi32, #tpu.memory_space<vmem>>, vector<16xi32>,
    %add3A_1138 = arith.constant 200000 : i32
    %add3A_1139 = vector.broadcast %add3A_1138 : i32 to vector<16xi32>
    %add3A_1140 = arith.addi %get3A_1127, %add3A_1139 : vector<16xi32>
    %swap3A_1141 = arith.constant 1200 : index
    %swap3A_1142 = tpu.vector_load %arg9[%swap3A_1141] {strides = array<i32>} : memref<10240xi32, #tpu.memory_space<vmem>>, vector<16xi32>,
    tpu.vector_store %arg9[%swap3A_1141], %add3A_1140 {strides = array<i32>} : memref<10240xi32, #tpu.memory_space<vmem>>, vector<16xi32>,
    %add3A_1143 = arith.constant 300000 : i32
    %add3A_1144 = vector.broadcast %add3A_1143 : i32 to vector<16xi32>
    %add3A_1145 = arith.addi %get3A_1127, %add3A_1144 : vector<16xi32>
    %swap3A_1146 = arith.constant 1712 : index
    %swap3A_1147 = tpu.vector_load %arg9[%swap3A_1146] {strides = array<i32>} : memref<10240xi32, #tpu.memory_space<vmem>>, vector<16xi32>,
    tpu.vector_store %arg9[%swap3A_1146], %add3A_1145 {strides = array<i32>} : memref<10240xi32, #tpu.memory_space<vmem>>, vector<16xi32>,
    %add3A_1148 = arith.constant 400000 : i32
    %add3A_1149 = vector.broadcast %add3A_1148 : i32 to vector<16xi32>
    %add3A_1150 = arith.addi %get3A_1127, %add3A_1149 : vector<16xi32>
    %swap3A_1151 = arith.constant 2224 : index
    %swap3A_1152 = tpu.vector_load %arg9[%swap3A_1151] {strides = array<i32>} : memref<10240xi32, #tpu.memory_space<vmem>>, vector<16xi32>,
    tpu.vector_store %arg9[%swap3A_1151], %add3A_1150 {strides = array<i32>} : memref<10240xi32, #tpu.memory_space<vmem>>, vector<16xi32>,
    %add3A_1153 = arith.constant 500000 : i32
    %add3A_1154 = vector.broadcast %add3A_1153 : i32 to vector<16xi32>
    %add3A_1155 = arith.addi %get3A_1127, %add3A_1154 : vector<16xi32>
    %swap3A_1156 = arith.constant 2736 : index
    %swap3A_1157 = tpu.vector_load %arg9[%swap3A_1156] {strides = array<i32>} : memref<10240xi32, #tpu.memory_space<vmem>>, vector<16xi32>,
    tpu.vector_store %arg9[%swap3A_1156], %add3A_1155 {strides = array<i32>} : memref<10240xi32, #tpu.memory_space<vmem>>, vector<16xi32>,
    %add3A_1158 = arith.constant 600000 : i32
    %add3A_1159 = vector.broadcast %add3A_1158 : i32 to vector<16xi32>
    %add3A_1160 = arith.addi %get3A_1127, %add3A_1159 : vector<16xi32>
    %swap3A_1161 = arith.constant 3248 : index
    %swap3A_1162 = tpu.vector_load %arg9[%swap3A_1161] {strides = array<i32>} : memref<10240xi32, #tpu.memory_space<vmem>>, vector<16xi32>,
    tpu.vector_store %arg9[%swap3A_1161], %add3A_1160 {strides = array<i32>} : memref<10240xi32, #tpu.memory_space<vmem>>, vector<16xi32>,
    %add3A_1163 = arith.constant 700000 : i32
    %add3A_1164 = vector.broadcast %add3A_1163 : i32 to vector<16xi32>
    %add3A_1165 = arith.addi %get3A_1127, %add3A_1164 : vector<16xi32>
    %swap3A_1166 = arith.constant 3760 : index
    %swap3A_1167 = tpu.vector_load %arg9[%swap3A_1166] {strides = array<i32>} : memref<10240xi32, #tpu.memory_space<vmem>>, vector<16xi32>,
    tpu.vector_store %arg9[%swap3A_1166], %add3A_1165 {strides = array<i32>} : memref<10240xi32, #tpu.memory_space<vmem>>, vector<16xi32>,
    %add3A_1168 = arith.constant 800000 : i32
    %add3A_1169 = vector.broadcast %add3A_1168 : i32 to vector<16xi32>
    %add3A_1170 = arith.addi %get3A_1127, %add3A_1169 : vector<16xi32>
    %swap3A_1171 = arith.constant 4272 : index
    %swap3A_1172 = tpu.vector_load %arg9[%swap3A_1171] {strides = array<i32>} : memref<10240xi32, #tpu.memory_space<vmem>>, vector<16xi32>,
    tpu.vector_store %arg9[%swap3A_1171], %add3A_1170 {strides = array<i32>} : memref<10240xi32, #tpu.memory_space<vmem>>, vector<16xi32>,
    %add3A_1173 = arith.constant 900000 : i32
    %add3A_1174 = vector.broadcast %add3A_1173 : i32 to vector<16xi32>
    %add3A_1175 = arith.addi %get3A_1127, %add3A_1174 : vector<16xi32>
    %swap3A_1176 = arith.constant 4784 : index
    %swap3A_1177 = tpu.vector_load %arg9[%swap3A_1176] {strides = array<i32>} : memref<10240xi32, #tpu.memory_space<vmem>>, vector<16xi32>,
    tpu.vector_store %arg9[%swap3A_1176], %add3A_1175 {strides = array<i32>} : memref<10240xi32, #tpu.memory_space<vmem>>, vector<16xi32>,
    %add3A_1178 = arith.constant 1000000 : i32
    %add3A_1179 = vector.broadcast %add3A_1178 : i32 to vector<16xi32>
    %add3A_1180 = arith.addi %get3A_1127, %add3A_1179 : vector<16xi32>
    %swap3A_1181 = arith.constant 5296 : index
    %swap3A_1182 = tpu.vector_load %arg9[%swap3A_1181] {strides = array<i32>} : memref<10240xi32, #tpu.memory_space<vmem>>, vector<16xi32>,
    tpu.vector_store %arg9[%swap3A_1181], %add3A_1180 {strides = array<i32>} : memref<10240xi32, #tpu.memory_space<vmem>>, vector<16xi32>,
    %add3A_1183 = arith.constant 1100000 : i32
    %add3A_1184 = vector.broadcast %add3A_1183 : i32 to vector<16xi32>
    %add3A_1185 = arith.addi %get3A_1127, %add3A_1184 : vector<16xi32>
    %swap3A_1186 = arith.constant 5808 : index
    %swap3A_1187 = tpu.vector_load %arg9[%swap3A_1186] {strides = array<i32>} : memref<10240xi32, #tpu.memory_space<vmem>>, vector<16xi32>,
    tpu.vector_store %arg9[%swap3A_1186], %add3A_1185 {strides = array<i32>} : memref<10240xi32, #tpu.memory_space<vmem>>, vector<16xi32>,
    %add3A_1188 = arith.constant 1200000 : i32
    %add3A_1189 = vector.broadcast %add3A_1188 : i32 to vector<16xi32>
    %add3A_1190 = arith.addi %get3A_1127, %add3A_1189 : vector<16xi32>
    %swap3A_1191 = arith.constant 6320 : index
    %swap3A_1192 = tpu.vector_load %arg9[%swap3A_1191] {strides = array<i32>} : memref<10240xi32, #tpu.memory_space<vmem>>, vector<16xi32>,
    tpu.vector_store %arg9[%swap3A_1191], %add3A_1190 {strides = array<i32>} : memref<10240xi32, #tpu.memory_space<vmem>>, vector<16xi32>,
    %add3A_1193 = arith.constant 1300000 : i32
    %add3A_1194 = vector.broadcast %add3A_1193 : i32 to vector<16xi32>
    %add3A_1195 = arith.addi %get3A_1127, %add3A_1194 : vector<16xi32>
    %swap3A_1196 = arith.constant 6832 : index
    %swap3A_1197 = tpu.vector_load %arg9[%swap3A_1196] {strides = array<i32>} : memref<10240xi32, #tpu.memory_space<vmem>>, vector<16xi32>,
    tpu.vector_store %arg9[%swap3A_1196], %add3A_1195 {strides = array<i32>} : memref<10240xi32, #tpu.memory_space<vmem>>, vector<16xi32>,
    %add3A_1198 = arith.constant 1400000 : i32
    %add3A_1199 = vector.broadcast %add3A_1198 : i32 to vector<16xi32>
    %add3A_1200 = arith.addi %get3A_1127, %add3A_1199 : vector<16xi32>
    %swap3A_1201 = arith.constant 7344 : index
    %swap3A_1202 = tpu.vector_load %arg9[%swap3A_1201] {strides = array<i32>} : memref<10240xi32, #tpu.memory_space<vmem>>, vector<16xi32>,
    tpu.vector_store %arg9[%swap3A_1201], %add3A_1200 {strides = array<i32>} : memref<10240xi32, #tpu.memory_space<vmem>>, vector<16xi32>,
    %add3A_1203 = arith.constant 1500000 : i32
    %add3A_1204 = vector.broadcast %add3A_1203 : i32 to vector<16xi32>
    %add3A_1205 = arith.addi %get3A_1127, %add3A_1204 : vector<16xi32>
    %swap3A_1206 = arith.constant 7856 : index
    %swap3A_1207 = tpu.vector_load %arg9[%swap3A_1206] {strides = array<i32>} : memref<10240xi32, #tpu.memory_space<vmem>>, vector<16xi32>,
    tpu.vector_store %arg9[%swap3A_1206], %add3A_1205 {strides = array<i32>} : memref<10240xi32, #tpu.memory_space<vmem>>, vector<16xi32>,
    %add3A_1208 = arith.constant 1600000 : i32
    %add3A_1209 = vector.broadcast %add3A_1208 : i32 to vector<16xi32>
    %add3A_1210 = arith.addi %get3A_1127, %add3A_1209 : vector<16xi32>
    %swap3A_1211 = arith.constant 8368 : index
    %swap3A_1212 = tpu.vector_load %arg9[%swap3A_1211] {strides = array<i32>} : memref<10240xi32, #tpu.memory_space<vmem>>, vector<16xi32>,
    tpu.vector_store %arg9[%swap3A_1211], %add3A_1210 {strides = array<i32>} : memref<10240xi32, #tpu.memory_space<vmem>>, vector<16xi32>,
    %add3A_1213 = arith.constant 1700000 : i32
    %add3A_1214 = vector.broadcast %add3A_1213 : i32 to vector<16xi32>
    %add3A_1215 = arith.addi %get3A_1127, %add3A_1214 : vector<16xi32>
    %swap3A_1216 = arith.constant 8880 : index
    %swap3A_1217 = tpu.vector_load %arg9[%swap3A_1216] {strides = array<i32>} : memref<10240xi32, #tpu.memory_space<vmem>>, vector<16xi32>,
    tpu.vector_store %arg9[%swap3A_1216], %add3A_1215 {strides = array<i32>} : memref<10240xi32, #tpu.memory_space<vmem>>, vector<16xi32>,
    %add3A_1218 = arith.constant 1800000 : i32
    %add3A_1219 = vector.broadcast %add3A_1218 : i32 to vector<16xi32>
    %add3A_1220 = arith.addi %get3A_1127, %add3A_1219 : vector<16xi32>
    %swap3A_1221 = arith.constant 9392 : index
    %swap3A_1222 = tpu.vector_load %arg9[%swap3A_1221] {strides = array<i32>} : memref<10240xi32, #tpu.memory_space<vmem>>, vector<16xi32>,
    tpu.vector_store %arg9[%swap3A_1221], %add3A_1220 {strides = array<i32>} : memref<10240xi32, #tpu.memory_space<vmem>>, vector<16xi32>,
    %add3A_1223 = arith.constant 1900000 : i32
    %add3A_1224 = vector.broadcast %add3A_1223 : i32 to vector<16xi32>
    %add3A_1225 = arith.addi %get3A_1127, %add3A_1224 : vector<16xi32>
    %swap3A_1226 = arith.constant 9904 : index
    %swap3A_1227 = tpu.vector_load %arg9[%swap3A_1226] {strides = array<i32>} : memref<10240xi32, #tpu.memory_space<vmem>>, vector<16xi32>,
    tpu.vector_store %arg9[%swap3A_1226], %add3A_1225 {strides = array<i32>} : memref<10240xi32, #tpu.memory_space<vmem>>, vector<16xi32>,
    %get3A_1228 = arith.constant 192 : index
    %get3A_1229 = tpu.vector_load %arg8[%get3A_1228] {strides = array<i32>} : memref<512xi32, #tpu.memory_space<vmem>>, vector<16xi32>,
    %add3A_1230 = arith.constant 0 : i32
    %add3A_1231 = vector.broadcast %add3A_1230 : i32 to vector<16xi32>
    %add3A_1232 = arith.addi %get3A_1229, %add3A_1231 : vector<16xi32>
    %swap3A_1233 = arith.constant 192 : index
    %swap3A_1234 = tpu.vector_load %arg9[%swap3A_1233] {strides = array<i32>} : memref<10240xi32, #tpu.memory_space<vmem>>, vector<16xi32>,
    tpu.vector_store %arg9[%swap3A_1233], %add3A_1232 {strides = array<i32>} : memref<10240xi32, #tpu.memory_space<vmem>>, vector<16xi32>,
    %add3A_1235 = arith.constant 100000 : i32
    %add3A_1236 = vector.broadcast %add3A_1235 : i32 to vector<16xi32>
    %add3A_1237 = arith.addi %get3A_1229, %add3A_1236 : vector<16xi32>
    %swap3A_1238 = arith.constant 704 : index
    %swap3A_1239 = tpu.vector_load %arg9[%swap3A_1238] {strides = array<i32>} : memref<10240xi32, #tpu.memory_space<vmem>>, vector<16xi32>,
    tpu.vector_store %arg9[%swap3A_1238], %add3A_1237 {strides = array<i32>} : memref<10240xi32, #tpu.memory_space<vmem>>, vector<16xi32>,
    %add3A_1240 = arith.constant 200000 : i32
    %add3A_1241 = vector.broadcast %add3A_1240 : i32 to vector<16xi32>
    %add3A_1242 = arith.addi %get3A_1229, %add3A_1241 : vector<16xi32>
    %swap3A_1243 = arith.constant 1216 : index
    %swap3A_1244 = tpu.vector_load %arg9[%swap3A_1243] {strides = array<i32>} : memref<10240xi32, #tpu.memory_space<vmem>>, vector<16xi32>,
    tpu.vector_store %arg9[%swap3A_1243], %add3A_1242 {strides = array<i32>} : memref<10240xi32, #tpu.memory_space<vmem>>, vector<16xi32>,
    %add3A_1245 = arith.constant 300000 : i32
    %add3A_1246 = vector.broadcast %add3A_1245 : i32 to vector<16xi32>
    %add3A_1247 = arith.addi %get3A_1229, %add3A_1246 : vector<16xi32>
    %swap3A_1248 = arith.constant 1728 : index
    %swap3A_1249 = tpu.vector_load %arg9[%swap3A_1248] {strides = array<i32>} : memref<10240xi32, #tpu.memory_space<vmem>>, vector<16xi32>,
    tpu.vector_store %arg9[%swap3A_1248], %add3A_1247 {strides = array<i32>} : memref<10240xi32, #tpu.memory_space<vmem>>, vector<16xi32>,
    %add3A_1250 = arith.constant 400000 : i32
    %add3A_1251 = vector.broadcast %add3A_1250 : i32 to vector<16xi32>
    %add3A_1252 = arith.addi %get3A_1229, %add3A_1251 : vector<16xi32>
    %swap3A_1253 = arith.constant 2240 : index
    %swap3A_1254 = tpu.vector_load %arg9[%swap3A_1253] {strides = array<i32>} : memref<10240xi32, #tpu.memory_space<vmem>>, vector<16xi32>,
    tpu.vector_store %arg9[%swap3A_1253], %add3A_1252 {strides = array<i32>} : memref<10240xi32, #tpu.memory_space<vmem>>, vector<16xi32>,
    %add3A_1255 = arith.constant 500000 : i32
    %add3A_1256 = vector.broadcast %add3A_1255 : i32 to vector<16xi32>
    %add3A_1257 = arith.addi %get3A_1229, %add3A_1256 : vector<16xi32>
    %swap3A_1258 = arith.constant 2752 : index
    %swap3A_1259 = tpu.vector_load %arg9[%swap3A_1258] {strides = array<i32>} : memref<10240xi32, #tpu.memory_space<vmem>>, vector<16xi32>,
    tpu.vector_store %arg9[%swap3A_1258], %add3A_1257 {strides = array<i32>} : memref<10240xi32, #tpu.memory_space<vmem>>, vector<16xi32>,
    %add3A_1260 = arith.constant 600000 : i32
    %add3A_1261 = vector.broadcast %add3A_1260 : i32 to vector<16xi32>
    %add3A_1262 = arith.addi %get3A_1229, %add3A_1261 : vector<16xi32>
    %swap3A_1263 = arith.constant 3264 : index
    %swap3A_1264 = tpu.vector_load %arg9[%swap3A_1263] {strides = array<i32>} : memref<10240xi32, #tpu.memory_space<vmem>>, vector<16xi32>,
    tpu.vector_store %arg9[%swap3A_1263], %add3A_1262 {strides = array<i32>} : memref<10240xi32, #tpu.memory_space<vmem>>, vector<16xi32>,
    %add3A_1265 = arith.constant 700000 : i32
    %add3A_1266 = vector.broadcast %add3A_1265 : i32 to vector<16xi32>
    %add3A_1267 = arith.addi %get3A_1229, %add3A_1266 : vector<16xi32>
    %swap3A_1268 = arith.constant 3776 : index
    %swap3A_1269 = tpu.vector_load %arg9[%swap3A_1268] {strides = array<i32>} : memref<10240xi32, #tpu.memory_space<vmem>>, vector<16xi32>,
    tpu.vector_store %arg9[%swap3A_1268], %add3A_1267 {strides = array<i32>} : memref<10240xi32, #tpu.memory_space<vmem>>, vector<16xi32>,
    %add3A_1270 = arith.constant 800000 : i32
    %add3A_1271 = vector.broadcast %add3A_1270 : i32 to vector<16xi32>
    %add3A_1272 = arith.addi %get3A_1229, %add3A_1271 : vector<16xi32>
    %swap3A_1273 = arith.constant 4288 : index
    %swap3A_1274 = tpu.vector_load %arg9[%swap3A_1273] {strides = array<i32>} : memref<10240xi32, #tpu.memory_space<vmem>>, vector<16xi32>,
    tpu.vector_store %arg9[%swap3A_1273], %add3A_1272 {strides = array<i32>} : memref<10240xi32, #tpu.memory_space<vmem>>, vector<16xi32>,
    %add3A_1275 = arith.constant 900000 : i32
    %add3A_1276 = vector.broadcast %add3A_1275 : i32 to vector<16xi32>
    %add3A_1277 = arith.addi %get3A_1229, %add3A_1276 : vector<16xi32>
    %swap3A_1278 = arith.constant 4800 : index
    %swap3A_1279 = tpu.vector_load %arg9[%swap3A_1278] {strides = array<i32>} : memref<10240xi32, #tpu.memory_space<vmem>>, vector<16xi32>,
    tpu.vector_store %arg9[%swap3A_1278], %add3A_1277 {strides = array<i32>} : memref<10240xi32, #tpu.memory_space<vmem>>, vector<16xi32>,
    %add3A_1280 = arith.constant 1000000 : i32
    %add3A_1281 = vector.broadcast %add3A_1280 : i32 to vector<16xi32>
    %add3A_1282 = arith.addi %get3A_1229, %add3A_1281 : vector<16xi32>
    %swap3A_1283 = arith.constant 5312 : index
    %swap3A_1284 = tpu.vector_load %arg9[%swap3A_1283] {strides = array<i32>} : memref<10240xi32, #tpu.memory_space<vmem>>, vector<16xi32>,
    tpu.vector_store %arg9[%swap3A_1283], %add3A_1282 {strides = array<i32>} : memref<10240xi32, #tpu.memory_space<vmem>>, vector<16xi32>,
    %add3A_1285 = arith.constant 1100000 : i32
    %add3A_1286 = vector.broadcast %add3A_1285 : i32 to vector<16xi32>
    %add3A_1287 = arith.addi %get3A_1229, %add3A_1286 : vector<16xi32>
    %swap3A_1288 = arith.constant 5824 : index
    %swap3A_1289 = tpu.vector_load %arg9[%swap3A_1288] {strides = array<i32>} : memref<10240xi32, #tpu.memory_space<vmem>>, vector<16xi32>,
    tpu.vector_store %arg9[%swap3A_1288], %add3A_1287 {strides = array<i32>} : memref<10240xi32, #tpu.memory_space<vmem>>, vector<16xi32>,
    %add3A_1290 = arith.constant 1200000 : i32
    %add3A_1291 = vector.broadcast %add3A_1290 : i32 to vector<16xi32>
    %add3A_1292 = arith.addi %get3A_1229, %add3A_1291 : vector<16xi32>
    %swap3A_1293 = arith.constant 6336 : index
    %swap3A_1294 = tpu.vector_load %arg9[%swap3A_1293] {strides = array<i32>} : memref<10240xi32, #tpu.memory_space<vmem>>, vector<16xi32>,
    tpu.vector_store %arg9[%swap3A_1293], %add3A_1292 {strides = array<i32>} : memref<10240xi32, #tpu.memory_space<vmem>>, vector<16xi32>,
    %add3A_1295 = arith.constant 1300000 : i32
    %add3A_1296 = vector.broadcast %add3A_1295 : i32 to vector<16xi32>
    %add3A_1297 = arith.addi %get3A_1229, %add3A_1296 : vector<16xi32>
    %swap3A_1298 = arith.constant 6848 : index
    %swap3A_1299 = tpu.vector_load %arg9[%swap3A_1298] {strides = array<i32>} : memref<10240xi32, #tpu.memory_space<vmem>>, vector<16xi32>,
    tpu.vector_store %arg9[%swap3A_1298], %add3A_1297 {strides = array<i32>} : memref<10240xi32, #tpu.memory_space<vmem>>, vector<16xi32>,
    %add3A_1300 = arith.constant 1400000 : i32
    %add3A_1301 = vector.broadcast %add3A_1300 : i32 to vector<16xi32>
    %add3A_1302 = arith.addi %get3A_1229, %add3A_1301 : vector<16xi32>
    %swap3A_1303 = arith.constant 7360 : index
    %swap3A_1304 = tpu.vector_load %arg9[%swap3A_1303] {strides = array<i32>} : memref<10240xi32, #tpu.memory_space<vmem>>, vector<16xi32>,
    tpu.vector_store %arg9[%swap3A_1303], %add3A_1302 {strides = array<i32>} : memref<10240xi32, #tpu.memory_space<vmem>>, vector<16xi32>,
    %add3A_1305 = arith.constant 1500000 : i32
    %add3A_1306 = vector.broadcast %add3A_1305 : i32 to vector<16xi32>
    %add3A_1307 = arith.addi %get3A_1229, %add3A_1306 : vector<16xi32>
    %swap3A_1308 = arith.constant 7872 : index
    %swap3A_1309 = tpu.vector_load %arg9[%swap3A_1308] {strides = array<i32>} : memref<10240xi32, #tpu.memory_space<vmem>>, vector<16xi32>,
    tpu.vector_store %arg9[%swap3A_1308], %add3A_1307 {strides = array<i32>} : memref<10240xi32, #tpu.memory_space<vmem>>, vector<16xi32>,
    %add3A_1310 = arith.constant 1600000 : i32
    %add3A_1311 = vector.broadcast %add3A_1310 : i32 to vector<16xi32>
    %add3A_1312 = arith.addi %get3A_1229, %add3A_1311 : vector<16xi32>
    %swap3A_1313 = arith.constant 8384 : index
    %swap3A_1314 = tpu.vector_load %arg9[%swap3A_1313] {strides = array<i32>} : memref<10240xi32, #tpu.memory_space<vmem>>, vector<16xi32>,
    tpu.vector_store %arg9[%swap3A_1313], %add3A_1312 {strides = array<i32>} : memref<10240xi32, #tpu.memory_space<vmem>>, vector<16xi32>,
    %add3A_1315 = arith.constant 1700000 : i32
    %add3A_1316 = vector.broadcast %add3A_1315 : i32 to vector<16xi32>
    %add3A_1317 = arith.addi %get3A_1229, %add3A_1316 : vector<16xi32>
    %swap3A_1318 = arith.constant 8896 : index
    %swap3A_1319 = tpu.vector_load %arg9[%swap3A_1318] {strides = array<i32>} : memref<10240xi32, #tpu.memory_space<vmem>>, vector<16xi32>,
    tpu.vector_store %arg9[%swap3A_1318], %add3A_1317 {strides = array<i32>} : memref<10240xi32, #tpu.memory_space<vmem>>, vector<16xi32>,
    %add3A_1320 = arith.constant 1800000 : i32
    %add3A_1321 = vector.broadcast %add3A_1320 : i32 to vector<16xi32>
    %add3A_1322 = arith.addi %get3A_1229, %add3A_1321 : vector<16xi32>
    %swap3A_1323 = arith.constant 9408 : index
    %swap3A_1324 = tpu.vector_load %arg9[%swap3A_1323] {strides = array<i32>} : memref<10240xi32, #tpu.memory_space<vmem>>, vector<16xi32>,
    tpu.vector_store %arg9[%swap3A_1323], %add3A_1322 {strides = array<i32>} : memref<10240xi32, #tpu.memory_space<vmem>>, vector<16xi32>,
    %add3A_1325 = arith.constant 1900000 : i32
    %add3A_1326 = vector.broadcast %add3A_1325 : i32 to vector<16xi32>
    %add3A_1327 = arith.addi %get3A_1229, %add3A_1326 : vector<16xi32>
    %swap3A_1328 = arith.constant 9920 : index
    %swap3A_1329 = tpu.vector_load %arg9[%swap3A_1328] {strides = array<i32>} : memref<10240xi32, #tpu.memory_space<vmem>>, vector<16xi32>,
    tpu.vector_store %arg9[%swap3A_1328], %add3A_1327 {strides = array<i32>} : memref<10240xi32, #tpu.memory_space<vmem>>, vector<16xi32>,
    %get3A_1330 = arith.constant 208 : index
    %get3A_1331 = tpu.vector_load %arg8[%get3A_1330] {strides = array<i32>} : memref<512xi32, #tpu.memory_space<vmem>>, vector<16xi32>,
    %add3A_1332 = arith.constant 0 : i32
    %add3A_1333 = vector.broadcast %add3A_1332 : i32 to vector<16xi32>
    %add3A_1334 = arith.addi %get3A_1331, %add3A_1333 : vector<16xi32>
    %swap3A_1335 = arith.constant 208 : index
    %swap3A_1336 = tpu.vector_load %arg9[%swap3A_1335] {strides = array<i32>} : memref<10240xi32, #tpu.memory_space<vmem>>, vector<16xi32>,
    tpu.vector_store %arg9[%swap3A_1335], %add3A_1334 {strides = array<i32>} : memref<10240xi32, #tpu.memory_space<vmem>>, vector<16xi32>,
    %add3A_1337 = arith.constant 100000 : i32
    %add3A_1338 = vector.broadcast %add3A_1337 : i32 to vector<16xi32>
    %add3A_1339 = arith.addi %get3A_1331, %add3A_1338 : vector<16xi32>
    %swap3A_1340 = arith.constant 720 : index
    %swap3A_1341 = tpu.vector_load %arg9[%swap3A_1340] {strides = array<i32>} : memref<10240xi32, #tpu.memory_space<vmem>>, vector<16xi32>,
    tpu.vector_store %arg9[%swap3A_1340], %add3A_1339 {strides = array<i32>} : memref<10240xi32, #tpu.memory_space<vmem>>, vector<16xi32>,
    %add3A_1342 = arith.constant 200000 : i32
    %add3A_1343 = vector.broadcast %add3A_1342 : i32 to vector<16xi32>
    %add3A_1344 = arith.addi %get3A_1331, %add3A_1343 : vector<16xi32>
    %swap3A_1345 = arith.constant 1232 : index
    %swap3A_1346 = tpu.vector_load %arg9[%swap3A_1345] {strides = array<i32>} : memref<10240xi32, #tpu.memory_space<vmem>>, vector<16xi32>,
    tpu.vector_store %arg9[%swap3A_1345], %add3A_1344 {strides = array<i32>} : memref<10240xi32, #tpu.memory_space<vmem>>, vector<16xi32>,
    %add3A_1347 = arith.constant 300000 : i32
    %add3A_1348 = vector.broadcast %add3A_1347 : i32 to vector<16xi32>
    %add3A_1349 = arith.addi %get3A_1331, %add3A_1348 : vector<16xi32>
    %swap3A_1350 = arith.constant 1744 : index
    %swap3A_1351 = tpu.vector_load %arg9[%swap3A_1350] {strides = array<i32>} : memref<10240xi32, #tpu.memory_space<vmem>>, vector<16xi32>,
    tpu.vector_store %arg9[%swap3A_1350], %add3A_1349 {strides = array<i32>} : memref<10240xi32, #tpu.memory_space<vmem>>, vector<16xi32>,
    %add3A_1352 = arith.constant 400000 : i32
    %add3A_1353 = vector.broadcast %add3A_1352 : i32 to vector<16xi32>
    %add3A_1354 = arith.addi %get3A_1331, %add3A_1353 : vector<16xi32>
    %swap3A_1355 = arith.constant 2256 : index
    %swap3A_1356 = tpu.vector_load %arg9[%swap3A_1355] {strides = array<i32>} : memref<10240xi32, #tpu.memory_space<vmem>>, vector<16xi32>,
    tpu.vector_store %arg9[%swap3A_1355], %add3A_1354 {strides = array<i32>} : memref<10240xi32, #tpu.memory_space<vmem>>, vector<16xi32>,
    %add3A_1357 = arith.constant 500000 : i32
    %add3A_1358 = vector.broadcast %add3A_1357 : i32 to vector<16xi32>
    %add3A_1359 = arith.addi %get3A_1331, %add3A_1358 : vector<16xi32>
    %swap3A_1360 = arith.constant 2768 : index
    %swap3A_1361 = tpu.vector_load %arg9[%swap3A_1360] {strides = array<i32>} : memref<10240xi32, #tpu.memory_space<vmem>>, vector<16xi32>,
    tpu.vector_store %arg9[%swap3A_1360], %add3A_1359 {strides = array<i32>} : memref<10240xi32, #tpu.memory_space<vmem>>, vector<16xi32>,
    %add3A_1362 = arith.constant 600000 : i32
    %add3A_1363 = vector.broadcast %add3A_1362 : i32 to vector<16xi32>
    %add3A_1364 = arith.addi %get3A_1331, %add3A_1363 : vector<16xi32>
    %swap3A_1365 = arith.constant 3280 : index
    %swap3A_1366 = tpu.vector_load %arg9[%swap3A_1365] {strides = array<i32>} : memref<10240xi32, #tpu.memory_space<vmem>>, vector<16xi32>,
    tpu.vector_store %arg9[%swap3A_1365], %add3A_1364 {strides = array<i32>} : memref<10240xi32, #tpu.memory_space<vmem>>, vector<16xi32>,
    %add3A_1367 = arith.constant 700000 : i32
    %add3A_1368 = vector.broadcast %add3A_1367 : i32 to vector<16xi32>
    %add3A_1369 = arith.addi %get3A_1331, %add3A_1368 : vector<16xi32>
    %swap3A_1370 = arith.constant 3792 : index
    %swap3A_1371 = tpu.vector_load %arg9[%swap3A_1370] {strides = array<i32>} : memref<10240xi32, #tpu.memory_space<vmem>>, vector<16xi32>,
    tpu.vector_store %arg9[%swap3A_1370], %add3A_1369 {strides = array<i32>} : memref<10240xi32, #tpu.memory_space<vmem>>, vector<16xi32>,
    %add3A_1372 = arith.constant 800000 : i32
    %add3A_1373 = vector.broadcast %add3A_1372 : i32 to vector<16xi32>
    %add3A_1374 = arith.addi %get3A_1331, %add3A_1373 : vector<16xi32>
    %swap3A_1375 = arith.constant 4304 : index
    %swap3A_1376 = tpu.vector_load %arg9[%swap3A_1375] {strides = array<i32>} : memref<10240xi32, #tpu.memory_space<vmem>>, vector<16xi32>,
    tpu.vector_store %arg9[%swap3A_1375], %add3A_1374 {strides = array<i32>} : memref<10240xi32, #tpu.memory_space<vmem>>, vector<16xi32>,
    %add3A_1377 = arith.constant 900000 : i32
    %add3A_1378 = vector.broadcast %add3A_1377 : i32 to vector<16xi32>
    %add3A_1379 = arith.addi %get3A_1331, %add3A_1378 : vector<16xi32>
    %swap3A_1380 = arith.constant 4816 : index
    %swap3A_1381 = tpu.vector_load %arg9[%swap3A_1380] {strides = array<i32>} : memref<10240xi32, #tpu.memory_space<vmem>>, vector<16xi32>,
    tpu.vector_store %arg9[%swap3A_1380], %add3A_1379 {strides = array<i32>} : memref<10240xi32, #tpu.memory_space<vmem>>, vector<16xi32>,
    %add3A_1382 = arith.constant 1000000 : i32
    %add3A_1383 = vector.broadcast %add3A_1382 : i32 to vector<16xi32>
    %add3A_1384 = arith.addi %get3A_1331, %add3A_1383 : vector<16xi32>
    %swap3A_1385 = arith.constant 5328 : index
    %swap3A_1386 = tpu.vector_load %arg9[%swap3A_1385] {strides = array<i32>} : memref<10240xi32, #tpu.memory_space<vmem>>, vector<16xi32>,
    tpu.vector_store %arg9[%swap3A_1385], %add3A_1384 {strides = array<i32>} : memref<10240xi32, #tpu.memory_space<vmem>>, vector<16xi32>,
    %add3A_1387 = arith.constant 1100000 : i32
    %add3A_1388 = vector.broadcast %add3A_1387 : i32 to vector<16xi32>
    %add3A_1389 = arith.addi %get3A_1331, %add3A_1388 : vector<16xi32>
    %swap3A_1390 = arith.constant 5840 : index
    %swap3A_1391 = tpu.vector_load %arg9[%swap3A_1390] {strides = array<i32>} : memref<10240xi32, #tpu.memory_space<vmem>>, vector<16xi32>,
    tpu.vector_store %arg9[%swap3A_1390], %add3A_1389 {strides = array<i32>} : memref<10240xi32, #tpu.memory_space<vmem>>, vector<16xi32>,
    %add3A_1392 = arith.constant 1200000 : i32
    %add3A_1393 = vector.broadcast %add3A_1392 : i32 to vector<16xi32>
    %add3A_1394 = arith.addi %get3A_1331, %add3A_1393 : vector<16xi32>
    %swap3A_1395 = arith.constant 6352 : index
    %swap3A_1396 = tpu.vector_load %arg9[%swap3A_1395] {strides = array<i32>} : memref<10240xi32, #tpu.memory_space<vmem>>, vector<16xi32>,
    tpu.vector_store %arg9[%swap3A_1395], %add3A_1394 {strides = array<i32>} : memref<10240xi32, #tpu.memory_space<vmem>>, vector<16xi32>,
    %add3A_1397 = arith.constant 1300000 : i32
    %add3A_1398 = vector.broadcast %add3A_1397 : i32 to vector<16xi32>
    %add3A_1399 = arith.addi %get3A_1331, %add3A_1398 : vector<16xi32>
    %swap3A_1400 = arith.constant 6864 : index
    %swap3A_1401 = tpu.vector_load %arg9[%swap3A_1400] {strides = array<i32>} : memref<10240xi32, #tpu.memory_space<vmem>>, vector<16xi32>,
    tpu.vector_store %arg9[%swap3A_1400], %add3A_1399 {strides = array<i32>} : memref<10240xi32, #tpu.memory_space<vmem>>, vector<16xi32>,
    %add3A_1402 = arith.constant 1400000 : i32
    %add3A_1403 = vector.broadcast %add3A_1402 : i32 to vector<16xi32>
    %add3A_1404 = arith.addi %get3A_1331, %add3A_1403 : vector<16xi32>
    %swap3A_1405 = arith.constant 7376 : index
    %swap3A_1406 = tpu.vector_load %arg9[%swap3A_1405] {strides = array<i32>} : memref<10240xi32, #tpu.memory_space<vmem>>, vector<16xi32>,
    tpu.vector_store %arg9[%swap3A_1405], %add3A_1404 {strides = array<i32>} : memref<10240xi32, #tpu.memory_space<vmem>>, vector<16xi32>,
    %add3A_1407 = arith.constant 1500000 : i32
    %add3A_1408 = vector.broadcast %add3A_1407 : i32 to vector<16xi32>
    %add3A_1409 = arith.addi %get3A_1331, %add3A_1408 : vector<16xi32>
    %swap3A_1410 = arith.constant 7888 : index
    %swap3A_1411 = tpu.vector_load %arg9[%swap3A_1410] {strides = array<i32>} : memref<10240xi32, #tpu.memory_space<vmem>>, vector<16xi32>,
    tpu.vector_store %arg9[%swap3A_1410], %add3A_1409 {strides = array<i32>} : memref<10240xi32, #tpu.memory_space<vmem>>, vector<16xi32>,
    %add3A_1412 = arith.constant 1600000 : i32
    %add3A_1413 = vector.broadcast %add3A_1412 : i32 to vector<16xi32>
    %add3A_1414 = arith.addi %get3A_1331, %add3A_1413 : vector<16xi32>
    %swap3A_1415 = arith.constant 8400 : index
    %swap3A_1416 = tpu.vector_load %arg9[%swap3A_1415] {strides = array<i32>} : memref<10240xi32, #tpu.memory_space<vmem>>, vector<16xi32>,
    tpu.vector_store %arg9[%swap3A_1415], %add3A_1414 {strides = array<i32>} : memref<10240xi32, #tpu.memory_space<vmem>>, vector<16xi32>,
    %add3A_1417 = arith.constant 1700000 : i32
    %add3A_1418 = vector.broadcast %add3A_1417 : i32 to vector<16xi32>
    %add3A_1419 = arith.addi %get3A_1331, %add3A_1418 : vector<16xi32>
    %swap3A_1420 = arith.constant 8912 : index
    %swap3A_1421 = tpu.vector_load %arg9[%swap3A_1420] {strides = array<i32>} : memref<10240xi32, #tpu.memory_space<vmem>>, vector<16xi32>,
    tpu.vector_store %arg9[%swap3A_1420], %add3A_1419 {strides = array<i32>} : memref<10240xi32, #tpu.memory_space<vmem>>, vector<16xi32>,
    %add3A_1422 = arith.constant 1800000 : i32
    %add3A_1423 = vector.broadcast %add3A_1422 : i32 to vector<16xi32>
    %add3A_1424 = arith.addi %get3A_1331, %add3A_1423 : vector<16xi32>
    %swap3A_1425 = arith.constant 9424 : index
    %swap3A_1426 = tpu.vector_load %arg9[%swap3A_1425] {strides = array<i32>} : memref<10240xi32, #tpu.memory_space<vmem>>, vector<16xi32>,
    tpu.vector_store %arg9[%swap3A_1425], %add3A_1424 {strides = array<i32>} : memref<10240xi32, #tpu.memory_space<vmem>>, vector<16xi32>,
    %add3A_1427 = arith.constant 1900000 : i32
    %add3A_1428 = vector.broadcast %add3A_1427 : i32 to vector<16xi32>
    %add3A_1429 = arith.addi %get3A_1331, %add3A_1428 : vector<16xi32>
    %swap3A_1430 = arith.constant 9936 : index
    %swap3A_1431 = tpu.vector_load %arg9[%swap3A_1430] {strides = array<i32>} : memref<10240xi32, #tpu.memory_space<vmem>>, vector<16xi32>,
    tpu.vector_store %arg9[%swap3A_1430], %add3A_1429 {strides = array<i32>} : memref<10240xi32, #tpu.memory_space<vmem>>, vector<16xi32>,
    %get3A_1432 = arith.constant 224 : index
    %get3A_1433 = tpu.vector_load %arg8[%get3A_1432] {strides = array<i32>} : memref<512xi32, #tpu.memory_space<vmem>>, vector<16xi32>,
    %add3A_1434 = arith.constant 0 : i32
    %add3A_1435 = vector.broadcast %add3A_1434 : i32 to vector<16xi32>
    %add3A_1436 = arith.addi %get3A_1433, %add3A_1435 : vector<16xi32>
    %swap3A_1437 = arith.constant 224 : index
    %swap3A_1438 = tpu.vector_load %arg9[%swap3A_1437] {strides = array<i32>} : memref<10240xi32, #tpu.memory_space<vmem>>, vector<16xi32>,
    tpu.vector_store %arg9[%swap3A_1437], %add3A_1436 {strides = array<i32>} : memref<10240xi32, #tpu.memory_space<vmem>>, vector<16xi32>,
    %add3A_1439 = arith.constant 100000 : i32
    %add3A_1440 = vector.broadcast %add3A_1439 : i32 to vector<16xi32>
    %add3A_1441 = arith.addi %get3A_1433, %add3A_1440 : vector<16xi32>
    %swap3A_1442 = arith.constant 736 : index
    %swap3A_1443 = tpu.vector_load %arg9[%swap3A_1442] {strides = array<i32>} : memref<10240xi32, #tpu.memory_space<vmem>>, vector<16xi32>,
    tpu.vector_store %arg9[%swap3A_1442], %add3A_1441 {strides = array<i32>} : memref<10240xi32, #tpu.memory_space<vmem>>, vector<16xi32>,
    %add3A_1444 = arith.constant 200000 : i32
    %add3A_1445 = vector.broadcast %add3A_1444 : i32 to vector<16xi32>
    %add3A_1446 = arith.addi %get3A_1433, %add3A_1445 : vector<16xi32>
    %swap3A_1447 = arith.constant 1248 : index
    %swap3A_1448 = tpu.vector_load %arg9[%swap3A_1447] {strides = array<i32>} : memref<10240xi32, #tpu.memory_space<vmem>>, vector<16xi32>,
    tpu.vector_store %arg9[%swap3A_1447], %add3A_1446 {strides = array<i32>} : memref<10240xi32, #tpu.memory_space<vmem>>, vector<16xi32>,
    %add3A_1449 = arith.constant 300000 : i32
    %add3A_1450 = vector.broadcast %add3A_1449 : i32 to vector<16xi32>
    %add3A_1451 = arith.addi %get3A_1433, %add3A_1450 : vector<16xi32>
    %swap3A_1452 = arith.constant 1760 : index
    %swap3A_1453 = tpu.vector_load %arg9[%swap3A_1452] {strides = array<i32>} : memref<10240xi32, #tpu.memory_space<vmem>>, vector<16xi32>,
    tpu.vector_store %arg9[%swap3A_1452], %add3A_1451 {strides = array<i32>} : memref<10240xi32, #tpu.memory_space<vmem>>, vector<16xi32>,
    %add3A_1454 = arith.constant 400000 : i32
    %add3A_1455 = vector.broadcast %add3A_1454 : i32 to vector<16xi32>
    %add3A_1456 = arith.addi %get3A_1433, %add3A_1455 : vector<16xi32>
    %swap3A_1457 = arith.constant 2272 : index
    %swap3A_1458 = tpu.vector_load %arg9[%swap3A_1457] {strides = array<i32>} : memref<10240xi32, #tpu.memory_space<vmem>>, vector<16xi32>,
    tpu.vector_store %arg9[%swap3A_1457], %add3A_1456 {strides = array<i32>} : memref<10240xi32, #tpu.memory_space<vmem>>, vector<16xi32>,
    %add3A_1459 = arith.constant 500000 : i32
    %add3A_1460 = vector.broadcast %add3A_1459 : i32 to vector<16xi32>
    %add3A_1461 = arith.addi %get3A_1433, %add3A_1460 : vector<16xi32>
    %swap3A_1462 = arith.constant 2784 : index
    %swap3A_1463 = tpu.vector_load %arg9[%swap3A_1462] {strides = array<i32>} : memref<10240xi32, #tpu.memory_space<vmem>>, vector<16xi32>,
    tpu.vector_store %arg9[%swap3A_1462], %add3A_1461 {strides = array<i32>} : memref<10240xi32, #tpu.memory_space<vmem>>, vector<16xi32>,
    %add3A_1464 = arith.constant 600000 : i32
    %add3A_1465 = vector.broadcast %add3A_1464 : i32 to vector<16xi32>
    %add3A_1466 = arith.addi %get3A_1433, %add3A_1465 : vector<16xi32>
    %swap3A_1467 = arith.constant 3296 : index
    %swap3A_1468 = tpu.vector_load %arg9[%swap3A_1467] {strides = array<i32>} : memref<10240xi32, #tpu.memory_space<vmem>>, vector<16xi32>,
    tpu.vector_store %arg9[%swap3A_1467], %add3A_1466 {strides = array<i32>} : memref<10240xi32, #tpu.memory_space<vmem>>, vector<16xi32>,
    %add3A_1469 = arith.constant 700000 : i32
    %add3A_1470 = vector.broadcast %add3A_1469 : i32 to vector<16xi32>
    %add3A_1471 = arith.addi %get3A_1433, %add3A_1470 : vector<16xi32>
    %swap3A_1472 = arith.constant 3808 : index
    %swap3A_1473 = tpu.vector_load %arg9[%swap3A_1472] {strides = array<i32>} : memref<10240xi32, #tpu.memory_space<vmem>>, vector<16xi32>,
    tpu.vector_store %arg9[%swap3A_1472], %add3A_1471 {strides = array<i32>} : memref<10240xi32, #tpu.memory_space<vmem>>, vector<16xi32>,
    %add3A_1474 = arith.constant 800000 : i32
    %add3A_1475 = vector.broadcast %add3A_1474 : i32 to vector<16xi32>
    %add3A_1476 = arith.addi %get3A_1433, %add3A_1475 : vector<16xi32>
    %swap3A_1477 = arith.constant 4320 : index
    %swap3A_1478 = tpu.vector_load %arg9[%swap3A_1477] {strides = array<i32>} : memref<10240xi32, #tpu.memory_space<vmem>>, vector<16xi32>,
    tpu.vector_store %arg9[%swap3A_1477], %add3A_1476 {strides = array<i32>} : memref<10240xi32, #tpu.memory_space<vmem>>, vector<16xi32>,
    %add3A_1479 = arith.constant 900000 : i32
    %add3A_1480 = vector.broadcast %add3A_1479 : i32 to vector<16xi32>
    %add3A_1481 = arith.addi %get3A_1433, %add3A_1480 : vector<16xi32>
    %swap3A_1482 = arith.constant 4832 : index
    %swap3A_1483 = tpu.vector_load %arg9[%swap3A_1482] {strides = array<i32>} : memref<10240xi32, #tpu.memory_space<vmem>>, vector<16xi32>,
    tpu.vector_store %arg9[%swap3A_1482], %add3A_1481 {strides = array<i32>} : memref<10240xi32, #tpu.memory_space<vmem>>, vector<16xi32>,
    %add3A_1484 = arith.constant 1000000 : i32
    %add3A_1485 = vector.broadcast %add3A_1484 : i32 to vector<16xi32>
    %add3A_1486 = arith.addi %get3A_1433, %add3A_1485 : vector<16xi32>
    %swap3A_1487 = arith.constant 5344 : index
    %swap3A_1488 = tpu.vector_load %arg9[%swap3A_1487] {strides = array<i32>} : memref<10240xi32, #tpu.memory_space<vmem>>, vector<16xi32>,
    tpu.vector_store %arg9[%swap3A_1487], %add3A_1486 {strides = array<i32>} : memref<10240xi32, #tpu.memory_space<vmem>>, vector<16xi32>,
    %add3A_1489 = arith.constant 1100000 : i32
    %add3A_1490 = vector.broadcast %add3A_1489 : i32 to vector<16xi32>
    %add3A_1491 = arith.addi %get3A_1433, %add3A_1490 : vector<16xi32>
    %swap3A_1492 = arith.constant 5856 : index
    %swap3A_1493 = tpu.vector_load %arg9[%swap3A_1492] {strides = array<i32>} : memref<10240xi32, #tpu.memory_space<vmem>>, vector<16xi32>,
    tpu.vector_store %arg9[%swap3A_1492], %add3A_1491 {strides = array<i32>} : memref<10240xi32, #tpu.memory_space<vmem>>, vector<16xi32>,
    %add3A_1494 = arith.constant 1200000 : i32
    %add3A_1495 = vector.broadcast %add3A_1494 : i32 to vector<16xi32>
    %add3A_1496 = arith.addi %get3A_1433, %add3A_1495 : vector<16xi32>
    %swap3A_1497 = arith.constant 6368 : index
    %swap3A_1498 = tpu.vector_load %arg9[%swap3A_1497] {strides = array<i32>} : memref<10240xi32, #tpu.memory_space<vmem>>, vector<16xi32>,
    tpu.vector_store %arg9[%swap3A_1497], %add3A_1496 {strides = array<i32>} : memref<10240xi32, #tpu.memory_space<vmem>>, vector<16xi32>,
    %add3A_1499 = arith.constant 1300000 : i32
    %add3A_1500 = vector.broadcast %add3A_1499 : i32 to vector<16xi32>
    %add3A_1501 = arith.addi %get3A_1433, %add3A_1500 : vector<16xi32>
    %swap3A_1502 = arith.constant 6880 : index
    %swap3A_1503 = tpu.vector_load %arg9[%swap3A_1502] {strides = array<i32>} : memref<10240xi32, #tpu.memory_space<vmem>>, vector<16xi32>,
    tpu.vector_store %arg9[%swap3A_1502], %add3A_1501 {strides = array<i32>} : memref<10240xi32, #tpu.memory_space<vmem>>, vector<16xi32>,
    %add3A_1504 = arith.constant 1400000 : i32
    %add3A_1505 = vector.broadcast %add3A_1504 : i32 to vector<16xi32>
    %add3A_1506 = arith.addi %get3A_1433, %add3A_1505 : vector<16xi32>
    %swap3A_1507 = arith.constant 7392 : index
    %swap3A_1508 = tpu.vector_load %arg9[%swap3A_1507] {strides = array<i32>} : memref<10240xi32, #tpu.memory_space<vmem>>, vector<16xi32>,
    tpu.vector_store %arg9[%swap3A_1507], %add3A_1506 {strides = array<i32>} : memref<10240xi32, #tpu.memory_space<vmem>>, vector<16xi32>,
    %add3A_1509 = arith.constant 1500000 : i32
    %add3A_1510 = vector.broadcast %add3A_1509 : i32 to vector<16xi32>
    %add3A_1511 = arith.addi %get3A_1433, %add3A_1510 : vector<16xi32>
    %swap3A_1512 = arith.constant 7904 : index
    %swap3A_1513 = tpu.vector_load %arg9[%swap3A_1512] {strides = array<i32>} : memref<10240xi32, #tpu.memory_space<vmem>>, vector<16xi32>,
    tpu.vector_store %arg9[%swap3A_1512], %add3A_1511 {strides = array<i32>} : memref<10240xi32, #tpu.memory_space<vmem>>, vector<16xi32>,
    %add3A_1514 = arith.constant 1600000 : i32
    %add3A_1515 = vector.broadcast %add3A_1514 : i32 to vector<16xi32>
    %add3A_1516 = arith.addi %get3A_1433, %add3A_1515 : vector<16xi32>
    %swap3A_1517 = arith.constant 8416 : index
    %swap3A_1518 = tpu.vector_load %arg9[%swap3A_1517] {strides = array<i32>} : memref<10240xi32, #tpu.memory_space<vmem>>, vector<16xi32>,
    tpu.vector_store %arg9[%swap3A_1517], %add3A_1516 {strides = array<i32>} : memref<10240xi32, #tpu.memory_space<vmem>>, vector<16xi32>,
    %add3A_1519 = arith.constant 1700000 : i32
    %add3A_1520 = vector.broadcast %add3A_1519 : i32 to vector<16xi32>
    %add3A_1521 = arith.addi %get3A_1433, %add3A_1520 : vector<16xi32>
    %swap3A_1522 = arith.constant 8928 : index
    %swap3A_1523 = tpu.vector_load %arg9[%swap3A_1522] {strides = array<i32>} : memref<10240xi32, #tpu.memory_space<vmem>>, vector<16xi32>,
    tpu.vector_store %arg9[%swap3A_1522], %add3A_1521 {strides = array<i32>} : memref<10240xi32, #tpu.memory_space<vmem>>, vector<16xi32>,
    %add3A_1524 = arith.constant 1800000 : i32
    %add3A_1525 = vector.broadcast %add3A_1524 : i32 to vector<16xi32>
    %add3A_1526 = arith.addi %get3A_1433, %add3A_1525 : vector<16xi32>
    %swap3A_1527 = arith.constant 9440 : index
    %swap3A_1528 = tpu.vector_load %arg9[%swap3A_1527] {strides = array<i32>} : memref<10240xi32, #tpu.memory_space<vmem>>, vector<16xi32>,
    tpu.vector_store %arg9[%swap3A_1527], %add3A_1526 {strides = array<i32>} : memref<10240xi32, #tpu.memory_space<vmem>>, vector<16xi32>,
    %add3A_1529 = arith.constant 1900000 : i32
    %add3A_1530 = vector.broadcast %add3A_1529 : i32 to vector<16xi32>
    %add3A_1531 = arith.addi %get3A_1433, %add3A_1530 : vector<16xi32>
    %swap3A_1532 = arith.constant 9952 : index
    %swap3A_1533 = tpu.vector_load %arg9[%swap3A_1532] {strides = array<i32>} : memref<10240xi32, #tpu.memory_space<vmem>>, vector<16xi32>,
    tpu.vector_store %arg9[%swap3A_1532], %add3A_1531 {strides = array<i32>} : memref<10240xi32, #tpu.memory_space<vmem>>, vector<16xi32>,
    %get3A_1534 = arith.constant 240 : index
    %get3A_1535 = tpu.vector_load %arg8[%get3A_1534] {strides = array<i32>} : memref<512xi32, #tpu.memory_space<vmem>>, vector<16xi32>,
    %add3A_1536 = arith.constant 0 : i32
    %add3A_1537 = vector.broadcast %add3A_1536 : i32 to vector<16xi32>
    %add3A_1538 = arith.addi %get3A_1535, %add3A_1537 : vector<16xi32>
    %swap3A_1539 = arith.constant 240 : index
    %swap3A_1540 = tpu.vector_load %arg9[%swap3A_1539] {strides = array<i32>} : memref<10240xi32, #tpu.memory_space<vmem>>, vector<16xi32>,
    tpu.vector_store %arg9[%swap3A_1539], %add3A_1538 {strides = array<i32>} : memref<10240xi32, #tpu.memory_space<vmem>>, vector<16xi32>,
    %add3A_1541 = arith.constant 100000 : i32
    %add3A_1542 = vector.broadcast %add3A_1541 : i32 to vector<16xi32>
    %add3A_1543 = arith.addi %get3A_1535, %add3A_1542 : vector<16xi32>
    %swap3A_1544 = arith.constant 752 : index
    %swap3A_1545 = tpu.vector_load %arg9[%swap3A_1544] {strides = array<i32>} : memref<10240xi32, #tpu.memory_space<vmem>>, vector<16xi32>,
    tpu.vector_store %arg9[%swap3A_1544], %add3A_1543 {strides = array<i32>} : memref<10240xi32, #tpu.memory_space<vmem>>, vector<16xi32>,
    %add3A_1546 = arith.constant 200000 : i32
    %add3A_1547 = vector.broadcast %add3A_1546 : i32 to vector<16xi32>
    %add3A_1548 = arith.addi %get3A_1535, %add3A_1547 : vector<16xi32>
    %swap3A_1549 = arith.constant 1264 : index
    %swap3A_1550 = tpu.vector_load %arg9[%swap3A_1549] {strides = array<i32>} : memref<10240xi32, #tpu.memory_space<vmem>>, vector<16xi32>,
    tpu.vector_store %arg9[%swap3A_1549], %add3A_1548 {strides = array<i32>} : memref<10240xi32, #tpu.memory_space<vmem>>, vector<16xi32>,
    %add3A_1551 = arith.constant 300000 : i32
    %add3A_1552 = vector.broadcast %add3A_1551 : i32 to vector<16xi32>
    %add3A_1553 = arith.addi %get3A_1535, %add3A_1552 : vector<16xi32>
    %swap3A_1554 = arith.constant 1776 : index
    %swap3A_1555 = tpu.vector_load %arg9[%swap3A_1554] {strides = array<i32>} : memref<10240xi32, #tpu.memory_space<vmem>>, vector<16xi32>,
    tpu.vector_store %arg9[%swap3A_1554], %add3A_1553 {strides = array<i32>} : memref<10240xi32, #tpu.memory_space<vmem>>, vector<16xi32>,
    %add3A_1556 = arith.constant 400000 : i32
    %add3A_1557 = vector.broadcast %add3A_1556 : i32 to vector<16xi32>
    %add3A_1558 = arith.addi %get3A_1535, %add3A_1557 : vector<16xi32>
    %swap3A_1559 = arith.constant 2288 : index
    %swap3A_1560 = tpu.vector_load %arg9[%swap3A_1559] {strides = array<i32>} : memref<10240xi32, #tpu.memory_space<vmem>>, vector<16xi32>,
    tpu.vector_store %arg9[%swap3A_1559], %add3A_1558 {strides = array<i32>} : memref<10240xi32, #tpu.memory_space<vmem>>, vector<16xi32>,
    %add3A_1561 = arith.constant 500000 : i32
    %add3A_1562 = vector.broadcast %add3A_1561 : i32 to vector<16xi32>
    %add3A_1563 = arith.addi %get3A_1535, %add3A_1562 : vector<16xi32>
    %swap3A_1564 = arith.constant 2800 : index
    %swap3A_1565 = tpu.vector_load %arg9[%swap3A_1564] {strides = array<i32>} : memref<10240xi32, #tpu.memory_space<vmem>>, vector<16xi32>,
    tpu.vector_store %arg9[%swap3A_1564], %add3A_1563 {strides = array<i32>} : memref<10240xi32, #tpu.memory_space<vmem>>, vector<16xi32>,
    %add3A_1566 = arith.constant 600000 : i32
    %add3A_1567 = vector.broadcast %add3A_1566 : i32 to vector<16xi32>
    %add3A_1568 = arith.addi %get3A_1535, %add3A_1567 : vector<16xi32>
    %swap3A_1569 = arith.constant 3312 : index
    %swap3A_1570 = tpu.vector_load %arg9[%swap3A_1569] {strides = array<i32>} : memref<10240xi32, #tpu.memory_space<vmem>>, vector<16xi32>,
    tpu.vector_store %arg9[%swap3A_1569], %add3A_1568 {strides = array<i32>} : memref<10240xi32, #tpu.memory_space<vmem>>, vector<16xi32>,
    %add3A_1571 = arith.constant 700000 : i32
    %add3A_1572 = vector.broadcast %add3A_1571 : i32 to vector<16xi32>
    %add3A_1573 = arith.addi %get3A_1535, %add3A_1572 : vector<16xi32>
    %swap3A_1574 = arith.constant 3824 : index
    %swap3A_1575 = tpu.vector_load %arg9[%swap3A_1574] {strides = array<i32>} : memref<10240xi32, #tpu.memory_space<vmem>>, vector<16xi32>,
    tpu.vector_store %arg9[%swap3A_1574], %add3A_1573 {strides = array<i32>} : memref<10240xi32, #tpu.memory_space<vmem>>, vector<16xi32>,
    %add3A_1576 = arith.constant 800000 : i32
    %add3A_1577 = vector.broadcast %add3A_1576 : i32 to vector<16xi32>
    %add3A_1578 = arith.addi %get3A_1535, %add3A_1577 : vector<16xi32>
    %swap3A_1579 = arith.constant 4336 : index
    %swap3A_1580 = tpu.vector_load %arg9[%swap3A_1579] {strides = array<i32>} : memref<10240xi32, #tpu.memory_space<vmem>>, vector<16xi32>,
    tpu.vector_store %arg9[%swap3A_1579], %add3A_1578 {strides = array<i32>} : memref<10240xi32, #tpu.memory_space<vmem>>, vector<16xi32>,
    %add3A_1581 = arith.constant 900000 : i32
    %add3A_1582 = vector.broadcast %add3A_1581 : i32 to vector<16xi32>
    %add3A_1583 = arith.addi %get3A_1535, %add3A_1582 : vector<16xi32>
    %swap3A_1584 = arith.constant 4848 : index
    %swap3A_1585 = tpu.vector_load %arg9[%swap3A_1584] {strides = array<i32>} : memref<10240xi32, #tpu.memory_space<vmem>>, vector<16xi32>,
    tpu.vector_store %arg9[%swap3A_1584], %add3A_1583 {strides = array<i32>} : memref<10240xi32, #tpu.memory_space<vmem>>, vector<16xi32>,
    %add3A_1586 = arith.constant 1000000 : i32
    %add3A_1587 = vector.broadcast %add3A_1586 : i32 to vector<16xi32>
    %add3A_1588 = arith.addi %get3A_1535, %add3A_1587 : vector<16xi32>
    %swap3A_1589 = arith.constant 5360 : index
    %swap3A_1590 = tpu.vector_load %arg9[%swap3A_1589] {strides = array<i32>} : memref<10240xi32, #tpu.memory_space<vmem>>, vector<16xi32>,
    tpu.vector_store %arg9[%swap3A_1589], %add3A_1588 {strides = array<i32>} : memref<10240xi32, #tpu.memory_space<vmem>>, vector<16xi32>,
    %add3A_1591 = arith.constant 1100000 : i32
    %add3A_1592 = vector.broadcast %add3A_1591 : i32 to vector<16xi32>
    %add3A_1593 = arith.addi %get3A_1535, %add3A_1592 : vector<16xi32>
    %swap3A_1594 = arith.constant 5872 : index
    %swap3A_1595 = tpu.vector_load %arg9[%swap3A_1594] {strides = array<i32>} : memref<10240xi32, #tpu.memory_space<vmem>>, vector<16xi32>,
    tpu.vector_store %arg9[%swap3A_1594], %add3A_1593 {strides = array<i32>} : memref<10240xi32, #tpu.memory_space<vmem>>, vector<16xi32>,
    %add3A_1596 = arith.constant 1200000 : i32
    %add3A_1597 = vector.broadcast %add3A_1596 : i32 to vector<16xi32>
    %add3A_1598 = arith.addi %get3A_1535, %add3A_1597 : vector<16xi32>
    %swap3A_1599 = arith.constant 6384 : index
    %swap3A_1600 = tpu.vector_load %arg9[%swap3A_1599] {strides = array<i32>} : memref<10240xi32, #tpu.memory_space<vmem>>, vector<16xi32>,
    tpu.vector_store %arg9[%swap3A_1599], %add3A_1598 {strides = array<i32>} : memref<10240xi32, #tpu.memory_space<vmem>>, vector<16xi32>,
    %add3A_1601 = arith.constant 1300000 : i32
    %add3A_1602 = vector.broadcast %add3A_1601 : i32 to vector<16xi32>
    %add3A_1603 = arith.addi %get3A_1535, %add3A_1602 : vector<16xi32>
    %swap3A_1604 = arith.constant 6896 : index
    %swap3A_1605 = tpu.vector_load %arg9[%swap3A_1604] {strides = array<i32>} : memref<10240xi32, #tpu.memory_space<vmem>>, vector<16xi32>,
    tpu.vector_store %arg9[%swap3A_1604], %add3A_1603 {strides = array<i32>} : memref<10240xi32, #tpu.memory_space<vmem>>, vector<16xi32>,
    %add3A_1606 = arith.constant 1400000 : i32
    %add3A_1607 = vector.broadcast %add3A_1606 : i32 to vector<16xi32>
    %add3A_1608 = arith.addi %get3A_1535, %add3A_1607 : vector<16xi32>
    %swap3A_1609 = arith.constant 7408 : index
    %swap3A_1610 = tpu.vector_load %arg9[%swap3A_1609] {strides = array<i32>} : memref<10240xi32, #tpu.memory_space<vmem>>, vector<16xi32>,
    tpu.vector_store %arg9[%swap3A_1609], %add3A_1608 {strides = array<i32>} : memref<10240xi32, #tpu.memory_space<vmem>>, vector<16xi32>,
    %add3A_1611 = arith.constant 1500000 : i32
    %add3A_1612 = vector.broadcast %add3A_1611 : i32 to vector<16xi32>
    %add3A_1613 = arith.addi %get3A_1535, %add3A_1612 : vector<16xi32>
    %swap3A_1614 = arith.constant 7920 : index
    %swap3A_1615 = tpu.vector_load %arg9[%swap3A_1614] {strides = array<i32>} : memref<10240xi32, #tpu.memory_space<vmem>>, vector<16xi32>,
    tpu.vector_store %arg9[%swap3A_1614], %add3A_1613 {strides = array<i32>} : memref<10240xi32, #tpu.memory_space<vmem>>, vector<16xi32>,
    %add3A_1616 = arith.constant 1600000 : i32
    %add3A_1617 = vector.broadcast %add3A_1616 : i32 to vector<16xi32>
    %add3A_1618 = arith.addi %get3A_1535, %add3A_1617 : vector<16xi32>
    %swap3A_1619 = arith.constant 8432 : index
    %swap3A_1620 = tpu.vector_load %arg9[%swap3A_1619] {strides = array<i32>} : memref<10240xi32, #tpu.memory_space<vmem>>, vector<16xi32>,
    tpu.vector_store %arg9[%swap3A_1619], %add3A_1618 {strides = array<i32>} : memref<10240xi32, #tpu.memory_space<vmem>>, vector<16xi32>,
    %add3A_1621 = arith.constant 1700000 : i32
    %add3A_1622 = vector.broadcast %add3A_1621 : i32 to vector<16xi32>
    %add3A_1623 = arith.addi %get3A_1535, %add3A_1622 : vector<16xi32>
    %swap3A_1624 = arith.constant 8944 : index
    %swap3A_1625 = tpu.vector_load %arg9[%swap3A_1624] {strides = array<i32>} : memref<10240xi32, #tpu.memory_space<vmem>>, vector<16xi32>,
    tpu.vector_store %arg9[%swap3A_1624], %add3A_1623 {strides = array<i32>} : memref<10240xi32, #tpu.memory_space<vmem>>, vector<16xi32>,
    %add3A_1626 = arith.constant 1800000 : i32
    %add3A_1627 = vector.broadcast %add3A_1626 : i32 to vector<16xi32>
    %add3A_1628 = arith.addi %get3A_1535, %add3A_1627 : vector<16xi32>
    %swap3A_1629 = arith.constant 9456 : index
    %swap3A_1630 = tpu.vector_load %arg9[%swap3A_1629] {strides = array<i32>} : memref<10240xi32, #tpu.memory_space<vmem>>, vector<16xi32>,
    tpu.vector_store %arg9[%swap3A_1629], %add3A_1628 {strides = array<i32>} : memref<10240xi32, #tpu.memory_space<vmem>>, vector<16xi32>,
    %add3A_1631 = arith.constant 1900000 : i32
    %add3A_1632 = vector.broadcast %add3A_1631 : i32 to vector<16xi32>
    %add3A_1633 = arith.addi %get3A_1535, %add3A_1632 : vector<16xi32>
    %swap3A_1634 = arith.constant 9968 : index
    %swap3A_1635 = tpu.vector_load %arg9[%swap3A_1634] {strides = array<i32>} : memref<10240xi32, #tpu.memory_space<vmem>>, vector<16xi32>,
    tpu.vector_store %arg9[%swap3A_1634], %add3A_1633 {strides = array<i32>} : memref<10240xi32, #tpu.memory_space<vmem>>, vector<16xi32>,
    %get3A_1636 = arith.constant 256 : index
    %get3A_1637 = tpu.vector_load %arg8[%get3A_1636] {strides = array<i32>} : memref<512xi32, #tpu.memory_space<vmem>>, vector<16xi32>,
    %add3A_1638 = arith.constant 0 : i32
    %add3A_1639 = vector.broadcast %add3A_1638 : i32 to vector<16xi32>
    %add3A_1640 = arith.addi %get3A_1637, %add3A_1639 : vector<16xi32>
    %swap3A_1641 = arith.constant 256 : index
    %swap3A_1642 = tpu.vector_load %arg9[%swap3A_1641] {strides = array<i32>} : memref<10240xi32, #tpu.memory_space<vmem>>, vector<16xi32>,
    tpu.vector_store %arg9[%swap3A_1641], %add3A_1640 {strides = array<i32>} : memref<10240xi32, #tpu.memory_space<vmem>>, vector<16xi32>,
    %add3A_1643 = arith.constant 100000 : i32
    %add3A_1644 = vector.broadcast %add3A_1643 : i32 to vector<16xi32>
    %add3A_1645 = arith.addi %get3A_1637, %add3A_1644 : vector<16xi32>
    %swap3A_1646 = arith.constant 768 : index
    %swap3A_1647 = tpu.vector_load %arg9[%swap3A_1646] {strides = array<i32>} : memref<10240xi32, #tpu.memory_space<vmem>>, vector<16xi32>,
    tpu.vector_store %arg9[%swap3A_1646], %add3A_1645 {strides = array<i32>} : memref<10240xi32, #tpu.memory_space<vmem>>, vector<16xi32>,
    %add3A_1648 = arith.constant 200000 : i32
    %add3A_1649 = vector.broadcast %add3A_1648 : i32 to vector<16xi32>
    %add3A_1650 = arith.addi %get3A_1637, %add3A_1649 : vector<16xi32>
    %swap3A_1651 = arith.constant 1280 : index
    %swap3A_1652 = tpu.vector_load %arg9[%swap3A_1651] {strides = array<i32>} : memref<10240xi32, #tpu.memory_space<vmem>>, vector<16xi32>,
    tpu.vector_store %arg9[%swap3A_1651], %add3A_1650 {strides = array<i32>} : memref<10240xi32, #tpu.memory_space<vmem>>, vector<16xi32>,
    %add3A_1653 = arith.constant 300000 : i32
    %add3A_1654 = vector.broadcast %add3A_1653 : i32 to vector<16xi32>
    %add3A_1655 = arith.addi %get3A_1637, %add3A_1654 : vector<16xi32>
    %swap3A_1656 = arith.constant 1792 : index
    %swap3A_1657 = tpu.vector_load %arg9[%swap3A_1656] {strides = array<i32>} : memref<10240xi32, #tpu.memory_space<vmem>>, vector<16xi32>,
    tpu.vector_store %arg9[%swap3A_1656], %add3A_1655 {strides = array<i32>} : memref<10240xi32, #tpu.memory_space<vmem>>, vector<16xi32>,
    %add3A_1658 = arith.constant 400000 : i32
    %add3A_1659 = vector.broadcast %add3A_1658 : i32 to vector<16xi32>
    %add3A_1660 = arith.addi %get3A_1637, %add3A_1659 : vector<16xi32>
    %swap3A_1661 = arith.constant 2304 : index
    %swap3A_1662 = tpu.vector_load %arg9[%swap3A_1661] {strides = array<i32>} : memref<10240xi32, #tpu.memory_space<vmem>>, vector<16xi32>,
    tpu.vector_store %arg9[%swap3A_1661], %add3A_1660 {strides = array<i32>} : memref<10240xi32, #tpu.memory_space<vmem>>, vector<16xi32>,
    %add3A_1663 = arith.constant 500000 : i32
    %add3A_1664 = vector.broadcast %add3A_1663 : i32 to vector<16xi32>
    %add3A_1665 = arith.addi %get3A_1637, %add3A_1664 : vector<16xi32>
    %swap3A_1666 = arith.constant 2816 : index
    %swap3A_1667 = tpu.vector_load %arg9[%swap3A_1666] {strides = array<i32>} : memref<10240xi32, #tpu.memory_space<vmem>>, vector<16xi32>,
    tpu.vector_store %arg9[%swap3A_1666], %add3A_1665 {strides = array<i32>} : memref<10240xi32, #tpu.memory_space<vmem>>, vector<16xi32>,
    %add3A_1668 = arith.constant 600000 : i32
    %add3A_1669 = vector.broadcast %add3A_1668 : i32 to vector<16xi32>
    %add3A_1670 = arith.addi %get3A_1637, %add3A_1669 : vector<16xi32>
    %swap3A_1671 = arith.constant 3328 : index
    %swap3A_1672 = tpu.vector_load %arg9[%swap3A_1671] {strides = array<i32>} : memref<10240xi32, #tpu.memory_space<vmem>>, vector<16xi32>,
    tpu.vector_store %arg9[%swap3A_1671], %add3A_1670 {strides = array<i32>} : memref<10240xi32, #tpu.memory_space<vmem>>, vector<16xi32>,
    %add3A_1673 = arith.constant 700000 : i32
    %add3A_1674 = vector.broadcast %add3A_1673 : i32 to vector<16xi32>
    %add3A_1675 = arith.addi %get3A_1637, %add3A_1674 : vector<16xi32>
    %swap3A_1676 = arith.constant 3840 : index
    %swap3A_1677 = tpu.vector_load %arg9[%swap3A_1676] {strides = array<i32>} : memref<10240xi32, #tpu.memory_space<vmem>>, vector<16xi32>,
    tpu.vector_store %arg9[%swap3A_1676], %add3A_1675 {strides = array<i32>} : memref<10240xi32, #tpu.memory_space<vmem>>, vector<16xi32>,
    %add3A_1678 = arith.constant 800000 : i32
    %add3A_1679 = vector.broadcast %add3A_1678 : i32 to vector<16xi32>
    %add3A_1680 = arith.addi %get3A_1637, %add3A_1679 : vector<16xi32>
    %swap3A_1681 = arith.constant 4352 : index
    %swap3A_1682 = tpu.vector_load %arg9[%swap3A_1681] {strides = array<i32>} : memref<10240xi32, #tpu.memory_space<vmem>>, vector<16xi32>,
    tpu.vector_store %arg9[%swap3A_1681], %add3A_1680 {strides = array<i32>} : memref<10240xi32, #tpu.memory_space<vmem>>, vector<16xi32>,
    %add3A_1683 = arith.constant 900000 : i32
    %add3A_1684 = vector.broadcast %add3A_1683 : i32 to vector<16xi32>
    %add3A_1685 = arith.addi %get3A_1637, %add3A_1684 : vector<16xi32>
    %swap3A_1686 = arith.constant 4864 : index
    %swap3A_1687 = tpu.vector_load %arg9[%swap3A_1686] {strides = array<i32>} : memref<10240xi32, #tpu.memory_space<vmem>>, vector<16xi32>,
    tpu.vector_store %arg9[%swap3A_1686], %add3A_1685 {strides = array<i32>} : memref<10240xi32, #tpu.memory_space<vmem>>, vector<16xi32>,
    %add3A_1688 = arith.constant 1000000 : i32
    %add3A_1689 = vector.broadcast %add3A_1688 : i32 to vector<16xi32>
    %add3A_1690 = arith.addi %get3A_1637, %add3A_1689 : vector<16xi32>
    %swap3A_1691 = arith.constant 5376 : index
    %swap3A_1692 = tpu.vector_load %arg9[%swap3A_1691] {strides = array<i32>} : memref<10240xi32, #tpu.memory_space<vmem>>, vector<16xi32>,
    tpu.vector_store %arg9[%swap3A_1691], %add3A_1690 {strides = array<i32>} : memref<10240xi32, #tpu.memory_space<vmem>>, vector<16xi32>,
    %add3A_1693 = arith.constant 1100000 : i32
    %add3A_1694 = vector.broadcast %add3A_1693 : i32 to vector<16xi32>
    %add3A_1695 = arith.addi %get3A_1637, %add3A_1694 : vector<16xi32>
    %swap3A_1696 = arith.constant 5888 : index
    %swap3A_1697 = tpu.vector_load %arg9[%swap3A_1696] {strides = array<i32>} : memref<10240xi32, #tpu.memory_space<vmem>>, vector<16xi32>,
    tpu.vector_store %arg9[%swap3A_1696], %add3A_1695 {strides = array<i32>} : memref<10240xi32, #tpu.memory_space<vmem>>, vector<16xi32>,
    %add3A_1698 = arith.constant 1200000 : i32
    %add3A_1699 = vector.broadcast %add3A_1698 : i32 to vector<16xi32>
    %add3A_1700 = arith.addi %get3A_1637, %add3A_1699 : vector<16xi32>
    %swap3A_1701 = arith.constant 6400 : index
    %swap3A_1702 = tpu.vector_load %arg9[%swap3A_1701] {strides = array<i32>} : memref<10240xi32, #tpu.memory_space<vmem>>, vector<16xi32>,
    tpu.vector_store %arg9[%swap3A_1701], %add3A_1700 {strides = array<i32>} : memref<10240xi32, #tpu.memory_space<vmem>>, vector<16xi32>,
    %add3A_1703 = arith.constant 1300000 : i32
    %add3A_1704 = vector.broadcast %add3A_1703 : i32 to vector<16xi32>
    %add3A_1705 = arith.addi %get3A_1637, %add3A_1704 : vector<16xi32>
    %swap3A_1706 = arith.constant 6912 : index
    %swap3A_1707 = tpu.vector_load %arg9[%swap3A_1706] {strides = array<i32>} : memref<10240xi32, #tpu.memory_space<vmem>>, vector<16xi32>,
    tpu.vector_store %arg9[%swap3A_1706], %add3A_1705 {strides = array<i32>} : memref<10240xi32, #tpu.memory_space<vmem>>, vector<16xi32>,
    %add3A_1708 = arith.constant 1400000 : i32
    %add3A_1709 = vector.broadcast %add3A_1708 : i32 to vector<16xi32>
    %add3A_1710 = arith.addi %get3A_1637, %add3A_1709 : vector<16xi32>
    %swap3A_1711 = arith.constant 7424 : index
    %swap3A_1712 = tpu.vector_load %arg9[%swap3A_1711] {strides = array<i32>} : memref<10240xi32, #tpu.memory_space<vmem>>, vector<16xi32>,
    tpu.vector_store %arg9[%swap3A_1711], %add3A_1710 {strides = array<i32>} : memref<10240xi32, #tpu.memory_space<vmem>>, vector<16xi32>,
    %add3A_1713 = arith.constant 1500000 : i32
    %add3A_1714 = vector.broadcast %add3A_1713 : i32 to vector<16xi32>
    %add3A_1715 = arith.addi %get3A_1637, %add3A_1714 : vector<16xi32>
    %swap3A_1716 = arith.constant 7936 : index
    %swap3A_1717 = tpu.vector_load %arg9[%swap3A_1716] {strides = array<i32>} : memref<10240xi32, #tpu.memory_space<vmem>>, vector<16xi32>,
    tpu.vector_store %arg9[%swap3A_1716], %add3A_1715 {strides = array<i32>} : memref<10240xi32, #tpu.memory_space<vmem>>, vector<16xi32>,
    %add3A_1718 = arith.constant 1600000 : i32
    %add3A_1719 = vector.broadcast %add3A_1718 : i32 to vector<16xi32>
    %add3A_1720 = arith.addi %get3A_1637, %add3A_1719 : vector<16xi32>
    %swap3A_1721 = arith.constant 8448 : index
    %swap3A_1722 = tpu.vector_load %arg9[%swap3A_1721] {strides = array<i32>} : memref<10240xi32, #tpu.memory_space<vmem>>, vector<16xi32>,
    tpu.vector_store %arg9[%swap3A_1721], %add3A_1720 {strides = array<i32>} : memref<10240xi32, #tpu.memory_space<vmem>>, vector<16xi32>,
    %add3A_1723 = arith.constant 1700000 : i32
    %add3A_1724 = vector.broadcast %add3A_1723 : i32 to vector<16xi32>
    %add3A_1725 = arith.addi %get3A_1637, %add3A_1724 : vector<16xi32>
    %swap3A_1726 = arith.constant 8960 : index
    %swap3A_1727 = tpu.vector_load %arg9[%swap3A_1726] {strides = array<i32>} : memref<10240xi32, #tpu.memory_space<vmem>>, vector<16xi32>,
    tpu.vector_store %arg9[%swap3A_1726], %add3A_1725 {strides = array<i32>} : memref<10240xi32, #tpu.memory_space<vmem>>, vector<16xi32>,
    %add3A_1728 = arith.constant 1800000 : i32
    %add3A_1729 = vector.broadcast %add3A_1728 : i32 to vector<16xi32>
    %add3A_1730 = arith.addi %get3A_1637, %add3A_1729 : vector<16xi32>
    %swap3A_1731 = arith.constant 9472 : index
    %swap3A_1732 = tpu.vector_load %arg9[%swap3A_1731] {strides = array<i32>} : memref<10240xi32, #tpu.memory_space<vmem>>, vector<16xi32>,
    tpu.vector_store %arg9[%swap3A_1731], %add3A_1730 {strides = array<i32>} : memref<10240xi32, #tpu.memory_space<vmem>>, vector<16xi32>,
    %add3A_1733 = arith.constant 1900000 : i32
    %add3A_1734 = vector.broadcast %add3A_1733 : i32 to vector<16xi32>
    %add3A_1735 = arith.addi %get3A_1637, %add3A_1734 : vector<16xi32>
    %swap3A_1736 = arith.constant 9984 : index
    %swap3A_1737 = tpu.vector_load %arg9[%swap3A_1736] {strides = array<i32>} : memref<10240xi32, #tpu.memory_space<vmem>>, vector<16xi32>,
    tpu.vector_store %arg9[%swap3A_1736], %add3A_1735 {strides = array<i32>} : memref<10240xi32, #tpu.memory_space<vmem>>, vector<16xi32>,
    %get3A_1738 = arith.constant 272 : index
    %get3A_1739 = tpu.vector_load %arg8[%get3A_1738] {strides = array<i32>} : memref<512xi32, #tpu.memory_space<vmem>>, vector<16xi32>,
    %add3A_1740 = arith.constant 0 : i32
    %add3A_1741 = vector.broadcast %add3A_1740 : i32 to vector<16xi32>
    %add3A_1742 = arith.addi %get3A_1739, %add3A_1741 : vector<16xi32>
    %swap3A_1743 = arith.constant 272 : index
    %swap3A_1744 = tpu.vector_load %arg9[%swap3A_1743] {strides = array<i32>} : memref<10240xi32, #tpu.memory_space<vmem>>, vector<16xi32>,
    tpu.vector_store %arg9[%swap3A_1743], %add3A_1742 {strides = array<i32>} : memref<10240xi32, #tpu.memory_space<vmem>>, vector<16xi32>,
    %add3A_1745 = arith.constant 100000 : i32
    %add3A_1746 = vector.broadcast %add3A_1745 : i32 to vector<16xi32>
    %add3A_1747 = arith.addi %get3A_1739, %add3A_1746 : vector<16xi32>
    %swap3A_1748 = arith.constant 784 : index
    %swap3A_1749 = tpu.vector_load %arg9[%swap3A_1748] {strides = array<i32>} : memref<10240xi32, #tpu.memory_space<vmem>>, vector<16xi32>,
    tpu.vector_store %arg9[%swap3A_1748], %add3A_1747 {strides = array<i32>} : memref<10240xi32, #tpu.memory_space<vmem>>, vector<16xi32>,
    %add3A_1750 = arith.constant 200000 : i32
    %add3A_1751 = vector.broadcast %add3A_1750 : i32 to vector<16xi32>
    %add3A_1752 = arith.addi %get3A_1739, %add3A_1751 : vector<16xi32>
    %swap3A_1753 = arith.constant 1296 : index
    %swap3A_1754 = tpu.vector_load %arg9[%swap3A_1753] {strides = array<i32>} : memref<10240xi32, #tpu.memory_space<vmem>>, vector<16xi32>,
    tpu.vector_store %arg9[%swap3A_1753], %add3A_1752 {strides = array<i32>} : memref<10240xi32, #tpu.memory_space<vmem>>, vector<16xi32>,
    %add3A_1755 = arith.constant 300000 : i32
    %add3A_1756 = vector.broadcast %add3A_1755 : i32 to vector<16xi32>
    %add3A_1757 = arith.addi %get3A_1739, %add3A_1756 : vector<16xi32>
    %swap3A_1758 = arith.constant 1808 : index
    %swap3A_1759 = tpu.vector_load %arg9[%swap3A_1758] {strides = array<i32>} : memref<10240xi32, #tpu.memory_space<vmem>>, vector<16xi32>,
    tpu.vector_store %arg9[%swap3A_1758], %add3A_1757 {strides = array<i32>} : memref<10240xi32, #tpu.memory_space<vmem>>, vector<16xi32>,
    %add3A_1760 = arith.constant 400000 : i32
    %add3A_1761 = vector.broadcast %add3A_1760 : i32 to vector<16xi32>
    %add3A_1762 = arith.addi %get3A_1739, %add3A_1761 : vector<16xi32>
    %swap3A_1763 = arith.constant 2320 : index
    %swap3A_1764 = tpu.vector_load %arg9[%swap3A_1763] {strides = array<i32>} : memref<10240xi32, #tpu.memory_space<vmem>>, vector<16xi32>,
    tpu.vector_store %arg9[%swap3A_1763], %add3A_1762 {strides = array<i32>} : memref<10240xi32, #tpu.memory_space<vmem>>, vector<16xi32>,
    %add3A_1765 = arith.constant 500000 : i32
    %add3A_1766 = vector.broadcast %add3A_1765 : i32 to vector<16xi32>
    %add3A_1767 = arith.addi %get3A_1739, %add3A_1766 : vector<16xi32>
    %swap3A_1768 = arith.constant 2832 : index
    %swap3A_1769 = tpu.vector_load %arg9[%swap3A_1768] {strides = array<i32>} : memref<10240xi32, #tpu.memory_space<vmem>>, vector<16xi32>,
    tpu.vector_store %arg9[%swap3A_1768], %add3A_1767 {strides = array<i32>} : memref<10240xi32, #tpu.memory_space<vmem>>, vector<16xi32>,
    %add3A_1770 = arith.constant 600000 : i32
    %add3A_1771 = vector.broadcast %add3A_1770 : i32 to vector<16xi32>
    %add3A_1772 = arith.addi %get3A_1739, %add3A_1771 : vector<16xi32>
    %swap3A_1773 = arith.constant 3344 : index
    %swap3A_1774 = tpu.vector_load %arg9[%swap3A_1773] {strides = array<i32>} : memref<10240xi32, #tpu.memory_space<vmem>>, vector<16xi32>,
    tpu.vector_store %arg9[%swap3A_1773], %add3A_1772 {strides = array<i32>} : memref<10240xi32, #tpu.memory_space<vmem>>, vector<16xi32>,
    %add3A_1775 = arith.constant 700000 : i32
    %add3A_1776 = vector.broadcast %add3A_1775 : i32 to vector<16xi32>
    %add3A_1777 = arith.addi %get3A_1739, %add3A_1776 : vector<16xi32>
    %swap3A_1778 = arith.constant 3856 : index
    %swap3A_1779 = tpu.vector_load %arg9[%swap3A_1778] {strides = array<i32>} : memref<10240xi32, #tpu.memory_space<vmem>>, vector<16xi32>,
    tpu.vector_store %arg9[%swap3A_1778], %add3A_1777 {strides = array<i32>} : memref<10240xi32, #tpu.memory_space<vmem>>, vector<16xi32>,
    %add3A_1780 = arith.constant 800000 : i32
    %add3A_1781 = vector.broadcast %add3A_1780 : i32 to vector<16xi32>
    %add3A_1782 = arith.addi %get3A_1739, %add3A_1781 : vector<16xi32>
    %swap3A_1783 = arith.constant 4368 : index
    %swap3A_1784 = tpu.vector_load %arg9[%swap3A_1783] {strides = array<i32>} : memref<10240xi32, #tpu.memory_space<vmem>>, vector<16xi32>,
    tpu.vector_store %arg9[%swap3A_1783], %add3A_1782 {strides = array<i32>} : memref<10240xi32, #tpu.memory_space<vmem>>, vector<16xi32>,
    %add3A_1785 = arith.constant 900000 : i32
    %add3A_1786 = vector.broadcast %add3A_1785 : i32 to vector<16xi32>
    %add3A_1787 = arith.addi %get3A_1739, %add3A_1786 : vector<16xi32>
    %swap3A_1788 = arith.constant 4880 : index
    %swap3A_1789 = tpu.vector_load %arg9[%swap3A_1788] {strides = array<i32>} : memref<10240xi32, #tpu.memory_space<vmem>>, vector<16xi32>,
    tpu.vector_store %arg9[%swap3A_1788], %add3A_1787 {strides = array<i32>} : memref<10240xi32, #tpu.memory_space<vmem>>, vector<16xi32>,
    %add3A_1790 = arith.constant 1000000 : i32
    %add3A_1791 = vector.broadcast %add3A_1790 : i32 to vector<16xi32>
    %add3A_1792 = arith.addi %get3A_1739, %add3A_1791 : vector<16xi32>
    %swap3A_1793 = arith.constant 5392 : index
    %swap3A_1794 = tpu.vector_load %arg9[%swap3A_1793] {strides = array<i32>} : memref<10240xi32, #tpu.memory_space<vmem>>, vector<16xi32>,
    tpu.vector_store %arg9[%swap3A_1793], %add3A_1792 {strides = array<i32>} : memref<10240xi32, #tpu.memory_space<vmem>>, vector<16xi32>,
    %add3A_1795 = arith.constant 1100000 : i32
    %add3A_1796 = vector.broadcast %add3A_1795 : i32 to vector<16xi32>
    %add3A_1797 = arith.addi %get3A_1739, %add3A_1796 : vector<16xi32>
    %swap3A_1798 = arith.constant 5904 : index
    %swap3A_1799 = tpu.vector_load %arg9[%swap3A_1798] {strides = array<i32>} : memref<10240xi32, #tpu.memory_space<vmem>>, vector<16xi32>,
    tpu.vector_store %arg9[%swap3A_1798], %add3A_1797 {strides = array<i32>} : memref<10240xi32, #tpu.memory_space<vmem>>, vector<16xi32>,
    %add3A_1800 = arith.constant 1200000 : i32
    %add3A_1801 = vector.broadcast %add3A_1800 : i32 to vector<16xi32>
    %add3A_1802 = arith.addi %get3A_1739, %add3A_1801 : vector<16xi32>
    %swap3A_1803 = arith.constant 6416 : index
    %swap3A_1804 = tpu.vector_load %arg9[%swap3A_1803] {strides = array<i32>} : memref<10240xi32, #tpu.memory_space<vmem>>, vector<16xi32>,
    tpu.vector_store %arg9[%swap3A_1803], %add3A_1802 {strides = array<i32>} : memref<10240xi32, #tpu.memory_space<vmem>>, vector<16xi32>,
    %add3A_1805 = arith.constant 1300000 : i32
    %add3A_1806 = vector.broadcast %add3A_1805 : i32 to vector<16xi32>
    %add3A_1807 = arith.addi %get3A_1739, %add3A_1806 : vector<16xi32>
    %swap3A_1808 = arith.constant 6928 : index
    %swap3A_1809 = tpu.vector_load %arg9[%swap3A_1808] {strides = array<i32>} : memref<10240xi32, #tpu.memory_space<vmem>>, vector<16xi32>,
    tpu.vector_store %arg9[%swap3A_1808], %add3A_1807 {strides = array<i32>} : memref<10240xi32, #tpu.memory_space<vmem>>, vector<16xi32>,
    %add3A_1810 = arith.constant 1400000 : i32
    %add3A_1811 = vector.broadcast %add3A_1810 : i32 to vector<16xi32>
    %add3A_1812 = arith.addi %get3A_1739, %add3A_1811 : vector<16xi32>
    %swap3A_1813 = arith.constant 7440 : index
    %swap3A_1814 = tpu.vector_load %arg9[%swap3A_1813] {strides = array<i32>} : memref<10240xi32, #tpu.memory_space<vmem>>, vector<16xi32>,
    tpu.vector_store %arg9[%swap3A_1813], %add3A_1812 {strides = array<i32>} : memref<10240xi32, #tpu.memory_space<vmem>>, vector<16xi32>,
    %add3A_1815 = arith.constant 1500000 : i32
    %add3A_1816 = vector.broadcast %add3A_1815 : i32 to vector<16xi32>
    %add3A_1817 = arith.addi %get3A_1739, %add3A_1816 : vector<16xi32>
    %swap3A_1818 = arith.constant 7952 : index
    %swap3A_1819 = tpu.vector_load %arg9[%swap3A_1818] {strides = array<i32>} : memref<10240xi32, #tpu.memory_space<vmem>>, vector<16xi32>,
    tpu.vector_store %arg9[%swap3A_1818], %add3A_1817 {strides = array<i32>} : memref<10240xi32, #tpu.memory_space<vmem>>, vector<16xi32>,
    %add3A_1820 = arith.constant 1600000 : i32
    %add3A_1821 = vector.broadcast %add3A_1820 : i32 to vector<16xi32>
    %add3A_1822 = arith.addi %get3A_1739, %add3A_1821 : vector<16xi32>
    %swap3A_1823 = arith.constant 8464 : index
    %swap3A_1824 = tpu.vector_load %arg9[%swap3A_1823] {strides = array<i32>} : memref<10240xi32, #tpu.memory_space<vmem>>, vector<16xi32>,
    tpu.vector_store %arg9[%swap3A_1823], %add3A_1822 {strides = array<i32>} : memref<10240xi32, #tpu.memory_space<vmem>>, vector<16xi32>,
    %add3A_1825 = arith.constant 1700000 : i32
    %add3A_1826 = vector.broadcast %add3A_1825 : i32 to vector<16xi32>
    %add3A_1827 = arith.addi %get3A_1739, %add3A_1826 : vector<16xi32>
    %swap3A_1828 = arith.constant 8976 : index
    %swap3A_1829 = tpu.vector_load %arg9[%swap3A_1828] {strides = array<i32>} : memref<10240xi32, #tpu.memory_space<vmem>>, vector<16xi32>,
    tpu.vector_store %arg9[%swap3A_1828], %add3A_1827 {strides = array<i32>} : memref<10240xi32, #tpu.memory_space<vmem>>, vector<16xi32>,
    %add3A_1830 = arith.constant 1800000 : i32
    %add3A_1831 = vector.broadcast %add3A_1830 : i32 to vector<16xi32>
    %add3A_1832 = arith.addi %get3A_1739, %add3A_1831 : vector<16xi32>
    %swap3A_1833 = arith.constant 9488 : index
    %swap3A_1834 = tpu.vector_load %arg9[%swap3A_1833] {strides = array<i32>} : memref<10240xi32, #tpu.memory_space<vmem>>, vector<16xi32>,
    tpu.vector_store %arg9[%swap3A_1833], %add3A_1832 {strides = array<i32>} : memref<10240xi32, #tpu.memory_space<vmem>>, vector<16xi32>,
    %add3A_1835 = arith.constant 1900000 : i32
    %add3A_1836 = vector.broadcast %add3A_1835 : i32 to vector<16xi32>
    %add3A_1837 = arith.addi %get3A_1739, %add3A_1836 : vector<16xi32>
    %swap3A_1838 = arith.constant 10000 : index
    %swap3A_1839 = tpu.vector_load %arg9[%swap3A_1838] {strides = array<i32>} : memref<10240xi32, #tpu.memory_space<vmem>>, vector<16xi32>,
    tpu.vector_store %arg9[%swap3A_1838], %add3A_1837 {strides = array<i32>} : memref<10240xi32, #tpu.memory_space<vmem>>, vector<16xi32>,
    %get3A_1840 = arith.constant 288 : index
    %get3A_1841 = tpu.vector_load %arg8[%get3A_1840] {strides = array<i32>} : memref<512xi32, #tpu.memory_space<vmem>>, vector<16xi32>,
    %add3A_1842 = arith.constant 0 : i32
    %add3A_1843 = vector.broadcast %add3A_1842 : i32 to vector<16xi32>
    %add3A_1844 = arith.addi %get3A_1841, %add3A_1843 : vector<16xi32>
    %swap3A_1845 = arith.constant 288 : index
    %swap3A_1846 = tpu.vector_load %arg9[%swap3A_1845] {strides = array<i32>} : memref<10240xi32, #tpu.memory_space<vmem>>, vector<16xi32>,
    tpu.vector_store %arg9[%swap3A_1845], %add3A_1844 {strides = array<i32>} : memref<10240xi32, #tpu.memory_space<vmem>>, vector<16xi32>,
    %add3A_1847 = arith.constant 100000 : i32
    %add3A_1848 = vector.broadcast %add3A_1847 : i32 to vector<16xi32>
    %add3A_1849 = arith.addi %get3A_1841, %add3A_1848 : vector<16xi32>
    %swap3A_1850 = arith.constant 800 : index
    %swap3A_1851 = tpu.vector_load %arg9[%swap3A_1850] {strides = array<i32>} : memref<10240xi32, #tpu.memory_space<vmem>>, vector<16xi32>,
    tpu.vector_store %arg9[%swap3A_1850], %add3A_1849 {strides = array<i32>} : memref<10240xi32, #tpu.memory_space<vmem>>, vector<16xi32>,
    %add3A_1852 = arith.constant 200000 : i32
    %add3A_1853 = vector.broadcast %add3A_1852 : i32 to vector<16xi32>
    %add3A_1854 = arith.addi %get3A_1841, %add3A_1853 : vector<16xi32>
    %swap3A_1855 = arith.constant 1312 : index
    %swap3A_1856 = tpu.vector_load %arg9[%swap3A_1855] {strides = array<i32>} : memref<10240xi32, #tpu.memory_space<vmem>>, vector<16xi32>,
    tpu.vector_store %arg9[%swap3A_1855], %add3A_1854 {strides = array<i32>} : memref<10240xi32, #tpu.memory_space<vmem>>, vector<16xi32>,
    %add3A_1857 = arith.constant 300000 : i32
    %add3A_1858 = vector.broadcast %add3A_1857 : i32 to vector<16xi32>
    %add3A_1859 = arith.addi %get3A_1841, %add3A_1858 : vector<16xi32>
    %swap3A_1860 = arith.constant 1824 : index
    %swap3A_1861 = tpu.vector_load %arg9[%swap3A_1860] {strides = array<i32>} : memref<10240xi32, #tpu.memory_space<vmem>>, vector<16xi32>,
    tpu.vector_store %arg9[%swap3A_1860], %add3A_1859 {strides = array<i32>} : memref<10240xi32, #tpu.memory_space<vmem>>, vector<16xi32>,
    %add3A_1862 = arith.constant 400000 : i32
    %add3A_1863 = vector.broadcast %add3A_1862 : i32 to vector<16xi32>
    %add3A_1864 = arith.addi %get3A_1841, %add3A_1863 : vector<16xi32>
    %swap3A_1865 = arith.constant 2336 : index
    %swap3A_1866 = tpu.vector_load %arg9[%swap3A_1865] {strides = array<i32>} : memref<10240xi32, #tpu.memory_space<vmem>>, vector<16xi32>,
    tpu.vector_store %arg9[%swap3A_1865], %add3A_1864 {strides = array<i32>} : memref<10240xi32, #tpu.memory_space<vmem>>, vector<16xi32>,
    %add3A_1867 = arith.constant 500000 : i32
    %add3A_1868 = vector.broadcast %add3A_1867 : i32 to vector<16xi32>
    %add3A_1869 = arith.addi %get3A_1841, %add3A_1868 : vector<16xi32>
    %swap3A_1870 = arith.constant 2848 : index
    %swap3A_1871 = tpu.vector_load %arg9[%swap3A_1870] {strides = array<i32>} : memref<10240xi32, #tpu.memory_space<vmem>>, vector<16xi32>,
    tpu.vector_store %arg9[%swap3A_1870], %add3A_1869 {strides = array<i32>} : memref<10240xi32, #tpu.memory_space<vmem>>, vector<16xi32>,
    %add3A_1872 = arith.constant 600000 : i32
    %add3A_1873 = vector.broadcast %add3A_1872 : i32 to vector<16xi32>
    %add3A_1874 = arith.addi %get3A_1841, %add3A_1873 : vector<16xi32>
    %swap3A_1875 = arith.constant 3360 : index
    %swap3A_1876 = tpu.vector_load %arg9[%swap3A_1875] {strides = array<i32>} : memref<10240xi32, #tpu.memory_space<vmem>>, vector<16xi32>,
    tpu.vector_store %arg9[%swap3A_1875], %add3A_1874 {strides = array<i32>} : memref<10240xi32, #tpu.memory_space<vmem>>, vector<16xi32>,
    %add3A_1877 = arith.constant 700000 : i32
    %add3A_1878 = vector.broadcast %add3A_1877 : i32 to vector<16xi32>
    %add3A_1879 = arith.addi %get3A_1841, %add3A_1878 : vector<16xi32>
    %swap3A_1880 = arith.constant 3872 : index
    %swap3A_1881 = tpu.vector_load %arg9[%swap3A_1880] {strides = array<i32>} : memref<10240xi32, #tpu.memory_space<vmem>>, vector<16xi32>,
    tpu.vector_store %arg9[%swap3A_1880], %add3A_1879 {strides = array<i32>} : memref<10240xi32, #tpu.memory_space<vmem>>, vector<16xi32>,
    %add3A_1882 = arith.constant 800000 : i32
    %add3A_1883 = vector.broadcast %add3A_1882 : i32 to vector<16xi32>
    %add3A_1884 = arith.addi %get3A_1841, %add3A_1883 : vector<16xi32>
    %swap3A_1885 = arith.constant 4384 : index
    %swap3A_1886 = tpu.vector_load %arg9[%swap3A_1885] {strides = array<i32>} : memref<10240xi32, #tpu.memory_space<vmem>>, vector<16xi32>,
    tpu.vector_store %arg9[%swap3A_1885], %add3A_1884 {strides = array<i32>} : memref<10240xi32, #tpu.memory_space<vmem>>, vector<16xi32>,
    %add3A_1887 = arith.constant 900000 : i32
    %add3A_1888 = vector.broadcast %add3A_1887 : i32 to vector<16xi32>
    %add3A_1889 = arith.addi %get3A_1841, %add3A_1888 : vector<16xi32>
    %swap3A_1890 = arith.constant 4896 : index
    %swap3A_1891 = tpu.vector_load %arg9[%swap3A_1890] {strides = array<i32>} : memref<10240xi32, #tpu.memory_space<vmem>>, vector<16xi32>,
    tpu.vector_store %arg9[%swap3A_1890], %add3A_1889 {strides = array<i32>} : memref<10240xi32, #tpu.memory_space<vmem>>, vector<16xi32>,
    %add3A_1892 = arith.constant 1000000 : i32
    %add3A_1893 = vector.broadcast %add3A_1892 : i32 to vector<16xi32>
    %add3A_1894 = arith.addi %get3A_1841, %add3A_1893 : vector<16xi32>
    %swap3A_1895 = arith.constant 5408 : index
    %swap3A_1896 = tpu.vector_load %arg9[%swap3A_1895] {strides = array<i32>} : memref<10240xi32, #tpu.memory_space<vmem>>, vector<16xi32>,
    tpu.vector_store %arg9[%swap3A_1895], %add3A_1894 {strides = array<i32>} : memref<10240xi32, #tpu.memory_space<vmem>>, vector<16xi32>,
    %add3A_1897 = arith.constant 1100000 : i32
    %add3A_1898 = vector.broadcast %add3A_1897 : i32 to vector<16xi32>
    %add3A_1899 = arith.addi %get3A_1841, %add3A_1898 : vector<16xi32>
    %swap3A_1900 = arith.constant 5920 : index
    %swap3A_1901 = tpu.vector_load %arg9[%swap3A_1900] {strides = array<i32>} : memref<10240xi32, #tpu.memory_space<vmem>>, vector<16xi32>,
    tpu.vector_store %arg9[%swap3A_1900], %add3A_1899 {strides = array<i32>} : memref<10240xi32, #tpu.memory_space<vmem>>, vector<16xi32>,
    %add3A_1902 = arith.constant 1200000 : i32
    %add3A_1903 = vector.broadcast %add3A_1902 : i32 to vector<16xi32>
    %add3A_1904 = arith.addi %get3A_1841, %add3A_1903 : vector<16xi32>
    %swap3A_1905 = arith.constant 6432 : index
    %swap3A_1906 = tpu.vector_load %arg9[%swap3A_1905] {strides = array<i32>} : memref<10240xi32, #tpu.memory_space<vmem>>, vector<16xi32>,
    tpu.vector_store %arg9[%swap3A_1905], %add3A_1904 {strides = array<i32>} : memref<10240xi32, #tpu.memory_space<vmem>>, vector<16xi32>,
    %add3A_1907 = arith.constant 1300000 : i32
    %add3A_1908 = vector.broadcast %add3A_1907 : i32 to vector<16xi32>
    %add3A_1909 = arith.addi %get3A_1841, %add3A_1908 : vector<16xi32>
    %swap3A_1910 = arith.constant 6944 : index
    %swap3A_1911 = tpu.vector_load %arg9[%swap3A_1910] {strides = array<i32>} : memref<10240xi32, #tpu.memory_space<vmem>>, vector<16xi32>,
    tpu.vector_store %arg9[%swap3A_1910], %add3A_1909 {strides = array<i32>} : memref<10240xi32, #tpu.memory_space<vmem>>, vector<16xi32>,
    %add3A_1912 = arith.constant 1400000 : i32
    %add3A_1913 = vector.broadcast %add3A_1912 : i32 to vector<16xi32>
    %add3A_1914 = arith.addi %get3A_1841, %add3A_1913 : vector<16xi32>
    %swap3A_1915 = arith.constant 7456 : index
    %swap3A_1916 = tpu.vector_load %arg9[%swap3A_1915] {strides = array<i32>} : memref<10240xi32, #tpu.memory_space<vmem>>, vector<16xi32>,
    tpu.vector_store %arg9[%swap3A_1915], %add3A_1914 {strides = array<i32>} : memref<10240xi32, #tpu.memory_space<vmem>>, vector<16xi32>,
    %add3A_1917 = arith.constant 1500000 : i32
    %add3A_1918 = vector.broadcast %add3A_1917 : i32 to vector<16xi32>
    %add3A_1919 = arith.addi %get3A_1841, %add3A_1918 : vector<16xi32>
    %swap3A_1920 = arith.constant 7968 : index
    %swap3A_1921 = tpu.vector_load %arg9[%swap3A_1920] {strides = array<i32>} : memref<10240xi32, #tpu.memory_space<vmem>>, vector<16xi32>,
    tpu.vector_store %arg9[%swap3A_1920], %add3A_1919 {strides = array<i32>} : memref<10240xi32, #tpu.memory_space<vmem>>, vector<16xi32>,
    %add3A_1922 = arith.constant 1600000 : i32
    %add3A_1923 = vector.broadcast %add3A_1922 : i32 to vector<16xi32>
    %add3A_1924 = arith.addi %get3A_1841, %add3A_1923 : vector<16xi32>
    %swap3A_1925 = arith.constant 8480 : index
    %swap3A_1926 = tpu.vector_load %arg9[%swap3A_1925] {strides = array<i32>} : memref<10240xi32, #tpu.memory_space<vmem>>, vector<16xi32>,
    tpu.vector_store %arg9[%swap3A_1925], %add3A_1924 {strides = array<i32>} : memref<10240xi32, #tpu.memory_space<vmem>>, vector<16xi32>,
    %add3A_1927 = arith.constant 1700000 : i32
    %add3A_1928 = vector.broadcast %add3A_1927 : i32 to vector<16xi32>
    %add3A_1929 = arith.addi %get3A_1841, %add3A_1928 : vector<16xi32>
    %swap3A_1930 = arith.constant 8992 : index
    %swap3A_1931 = tpu.vector_load %arg9[%swap3A_1930] {strides = array<i32>} : memref<10240xi32, #tpu.memory_space<vmem>>, vector<16xi32>,
    tpu.vector_store %arg9[%swap3A_1930], %add3A_1929 {strides = array<i32>} : memref<10240xi32, #tpu.memory_space<vmem>>, vector<16xi32>,
    %add3A_1932 = arith.constant 1800000 : i32
    %add3A_1933 = vector.broadcast %add3A_1932 : i32 to vector<16xi32>
    %add3A_1934 = arith.addi %get3A_1841, %add3A_1933 : vector<16xi32>
    %swap3A_1935 = arith.constant 9504 : index
    %swap3A_1936 = tpu.vector_load %arg9[%swap3A_1935] {strides = array<i32>} : memref<10240xi32, #tpu.memory_space<vmem>>, vector<16xi32>,
    tpu.vector_store %arg9[%swap3A_1935], %add3A_1934 {strides = array<i32>} : memref<10240xi32, #tpu.memory_space<vmem>>, vector<16xi32>,
    %add3A_1937 = arith.constant 1900000 : i32
    %add3A_1938 = vector.broadcast %add3A_1937 : i32 to vector<16xi32>
    %add3A_1939 = arith.addi %get3A_1841, %add3A_1938 : vector<16xi32>
    %swap3A_1940 = arith.constant 10016 : index
    %swap3A_1941 = tpu.vector_load %arg9[%swap3A_1940] {strides = array<i32>} : memref<10240xi32, #tpu.memory_space<vmem>>, vector<16xi32>,
    tpu.vector_store %arg9[%swap3A_1940], %add3A_1939 {strides = array<i32>} : memref<10240xi32, #tpu.memory_space<vmem>>, vector<16xi32>,
    %get3A_1942 = arith.constant 304 : index
    %get3A_1943 = tpu.vector_load %arg8[%get3A_1942] {strides = array<i32>} : memref<512xi32, #tpu.memory_space<vmem>>, vector<16xi32>,
    %add3A_1944 = arith.constant 0 : i32
    %add3A_1945 = vector.broadcast %add3A_1944 : i32 to vector<16xi32>
    %add3A_1946 = arith.addi %get3A_1943, %add3A_1945 : vector<16xi32>
    %swap3A_1947 = arith.constant 304 : index
    %swap3A_1948 = tpu.vector_load %arg9[%swap3A_1947] {strides = array<i32>} : memref<10240xi32, #tpu.memory_space<vmem>>, vector<16xi32>,
    tpu.vector_store %arg9[%swap3A_1947], %add3A_1946 {strides = array<i32>} : memref<10240xi32, #tpu.memory_space<vmem>>, vector<16xi32>,
    %add3A_1949 = arith.constant 100000 : i32
    %add3A_1950 = vector.broadcast %add3A_1949 : i32 to vector<16xi32>
    %add3A_1951 = arith.addi %get3A_1943, %add3A_1950 : vector<16xi32>
    %swap3A_1952 = arith.constant 816 : index
    %swap3A_1953 = tpu.vector_load %arg9[%swap3A_1952] {strides = array<i32>} : memref<10240xi32, #tpu.memory_space<vmem>>, vector<16xi32>,
    tpu.vector_store %arg9[%swap3A_1952], %add3A_1951 {strides = array<i32>} : memref<10240xi32, #tpu.memory_space<vmem>>, vector<16xi32>,
    %add3A_1954 = arith.constant 200000 : i32
    %add3A_1955 = vector.broadcast %add3A_1954 : i32 to vector<16xi32>
    %add3A_1956 = arith.addi %get3A_1943, %add3A_1955 : vector<16xi32>
    %swap3A_1957 = arith.constant 1328 : index
    %swap3A_1958 = tpu.vector_load %arg9[%swap3A_1957] {strides = array<i32>} : memref<10240xi32, #tpu.memory_space<vmem>>, vector<16xi32>,
    tpu.vector_store %arg9[%swap3A_1957], %add3A_1956 {strides = array<i32>} : memref<10240xi32, #tpu.memory_space<vmem>>, vector<16xi32>,
    %add3A_1959 = arith.constant 300000 : i32
    %add3A_1960 = vector.broadcast %add3A_1959 : i32 to vector<16xi32>
    %add3A_1961 = arith.addi %get3A_1943, %add3A_1960 : vector<16xi32>
    %swap3A_1962 = arith.constant 1840 : index
    %swap3A_1963 = tpu.vector_load %arg9[%swap3A_1962] {strides = array<i32>} : memref<10240xi32, #tpu.memory_space<vmem>>, vector<16xi32>,
    tpu.vector_store %arg9[%swap3A_1962], %add3A_1961 {strides = array<i32>} : memref<10240xi32, #tpu.memory_space<vmem>>, vector<16xi32>,
    %add3A_1964 = arith.constant 400000 : i32
    %add3A_1965 = vector.broadcast %add3A_1964 : i32 to vector<16xi32>
    %add3A_1966 = arith.addi %get3A_1943, %add3A_1965 : vector<16xi32>
    %swap3A_1967 = arith.constant 2352 : index
    %swap3A_1968 = tpu.vector_load %arg9[%swap3A_1967] {strides = array<i32>} : memref<10240xi32, #tpu.memory_space<vmem>>, vector<16xi32>,
    tpu.vector_store %arg9[%swap3A_1967], %add3A_1966 {strides = array<i32>} : memref<10240xi32, #tpu.memory_space<vmem>>, vector<16xi32>,
    %add3A_1969 = arith.constant 500000 : i32
    %add3A_1970 = vector.broadcast %add3A_1969 : i32 to vector<16xi32>
    %add3A_1971 = arith.addi %get3A_1943, %add3A_1970 : vector<16xi32>
    %swap3A_1972 = arith.constant 2864 : index
    %swap3A_1973 = tpu.vector_load %arg9[%swap3A_1972] {strides = array<i32>} : memref<10240xi32, #tpu.memory_space<vmem>>, vector<16xi32>,
    tpu.vector_store %arg9[%swap3A_1972], %add3A_1971 {strides = array<i32>} : memref<10240xi32, #tpu.memory_space<vmem>>, vector<16xi32>,
    %add3A_1974 = arith.constant 600000 : i32
    %add3A_1975 = vector.broadcast %add3A_1974 : i32 to vector<16xi32>
    %add3A_1976 = arith.addi %get3A_1943, %add3A_1975 : vector<16xi32>
    %swap3A_1977 = arith.constant 3376 : index
    %swap3A_1978 = tpu.vector_load %arg9[%swap3A_1977] {strides = array<i32>} : memref<10240xi32, #tpu.memory_space<vmem>>, vector<16xi32>,
    tpu.vector_store %arg9[%swap3A_1977], %add3A_1976 {strides = array<i32>} : memref<10240xi32, #tpu.memory_space<vmem>>, vector<16xi32>,
    %add3A_1979 = arith.constant 700000 : i32
    %add3A_1980 = vector.broadcast %add3A_1979 : i32 to vector<16xi32>
    %add3A_1981 = arith.addi %get3A_1943, %add3A_1980 : vector<16xi32>
    %swap3A_1982 = arith.constant 3888 : index
    %swap3A_1983 = tpu.vector_load %arg9[%swap3A_1982] {strides = array<i32>} : memref<10240xi32, #tpu.memory_space<vmem>>, vector<16xi32>,
    tpu.vector_store %arg9[%swap3A_1982], %add3A_1981 {strides = array<i32>} : memref<10240xi32, #tpu.memory_space<vmem>>, vector<16xi32>,
    %add3A_1984 = arith.constant 800000 : i32
    %add3A_1985 = vector.broadcast %add3A_1984 : i32 to vector<16xi32>
    %add3A_1986 = arith.addi %get3A_1943, %add3A_1985 : vector<16xi32>
    %swap3A_1987 = arith.constant 4400 : index
    %swap3A_1988 = tpu.vector_load %arg9[%swap3A_1987] {strides = array<i32>} : memref<10240xi32, #tpu.memory_space<vmem>>, vector<16xi32>,
    tpu.vector_store %arg9[%swap3A_1987], %add3A_1986 {strides = array<i32>} : memref<10240xi32, #tpu.memory_space<vmem>>, vector<16xi32>,
    %add3A_1989 = arith.constant 900000 : i32
    %add3A_1990 = vector.broadcast %add3A_1989 : i32 to vector<16xi32>
    %add3A_1991 = arith.addi %get3A_1943, %add3A_1990 : vector<16xi32>
    %swap3A_1992 = arith.constant 4912 : index
    %swap3A_1993 = tpu.vector_load %arg9[%swap3A_1992] {strides = array<i32>} : memref<10240xi32, #tpu.memory_space<vmem>>, vector<16xi32>,
    tpu.vector_store %arg9[%swap3A_1992], %add3A_1991 {strides = array<i32>} : memref<10240xi32, #tpu.memory_space<vmem>>, vector<16xi32>,
    %add3A_1994 = arith.constant 1000000 : i32
    %add3A_1995 = vector.broadcast %add3A_1994 : i32 to vector<16xi32>
    %add3A_1996 = arith.addi %get3A_1943, %add3A_1995 : vector<16xi32>
    %swap3A_1997 = arith.constant 5424 : index
    %swap3A_1998 = tpu.vector_load %arg9[%swap3A_1997] {strides = array<i32>} : memref<10240xi32, #tpu.memory_space<vmem>>, vector<16xi32>,
    tpu.vector_store %arg9[%swap3A_1997], %add3A_1996 {strides = array<i32>} : memref<10240xi32, #tpu.memory_space<vmem>>, vector<16xi32>,
    %add3A_1999 = arith.constant 1100000 : i32
    %add3A_2000 = vector.broadcast %add3A_1999 : i32 to vector<16xi32>
    %add3A_2001 = arith.addi %get3A_1943, %add3A_2000 : vector<16xi32>
    %swap3A_2002 = arith.constant 5936 : index
    %swap3A_2003 = tpu.vector_load %arg9[%swap3A_2002] {strides = array<i32>} : memref<10240xi32, #tpu.memory_space<vmem>>, vector<16xi32>,
    tpu.vector_store %arg9[%swap3A_2002], %add3A_2001 {strides = array<i32>} : memref<10240xi32, #tpu.memory_space<vmem>>, vector<16xi32>,
    %add3A_2004 = arith.constant 1200000 : i32
    %add3A_2005 = vector.broadcast %add3A_2004 : i32 to vector<16xi32>
    %add3A_2006 = arith.addi %get3A_1943, %add3A_2005 : vector<16xi32>
    %swap3A_2007 = arith.constant 6448 : index
    %swap3A_2008 = tpu.vector_load %arg9[%swap3A_2007] {strides = array<i32>} : memref<10240xi32, #tpu.memory_space<vmem>>, vector<16xi32>,
    tpu.vector_store %arg9[%swap3A_2007], %add3A_2006 {strides = array<i32>} : memref<10240xi32, #tpu.memory_space<vmem>>, vector<16xi32>,
    %add3A_2009 = arith.constant 1300000 : i32
    %add3A_2010 = vector.broadcast %add3A_2009 : i32 to vector<16xi32>
    %add3A_2011 = arith.addi %get3A_1943, %add3A_2010 : vector<16xi32>
    %swap3A_2012 = arith.constant 6960 : index
    %swap3A_2013 = tpu.vector_load %arg9[%swap3A_2012] {strides = array<i32>} : memref<10240xi32, #tpu.memory_space<vmem>>, vector<16xi32>,
    tpu.vector_store %arg9[%swap3A_2012], %add3A_2011 {strides = array<i32>} : memref<10240xi32, #tpu.memory_space<vmem>>, vector<16xi32>,
    %add3A_2014 = arith.constant 1400000 : i32
    %add3A_2015 = vector.broadcast %add3A_2014 : i32 to vector<16xi32>
    %add3A_2016 = arith.addi %get3A_1943, %add3A_2015 : vector<16xi32>
    %swap3A_2017 = arith.constant 7472 : index
    %swap3A_2018 = tpu.vector_load %arg9[%swap3A_2017] {strides = array<i32>} : memref<10240xi32, #tpu.memory_space<vmem>>, vector<16xi32>,
    tpu.vector_store %arg9[%swap3A_2017], %add3A_2016 {strides = array<i32>} : memref<10240xi32, #tpu.memory_space<vmem>>, vector<16xi32>,
    %add3A_2019 = arith.constant 1500000 : i32
    %add3A_2020 = vector.broadcast %add3A_2019 : i32 to vector<16xi32>
    %add3A_2021 = arith.addi %get3A_1943, %add3A_2020 : vector<16xi32>
    %swap3A_2022 = arith.constant 7984 : index
    %swap3A_2023 = tpu.vector_load %arg9[%swap3A_2022] {strides = array<i32>} : memref<10240xi32, #tpu.memory_space<vmem>>, vector<16xi32>,
    tpu.vector_store %arg9[%swap3A_2022], %add3A_2021 {strides = array<i32>} : memref<10240xi32, #tpu.memory_space<vmem>>, vector<16xi32>,
    %add3A_2024 = arith.constant 1600000 : i32
    %add3A_2025 = vector.broadcast %add3A_2024 : i32 to vector<16xi32>
    %add3A_2026 = arith.addi %get3A_1943, %add3A_2025 : vector<16xi32>
    %swap3A_2027 = arith.constant 8496 : index
    %swap3A_2028 = tpu.vector_load %arg9[%swap3A_2027] {strides = array<i32>} : memref<10240xi32, #tpu.memory_space<vmem>>, vector<16xi32>,
    tpu.vector_store %arg9[%swap3A_2027], %add3A_2026 {strides = array<i32>} : memref<10240xi32, #tpu.memory_space<vmem>>, vector<16xi32>,
    %add3A_2029 = arith.constant 1700000 : i32
    %add3A_2030 = vector.broadcast %add3A_2029 : i32 to vector<16xi32>
    %add3A_2031 = arith.addi %get3A_1943, %add3A_2030 : vector<16xi32>
    %swap3A_2032 = arith.constant 9008 : index
    %swap3A_2033 = tpu.vector_load %arg9[%swap3A_2032] {strides = array<i32>} : memref<10240xi32, #tpu.memory_space<vmem>>, vector<16xi32>,
    tpu.vector_store %arg9[%swap3A_2032], %add3A_2031 {strides = array<i32>} : memref<10240xi32, #tpu.memory_space<vmem>>, vector<16xi32>,
    %add3A_2034 = arith.constant 1800000 : i32
    %add3A_2035 = vector.broadcast %add3A_2034 : i32 to vector<16xi32>
    %add3A_2036 = arith.addi %get3A_1943, %add3A_2035 : vector<16xi32>
    %swap3A_2037 = arith.constant 9520 : index
    %swap3A_2038 = tpu.vector_load %arg9[%swap3A_2037] {strides = array<i32>} : memref<10240xi32, #tpu.memory_space<vmem>>, vector<16xi32>,
    tpu.vector_store %arg9[%swap3A_2037], %add3A_2036 {strides = array<i32>} : memref<10240xi32, #tpu.memory_space<vmem>>, vector<16xi32>,
    %add3A_2039 = arith.constant 1900000 : i32
    %add3A_2040 = vector.broadcast %add3A_2039 : i32 to vector<16xi32>
    %add3A_2041 = arith.addi %get3A_1943, %add3A_2040 : vector<16xi32>
    %swap3A_2042 = arith.constant 10032 : index
    %swap3A_2043 = tpu.vector_load %arg9[%swap3A_2042] {strides = array<i32>} : memref<10240xi32, #tpu.memory_space<vmem>>, vector<16xi32>,
    tpu.vector_store %arg9[%swap3A_2042], %add3A_2041 {strides = array<i32>} : memref<10240xi32, #tpu.memory_space<vmem>>, vector<16xi32>,
    %get3A_2044 = arith.constant 320 : index
    %get3A_2045 = tpu.vector_load %arg8[%get3A_2044] {strides = array<i32>} : memref<512xi32, #tpu.memory_space<vmem>>, vector<16xi32>,
    %add3A_2046 = arith.constant 0 : i32
    %add3A_2047 = vector.broadcast %add3A_2046 : i32 to vector<16xi32>
    %add3A_2048 = arith.addi %get3A_2045, %add3A_2047 : vector<16xi32>
    %swap3A_2049 = arith.constant 320 : index
    %swap3A_2050 = tpu.vector_load %arg9[%swap3A_2049] {strides = array<i32>} : memref<10240xi32, #tpu.memory_space<vmem>>, vector<16xi32>,
    tpu.vector_store %arg9[%swap3A_2049], %add3A_2048 {strides = array<i32>} : memref<10240xi32, #tpu.memory_space<vmem>>, vector<16xi32>,
    %add3A_2051 = arith.constant 100000 : i32
    %add3A_2052 = vector.broadcast %add3A_2051 : i32 to vector<16xi32>
    %add3A_2053 = arith.addi %get3A_2045, %add3A_2052 : vector<16xi32>
    %swap3A_2054 = arith.constant 832 : index
    %swap3A_2055 = tpu.vector_load %arg9[%swap3A_2054] {strides = array<i32>} : memref<10240xi32, #tpu.memory_space<vmem>>, vector<16xi32>,
    tpu.vector_store %arg9[%swap3A_2054], %add3A_2053 {strides = array<i32>} : memref<10240xi32, #tpu.memory_space<vmem>>, vector<16xi32>,
    %add3A_2056 = arith.constant 200000 : i32
    %add3A_2057 = vector.broadcast %add3A_2056 : i32 to vector<16xi32>
    %add3A_2058 = arith.addi %get3A_2045, %add3A_2057 : vector<16xi32>
    %swap3A_2059 = arith.constant 1344 : index
    %swap3A_2060 = tpu.vector_load %arg9[%swap3A_2059] {strides = array<i32>} : memref<10240xi32, #tpu.memory_space<vmem>>, vector<16xi32>,
    tpu.vector_store %arg9[%swap3A_2059], %add3A_2058 {strides = array<i32>} : memref<10240xi32, #tpu.memory_space<vmem>>, vector<16xi32>,
    %add3A_2061 = arith.constant 300000 : i32
    %add3A_2062 = vector.broadcast %add3A_2061 : i32 to vector<16xi32>
    %add3A_2063 = arith.addi %get3A_2045, %add3A_2062 : vector<16xi32>
    %swap3A_2064 = arith.constant 1856 : index
    %swap3A_2065 = tpu.vector_load %arg9[%swap3A_2064] {strides = array<i32>} : memref<10240xi32, #tpu.memory_space<vmem>>, vector<16xi32>,
    tpu.vector_store %arg9[%swap3A_2064], %add3A_2063 {strides = array<i32>} : memref<10240xi32, #tpu.memory_space<vmem>>, vector<16xi32>,
    %add3A_2066 = arith.constant 400000 : i32
    %add3A_2067 = vector.broadcast %add3A_2066 : i32 to vector<16xi32>
    %add3A_2068 = arith.addi %get3A_2045, %add3A_2067 : vector<16xi32>
    %swap3A_2069 = arith.constant 2368 : index
    %swap3A_2070 = tpu.vector_load %arg9[%swap3A_2069] {strides = array<i32>} : memref<10240xi32, #tpu.memory_space<vmem>>, vector<16xi32>,
    tpu.vector_store %arg9[%swap3A_2069], %add3A_2068 {strides = array<i32>} : memref<10240xi32, #tpu.memory_space<vmem>>, vector<16xi32>,
    %add3A_2071 = arith.constant 500000 : i32
    %add3A_2072 = vector.broadcast %add3A_2071 : i32 to vector<16xi32>
    %add3A_2073 = arith.addi %get3A_2045, %add3A_2072 : vector<16xi32>
    %swap3A_2074 = arith.constant 2880 : index
    %swap3A_2075 = tpu.vector_load %arg9[%swap3A_2074] {strides = array<i32>} : memref<10240xi32, #tpu.memory_space<vmem>>, vector<16xi32>,
    tpu.vector_store %arg9[%swap3A_2074], %add3A_2073 {strides = array<i32>} : memref<10240xi32, #tpu.memory_space<vmem>>, vector<16xi32>,
    %add3A_2076 = arith.constant 600000 : i32
    %add3A_2077 = vector.broadcast %add3A_2076 : i32 to vector<16xi32>
    %add3A_2078 = arith.addi %get3A_2045, %add3A_2077 : vector<16xi32>
    %swap3A_2079 = arith.constant 3392 : index
    %swap3A_2080 = tpu.vector_load %arg9[%swap3A_2079] {strides = array<i32>} : memref<10240xi32, #tpu.memory_space<vmem>>, vector<16xi32>,
    tpu.vector_store %arg9[%swap3A_2079], %add3A_2078 {strides = array<i32>} : memref<10240xi32, #tpu.memory_space<vmem>>, vector<16xi32>,
    %add3A_2081 = arith.constant 700000 : i32
    %add3A_2082 = vector.broadcast %add3A_2081 : i32 to vector<16xi32>
    %add3A_2083 = arith.addi %get3A_2045, %add3A_2082 : vector<16xi32>
    %swap3A_2084 = arith.constant 3904 : index
    %swap3A_2085 = tpu.vector_load %arg9[%swap3A_2084] {strides = array<i32>} : memref<10240xi32, #tpu.memory_space<vmem>>, vector<16xi32>,
    tpu.vector_store %arg9[%swap3A_2084], %add3A_2083 {strides = array<i32>} : memref<10240xi32, #tpu.memory_space<vmem>>, vector<16xi32>,
    %add3A_2086 = arith.constant 800000 : i32
    %add3A_2087 = vector.broadcast %add3A_2086 : i32 to vector<16xi32>
    %add3A_2088 = arith.addi %get3A_2045, %add3A_2087 : vector<16xi32>
    %swap3A_2089 = arith.constant 4416 : index
    %swap3A_2090 = tpu.vector_load %arg9[%swap3A_2089] {strides = array<i32>} : memref<10240xi32, #tpu.memory_space<vmem>>, vector<16xi32>,
    tpu.vector_store %arg9[%swap3A_2089], %add3A_2088 {strides = array<i32>} : memref<10240xi32, #tpu.memory_space<vmem>>, vector<16xi32>,
    %add3A_2091 = arith.constant 900000 : i32
    %add3A_2092 = vector.broadcast %add3A_2091 : i32 to vector<16xi32>
    %add3A_2093 = arith.addi %get3A_2045, %add3A_2092 : vector<16xi32>
    %swap3A_2094 = arith.constant 4928 : index
    %swap3A_2095 = tpu.vector_load %arg9[%swap3A_2094] {strides = array<i32>} : memref<10240xi32, #tpu.memory_space<vmem>>, vector<16xi32>,
    tpu.vector_store %arg9[%swap3A_2094], %add3A_2093 {strides = array<i32>} : memref<10240xi32, #tpu.memory_space<vmem>>, vector<16xi32>,
    %add3A_2096 = arith.constant 1000000 : i32
    %add3A_2097 = vector.broadcast %add3A_2096 : i32 to vector<16xi32>
    %add3A_2098 = arith.addi %get3A_2045, %add3A_2097 : vector<16xi32>
    %swap3A_2099 = arith.constant 5440 : index
    %swap3A_2100 = tpu.vector_load %arg9[%swap3A_2099] {strides = array<i32>} : memref<10240xi32, #tpu.memory_space<vmem>>, vector<16xi32>,
    tpu.vector_store %arg9[%swap3A_2099], %add3A_2098 {strides = array<i32>} : memref<10240xi32, #tpu.memory_space<vmem>>, vector<16xi32>,
    %add3A_2101 = arith.constant 1100000 : i32
    %add3A_2102 = vector.broadcast %add3A_2101 : i32 to vector<16xi32>
    %add3A_2103 = arith.addi %get3A_2045, %add3A_2102 : vector<16xi32>
    %swap3A_2104 = arith.constant 5952 : index
    %swap3A_2105 = tpu.vector_load %arg9[%swap3A_2104] {strides = array<i32>} : memref<10240xi32, #tpu.memory_space<vmem>>, vector<16xi32>,
    tpu.vector_store %arg9[%swap3A_2104], %add3A_2103 {strides = array<i32>} : memref<10240xi32, #tpu.memory_space<vmem>>, vector<16xi32>,
    %add3A_2106 = arith.constant 1200000 : i32
    %add3A_2107 = vector.broadcast %add3A_2106 : i32 to vector<16xi32>
    %add3A_2108 = arith.addi %get3A_2045, %add3A_2107 : vector<16xi32>
    %swap3A_2109 = arith.constant 6464 : index
    %swap3A_2110 = tpu.vector_load %arg9[%swap3A_2109] {strides = array<i32>} : memref<10240xi32, #tpu.memory_space<vmem>>, vector<16xi32>,
    tpu.vector_store %arg9[%swap3A_2109], %add3A_2108 {strides = array<i32>} : memref<10240xi32, #tpu.memory_space<vmem>>, vector<16xi32>,
    %add3A_2111 = arith.constant 1300000 : i32
    %add3A_2112 = vector.broadcast %add3A_2111 : i32 to vector<16xi32>
    %add3A_2113 = arith.addi %get3A_2045, %add3A_2112 : vector<16xi32>
    %swap3A_2114 = arith.constant 6976 : index
    %swap3A_2115 = tpu.vector_load %arg9[%swap3A_2114] {strides = array<i32>} : memref<10240xi32, #tpu.memory_space<vmem>>, vector<16xi32>,
    tpu.vector_store %arg9[%swap3A_2114], %add3A_2113 {strides = array<i32>} : memref<10240xi32, #tpu.memory_space<vmem>>, vector<16xi32>,
    %add3A_2116 = arith.constant 1400000 : i32
    %add3A_2117 = vector.broadcast %add3A_2116 : i32 to vector<16xi32>
    %add3A_2118 = arith.addi %get3A_2045, %add3A_2117 : vector<16xi32>
    %swap3A_2119 = arith.constant 7488 : index
    %swap3A_2120 = tpu.vector_load %arg9[%swap3A_2119] {strides = array<i32>} : memref<10240xi32, #tpu.memory_space<vmem>>, vector<16xi32>,
    tpu.vector_store %arg9[%swap3A_2119], %add3A_2118 {strides = array<i32>} : memref<10240xi32, #tpu.memory_space<vmem>>, vector<16xi32>,
    %add3A_2121 = arith.constant 1500000 : i32
    %add3A_2122 = vector.broadcast %add3A_2121 : i32 to vector<16xi32>
    %add3A_2123 = arith.addi %get3A_2045, %add3A_2122 : vector<16xi32>
    %swap3A_2124 = arith.constant 8000 : index
    %swap3A_2125 = tpu.vector_load %arg9[%swap3A_2124] {strides = array<i32>} : memref<10240xi32, #tpu.memory_space<vmem>>, vector<16xi32>,
    tpu.vector_store %arg9[%swap3A_2124], %add3A_2123 {strides = array<i32>} : memref<10240xi32, #tpu.memory_space<vmem>>, vector<16xi32>,
    %add3A_2126 = arith.constant 1600000 : i32
    %add3A_2127 = vector.broadcast %add3A_2126 : i32 to vector<16xi32>
    %add3A_2128 = arith.addi %get3A_2045, %add3A_2127 : vector<16xi32>
    %swap3A_2129 = arith.constant 8512 : index
    %swap3A_2130 = tpu.vector_load %arg9[%swap3A_2129] {strides = array<i32>} : memref<10240xi32, #tpu.memory_space<vmem>>, vector<16xi32>,
    tpu.vector_store %arg9[%swap3A_2129], %add3A_2128 {strides = array<i32>} : memref<10240xi32, #tpu.memory_space<vmem>>, vector<16xi32>,
    %add3A_2131 = arith.constant 1700000 : i32
    %add3A_2132 = vector.broadcast %add3A_2131 : i32 to vector<16xi32>
    %add3A_2133 = arith.addi %get3A_2045, %add3A_2132 : vector<16xi32>
    %swap3A_2134 = arith.constant 9024 : index
    %swap3A_2135 = tpu.vector_load %arg9[%swap3A_2134] {strides = array<i32>} : memref<10240xi32, #tpu.memory_space<vmem>>, vector<16xi32>,
    tpu.vector_store %arg9[%swap3A_2134], %add3A_2133 {strides = array<i32>} : memref<10240xi32, #tpu.memory_space<vmem>>, vector<16xi32>,
    %add3A_2136 = arith.constant 1800000 : i32
    %add3A_2137 = vector.broadcast %add3A_2136 : i32 to vector<16xi32>
    %add3A_2138 = arith.addi %get3A_2045, %add3A_2137 : vector<16xi32>
    %swap3A_2139 = arith.constant 9536 : index
    %swap3A_2140 = tpu.vector_load %arg9[%swap3A_2139] {strides = array<i32>} : memref<10240xi32, #tpu.memory_space<vmem>>, vector<16xi32>,
    tpu.vector_store %arg9[%swap3A_2139], %add3A_2138 {strides = array<i32>} : memref<10240xi32, #tpu.memory_space<vmem>>, vector<16xi32>,
    %add3A_2141 = arith.constant 1900000 : i32
    %add3A_2142 = vector.broadcast %add3A_2141 : i32 to vector<16xi32>
    %add3A_2143 = arith.addi %get3A_2045, %add3A_2142 : vector<16xi32>
    %swap3A_2144 = arith.constant 10048 : index
    %swap3A_2145 = tpu.vector_load %arg9[%swap3A_2144] {strides = array<i32>} : memref<10240xi32, #tpu.memory_space<vmem>>, vector<16xi32>,
    tpu.vector_store %arg9[%swap3A_2144], %add3A_2143 {strides = array<i32>} : memref<10240xi32, #tpu.memory_space<vmem>>, vector<16xi32>,
    %get3A_2146 = arith.constant 336 : index
    %get3A_2147 = tpu.vector_load %arg8[%get3A_2146] {strides = array<i32>} : memref<512xi32, #tpu.memory_space<vmem>>, vector<16xi32>,
    %add3A_2148 = arith.constant 0 : i32
    %add3A_2149 = vector.broadcast %add3A_2148 : i32 to vector<16xi32>
    %add3A_2150 = arith.addi %get3A_2147, %add3A_2149 : vector<16xi32>
    %swap3A_2151 = arith.constant 336 : index
    %swap3A_2152 = tpu.vector_load %arg9[%swap3A_2151] {strides = array<i32>} : memref<10240xi32, #tpu.memory_space<vmem>>, vector<16xi32>,
    tpu.vector_store %arg9[%swap3A_2151], %add3A_2150 {strides = array<i32>} : memref<10240xi32, #tpu.memory_space<vmem>>, vector<16xi32>,
    %add3A_2153 = arith.constant 100000 : i32
    %add3A_2154 = vector.broadcast %add3A_2153 : i32 to vector<16xi32>
    %add3A_2155 = arith.addi %get3A_2147, %add3A_2154 : vector<16xi32>
    %swap3A_2156 = arith.constant 848 : index
    %swap3A_2157 = tpu.vector_load %arg9[%swap3A_2156] {strides = array<i32>} : memref<10240xi32, #tpu.memory_space<vmem>>, vector<16xi32>,
    tpu.vector_store %arg9[%swap3A_2156], %add3A_2155 {strides = array<i32>} : memref<10240xi32, #tpu.memory_space<vmem>>, vector<16xi32>,
    %add3A_2158 = arith.constant 200000 : i32
    %add3A_2159 = vector.broadcast %add3A_2158 : i32 to vector<16xi32>
    %add3A_2160 = arith.addi %get3A_2147, %add3A_2159 : vector<16xi32>
    %swap3A_2161 = arith.constant 1360 : index
    %swap3A_2162 = tpu.vector_load %arg9[%swap3A_2161] {strides = array<i32>} : memref<10240xi32, #tpu.memory_space<vmem>>, vector<16xi32>,
    tpu.vector_store %arg9[%swap3A_2161], %add3A_2160 {strides = array<i32>} : memref<10240xi32, #tpu.memory_space<vmem>>, vector<16xi32>,
    %add3A_2163 = arith.constant 300000 : i32
    %add3A_2164 = vector.broadcast %add3A_2163 : i32 to vector<16xi32>
    %add3A_2165 = arith.addi %get3A_2147, %add3A_2164 : vector<16xi32>
    %swap3A_2166 = arith.constant 1872 : index
    %swap3A_2167 = tpu.vector_load %arg9[%swap3A_2166] {strides = array<i32>} : memref<10240xi32, #tpu.memory_space<vmem>>, vector<16xi32>,
    tpu.vector_store %arg9[%swap3A_2166], %add3A_2165 {strides = array<i32>} : memref<10240xi32, #tpu.memory_space<vmem>>, vector<16xi32>,
    %add3A_2168 = arith.constant 400000 : i32
    %add3A_2169 = vector.broadcast %add3A_2168 : i32 to vector<16xi32>
    %add3A_2170 = arith.addi %get3A_2147, %add3A_2169 : vector<16xi32>
    %swap3A_2171 = arith.constant 2384 : index
    %swap3A_2172 = tpu.vector_load %arg9[%swap3A_2171] {strides = array<i32>} : memref<10240xi32, #tpu.memory_space<vmem>>, vector<16xi32>,
    tpu.vector_store %arg9[%swap3A_2171], %add3A_2170 {strides = array<i32>} : memref<10240xi32, #tpu.memory_space<vmem>>, vector<16xi32>,
    %add3A_2173 = arith.constant 500000 : i32
    %add3A_2174 = vector.broadcast %add3A_2173 : i32 to vector<16xi32>
    %add3A_2175 = arith.addi %get3A_2147, %add3A_2174 : vector<16xi32>
    %swap3A_2176 = arith.constant 2896 : index
    %swap3A_2177 = tpu.vector_load %arg9[%swap3A_2176] {strides = array<i32>} : memref<10240xi32, #tpu.memory_space<vmem>>, vector<16xi32>,
    tpu.vector_store %arg9[%swap3A_2176], %add3A_2175 {strides = array<i32>} : memref<10240xi32, #tpu.memory_space<vmem>>, vector<16xi32>,
    %add3A_2178 = arith.constant 600000 : i32
    %add3A_2179 = vector.broadcast %add3A_2178 : i32 to vector<16xi32>
    %add3A_2180 = arith.addi %get3A_2147, %add3A_2179 : vector<16xi32>
    %swap3A_2181 = arith.constant 3408 : index
    %swap3A_2182 = tpu.vector_load %arg9[%swap3A_2181] {strides = array<i32>} : memref<10240xi32, #tpu.memory_space<vmem>>, vector<16xi32>,
    tpu.vector_store %arg9[%swap3A_2181], %add3A_2180 {strides = array<i32>} : memref<10240xi32, #tpu.memory_space<vmem>>, vector<16xi32>,
    %add3A_2183 = arith.constant 700000 : i32
    %add3A_2184 = vector.broadcast %add3A_2183 : i32 to vector<16xi32>
    %add3A_2185 = arith.addi %get3A_2147, %add3A_2184 : vector<16xi32>
    %swap3A_2186 = arith.constant 3920 : index
    %swap3A_2187 = tpu.vector_load %arg9[%swap3A_2186] {strides = array<i32>} : memref<10240xi32, #tpu.memory_space<vmem>>, vector<16xi32>,
    tpu.vector_store %arg9[%swap3A_2186], %add3A_2185 {strides = array<i32>} : memref<10240xi32, #tpu.memory_space<vmem>>, vector<16xi32>,
    %add3A_2188 = arith.constant 800000 : i32
    %add3A_2189 = vector.broadcast %add3A_2188 : i32 to vector<16xi32>
    %add3A_2190 = arith.addi %get3A_2147, %add3A_2189 : vector<16xi32>
    %swap3A_2191 = arith.constant 4432 : index
    %swap3A_2192 = tpu.vector_load %arg9[%swap3A_2191] {strides = array<i32>} : memref<10240xi32, #tpu.memory_space<vmem>>, vector<16xi32>,
    tpu.vector_store %arg9[%swap3A_2191], %add3A_2190 {strides = array<i32>} : memref<10240xi32, #tpu.memory_space<vmem>>, vector<16xi32>,
    %add3A_2193 = arith.constant 900000 : i32
    %add3A_2194 = vector.broadcast %add3A_2193 : i32 to vector<16xi32>
    %add3A_2195 = arith.addi %get3A_2147, %add3A_2194 : vector<16xi32>
    %swap3A_2196 = arith.constant 4944 : index
    %swap3A_2197 = tpu.vector_load %arg9[%swap3A_2196] {strides = array<i32>} : memref<10240xi32, #tpu.memory_space<vmem>>, vector<16xi32>,
    tpu.vector_store %arg9[%swap3A_2196], %add3A_2195 {strides = array<i32>} : memref<10240xi32, #tpu.memory_space<vmem>>, vector<16xi32>,
    %add3A_2198 = arith.constant 1000000 : i32
    %add3A_2199 = vector.broadcast %add3A_2198 : i32 to vector<16xi32>
    %add3A_2200 = arith.addi %get3A_2147, %add3A_2199 : vector<16xi32>
    %swap3A_2201 = arith.constant 5456 : index
    %swap3A_2202 = tpu.vector_load %arg9[%swap3A_2201] {strides = array<i32>} : memref<10240xi32, #tpu.memory_space<vmem>>, vector<16xi32>,
    tpu.vector_store %arg9[%swap3A_2201], %add3A_2200 {strides = array<i32>} : memref<10240xi32, #tpu.memory_space<vmem>>, vector<16xi32>,
    %add3A_2203 = arith.constant 1100000 : i32
    %add3A_2204 = vector.broadcast %add3A_2203 : i32 to vector<16xi32>
    %add3A_2205 = arith.addi %get3A_2147, %add3A_2204 : vector<16xi32>
    %swap3A_2206 = arith.constant 5968 : index
    %swap3A_2207 = tpu.vector_load %arg9[%swap3A_2206] {strides = array<i32>} : memref<10240xi32, #tpu.memory_space<vmem>>, vector<16xi32>,
    tpu.vector_store %arg9[%swap3A_2206], %add3A_2205 {strides = array<i32>} : memref<10240xi32, #tpu.memory_space<vmem>>, vector<16xi32>,
    %add3A_2208 = arith.constant 1200000 : i32
    %add3A_2209 = vector.broadcast %add3A_2208 : i32 to vector<16xi32>
    %add3A_2210 = arith.addi %get3A_2147, %add3A_2209 : vector<16xi32>
    %swap3A_2211 = arith.constant 6480 : index
    %swap3A_2212 = tpu.vector_load %arg9[%swap3A_2211] {strides = array<i32>} : memref<10240xi32, #tpu.memory_space<vmem>>, vector<16xi32>,
    tpu.vector_store %arg9[%swap3A_2211], %add3A_2210 {strides = array<i32>} : memref<10240xi32, #tpu.memory_space<vmem>>, vector<16xi32>,
    %add3A_2213 = arith.constant 1300000 : i32
    %add3A_2214 = vector.broadcast %add3A_2213 : i32 to vector<16xi32>
    %add3A_2215 = arith.addi %get3A_2147, %add3A_2214 : vector<16xi32>
    %swap3A_2216 = arith.constant 6992 : index
    %swap3A_2217 = tpu.vector_load %arg9[%swap3A_2216] {strides = array<i32>} : memref<10240xi32, #tpu.memory_space<vmem>>, vector<16xi32>,
    tpu.vector_store %arg9[%swap3A_2216], %add3A_2215 {strides = array<i32>} : memref<10240xi32, #tpu.memory_space<vmem>>, vector<16xi32>,
    %add3A_2218 = arith.constant 1400000 : i32
    %add3A_2219 = vector.broadcast %add3A_2218 : i32 to vector<16xi32>
    %add3A_2220 = arith.addi %get3A_2147, %add3A_2219 : vector<16xi32>
    %swap3A_2221 = arith.constant 7504 : index
    %swap3A_2222 = tpu.vector_load %arg9[%swap3A_2221] {strides = array<i32>} : memref<10240xi32, #tpu.memory_space<vmem>>, vector<16xi32>,
    tpu.vector_store %arg9[%swap3A_2221], %add3A_2220 {strides = array<i32>} : memref<10240xi32, #tpu.memory_space<vmem>>, vector<16xi32>,
    %add3A_2223 = arith.constant 1500000 : i32
    %add3A_2224 = vector.broadcast %add3A_2223 : i32 to vector<16xi32>
    %add3A_2225 = arith.addi %get3A_2147, %add3A_2224 : vector<16xi32>
    %swap3A_2226 = arith.constant 8016 : index
    %swap3A_2227 = tpu.vector_load %arg9[%swap3A_2226] {strides = array<i32>} : memref<10240xi32, #tpu.memory_space<vmem>>, vector<16xi32>,
    tpu.vector_store %arg9[%swap3A_2226], %add3A_2225 {strides = array<i32>} : memref<10240xi32, #tpu.memory_space<vmem>>, vector<16xi32>,
    %add3A_2228 = arith.constant 1600000 : i32
    %add3A_2229 = vector.broadcast %add3A_2228 : i32 to vector<16xi32>
    %add3A_2230 = arith.addi %get3A_2147, %add3A_2229 : vector<16xi32>
    %swap3A_2231 = arith.constant 8528 : index
    %swap3A_2232 = tpu.vector_load %arg9[%swap3A_2231] {strides = array<i32>} : memref<10240xi32, #tpu.memory_space<vmem>>, vector<16xi32>,
    tpu.vector_store %arg9[%swap3A_2231], %add3A_2230 {strides = array<i32>} : memref<10240xi32, #tpu.memory_space<vmem>>, vector<16xi32>,
    %add3A_2233 = arith.constant 1700000 : i32
    %add3A_2234 = vector.broadcast %add3A_2233 : i32 to vector<16xi32>
    %add3A_2235 = arith.addi %get3A_2147, %add3A_2234 : vector<16xi32>
    %swap3A_2236 = arith.constant 9040 : index
    %swap3A_2237 = tpu.vector_load %arg9[%swap3A_2236] {strides = array<i32>} : memref<10240xi32, #tpu.memory_space<vmem>>, vector<16xi32>,
    tpu.vector_store %arg9[%swap3A_2236], %add3A_2235 {strides = array<i32>} : memref<10240xi32, #tpu.memory_space<vmem>>, vector<16xi32>,
    %add3A_2238 = arith.constant 1800000 : i32
    %add3A_2239 = vector.broadcast %add3A_2238 : i32 to vector<16xi32>
    %add3A_2240 = arith.addi %get3A_2147, %add3A_2239 : vector<16xi32>
    %swap3A_2241 = arith.constant 9552 : index
    %swap3A_2242 = tpu.vector_load %arg9[%swap3A_2241] {strides = array<i32>} : memref<10240xi32, #tpu.memory_space<vmem>>, vector<16xi32>,
    tpu.vector_store %arg9[%swap3A_2241], %add3A_2240 {strides = array<i32>} : memref<10240xi32, #tpu.memory_space<vmem>>, vector<16xi32>,
    %add3A_2243 = arith.constant 1900000 : i32
    %add3A_2244 = vector.broadcast %add3A_2243 : i32 to vector<16xi32>
    %add3A_2245 = arith.addi %get3A_2147, %add3A_2244 : vector<16xi32>
    %swap3A_2246 = arith.constant 10064 : index
    %swap3A_2247 = tpu.vector_load %arg9[%swap3A_2246] {strides = array<i32>} : memref<10240xi32, #tpu.memory_space<vmem>>, vector<16xi32>,
    tpu.vector_store %arg9[%swap3A_2246], %add3A_2245 {strides = array<i32>} : memref<10240xi32, #tpu.memory_space<vmem>>, vector<16xi32>,
    %get3A_2248 = arith.constant 352 : index
    %get3A_2249 = tpu.vector_load %arg8[%get3A_2248] {strides = array<i32>} : memref<512xi32, #tpu.memory_space<vmem>>, vector<16xi32>,
    %add3A_2250 = arith.constant 0 : i32
    %add3A_2251 = vector.broadcast %add3A_2250 : i32 to vector<16xi32>
    %add3A_2252 = arith.addi %get3A_2249, %add3A_2251 : vector<16xi32>
    %swap3A_2253 = arith.constant 352 : index
    %swap3A_2254 = tpu.vector_load %arg9[%swap3A_2253] {strides = array<i32>} : memref<10240xi32, #tpu.memory_space<vmem>>, vector<16xi32>,
    tpu.vector_store %arg9[%swap3A_2253], %add3A_2252 {strides = array<i32>} : memref<10240xi32, #tpu.memory_space<vmem>>, vector<16xi32>,
    %add3A_2255 = arith.constant 100000 : i32
    %add3A_2256 = vector.broadcast %add3A_2255 : i32 to vector<16xi32>
    %add3A_2257 = arith.addi %get3A_2249, %add3A_2256 : vector<16xi32>
    %swap3A_2258 = arith.constant 864 : index
    %swap3A_2259 = tpu.vector_load %arg9[%swap3A_2258] {strides = array<i32>} : memref<10240xi32, #tpu.memory_space<vmem>>, vector<16xi32>,
    tpu.vector_store %arg9[%swap3A_2258], %add3A_2257 {strides = array<i32>} : memref<10240xi32, #tpu.memory_space<vmem>>, vector<16xi32>,
    %add3A_2260 = arith.constant 200000 : i32
    %add3A_2261 = vector.broadcast %add3A_2260 : i32 to vector<16xi32>
    %add3A_2262 = arith.addi %get3A_2249, %add3A_2261 : vector<16xi32>
    %swap3A_2263 = arith.constant 1376 : index
    %swap3A_2264 = tpu.vector_load %arg9[%swap3A_2263] {strides = array<i32>} : memref<10240xi32, #tpu.memory_space<vmem>>, vector<16xi32>,
    tpu.vector_store %arg9[%swap3A_2263], %add3A_2262 {strides = array<i32>} : memref<10240xi32, #tpu.memory_space<vmem>>, vector<16xi32>,
    %add3A_2265 = arith.constant 300000 : i32
    %add3A_2266 = vector.broadcast %add3A_2265 : i32 to vector<16xi32>
    %add3A_2267 = arith.addi %get3A_2249, %add3A_2266 : vector<16xi32>
    %swap3A_2268 = arith.constant 1888 : index
    %swap3A_2269 = tpu.vector_load %arg9[%swap3A_2268] {strides = array<i32>} : memref<10240xi32, #tpu.memory_space<vmem>>, vector<16xi32>,
    tpu.vector_store %arg9[%swap3A_2268], %add3A_2267 {strides = array<i32>} : memref<10240xi32, #tpu.memory_space<vmem>>, vector<16xi32>,
    %add3A_2270 = arith.constant 400000 : i32
    %add3A_2271 = vector.broadcast %add3A_2270 : i32 to vector<16xi32>
    %add3A_2272 = arith.addi %get3A_2249, %add3A_2271 : vector<16xi32>
    %swap3A_2273 = arith.constant 2400 : index
    %swap3A_2274 = tpu.vector_load %arg9[%swap3A_2273] {strides = array<i32>} : memref<10240xi32, #tpu.memory_space<vmem>>, vector<16xi32>,
    tpu.vector_store %arg9[%swap3A_2273], %add3A_2272 {strides = array<i32>} : memref<10240xi32, #tpu.memory_space<vmem>>, vector<16xi32>,
    %add3A_2275 = arith.constant 500000 : i32
    %add3A_2276 = vector.broadcast %add3A_2275 : i32 to vector<16xi32>
    %add3A_2277 = arith.addi %get3A_2249, %add3A_2276 : vector<16xi32>
    %swap3A_2278 = arith.constant 2912 : index
    %swap3A_2279 = tpu.vector_load %arg9[%swap3A_2278] {strides = array<i32>} : memref<10240xi32, #tpu.memory_space<vmem>>, vector<16xi32>,
    tpu.vector_store %arg9[%swap3A_2278], %add3A_2277 {strides = array<i32>} : memref<10240xi32, #tpu.memory_space<vmem>>, vector<16xi32>,
    %add3A_2280 = arith.constant 600000 : i32
    %add3A_2281 = vector.broadcast %add3A_2280 : i32 to vector<16xi32>
    %add3A_2282 = arith.addi %get3A_2249, %add3A_2281 : vector<16xi32>
    %swap3A_2283 = arith.constant 3424 : index
    %swap3A_2284 = tpu.vector_load %arg9[%swap3A_2283] {strides = array<i32>} : memref<10240xi32, #tpu.memory_space<vmem>>, vector<16xi32>,
    tpu.vector_store %arg9[%swap3A_2283], %add3A_2282 {strides = array<i32>} : memref<10240xi32, #tpu.memory_space<vmem>>, vector<16xi32>,
    %add3A_2285 = arith.constant 700000 : i32
    %add3A_2286 = vector.broadcast %add3A_2285 : i32 to vector<16xi32>
    %add3A_2287 = arith.addi %get3A_2249, %add3A_2286 : vector<16xi32>
    %swap3A_2288 = arith.constant 3936 : index
    %swap3A_2289 = tpu.vector_load %arg9[%swap3A_2288] {strides = array<i32>} : memref<10240xi32, #tpu.memory_space<vmem>>, vector<16xi32>,
    tpu.vector_store %arg9[%swap3A_2288], %add3A_2287 {strides = array<i32>} : memref<10240xi32, #tpu.memory_space<vmem>>, vector<16xi32>,
    %add3A_2290 = arith.constant 800000 : i32
    %add3A_2291 = vector.broadcast %add3A_2290 : i32 to vector<16xi32>
    %add3A_2292 = arith.addi %get3A_2249, %add3A_2291 : vector<16xi32>
    %swap3A_2293 = arith.constant 4448 : index
    %swap3A_2294 = tpu.vector_load %arg9[%swap3A_2293] {strides = array<i32>} : memref<10240xi32, #tpu.memory_space<vmem>>, vector<16xi32>,
    tpu.vector_store %arg9[%swap3A_2293], %add3A_2292 {strides = array<i32>} : memref<10240xi32, #tpu.memory_space<vmem>>, vector<16xi32>,
    %add3A_2295 = arith.constant 900000 : i32
    %add3A_2296 = vector.broadcast %add3A_2295 : i32 to vector<16xi32>
    %add3A_2297 = arith.addi %get3A_2249, %add3A_2296 : vector<16xi32>
    %swap3A_2298 = arith.constant 4960 : index
    %swap3A_2299 = tpu.vector_load %arg9[%swap3A_2298] {strides = array<i32>} : memref<10240xi32, #tpu.memory_space<vmem>>, vector<16xi32>,
    tpu.vector_store %arg9[%swap3A_2298], %add3A_2297 {strides = array<i32>} : memref<10240xi32, #tpu.memory_space<vmem>>, vector<16xi32>,
    %add3A_2300 = arith.constant 1000000 : i32
    %add3A_2301 = vector.broadcast %add3A_2300 : i32 to vector<16xi32>
    %add3A_2302 = arith.addi %get3A_2249, %add3A_2301 : vector<16xi32>
    %swap3A_2303 = arith.constant 5472 : index
    %swap3A_2304 = tpu.vector_load %arg9[%swap3A_2303] {strides = array<i32>} : memref<10240xi32, #tpu.memory_space<vmem>>, vector<16xi32>,
    tpu.vector_store %arg9[%swap3A_2303], %add3A_2302 {strides = array<i32>} : memref<10240xi32, #tpu.memory_space<vmem>>, vector<16xi32>,
    %add3A_2305 = arith.constant 1100000 : i32
    %add3A_2306 = vector.broadcast %add3A_2305 : i32 to vector<16xi32>
    %add3A_2307 = arith.addi %get3A_2249, %add3A_2306 : vector<16xi32>
    %swap3A_2308 = arith.constant 5984 : index
    %swap3A_2309 = tpu.vector_load %arg9[%swap3A_2308] {strides = array<i32>} : memref<10240xi32, #tpu.memory_space<vmem>>, vector<16xi32>,
    tpu.vector_store %arg9[%swap3A_2308], %add3A_2307 {strides = array<i32>} : memref<10240xi32, #tpu.memory_space<vmem>>, vector<16xi32>,
    %add3A_2310 = arith.constant 1200000 : i32
    %add3A_2311 = vector.broadcast %add3A_2310 : i32 to vector<16xi32>
    %add3A_2312 = arith.addi %get3A_2249, %add3A_2311 : vector<16xi32>
    %swap3A_2313 = arith.constant 6496 : index
    %swap3A_2314 = tpu.vector_load %arg9[%swap3A_2313] {strides = array<i32>} : memref<10240xi32, #tpu.memory_space<vmem>>, vector<16xi32>,
    tpu.vector_store %arg9[%swap3A_2313], %add3A_2312 {strides = array<i32>} : memref<10240xi32, #tpu.memory_space<vmem>>, vector<16xi32>,
    %add3A_2315 = arith.constant 1300000 : i32
    %add3A_2316 = vector.broadcast %add3A_2315 : i32 to vector<16xi32>
    %add3A_2317 = arith.addi %get3A_2249, %add3A_2316 : vector<16xi32>
    %swap3A_2318 = arith.constant 7008 : index
    %swap3A_2319 = tpu.vector_load %arg9[%swap3A_2318] {strides = array<i32>} : memref<10240xi32, #tpu.memory_space<vmem>>, vector<16xi32>,
    tpu.vector_store %arg9[%swap3A_2318], %add3A_2317 {strides = array<i32>} : memref<10240xi32, #tpu.memory_space<vmem>>, vector<16xi32>,
    %add3A_2320 = arith.constant 1400000 : i32
    %add3A_2321 = vector.broadcast %add3A_2320 : i32 to vector<16xi32>
    %add3A_2322 = arith.addi %get3A_2249, %add3A_2321 : vector<16xi32>
    %swap3A_2323 = arith.constant 7520 : index
    %swap3A_2324 = tpu.vector_load %arg9[%swap3A_2323] {strides = array<i32>} : memref<10240xi32, #tpu.memory_space<vmem>>, vector<16xi32>,
    tpu.vector_store %arg9[%swap3A_2323], %add3A_2322 {strides = array<i32>} : memref<10240xi32, #tpu.memory_space<vmem>>, vector<16xi32>,
    %add3A_2325 = arith.constant 1500000 : i32
    %add3A_2326 = vector.broadcast %add3A_2325 : i32 to vector<16xi32>
    %add3A_2327 = arith.addi %get3A_2249, %add3A_2326 : vector<16xi32>
    %swap3A_2328 = arith.constant 8032 : index
    %swap3A_2329 = tpu.vector_load %arg9[%swap3A_2328] {strides = array<i32>} : memref<10240xi32, #tpu.memory_space<vmem>>, vector<16xi32>,
    tpu.vector_store %arg9[%swap3A_2328], %add3A_2327 {strides = array<i32>} : memref<10240xi32, #tpu.memory_space<vmem>>, vector<16xi32>,
    %add3A_2330 = arith.constant 1600000 : i32
    %add3A_2331 = vector.broadcast %add3A_2330 : i32 to vector<16xi32>
    %add3A_2332 = arith.addi %get3A_2249, %add3A_2331 : vector<16xi32>
    %swap3A_2333 = arith.constant 8544 : index
    %swap3A_2334 = tpu.vector_load %arg9[%swap3A_2333] {strides = array<i32>} : memref<10240xi32, #tpu.memory_space<vmem>>, vector<16xi32>,
    tpu.vector_store %arg9[%swap3A_2333], %add3A_2332 {strides = array<i32>} : memref<10240xi32, #tpu.memory_space<vmem>>, vector<16xi32>,
    %add3A_2335 = arith.constant 1700000 : i32
    %add3A_2336 = vector.broadcast %add3A_2335 : i32 to vector<16xi32>
    %add3A_2337 = arith.addi %get3A_2249, %add3A_2336 : vector<16xi32>
    %swap3A_2338 = arith.constant 9056 : index
    %swap3A_2339 = tpu.vector_load %arg9[%swap3A_2338] {strides = array<i32>} : memref<10240xi32, #tpu.memory_space<vmem>>, vector<16xi32>,
    tpu.vector_store %arg9[%swap3A_2338], %add3A_2337 {strides = array<i32>} : memref<10240xi32, #tpu.memory_space<vmem>>, vector<16xi32>,
    %add3A_2340 = arith.constant 1800000 : i32
    %add3A_2341 = vector.broadcast %add3A_2340 : i32 to vector<16xi32>
    %add3A_2342 = arith.addi %get3A_2249, %add3A_2341 : vector<16xi32>
    %swap3A_2343 = arith.constant 9568 : index
    %swap3A_2344 = tpu.vector_load %arg9[%swap3A_2343] {strides = array<i32>} : memref<10240xi32, #tpu.memory_space<vmem>>, vector<16xi32>,
    tpu.vector_store %arg9[%swap3A_2343], %add3A_2342 {strides = array<i32>} : memref<10240xi32, #tpu.memory_space<vmem>>, vector<16xi32>,
    %add3A_2345 = arith.constant 1900000 : i32
    %add3A_2346 = vector.broadcast %add3A_2345 : i32 to vector<16xi32>
    %add3A_2347 = arith.addi %get3A_2249, %add3A_2346 : vector<16xi32>
    %swap3A_2348 = arith.constant 10080 : index
    %swap3A_2349 = tpu.vector_load %arg9[%swap3A_2348] {strides = array<i32>} : memref<10240xi32, #tpu.memory_space<vmem>>, vector<16xi32>,
    tpu.vector_store %arg9[%swap3A_2348], %add3A_2347 {strides = array<i32>} : memref<10240xi32, #tpu.memory_space<vmem>>, vector<16xi32>,
    %get3A_2350 = arith.constant 368 : index
    %get3A_2351 = tpu.vector_load %arg8[%get3A_2350] {strides = array<i32>} : memref<512xi32, #tpu.memory_space<vmem>>, vector<16xi32>,
    %add3A_2352 = arith.constant 0 : i32
    %add3A_2353 = vector.broadcast %add3A_2352 : i32 to vector<16xi32>
    %add3A_2354 = arith.addi %get3A_2351, %add3A_2353 : vector<16xi32>
    %swap3A_2355 = arith.constant 368 : index
    %swap3A_2356 = tpu.vector_load %arg9[%swap3A_2355] {strides = array<i32>} : memref<10240xi32, #tpu.memory_space<vmem>>, vector<16xi32>,
    tpu.vector_store %arg9[%swap3A_2355], %add3A_2354 {strides = array<i32>} : memref<10240xi32, #tpu.memory_space<vmem>>, vector<16xi32>,
    %add3A_2357 = arith.constant 100000 : i32
    %add3A_2358 = vector.broadcast %add3A_2357 : i32 to vector<16xi32>
    %add3A_2359 = arith.addi %get3A_2351, %add3A_2358 : vector<16xi32>
    %swap3A_2360 = arith.constant 880 : index
    %swap3A_2361 = tpu.vector_load %arg9[%swap3A_2360] {strides = array<i32>} : memref<10240xi32, #tpu.memory_space<vmem>>, vector<16xi32>,
    tpu.vector_store %arg9[%swap3A_2360], %add3A_2359 {strides = array<i32>} : memref<10240xi32, #tpu.memory_space<vmem>>, vector<16xi32>,
    %add3A_2362 = arith.constant 200000 : i32
    %add3A_2363 = vector.broadcast %add3A_2362 : i32 to vector<16xi32>
    %add3A_2364 = arith.addi %get3A_2351, %add3A_2363 : vector<16xi32>
    %swap3A_2365 = arith.constant 1392 : index
    %swap3A_2366 = tpu.vector_load %arg9[%swap3A_2365] {strides = array<i32>} : memref<10240xi32, #tpu.memory_space<vmem>>, vector<16xi32>,
    tpu.vector_store %arg9[%swap3A_2365], %add3A_2364 {strides = array<i32>} : memref<10240xi32, #tpu.memory_space<vmem>>, vector<16xi32>,
    %add3A_2367 = arith.constant 300000 : i32
    %add3A_2368 = vector.broadcast %add3A_2367 : i32 to vector<16xi32>
    %add3A_2369 = arith.addi %get3A_2351, %add3A_2368 : vector<16xi32>
    %swap3A_2370 = arith.constant 1904 : index
    %swap3A_2371 = tpu.vector_load %arg9[%swap3A_2370] {strides = array<i32>} : memref<10240xi32, #tpu.memory_space<vmem>>, vector<16xi32>,
    tpu.vector_store %arg9[%swap3A_2370], %add3A_2369 {strides = array<i32>} : memref<10240xi32, #tpu.memory_space<vmem>>, vector<16xi32>,
    %add3A_2372 = arith.constant 400000 : i32
    %add3A_2373 = vector.broadcast %add3A_2372 : i32 to vector<16xi32>
    %add3A_2374 = arith.addi %get3A_2351, %add3A_2373 : vector<16xi32>
    %swap3A_2375 = arith.constant 2416 : index
    %swap3A_2376 = tpu.vector_load %arg9[%swap3A_2375] {strides = array<i32>} : memref<10240xi32, #tpu.memory_space<vmem>>, vector<16xi32>,
    tpu.vector_store %arg9[%swap3A_2375], %add3A_2374 {strides = array<i32>} : memref<10240xi32, #tpu.memory_space<vmem>>, vector<16xi32>,
    %add3A_2377 = arith.constant 500000 : i32
    %add3A_2378 = vector.broadcast %add3A_2377 : i32 to vector<16xi32>
    %add3A_2379 = arith.addi %get3A_2351, %add3A_2378 : vector<16xi32>
    %swap3A_2380 = arith.constant 2928 : index
    %swap3A_2381 = tpu.vector_load %arg9[%swap3A_2380] {strides = array<i32>} : memref<10240xi32, #tpu.memory_space<vmem>>, vector<16xi32>,
    tpu.vector_store %arg9[%swap3A_2380], %add3A_2379 {strides = array<i32>} : memref<10240xi32, #tpu.memory_space<vmem>>, vector<16xi32>,
    %add3A_2382 = arith.constant 600000 : i32
    %add3A_2383 = vector.broadcast %add3A_2382 : i32 to vector<16xi32>
    %add3A_2384 = arith.addi %get3A_2351, %add3A_2383 : vector<16xi32>
    %swap3A_2385 = arith.constant 3440 : index
    %swap3A_2386 = tpu.vector_load %arg9[%swap3A_2385] {strides = array<i32>} : memref<10240xi32, #tpu.memory_space<vmem>>, vector<16xi32>,
    tpu.vector_store %arg9[%swap3A_2385], %add3A_2384 {strides = array<i32>} : memref<10240xi32, #tpu.memory_space<vmem>>, vector<16xi32>,
    %add3A_2387 = arith.constant 700000 : i32
    %add3A_2388 = vector.broadcast %add3A_2387 : i32 to vector<16xi32>
    %add3A_2389 = arith.addi %get3A_2351, %add3A_2388 : vector<16xi32>
    %swap3A_2390 = arith.constant 3952 : index
    %swap3A_2391 = tpu.vector_load %arg9[%swap3A_2390] {strides = array<i32>} : memref<10240xi32, #tpu.memory_space<vmem>>, vector<16xi32>,
    tpu.vector_store %arg9[%swap3A_2390], %add3A_2389 {strides = array<i32>} : memref<10240xi32, #tpu.memory_space<vmem>>, vector<16xi32>,
    %add3A_2392 = arith.constant 800000 : i32
    %add3A_2393 = vector.broadcast %add3A_2392 : i32 to vector<16xi32>
    %add3A_2394 = arith.addi %get3A_2351, %add3A_2393 : vector<16xi32>
    %swap3A_2395 = arith.constant 4464 : index
    %swap3A_2396 = tpu.vector_load %arg9[%swap3A_2395] {strides = array<i32>} : memref<10240xi32, #tpu.memory_space<vmem>>, vector<16xi32>,
    tpu.vector_store %arg9[%swap3A_2395], %add3A_2394 {strides = array<i32>} : memref<10240xi32, #tpu.memory_space<vmem>>, vector<16xi32>,
    %add3A_2397 = arith.constant 900000 : i32
    %add3A_2398 = vector.broadcast %add3A_2397 : i32 to vector<16xi32>
    %add3A_2399 = arith.addi %get3A_2351, %add3A_2398 : vector<16xi32>
    %swap3A_2400 = arith.constant 4976 : index
    %swap3A_2401 = tpu.vector_load %arg9[%swap3A_2400] {strides = array<i32>} : memref<10240xi32, #tpu.memory_space<vmem>>, vector<16xi32>,
    tpu.vector_store %arg9[%swap3A_2400], %add3A_2399 {strides = array<i32>} : memref<10240xi32, #tpu.memory_space<vmem>>, vector<16xi32>,
    %add3A_2402 = arith.constant 1000000 : i32
    %add3A_2403 = vector.broadcast %add3A_2402 : i32 to vector<16xi32>
    %add3A_2404 = arith.addi %get3A_2351, %add3A_2403 : vector<16xi32>
    %swap3A_2405 = arith.constant 5488 : index
    %swap3A_2406 = tpu.vector_load %arg9[%swap3A_2405] {strides = array<i32>} : memref<10240xi32, #tpu.memory_space<vmem>>, vector<16xi32>,
    tpu.vector_store %arg9[%swap3A_2405], %add3A_2404 {strides = array<i32>} : memref<10240xi32, #tpu.memory_space<vmem>>, vector<16xi32>,
    %add3A_2407 = arith.constant 1100000 : i32
    %add3A_2408 = vector.broadcast %add3A_2407 : i32 to vector<16xi32>
    %add3A_2409 = arith.addi %get3A_2351, %add3A_2408 : vector<16xi32>
    %swap3A_2410 = arith.constant 6000 : index
    %swap3A_2411 = tpu.vector_load %arg9[%swap3A_2410] {strides = array<i32>} : memref<10240xi32, #tpu.memory_space<vmem>>, vector<16xi32>,
    tpu.vector_store %arg9[%swap3A_2410], %add3A_2409 {strides = array<i32>} : memref<10240xi32, #tpu.memory_space<vmem>>, vector<16xi32>,
    %add3A_2412 = arith.constant 1200000 : i32
    %add3A_2413 = vector.broadcast %add3A_2412 : i32 to vector<16xi32>
    %add3A_2414 = arith.addi %get3A_2351, %add3A_2413 : vector<16xi32>
    %swap3A_2415 = arith.constant 6512 : index
    %swap3A_2416 = tpu.vector_load %arg9[%swap3A_2415] {strides = array<i32>} : memref<10240xi32, #tpu.memory_space<vmem>>, vector<16xi32>,
    tpu.vector_store %arg9[%swap3A_2415], %add3A_2414 {strides = array<i32>} : memref<10240xi32, #tpu.memory_space<vmem>>, vector<16xi32>,
    %add3A_2417 = arith.constant 1300000 : i32
    %add3A_2418 = vector.broadcast %add3A_2417 : i32 to vector<16xi32>
    %add3A_2419 = arith.addi %get3A_2351, %add3A_2418 : vector<16xi32>
    %swap3A_2420 = arith.constant 7024 : index
    %swap3A_2421 = tpu.vector_load %arg9[%swap3A_2420] {strides = array<i32>} : memref<10240xi32, #tpu.memory_space<vmem>>, vector<16xi32>,
    tpu.vector_store %arg9[%swap3A_2420], %add3A_2419 {strides = array<i32>} : memref<10240xi32, #tpu.memory_space<vmem>>, vector<16xi32>,
    %add3A_2422 = arith.constant 1400000 : i32
    %add3A_2423 = vector.broadcast %add3A_2422 : i32 to vector<16xi32>
    %add3A_2424 = arith.addi %get3A_2351, %add3A_2423 : vector<16xi32>
    %swap3A_2425 = arith.constant 7536 : index
    %swap3A_2426 = tpu.vector_load %arg9[%swap3A_2425] {strides = array<i32>} : memref<10240xi32, #tpu.memory_space<vmem>>, vector<16xi32>,
    tpu.vector_store %arg9[%swap3A_2425], %add3A_2424 {strides = array<i32>} : memref<10240xi32, #tpu.memory_space<vmem>>, vector<16xi32>,
    %add3A_2427 = arith.constant 1500000 : i32
    %add3A_2428 = vector.broadcast %add3A_2427 : i32 to vector<16xi32>
    %add3A_2429 = arith.addi %get3A_2351, %add3A_2428 : vector<16xi32>
    %swap3A_2430 = arith.constant 8048 : index
    %swap3A_2431 = tpu.vector_load %arg9[%swap3A_2430] {strides = array<i32>} : memref<10240xi32, #tpu.memory_space<vmem>>, vector<16xi32>,
    tpu.vector_store %arg9[%swap3A_2430], %add3A_2429 {strides = array<i32>} : memref<10240xi32, #tpu.memory_space<vmem>>, vector<16xi32>,
    %add3A_2432 = arith.constant 1600000 : i32
    %add3A_2433 = vector.broadcast %add3A_2432 : i32 to vector<16xi32>
    %add3A_2434 = arith.addi %get3A_2351, %add3A_2433 : vector<16xi32>
    %swap3A_2435 = arith.constant 8560 : index
    %swap3A_2436 = tpu.vector_load %arg9[%swap3A_2435] {strides = array<i32>} : memref<10240xi32, #tpu.memory_space<vmem>>, vector<16xi32>,
    tpu.vector_store %arg9[%swap3A_2435], %add3A_2434 {strides = array<i32>} : memref<10240xi32, #tpu.memory_space<vmem>>, vector<16xi32>,
    %add3A_2437 = arith.constant 1700000 : i32
    %add3A_2438 = vector.broadcast %add3A_2437 : i32 to vector<16xi32>
    %add3A_2439 = arith.addi %get3A_2351, %add3A_2438 : vector<16xi32>
    %swap3A_2440 = arith.constant 9072 : index
    %swap3A_2441 = tpu.vector_load %arg9[%swap3A_2440] {strides = array<i32>} : memref<10240xi32, #tpu.memory_space<vmem>>, vector<16xi32>,
    tpu.vector_store %arg9[%swap3A_2440], %add3A_2439 {strides = array<i32>} : memref<10240xi32, #tpu.memory_space<vmem>>, vector<16xi32>,
    %add3A_2442 = arith.constant 1800000 : i32
    %add3A_2443 = vector.broadcast %add3A_2442 : i32 to vector<16xi32>
    %add3A_2444 = arith.addi %get3A_2351, %add3A_2443 : vector<16xi32>
    %swap3A_2445 = arith.constant 9584 : index
    %swap3A_2446 = tpu.vector_load %arg9[%swap3A_2445] {strides = array<i32>} : memref<10240xi32, #tpu.memory_space<vmem>>, vector<16xi32>,
    tpu.vector_store %arg9[%swap3A_2445], %add3A_2444 {strides = array<i32>} : memref<10240xi32, #tpu.memory_space<vmem>>, vector<16xi32>,
    %add3A_2447 = arith.constant 1900000 : i32
    %add3A_2448 = vector.broadcast %add3A_2447 : i32 to vector<16xi32>
    %add3A_2449 = arith.addi %get3A_2351, %add3A_2448 : vector<16xi32>
    %swap3A_2450 = arith.constant 10096 : index
    %swap3A_2451 = tpu.vector_load %arg9[%swap3A_2450] {strides = array<i32>} : memref<10240xi32, #tpu.memory_space<vmem>>, vector<16xi32>,
    tpu.vector_store %arg9[%swap3A_2450], %add3A_2449 {strides = array<i32>} : memref<10240xi32, #tpu.memory_space<vmem>>, vector<16xi32>,
    %get3A_2452 = arith.constant 384 : index
    %get3A_2453 = tpu.vector_load %arg8[%get3A_2452] {strides = array<i32>} : memref<512xi32, #tpu.memory_space<vmem>>, vector<16xi32>,
    %add3A_2454 = arith.constant 0 : i32
    %add3A_2455 = vector.broadcast %add3A_2454 : i32 to vector<16xi32>
    %add3A_2456 = arith.addi %get3A_2453, %add3A_2455 : vector<16xi32>
    %swap3A_2457 = arith.constant 384 : index
    %swap3A_2458 = tpu.vector_load %arg9[%swap3A_2457] {strides = array<i32>} : memref<10240xi32, #tpu.memory_space<vmem>>, vector<16xi32>,
    tpu.vector_store %arg9[%swap3A_2457], %add3A_2456 {strides = array<i32>} : memref<10240xi32, #tpu.memory_space<vmem>>, vector<16xi32>,
    %add3A_2459 = arith.constant 100000 : i32
    %add3A_2460 = vector.broadcast %add3A_2459 : i32 to vector<16xi32>
    %add3A_2461 = arith.addi %get3A_2453, %add3A_2460 : vector<16xi32>
    %swap3A_2462 = arith.constant 896 : index
    %swap3A_2463 = tpu.vector_load %arg9[%swap3A_2462] {strides = array<i32>} : memref<10240xi32, #tpu.memory_space<vmem>>, vector<16xi32>,
    tpu.vector_store %arg9[%swap3A_2462], %add3A_2461 {strides = array<i32>} : memref<10240xi32, #tpu.memory_space<vmem>>, vector<16xi32>,
    %add3A_2464 = arith.constant 200000 : i32
    %add3A_2465 = vector.broadcast %add3A_2464 : i32 to vector<16xi32>
    %add3A_2466 = arith.addi %get3A_2453, %add3A_2465 : vector<16xi32>
    %swap3A_2467 = arith.constant 1408 : index
    %swap3A_2468 = tpu.vector_load %arg9[%swap3A_2467] {strides = array<i32>} : memref<10240xi32, #tpu.memory_space<vmem>>, vector<16xi32>,
    tpu.vector_store %arg9[%swap3A_2467], %add3A_2466 {strides = array<i32>} : memref<10240xi32, #tpu.memory_space<vmem>>, vector<16xi32>,
    %add3A_2469 = arith.constant 300000 : i32
    %add3A_2470 = vector.broadcast %add3A_2469 : i32 to vector<16xi32>
    %add3A_2471 = arith.addi %get3A_2453, %add3A_2470 : vector<16xi32>
    %swap3A_2472 = arith.constant 1920 : index
    %swap3A_2473 = tpu.vector_load %arg9[%swap3A_2472] {strides = array<i32>} : memref<10240xi32, #tpu.memory_space<vmem>>, vector<16xi32>,
    tpu.vector_store %arg9[%swap3A_2472], %add3A_2471 {strides = array<i32>} : memref<10240xi32, #tpu.memory_space<vmem>>, vector<16xi32>,
    %add3A_2474 = arith.constant 400000 : i32
    %add3A_2475 = vector.broadcast %add3A_2474 : i32 to vector<16xi32>
    %add3A_2476 = arith.addi %get3A_2453, %add3A_2475 : vector<16xi32>
    %swap3A_2477 = arith.constant 2432 : index
    %swap3A_2478 = tpu.vector_load %arg9[%swap3A_2477] {strides = array<i32>} : memref<10240xi32, #tpu.memory_space<vmem>>, vector<16xi32>,
    tpu.vector_store %arg9[%swap3A_2477], %add3A_2476 {strides = array<i32>} : memref<10240xi32, #tpu.memory_space<vmem>>, vector<16xi32>,
    %add3A_2479 = arith.constant 500000 : i32
    %add3A_2480 = vector.broadcast %add3A_2479 : i32 to vector<16xi32>
    %add3A_2481 = arith.addi %get3A_2453, %add3A_2480 : vector<16xi32>
    %swap3A_2482 = arith.constant 2944 : index
    %swap3A_2483 = tpu.vector_load %arg9[%swap3A_2482] {strides = array<i32>} : memref<10240xi32, #tpu.memory_space<vmem>>, vector<16xi32>,
    tpu.vector_store %arg9[%swap3A_2482], %add3A_2481 {strides = array<i32>} : memref<10240xi32, #tpu.memory_space<vmem>>, vector<16xi32>,
    %add3A_2484 = arith.constant 600000 : i32
    %add3A_2485 = vector.broadcast %add3A_2484 : i32 to vector<16xi32>
    %add3A_2486 = arith.addi %get3A_2453, %add3A_2485 : vector<16xi32>
    %swap3A_2487 = arith.constant 3456 : index
    %swap3A_2488 = tpu.vector_load %arg9[%swap3A_2487] {strides = array<i32>} : memref<10240xi32, #tpu.memory_space<vmem>>, vector<16xi32>,
    tpu.vector_store %arg9[%swap3A_2487], %add3A_2486 {strides = array<i32>} : memref<10240xi32, #tpu.memory_space<vmem>>, vector<16xi32>,
    %add3A_2489 = arith.constant 700000 : i32
    %add3A_2490 = vector.broadcast %add3A_2489 : i32 to vector<16xi32>
    %add3A_2491 = arith.addi %get3A_2453, %add3A_2490 : vector<16xi32>
    %swap3A_2492 = arith.constant 3968 : index
    %swap3A_2493 = tpu.vector_load %arg9[%swap3A_2492] {strides = array<i32>} : memref<10240xi32, #tpu.memory_space<vmem>>, vector<16xi32>,
    tpu.vector_store %arg9[%swap3A_2492], %add3A_2491 {strides = array<i32>} : memref<10240xi32, #tpu.memory_space<vmem>>, vector<16xi32>,
    %add3A_2494 = arith.constant 800000 : i32
    %add3A_2495 = vector.broadcast %add3A_2494 : i32 to vector<16xi32>
    %add3A_2496 = arith.addi %get3A_2453, %add3A_2495 : vector<16xi32>
    %swap3A_2497 = arith.constant 4480 : index
    %swap3A_2498 = tpu.vector_load %arg9[%swap3A_2497] {strides = array<i32>} : memref<10240xi32, #tpu.memory_space<vmem>>, vector<16xi32>,
    tpu.vector_store %arg9[%swap3A_2497], %add3A_2496 {strides = array<i32>} : memref<10240xi32, #tpu.memory_space<vmem>>, vector<16xi32>,
    %add3A_2499 = arith.constant 900000 : i32
    %add3A_2500 = vector.broadcast %add3A_2499 : i32 to vector<16xi32>
    %add3A_2501 = arith.addi %get3A_2453, %add3A_2500 : vector<16xi32>
    %swap3A_2502 = arith.constant 4992 : index
    %swap3A_2503 = tpu.vector_load %arg9[%swap3A_2502] {strides = array<i32>} : memref<10240xi32, #tpu.memory_space<vmem>>, vector<16xi32>,
    tpu.vector_store %arg9[%swap3A_2502], %add3A_2501 {strides = array<i32>} : memref<10240xi32, #tpu.memory_space<vmem>>, vector<16xi32>,
    %add3A_2504 = arith.constant 1000000 : i32
    %add3A_2505 = vector.broadcast %add3A_2504 : i32 to vector<16xi32>
    %add3A_2506 = arith.addi %get3A_2453, %add3A_2505 : vector<16xi32>
    %swap3A_2507 = arith.constant 5504 : index
    %swap3A_2508 = tpu.vector_load %arg9[%swap3A_2507] {strides = array<i32>} : memref<10240xi32, #tpu.memory_space<vmem>>, vector<16xi32>,
    tpu.vector_store %arg9[%swap3A_2507], %add3A_2506 {strides = array<i32>} : memref<10240xi32, #tpu.memory_space<vmem>>, vector<16xi32>,
    %add3A_2509 = arith.constant 1100000 : i32
    %add3A_2510 = vector.broadcast %add3A_2509 : i32 to vector<16xi32>
    %add3A_2511 = arith.addi %get3A_2453, %add3A_2510 : vector<16xi32>
    %swap3A_2512 = arith.constant 6016 : index
    %swap3A_2513 = tpu.vector_load %arg9[%swap3A_2512] {strides = array<i32>} : memref<10240xi32, #tpu.memory_space<vmem>>, vector<16xi32>,
    tpu.vector_store %arg9[%swap3A_2512], %add3A_2511 {strides = array<i32>} : memref<10240xi32, #tpu.memory_space<vmem>>, vector<16xi32>,
    %add3A_2514 = arith.constant 1200000 : i32
    %add3A_2515 = vector.broadcast %add3A_2514 : i32 to vector<16xi32>
    %add3A_2516 = arith.addi %get3A_2453, %add3A_2515 : vector<16xi32>
    %swap3A_2517 = arith.constant 6528 : index
    %swap3A_2518 = tpu.vector_load %arg9[%swap3A_2517] {strides = array<i32>} : memref<10240xi32, #tpu.memory_space<vmem>>, vector<16xi32>,
    tpu.vector_store %arg9[%swap3A_2517], %add3A_2516 {strides = array<i32>} : memref<10240xi32, #tpu.memory_space<vmem>>, vector<16xi32>,
    %add3A_2519 = arith.constant 1300000 : i32
    %add3A_2520 = vector.broadcast %add3A_2519 : i32 to vector<16xi32>
    %add3A_2521 = arith.addi %get3A_2453, %add3A_2520 : vector<16xi32>
    %swap3A_2522 = arith.constant 7040 : index
    %swap3A_2523 = tpu.vector_load %arg9[%swap3A_2522] {strides = array<i32>} : memref<10240xi32, #tpu.memory_space<vmem>>, vector<16xi32>,
    tpu.vector_store %arg9[%swap3A_2522], %add3A_2521 {strides = array<i32>} : memref<10240xi32, #tpu.memory_space<vmem>>, vector<16xi32>,
    %add3A_2524 = arith.constant 1400000 : i32
    %add3A_2525 = vector.broadcast %add3A_2524 : i32 to vector<16xi32>
    %add3A_2526 = arith.addi %get3A_2453, %add3A_2525 : vector<16xi32>
    %swap3A_2527 = arith.constant 7552 : index
    %swap3A_2528 = tpu.vector_load %arg9[%swap3A_2527] {strides = array<i32>} : memref<10240xi32, #tpu.memory_space<vmem>>, vector<16xi32>,
    tpu.vector_store %arg9[%swap3A_2527], %add3A_2526 {strides = array<i32>} : memref<10240xi32, #tpu.memory_space<vmem>>, vector<16xi32>,
    %add3A_2529 = arith.constant 1500000 : i32
    %add3A_2530 = vector.broadcast %add3A_2529 : i32 to vector<16xi32>
    %add3A_2531 = arith.addi %get3A_2453, %add3A_2530 : vector<16xi32>
    %swap3A_2532 = arith.constant 8064 : index
    %swap3A_2533 = tpu.vector_load %arg9[%swap3A_2532] {strides = array<i32>} : memref<10240xi32, #tpu.memory_space<vmem>>, vector<16xi32>,
    tpu.vector_store %arg9[%swap3A_2532], %add3A_2531 {strides = array<i32>} : memref<10240xi32, #tpu.memory_space<vmem>>, vector<16xi32>,
    %add3A_2534 = arith.constant 1600000 : i32
    %add3A_2535 = vector.broadcast %add3A_2534 : i32 to vector<16xi32>
    %add3A_2536 = arith.addi %get3A_2453, %add3A_2535 : vector<16xi32>
    %swap3A_2537 = arith.constant 8576 : index
    %swap3A_2538 = tpu.vector_load %arg9[%swap3A_2537] {strides = array<i32>} : memref<10240xi32, #tpu.memory_space<vmem>>, vector<16xi32>,
    tpu.vector_store %arg9[%swap3A_2537], %add3A_2536 {strides = array<i32>} : memref<10240xi32, #tpu.memory_space<vmem>>, vector<16xi32>,
    %add3A_2539 = arith.constant 1700000 : i32
    %add3A_2540 = vector.broadcast %add3A_2539 : i32 to vector<16xi32>
    %add3A_2541 = arith.addi %get3A_2453, %add3A_2540 : vector<16xi32>
    %swap3A_2542 = arith.constant 9088 : index
    %swap3A_2543 = tpu.vector_load %arg9[%swap3A_2542] {strides = array<i32>} : memref<10240xi32, #tpu.memory_space<vmem>>, vector<16xi32>,
    tpu.vector_store %arg9[%swap3A_2542], %add3A_2541 {strides = array<i32>} : memref<10240xi32, #tpu.memory_space<vmem>>, vector<16xi32>,
    %add3A_2544 = arith.constant 1800000 : i32
    %add3A_2545 = vector.broadcast %add3A_2544 : i32 to vector<16xi32>
    %add3A_2546 = arith.addi %get3A_2453, %add3A_2545 : vector<16xi32>
    %swap3A_2547 = arith.constant 9600 : index
    %swap3A_2548 = tpu.vector_load %arg9[%swap3A_2547] {strides = array<i32>} : memref<10240xi32, #tpu.memory_space<vmem>>, vector<16xi32>,
    tpu.vector_store %arg9[%swap3A_2547], %add3A_2546 {strides = array<i32>} : memref<10240xi32, #tpu.memory_space<vmem>>, vector<16xi32>,
    %add3A_2549 = arith.constant 1900000 : i32
    %add3A_2550 = vector.broadcast %add3A_2549 : i32 to vector<16xi32>
    %add3A_2551 = arith.addi %get3A_2453, %add3A_2550 : vector<16xi32>
    %swap3A_2552 = arith.constant 10112 : index
    %swap3A_2553 = tpu.vector_load %arg9[%swap3A_2552] {strides = array<i32>} : memref<10240xi32, #tpu.memory_space<vmem>>, vector<16xi32>,
    tpu.vector_store %arg9[%swap3A_2552], %add3A_2551 {strides = array<i32>} : memref<10240xi32, #tpu.memory_space<vmem>>, vector<16xi32>,
    %get3A_2554 = arith.constant 400 : index
    %get3A_2555 = tpu.vector_load %arg8[%get3A_2554] {strides = array<i32>} : memref<512xi32, #tpu.memory_space<vmem>>, vector<16xi32>,
    %add3A_2556 = arith.constant 0 : i32
    %add3A_2557 = vector.broadcast %add3A_2556 : i32 to vector<16xi32>
    %add3A_2558 = arith.addi %get3A_2555, %add3A_2557 : vector<16xi32>
    %swap3A_2559 = arith.constant 400 : index
    %swap3A_2560 = tpu.vector_load %arg9[%swap3A_2559] {strides = array<i32>} : memref<10240xi32, #tpu.memory_space<vmem>>, vector<16xi32>,
    tpu.vector_store %arg9[%swap3A_2559], %add3A_2558 {strides = array<i32>} : memref<10240xi32, #tpu.memory_space<vmem>>, vector<16xi32>,
    %add3A_2561 = arith.constant 100000 : i32
    %add3A_2562 = vector.broadcast %add3A_2561 : i32 to vector<16xi32>
    %add3A_2563 = arith.addi %get3A_2555, %add3A_2562 : vector<16xi32>
    %swap3A_2564 = arith.constant 912 : index
    %swap3A_2565 = tpu.vector_load %arg9[%swap3A_2564] {strides = array<i32>} : memref<10240xi32, #tpu.memory_space<vmem>>, vector<16xi32>,
    tpu.vector_store %arg9[%swap3A_2564], %add3A_2563 {strides = array<i32>} : memref<10240xi32, #tpu.memory_space<vmem>>, vector<16xi32>,
    %add3A_2566 = arith.constant 200000 : i32
    %add3A_2567 = vector.broadcast %add3A_2566 : i32 to vector<16xi32>
    %add3A_2568 = arith.addi %get3A_2555, %add3A_2567 : vector<16xi32>
    %swap3A_2569 = arith.constant 1424 : index
    %swap3A_2570 = tpu.vector_load %arg9[%swap3A_2569] {strides = array<i32>} : memref<10240xi32, #tpu.memory_space<vmem>>, vector<16xi32>,
    tpu.vector_store %arg9[%swap3A_2569], %add3A_2568 {strides = array<i32>} : memref<10240xi32, #tpu.memory_space<vmem>>, vector<16xi32>,
    %add3A_2571 = arith.constant 300000 : i32
    %add3A_2572 = vector.broadcast %add3A_2571 : i32 to vector<16xi32>
    %add3A_2573 = arith.addi %get3A_2555, %add3A_2572 : vector<16xi32>
    %swap3A_2574 = arith.constant 1936 : index
    %swap3A_2575 = tpu.vector_load %arg9[%swap3A_2574] {strides = array<i32>} : memref<10240xi32, #tpu.memory_space<vmem>>, vector<16xi32>,
    tpu.vector_store %arg9[%swap3A_2574], %add3A_2573 {strides = array<i32>} : memref<10240xi32, #tpu.memory_space<vmem>>, vector<16xi32>,
    %add3A_2576 = arith.constant 400000 : i32
    %add3A_2577 = vector.broadcast %add3A_2576 : i32 to vector<16xi32>
    %add3A_2578 = arith.addi %get3A_2555, %add3A_2577 : vector<16xi32>
    %swap3A_2579 = arith.constant 2448 : index
    %swap3A_2580 = tpu.vector_load %arg9[%swap3A_2579] {strides = array<i32>} : memref<10240xi32, #tpu.memory_space<vmem>>, vector<16xi32>,
    tpu.vector_store %arg9[%swap3A_2579], %add3A_2578 {strides = array<i32>} : memref<10240xi32, #tpu.memory_space<vmem>>, vector<16xi32>,
    %add3A_2581 = arith.constant 500000 : i32
    %add3A_2582 = vector.broadcast %add3A_2581 : i32 to vector<16xi32>
    %add3A_2583 = arith.addi %get3A_2555, %add3A_2582 : vector<16xi32>
    %swap3A_2584 = arith.constant 2960 : index
    %swap3A_2585 = tpu.vector_load %arg9[%swap3A_2584] {strides = array<i32>} : memref<10240xi32, #tpu.memory_space<vmem>>, vector<16xi32>,
    tpu.vector_store %arg9[%swap3A_2584], %add3A_2583 {strides = array<i32>} : memref<10240xi32, #tpu.memory_space<vmem>>, vector<16xi32>,
    %add3A_2586 = arith.constant 600000 : i32
    %add3A_2587 = vector.broadcast %add3A_2586 : i32 to vector<16xi32>
    %add3A_2588 = arith.addi %get3A_2555, %add3A_2587 : vector<16xi32>
    %swap3A_2589 = arith.constant 3472 : index
    %swap3A_2590 = tpu.vector_load %arg9[%swap3A_2589] {strides = array<i32>} : memref<10240xi32, #tpu.memory_space<vmem>>, vector<16xi32>,
    tpu.vector_store %arg9[%swap3A_2589], %add3A_2588 {strides = array<i32>} : memref<10240xi32, #tpu.memory_space<vmem>>, vector<16xi32>,
    %add3A_2591 = arith.constant 700000 : i32
    %add3A_2592 = vector.broadcast %add3A_2591 : i32 to vector<16xi32>
    %add3A_2593 = arith.addi %get3A_2555, %add3A_2592 : vector<16xi32>
    %swap3A_2594 = arith.constant 3984 : index
    %swap3A_2595 = tpu.vector_load %arg9[%swap3A_2594] {strides = array<i32>} : memref<10240xi32, #tpu.memory_space<vmem>>, vector<16xi32>,
    tpu.vector_store %arg9[%swap3A_2594], %add3A_2593 {strides = array<i32>} : memref<10240xi32, #tpu.memory_space<vmem>>, vector<16xi32>,
    %add3A_2596 = arith.constant 800000 : i32
    %add3A_2597 = vector.broadcast %add3A_2596 : i32 to vector<16xi32>
    %add3A_2598 = arith.addi %get3A_2555, %add3A_2597 : vector<16xi32>
    %swap3A_2599 = arith.constant 4496 : index
    %swap3A_2600 = tpu.vector_load %arg9[%swap3A_2599] {strides = array<i32>} : memref<10240xi32, #tpu.memory_space<vmem>>, vector<16xi32>,
    tpu.vector_store %arg9[%swap3A_2599], %add3A_2598 {strides = array<i32>} : memref<10240xi32, #tpu.memory_space<vmem>>, vector<16xi32>,
    %add3A_2601 = arith.constant 900000 : i32
    %add3A_2602 = vector.broadcast %add3A_2601 : i32 to vector<16xi32>
    %add3A_2603 = arith.addi %get3A_2555, %add3A_2602 : vector<16xi32>
    %swap3A_2604 = arith.constant 5008 : index
    %swap3A_2605 = tpu.vector_load %arg9[%swap3A_2604] {strides = array<i32>} : memref<10240xi32, #tpu.memory_space<vmem>>, vector<16xi32>,
    tpu.vector_store %arg9[%swap3A_2604], %add3A_2603 {strides = array<i32>} : memref<10240xi32, #tpu.memory_space<vmem>>, vector<16xi32>,
    %add3A_2606 = arith.constant 1000000 : i32
    %add3A_2607 = vector.broadcast %add3A_2606 : i32 to vector<16xi32>
    %add3A_2608 = arith.addi %get3A_2555, %add3A_2607 : vector<16xi32>
    %swap3A_2609 = arith.constant 5520 : index
    %swap3A_2610 = tpu.vector_load %arg9[%swap3A_2609] {strides = array<i32>} : memref<10240xi32, #tpu.memory_space<vmem>>, vector<16xi32>,
    tpu.vector_store %arg9[%swap3A_2609], %add3A_2608 {strides = array<i32>} : memref<10240xi32, #tpu.memory_space<vmem>>, vector<16xi32>,
    %add3A_2611 = arith.constant 1100000 : i32
    %add3A_2612 = vector.broadcast %add3A_2611 : i32 to vector<16xi32>
    %add3A_2613 = arith.addi %get3A_2555, %add3A_2612 : vector<16xi32>
    %swap3A_2614 = arith.constant 6032 : index
    %swap3A_2615 = tpu.vector_load %arg9[%swap3A_2614] {strides = array<i32>} : memref<10240xi32, #tpu.memory_space<vmem>>, vector<16xi32>,
    tpu.vector_store %arg9[%swap3A_2614], %add3A_2613 {strides = array<i32>} : memref<10240xi32, #tpu.memory_space<vmem>>, vector<16xi32>,
    %add3A_2616 = arith.constant 1200000 : i32
    %add3A_2617 = vector.broadcast %add3A_2616 : i32 to vector<16xi32>
    %add3A_2618 = arith.addi %get3A_2555, %add3A_2617 : vector<16xi32>
    %swap3A_2619 = arith.constant 6544 : index
    %swap3A_2620 = tpu.vector_load %arg9[%swap3A_2619] {strides = array<i32>} : memref<10240xi32, #tpu.memory_space<vmem>>, vector<16xi32>,
    tpu.vector_store %arg9[%swap3A_2619], %add3A_2618 {strides = array<i32>} : memref<10240xi32, #tpu.memory_space<vmem>>, vector<16xi32>,
    %add3A_2621 = arith.constant 1300000 : i32
    %add3A_2622 = vector.broadcast %add3A_2621 : i32 to vector<16xi32>
    %add3A_2623 = arith.addi %get3A_2555, %add3A_2622 : vector<16xi32>
    %swap3A_2624 = arith.constant 7056 : index
    %swap3A_2625 = tpu.vector_load %arg9[%swap3A_2624] {strides = array<i32>} : memref<10240xi32, #tpu.memory_space<vmem>>, vector<16xi32>,
    tpu.vector_store %arg9[%swap3A_2624], %add3A_2623 {strides = array<i32>} : memref<10240xi32, #tpu.memory_space<vmem>>, vector<16xi32>,
    %add3A_2626 = arith.constant 1400000 : i32
    %add3A_2627 = vector.broadcast %add3A_2626 : i32 to vector<16xi32>
    %add3A_2628 = arith.addi %get3A_2555, %add3A_2627 : vector<16xi32>
    %swap3A_2629 = arith.constant 7568 : index
    %swap3A_2630 = tpu.vector_load %arg9[%swap3A_2629] {strides = array<i32>} : memref<10240xi32, #tpu.memory_space<vmem>>, vector<16xi32>,
    tpu.vector_store %arg9[%swap3A_2629], %add3A_2628 {strides = array<i32>} : memref<10240xi32, #tpu.memory_space<vmem>>, vector<16xi32>,
    %add3A_2631 = arith.constant 1500000 : i32
    %add3A_2632 = vector.broadcast %add3A_2631 : i32 to vector<16xi32>
    %add3A_2633 = arith.addi %get3A_2555, %add3A_2632 : vector<16xi32>
    %swap3A_2634 = arith.constant 8080 : index
    %swap3A_2635 = tpu.vector_load %arg9[%swap3A_2634] {strides = array<i32>} : memref<10240xi32, #tpu.memory_space<vmem>>, vector<16xi32>,
    tpu.vector_store %arg9[%swap3A_2634], %add3A_2633 {strides = array<i32>} : memref<10240xi32, #tpu.memory_space<vmem>>, vector<16xi32>,
    %add3A_2636 = arith.constant 1600000 : i32
    %add3A_2637 = vector.broadcast %add3A_2636 : i32 to vector<16xi32>
    %add3A_2638 = arith.addi %get3A_2555, %add3A_2637 : vector<16xi32>
    %swap3A_2639 = arith.constant 8592 : index
    %swap3A_2640 = tpu.vector_load %arg9[%swap3A_2639] {strides = array<i32>} : memref<10240xi32, #tpu.memory_space<vmem>>, vector<16xi32>,
    tpu.vector_store %arg9[%swap3A_2639], %add3A_2638 {strides = array<i32>} : memref<10240xi32, #tpu.memory_space<vmem>>, vector<16xi32>,
    %add3A_2641 = arith.constant 1700000 : i32
    %add3A_2642 = vector.broadcast %add3A_2641 : i32 to vector<16xi32>
    %add3A_2643 = arith.addi %get3A_2555, %add3A_2642 : vector<16xi32>
    %swap3A_2644 = arith.constant 9104 : index
    %swap3A_2645 = tpu.vector_load %arg9[%swap3A_2644] {strides = array<i32>} : memref<10240xi32, #tpu.memory_space<vmem>>, vector<16xi32>,
    tpu.vector_store %arg9[%swap3A_2644], %add3A_2643 {strides = array<i32>} : memref<10240xi32, #tpu.memory_space<vmem>>, vector<16xi32>,
    %add3A_2646 = arith.constant 1800000 : i32
    %add3A_2647 = vector.broadcast %add3A_2646 : i32 to vector<16xi32>
    %add3A_2648 = arith.addi %get3A_2555, %add3A_2647 : vector<16xi32>
    %swap3A_2649 = arith.constant 9616 : index
    %swap3A_2650 = tpu.vector_load %arg9[%swap3A_2649] {strides = array<i32>} : memref<10240xi32, #tpu.memory_space<vmem>>, vector<16xi32>,
    tpu.vector_store %arg9[%swap3A_2649], %add3A_2648 {strides = array<i32>} : memref<10240xi32, #tpu.memory_space<vmem>>, vector<16xi32>,
    %add3A_2651 = arith.constant 1900000 : i32
    %add3A_2652 = vector.broadcast %add3A_2651 : i32 to vector<16xi32>
    %add3A_2653 = arith.addi %get3A_2555, %add3A_2652 : vector<16xi32>
    %swap3A_2654 = arith.constant 10128 : index
    %swap3A_2655 = tpu.vector_load %arg9[%swap3A_2654] {strides = array<i32>} : memref<10240xi32, #tpu.memory_space<vmem>>, vector<16xi32>,
    tpu.vector_store %arg9[%swap3A_2654], %add3A_2653 {strides = array<i32>} : memref<10240xi32, #tpu.memory_space<vmem>>, vector<16xi32>,
    %get3A_2656 = arith.constant 416 : index
    %get3A_2657 = tpu.vector_load %arg8[%get3A_2656] {strides = array<i32>} : memref<512xi32, #tpu.memory_space<vmem>>, vector<16xi32>,
    %add3A_2658 = arith.constant 0 : i32
    %add3A_2659 = vector.broadcast %add3A_2658 : i32 to vector<16xi32>
    %add3A_2660 = arith.addi %get3A_2657, %add3A_2659 : vector<16xi32>
    %swap3A_2661 = arith.constant 416 : index
    %swap3A_2662 = tpu.vector_load %arg9[%swap3A_2661] {strides = array<i32>} : memref<10240xi32, #tpu.memory_space<vmem>>, vector<16xi32>,
    tpu.vector_store %arg9[%swap3A_2661], %add3A_2660 {strides = array<i32>} : memref<10240xi32, #tpu.memory_space<vmem>>, vector<16xi32>,
    %add3A_2663 = arith.constant 100000 : i32
    %add3A_2664 = vector.broadcast %add3A_2663 : i32 to vector<16xi32>
    %add3A_2665 = arith.addi %get3A_2657, %add3A_2664 : vector<16xi32>
    %swap3A_2666 = arith.constant 928 : index
    %swap3A_2667 = tpu.vector_load %arg9[%swap3A_2666] {strides = array<i32>} : memref<10240xi32, #tpu.memory_space<vmem>>, vector<16xi32>,
    tpu.vector_store %arg9[%swap3A_2666], %add3A_2665 {strides = array<i32>} : memref<10240xi32, #tpu.memory_space<vmem>>, vector<16xi32>,
    %add3A_2668 = arith.constant 200000 : i32
    %add3A_2669 = vector.broadcast %add3A_2668 : i32 to vector<16xi32>
    %add3A_2670 = arith.addi %get3A_2657, %add3A_2669 : vector<16xi32>
    %swap3A_2671 = arith.constant 1440 : index
    %swap3A_2672 = tpu.vector_load %arg9[%swap3A_2671] {strides = array<i32>} : memref<10240xi32, #tpu.memory_space<vmem>>, vector<16xi32>,
    tpu.vector_store %arg9[%swap3A_2671], %add3A_2670 {strides = array<i32>} : memref<10240xi32, #tpu.memory_space<vmem>>, vector<16xi32>,
    %add3A_2673 = arith.constant 300000 : i32
    %add3A_2674 = vector.broadcast %add3A_2673 : i32 to vector<16xi32>
    %add3A_2675 = arith.addi %get3A_2657, %add3A_2674 : vector<16xi32>
    %swap3A_2676 = arith.constant 1952 : index
    %swap3A_2677 = tpu.vector_load %arg9[%swap3A_2676] {strides = array<i32>} : memref<10240xi32, #tpu.memory_space<vmem>>, vector<16xi32>,
    tpu.vector_store %arg9[%swap3A_2676], %add3A_2675 {strides = array<i32>} : memref<10240xi32, #tpu.memory_space<vmem>>, vector<16xi32>,
    %add3A_2678 = arith.constant 400000 : i32
    %add3A_2679 = vector.broadcast %add3A_2678 : i32 to vector<16xi32>
    %add3A_2680 = arith.addi %get3A_2657, %add3A_2679 : vector<16xi32>
    %swap3A_2681 = arith.constant 2464 : index
    %swap3A_2682 = tpu.vector_load %arg9[%swap3A_2681] {strides = array<i32>} : memref<10240xi32, #tpu.memory_space<vmem>>, vector<16xi32>,
    tpu.vector_store %arg9[%swap3A_2681], %add3A_2680 {strides = array<i32>} : memref<10240xi32, #tpu.memory_space<vmem>>, vector<16xi32>,
    %add3A_2683 = arith.constant 500000 : i32
    %add3A_2684 = vector.broadcast %add3A_2683 : i32 to vector<16xi32>
    %add3A_2685 = arith.addi %get3A_2657, %add3A_2684 : vector<16xi32>
    %swap3A_2686 = arith.constant 2976 : index
    %swap3A_2687 = tpu.vector_load %arg9[%swap3A_2686] {strides = array<i32>} : memref<10240xi32, #tpu.memory_space<vmem>>, vector<16xi32>,
    tpu.vector_store %arg9[%swap3A_2686], %add3A_2685 {strides = array<i32>} : memref<10240xi32, #tpu.memory_space<vmem>>, vector<16xi32>,
    %add3A_2688 = arith.constant 600000 : i32
    %add3A_2689 = vector.broadcast %add3A_2688 : i32 to vector<16xi32>
    %add3A_2690 = arith.addi %get3A_2657, %add3A_2689 : vector<16xi32>
    %swap3A_2691 = arith.constant 3488 : index
    %swap3A_2692 = tpu.vector_load %arg9[%swap3A_2691] {strides = array<i32>} : memref<10240xi32, #tpu.memory_space<vmem>>, vector<16xi32>,
    tpu.vector_store %arg9[%swap3A_2691], %add3A_2690 {strides = array<i32>} : memref<10240xi32, #tpu.memory_space<vmem>>, vector<16xi32>,
    %add3A_2693 = arith.constant 700000 : i32
    %add3A_2694 = vector.broadcast %add3A_2693 : i32 to vector<16xi32>
    %add3A_2695 = arith.addi %get3A_2657, %add3A_2694 : vector<16xi32>
    %swap3A_2696 = arith.constant 4000 : index
    %swap3A_2697 = tpu.vector_load %arg9[%swap3A_2696] {strides = array<i32>} : memref<10240xi32, #tpu.memory_space<vmem>>, vector<16xi32>,
    tpu.vector_store %arg9[%swap3A_2696], %add3A_2695 {strides = array<i32>} : memref<10240xi32, #tpu.memory_space<vmem>>, vector<16xi32>,
    %add3A_2698 = arith.constant 800000 : i32
    %add3A_2699 = vector.broadcast %add3A_2698 : i32 to vector<16xi32>
    %add3A_2700 = arith.addi %get3A_2657, %add3A_2699 : vector<16xi32>
    %swap3A_2701 = arith.constant 4512 : index
    %swap3A_2702 = tpu.vector_load %arg9[%swap3A_2701] {strides = array<i32>} : memref<10240xi32, #tpu.memory_space<vmem>>, vector<16xi32>,
    tpu.vector_store %arg9[%swap3A_2701], %add3A_2700 {strides = array<i32>} : memref<10240xi32, #tpu.memory_space<vmem>>, vector<16xi32>,
    %add3A_2703 = arith.constant 900000 : i32
    %add3A_2704 = vector.broadcast %add3A_2703 : i32 to vector<16xi32>
    %add3A_2705 = arith.addi %get3A_2657, %add3A_2704 : vector<16xi32>
    %swap3A_2706 = arith.constant 5024 : index
    %swap3A_2707 = tpu.vector_load %arg9[%swap3A_2706] {strides = array<i32>} : memref<10240xi32, #tpu.memory_space<vmem>>, vector<16xi32>,
    tpu.vector_store %arg9[%swap3A_2706], %add3A_2705 {strides = array<i32>} : memref<10240xi32, #tpu.memory_space<vmem>>, vector<16xi32>,
    %add3A_2708 = arith.constant 1000000 : i32
    %add3A_2709 = vector.broadcast %add3A_2708 : i32 to vector<16xi32>
    %add3A_2710 = arith.addi %get3A_2657, %add3A_2709 : vector<16xi32>
    %swap3A_2711 = arith.constant 5536 : index
    %swap3A_2712 = tpu.vector_load %arg9[%swap3A_2711] {strides = array<i32>} : memref<10240xi32, #tpu.memory_space<vmem>>, vector<16xi32>,
    tpu.vector_store %arg9[%swap3A_2711], %add3A_2710 {strides = array<i32>} : memref<10240xi32, #tpu.memory_space<vmem>>, vector<16xi32>,
    %add3A_2713 = arith.constant 1100000 : i32
    %add3A_2714 = vector.broadcast %add3A_2713 : i32 to vector<16xi32>
    %add3A_2715 = arith.addi %get3A_2657, %add3A_2714 : vector<16xi32>
    %swap3A_2716 = arith.constant 6048 : index
    %swap3A_2717 = tpu.vector_load %arg9[%swap3A_2716] {strides = array<i32>} : memref<10240xi32, #tpu.memory_space<vmem>>, vector<16xi32>,
    tpu.vector_store %arg9[%swap3A_2716], %add3A_2715 {strides = array<i32>} : memref<10240xi32, #tpu.memory_space<vmem>>, vector<16xi32>,
    %add3A_2718 = arith.constant 1200000 : i32
    %add3A_2719 = vector.broadcast %add3A_2718 : i32 to vector<16xi32>
    %add3A_2720 = arith.addi %get3A_2657, %add3A_2719 : vector<16xi32>
    %swap3A_2721 = arith.constant 6560 : index
    %swap3A_2722 = tpu.vector_load %arg9[%swap3A_2721] {strides = array<i32>} : memref<10240xi32, #tpu.memory_space<vmem>>, vector<16xi32>,
    tpu.vector_store %arg9[%swap3A_2721], %add3A_2720 {strides = array<i32>} : memref<10240xi32, #tpu.memory_space<vmem>>, vector<16xi32>,
    %add3A_2723 = arith.constant 1300000 : i32
    %add3A_2724 = vector.broadcast %add3A_2723 : i32 to vector<16xi32>
    %add3A_2725 = arith.addi %get3A_2657, %add3A_2724 : vector<16xi32>
    %swap3A_2726 = arith.constant 7072 : index
    %swap3A_2727 = tpu.vector_load %arg9[%swap3A_2726] {strides = array<i32>} : memref<10240xi32, #tpu.memory_space<vmem>>, vector<16xi32>,
    tpu.vector_store %arg9[%swap3A_2726], %add3A_2725 {strides = array<i32>} : memref<10240xi32, #tpu.memory_space<vmem>>, vector<16xi32>,
    %add3A_2728 = arith.constant 1400000 : i32
    %add3A_2729 = vector.broadcast %add3A_2728 : i32 to vector<16xi32>
    %add3A_2730 = arith.addi %get3A_2657, %add3A_2729 : vector<16xi32>
    %swap3A_2731 = arith.constant 7584 : index
    %swap3A_2732 = tpu.vector_load %arg9[%swap3A_2731] {strides = array<i32>} : memref<10240xi32, #tpu.memory_space<vmem>>, vector<16xi32>,
    tpu.vector_store %arg9[%swap3A_2731], %add3A_2730 {strides = array<i32>} : memref<10240xi32, #tpu.memory_space<vmem>>, vector<16xi32>,
    %add3A_2733 = arith.constant 1500000 : i32
    %add3A_2734 = vector.broadcast %add3A_2733 : i32 to vector<16xi32>
    %add3A_2735 = arith.addi %get3A_2657, %add3A_2734 : vector<16xi32>
    %swap3A_2736 = arith.constant 8096 : index
    %swap3A_2737 = tpu.vector_load %arg9[%swap3A_2736] {strides = array<i32>} : memref<10240xi32, #tpu.memory_space<vmem>>, vector<16xi32>,
    tpu.vector_store %arg9[%swap3A_2736], %add3A_2735 {strides = array<i32>} : memref<10240xi32, #tpu.memory_space<vmem>>, vector<16xi32>,
    %add3A_2738 = arith.constant 1600000 : i32
    %add3A_2739 = vector.broadcast %add3A_2738 : i32 to vector<16xi32>
    %add3A_2740 = arith.addi %get3A_2657, %add3A_2739 : vector<16xi32>
    %swap3A_2741 = arith.constant 8608 : index
    %swap3A_2742 = tpu.vector_load %arg9[%swap3A_2741] {strides = array<i32>} : memref<10240xi32, #tpu.memory_space<vmem>>, vector<16xi32>,
    tpu.vector_store %arg9[%swap3A_2741], %add3A_2740 {strides = array<i32>} : memref<10240xi32, #tpu.memory_space<vmem>>, vector<16xi32>,
    %add3A_2743 = arith.constant 1700000 : i32
    %add3A_2744 = vector.broadcast %add3A_2743 : i32 to vector<16xi32>
    %add3A_2745 = arith.addi %get3A_2657, %add3A_2744 : vector<16xi32>
    %swap3A_2746 = arith.constant 9120 : index
    %swap3A_2747 = tpu.vector_load %arg9[%swap3A_2746] {strides = array<i32>} : memref<10240xi32, #tpu.memory_space<vmem>>, vector<16xi32>,
    tpu.vector_store %arg9[%swap3A_2746], %add3A_2745 {strides = array<i32>} : memref<10240xi32, #tpu.memory_space<vmem>>, vector<16xi32>,
    %add3A_2748 = arith.constant 1800000 : i32
    %add3A_2749 = vector.broadcast %add3A_2748 : i32 to vector<16xi32>
    %add3A_2750 = arith.addi %get3A_2657, %add3A_2749 : vector<16xi32>
    %swap3A_2751 = arith.constant 9632 : index
    %swap3A_2752 = tpu.vector_load %arg9[%swap3A_2751] {strides = array<i32>} : memref<10240xi32, #tpu.memory_space<vmem>>, vector<16xi32>,
    tpu.vector_store %arg9[%swap3A_2751], %add3A_2750 {strides = array<i32>} : memref<10240xi32, #tpu.memory_space<vmem>>, vector<16xi32>,
    %add3A_2753 = arith.constant 1900000 : i32
    %add3A_2754 = vector.broadcast %add3A_2753 : i32 to vector<16xi32>
    %add3A_2755 = arith.addi %get3A_2657, %add3A_2754 : vector<16xi32>
    %swap3A_2756 = arith.constant 10144 : index
    %swap3A_2757 = tpu.vector_load %arg9[%swap3A_2756] {strides = array<i32>} : memref<10240xi32, #tpu.memory_space<vmem>>, vector<16xi32>,
    tpu.vector_store %arg9[%swap3A_2756], %add3A_2755 {strides = array<i32>} : memref<10240xi32, #tpu.memory_space<vmem>>, vector<16xi32>,
    %get3A_2758 = arith.constant 432 : index
    %get3A_2759 = tpu.vector_load %arg8[%get3A_2758] {strides = array<i32>} : memref<512xi32, #tpu.memory_space<vmem>>, vector<16xi32>,
    %add3A_2760 = arith.constant 0 : i32
    %add3A_2761 = vector.broadcast %add3A_2760 : i32 to vector<16xi32>
    %add3A_2762 = arith.addi %get3A_2759, %add3A_2761 : vector<16xi32>
    %swap3A_2763 = arith.constant 432 : index
    %swap3A_2764 = tpu.vector_load %arg9[%swap3A_2763] {strides = array<i32>} : memref<10240xi32, #tpu.memory_space<vmem>>, vector<16xi32>,
    tpu.vector_store %arg9[%swap3A_2763], %add3A_2762 {strides = array<i32>} : memref<10240xi32, #tpu.memory_space<vmem>>, vector<16xi32>,
    %add3A_2765 = arith.constant 100000 : i32
    %add3A_2766 = vector.broadcast %add3A_2765 : i32 to vector<16xi32>
    %add3A_2767 = arith.addi %get3A_2759, %add3A_2766 : vector<16xi32>
    %swap3A_2768 = arith.constant 944 : index
    %swap3A_2769 = tpu.vector_load %arg9[%swap3A_2768] {strides = array<i32>} : memref<10240xi32, #tpu.memory_space<vmem>>, vector<16xi32>,
    tpu.vector_store %arg9[%swap3A_2768], %add3A_2767 {strides = array<i32>} : memref<10240xi32, #tpu.memory_space<vmem>>, vector<16xi32>,
    %add3A_2770 = arith.constant 200000 : i32
    %add3A_2771 = vector.broadcast %add3A_2770 : i32 to vector<16xi32>
    %add3A_2772 = arith.addi %get3A_2759, %add3A_2771 : vector<16xi32>
    %swap3A_2773 = arith.constant 1456 : index
    %swap3A_2774 = tpu.vector_load %arg9[%swap3A_2773] {strides = array<i32>} : memref<10240xi32, #tpu.memory_space<vmem>>, vector<16xi32>,
    tpu.vector_store %arg9[%swap3A_2773], %add3A_2772 {strides = array<i32>} : memref<10240xi32, #tpu.memory_space<vmem>>, vector<16xi32>,
    %add3A_2775 = arith.constant 300000 : i32
    %add3A_2776 = vector.broadcast %add3A_2775 : i32 to vector<16xi32>
    %add3A_2777 = arith.addi %get3A_2759, %add3A_2776 : vector<16xi32>
    %swap3A_2778 = arith.constant 1968 : index
    %swap3A_2779 = tpu.vector_load %arg9[%swap3A_2778] {strides = array<i32>} : memref<10240xi32, #tpu.memory_space<vmem>>, vector<16xi32>,
    tpu.vector_store %arg9[%swap3A_2778], %add3A_2777 {strides = array<i32>} : memref<10240xi32, #tpu.memory_space<vmem>>, vector<16xi32>,
    %add3A_2780 = arith.constant 400000 : i32
    %add3A_2781 = vector.broadcast %add3A_2780 : i32 to vector<16xi32>
    %add3A_2782 = arith.addi %get3A_2759, %add3A_2781 : vector<16xi32>
    %swap3A_2783 = arith.constant 2480 : index
    %swap3A_2784 = tpu.vector_load %arg9[%swap3A_2783] {strides = array<i32>} : memref<10240xi32, #tpu.memory_space<vmem>>, vector<16xi32>,
    tpu.vector_store %arg9[%swap3A_2783], %add3A_2782 {strides = array<i32>} : memref<10240xi32, #tpu.memory_space<vmem>>, vector<16xi32>,
    %add3A_2785 = arith.constant 500000 : i32
    %add3A_2786 = vector.broadcast %add3A_2785 : i32 to vector<16xi32>
    %add3A_2787 = arith.addi %get3A_2759, %add3A_2786 : vector<16xi32>
    %swap3A_2788 = arith.constant 2992 : index
    %swap3A_2789 = tpu.vector_load %arg9[%swap3A_2788] {strides = array<i32>} : memref<10240xi32, #tpu.memory_space<vmem>>, vector<16xi32>,
    tpu.vector_store %arg9[%swap3A_2788], %add3A_2787 {strides = array<i32>} : memref<10240xi32, #tpu.memory_space<vmem>>, vector<16xi32>,
    %add3A_2790 = arith.constant 600000 : i32
    %add3A_2791 = vector.broadcast %add3A_2790 : i32 to vector<16xi32>
    %add3A_2792 = arith.addi %get3A_2759, %add3A_2791 : vector<16xi32>
    %swap3A_2793 = arith.constant 3504 : index
    %swap3A_2794 = tpu.vector_load %arg9[%swap3A_2793] {strides = array<i32>} : memref<10240xi32, #tpu.memory_space<vmem>>, vector<16xi32>,
    tpu.vector_store %arg9[%swap3A_2793], %add3A_2792 {strides = array<i32>} : memref<10240xi32, #tpu.memory_space<vmem>>, vector<16xi32>,
    %add3A_2795 = arith.constant 700000 : i32
    %add3A_2796 = vector.broadcast %add3A_2795 : i32 to vector<16xi32>
    %add3A_2797 = arith.addi %get3A_2759, %add3A_2796 : vector<16xi32>
    %swap3A_2798 = arith.constant 4016 : index
    %swap3A_2799 = tpu.vector_load %arg9[%swap3A_2798] {strides = array<i32>} : memref<10240xi32, #tpu.memory_space<vmem>>, vector<16xi32>,
    tpu.vector_store %arg9[%swap3A_2798], %add3A_2797 {strides = array<i32>} : memref<10240xi32, #tpu.memory_space<vmem>>, vector<16xi32>,
    %add3A_2800 = arith.constant 800000 : i32
    %add3A_2801 = vector.broadcast %add3A_2800 : i32 to vector<16xi32>
    %add3A_2802 = arith.addi %get3A_2759, %add3A_2801 : vector<16xi32>
    %swap3A_2803 = arith.constant 4528 : index
    %swap3A_2804 = tpu.vector_load %arg9[%swap3A_2803] {strides = array<i32>} : memref<10240xi32, #tpu.memory_space<vmem>>, vector<16xi32>,
    tpu.vector_store %arg9[%swap3A_2803], %add3A_2802 {strides = array<i32>} : memref<10240xi32, #tpu.memory_space<vmem>>, vector<16xi32>,
    %add3A_2805 = arith.constant 900000 : i32
    %add3A_2806 = vector.broadcast %add3A_2805 : i32 to vector<16xi32>
    %add3A_2807 = arith.addi %get3A_2759, %add3A_2806 : vector<16xi32>
    %swap3A_2808 = arith.constant 5040 : index
    %swap3A_2809 = tpu.vector_load %arg9[%swap3A_2808] {strides = array<i32>} : memref<10240xi32, #tpu.memory_space<vmem>>, vector<16xi32>,
    tpu.vector_store %arg9[%swap3A_2808], %add3A_2807 {strides = array<i32>} : memref<10240xi32, #tpu.memory_space<vmem>>, vector<16xi32>,
    %add3A_2810 = arith.constant 1000000 : i32
    %add3A_2811 = vector.broadcast %add3A_2810 : i32 to vector<16xi32>
    %add3A_2812 = arith.addi %get3A_2759, %add3A_2811 : vector<16xi32>
    %swap3A_2813 = arith.constant 5552 : index
    %swap3A_2814 = tpu.vector_load %arg9[%swap3A_2813] {strides = array<i32>} : memref<10240xi32, #tpu.memory_space<vmem>>, vector<16xi32>,
    tpu.vector_store %arg9[%swap3A_2813], %add3A_2812 {strides = array<i32>} : memref<10240xi32, #tpu.memory_space<vmem>>, vector<16xi32>,
    %add3A_2815 = arith.constant 1100000 : i32
    %add3A_2816 = vector.broadcast %add3A_2815 : i32 to vector<16xi32>
    %add3A_2817 = arith.addi %get3A_2759, %add3A_2816 : vector<16xi32>
    %swap3A_2818 = arith.constant 6064 : index
    %swap3A_2819 = tpu.vector_load %arg9[%swap3A_2818] {strides = array<i32>} : memref<10240xi32, #tpu.memory_space<vmem>>, vector<16xi32>,
    tpu.vector_store %arg9[%swap3A_2818], %add3A_2817 {strides = array<i32>} : memref<10240xi32, #tpu.memory_space<vmem>>, vector<16xi32>,
    %add3A_2820 = arith.constant 1200000 : i32
    %add3A_2821 = vector.broadcast %add3A_2820 : i32 to vector<16xi32>
    %add3A_2822 = arith.addi %get3A_2759, %add3A_2821 : vector<16xi32>
    %swap3A_2823 = arith.constant 6576 : index
    %swap3A_2824 = tpu.vector_load %arg9[%swap3A_2823] {strides = array<i32>} : memref<10240xi32, #tpu.memory_space<vmem>>, vector<16xi32>,
    tpu.vector_store %arg9[%swap3A_2823], %add3A_2822 {strides = array<i32>} : memref<10240xi32, #tpu.memory_space<vmem>>, vector<16xi32>,
    %add3A_2825 = arith.constant 1300000 : i32
    %add3A_2826 = vector.broadcast %add3A_2825 : i32 to vector<16xi32>
    %add3A_2827 = arith.addi %get3A_2759, %add3A_2826 : vector<16xi32>
    %swap3A_2828 = arith.constant 7088 : index
    %swap3A_2829 = tpu.vector_load %arg9[%swap3A_2828] {strides = array<i32>} : memref<10240xi32, #tpu.memory_space<vmem>>, vector<16xi32>,
    tpu.vector_store %arg9[%swap3A_2828], %add3A_2827 {strides = array<i32>} : memref<10240xi32, #tpu.memory_space<vmem>>, vector<16xi32>,
    %add3A_2830 = arith.constant 1400000 : i32
    %add3A_2831 = vector.broadcast %add3A_2830 : i32 to vector<16xi32>
    %add3A_2832 = arith.addi %get3A_2759, %add3A_2831 : vector<16xi32>
    %swap3A_2833 = arith.constant 7600 : index
    %swap3A_2834 = tpu.vector_load %arg9[%swap3A_2833] {strides = array<i32>} : memref<10240xi32, #tpu.memory_space<vmem>>, vector<16xi32>,
    tpu.vector_store %arg9[%swap3A_2833], %add3A_2832 {strides = array<i32>} : memref<10240xi32, #tpu.memory_space<vmem>>, vector<16xi32>,
    %add3A_2835 = arith.constant 1500000 : i32
    %add3A_2836 = vector.broadcast %add3A_2835 : i32 to vector<16xi32>
    %add3A_2837 = arith.addi %get3A_2759, %add3A_2836 : vector<16xi32>
    %swap3A_2838 = arith.constant 8112 : index
    %swap3A_2839 = tpu.vector_load %arg9[%swap3A_2838] {strides = array<i32>} : memref<10240xi32, #tpu.memory_space<vmem>>, vector<16xi32>,
    tpu.vector_store %arg9[%swap3A_2838], %add3A_2837 {strides = array<i32>} : memref<10240xi32, #tpu.memory_space<vmem>>, vector<16xi32>,
    %add3A_2840 = arith.constant 1600000 : i32
    %add3A_2841 = vector.broadcast %add3A_2840 : i32 to vector<16xi32>
    %add3A_2842 = arith.addi %get3A_2759, %add3A_2841 : vector<16xi32>
    %swap3A_2843 = arith.constant 8624 : index
    %swap3A_2844 = tpu.vector_load %arg9[%swap3A_2843] {strides = array<i32>} : memref<10240xi32, #tpu.memory_space<vmem>>, vector<16xi32>,
    tpu.vector_store %arg9[%swap3A_2843], %add3A_2842 {strides = array<i32>} : memref<10240xi32, #tpu.memory_space<vmem>>, vector<16xi32>,
    %add3A_2845 = arith.constant 1700000 : i32
    %add3A_2846 = vector.broadcast %add3A_2845 : i32 to vector<16xi32>
    %add3A_2847 = arith.addi %get3A_2759, %add3A_2846 : vector<16xi32>
    %swap3A_2848 = arith.constant 9136 : index
    %swap3A_2849 = tpu.vector_load %arg9[%swap3A_2848] {strides = array<i32>} : memref<10240xi32, #tpu.memory_space<vmem>>, vector<16xi32>,
    tpu.vector_store %arg9[%swap3A_2848], %add3A_2847 {strides = array<i32>} : memref<10240xi32, #tpu.memory_space<vmem>>, vector<16xi32>,
    %add3A_2850 = arith.constant 1800000 : i32
    %add3A_2851 = vector.broadcast %add3A_2850 : i32 to vector<16xi32>
    %add3A_2852 = arith.addi %get3A_2759, %add3A_2851 : vector<16xi32>
    %swap3A_2853 = arith.constant 9648 : index
    %swap3A_2854 = tpu.vector_load %arg9[%swap3A_2853] {strides = array<i32>} : memref<10240xi32, #tpu.memory_space<vmem>>, vector<16xi32>,
    tpu.vector_store %arg9[%swap3A_2853], %add3A_2852 {strides = array<i32>} : memref<10240xi32, #tpu.memory_space<vmem>>, vector<16xi32>,
    %add3A_2855 = arith.constant 1900000 : i32
    %add3A_2856 = vector.broadcast %add3A_2855 : i32 to vector<16xi32>
    %add3A_2857 = arith.addi %get3A_2759, %add3A_2856 : vector<16xi32>
    %swap3A_2858 = arith.constant 10160 : index
    %swap3A_2859 = tpu.vector_load %arg9[%swap3A_2858] {strides = array<i32>} : memref<10240xi32, #tpu.memory_space<vmem>>, vector<16xi32>,
    tpu.vector_store %arg9[%swap3A_2858], %add3A_2857 {strides = array<i32>} : memref<10240xi32, #tpu.memory_space<vmem>>, vector<16xi32>,
    %get3A_2860 = arith.constant 448 : index
    %get3A_2861 = tpu.vector_load %arg8[%get3A_2860] {strides = array<i32>} : memref<512xi32, #tpu.memory_space<vmem>>, vector<16xi32>,
    %add3A_2862 = arith.constant 0 : i32
    %add3A_2863 = vector.broadcast %add3A_2862 : i32 to vector<16xi32>
    %add3A_2864 = arith.addi %get3A_2861, %add3A_2863 : vector<16xi32>
    %swap3A_2865 = arith.constant 448 : index
    %swap3A_2866 = tpu.vector_load %arg9[%swap3A_2865] {strides = array<i32>} : memref<10240xi32, #tpu.memory_space<vmem>>, vector<16xi32>,
    tpu.vector_store %arg9[%swap3A_2865], %add3A_2864 {strides = array<i32>} : memref<10240xi32, #tpu.memory_space<vmem>>, vector<16xi32>,
    %add3A_2867 = arith.constant 100000 : i32
    %add3A_2868 = vector.broadcast %add3A_2867 : i32 to vector<16xi32>
    %add3A_2869 = arith.addi %get3A_2861, %add3A_2868 : vector<16xi32>
    %swap3A_2870 = arith.constant 960 : index
    %swap3A_2871 = tpu.vector_load %arg9[%swap3A_2870] {strides = array<i32>} : memref<10240xi32, #tpu.memory_space<vmem>>, vector<16xi32>,
    tpu.vector_store %arg9[%swap3A_2870], %add3A_2869 {strides = array<i32>} : memref<10240xi32, #tpu.memory_space<vmem>>, vector<16xi32>,
    %add3A_2872 = arith.constant 200000 : i32
    %add3A_2873 = vector.broadcast %add3A_2872 : i32 to vector<16xi32>
    %add3A_2874 = arith.addi %get3A_2861, %add3A_2873 : vector<16xi32>
    %swap3A_2875 = arith.constant 1472 : index
    %swap3A_2876 = tpu.vector_load %arg9[%swap3A_2875] {strides = array<i32>} : memref<10240xi32, #tpu.memory_space<vmem>>, vector<16xi32>,
    tpu.vector_store %arg9[%swap3A_2875], %add3A_2874 {strides = array<i32>} : memref<10240xi32, #tpu.memory_space<vmem>>, vector<16xi32>,
    %add3A_2877 = arith.constant 300000 : i32
    %add3A_2878 = vector.broadcast %add3A_2877 : i32 to vector<16xi32>
    %add3A_2879 = arith.addi %get3A_2861, %add3A_2878 : vector<16xi32>
    %swap3A_2880 = arith.constant 1984 : index
    %swap3A_2881 = tpu.vector_load %arg9[%swap3A_2880] {strides = array<i32>} : memref<10240xi32, #tpu.memory_space<vmem>>, vector<16xi32>,
    tpu.vector_store %arg9[%swap3A_2880], %add3A_2879 {strides = array<i32>} : memref<10240xi32, #tpu.memory_space<vmem>>, vector<16xi32>,
    %add3A_2882 = arith.constant 400000 : i32
    %add3A_2883 = vector.broadcast %add3A_2882 : i32 to vector<16xi32>
    %add3A_2884 = arith.addi %get3A_2861, %add3A_2883 : vector<16xi32>
    %swap3A_2885 = arith.constant 2496 : index
    %swap3A_2886 = tpu.vector_load %arg9[%swap3A_2885] {strides = array<i32>} : memref<10240xi32, #tpu.memory_space<vmem>>, vector<16xi32>,
    tpu.vector_store %arg9[%swap3A_2885], %add3A_2884 {strides = array<i32>} : memref<10240xi32, #tpu.memory_space<vmem>>, vector<16xi32>,
    %add3A_2887 = arith.constant 500000 : i32
    %add3A_2888 = vector.broadcast %add3A_2887 : i32 to vector<16xi32>
    %add3A_2889 = arith.addi %get3A_2861, %add3A_2888 : vector<16xi32>
    %swap3A_2890 = arith.constant 3008 : index
    %swap3A_2891 = tpu.vector_load %arg9[%swap3A_2890] {strides = array<i32>} : memref<10240xi32, #tpu.memory_space<vmem>>, vector<16xi32>,
    tpu.vector_store %arg9[%swap3A_2890], %add3A_2889 {strides = array<i32>} : memref<10240xi32, #tpu.memory_space<vmem>>, vector<16xi32>,
    %add3A_2892 = arith.constant 600000 : i32
    %add3A_2893 = vector.broadcast %add3A_2892 : i32 to vector<16xi32>
    %add3A_2894 = arith.addi %get3A_2861, %add3A_2893 : vector<16xi32>
    %swap3A_2895 = arith.constant 3520 : index
    %swap3A_2896 = tpu.vector_load %arg9[%swap3A_2895] {strides = array<i32>} : memref<10240xi32, #tpu.memory_space<vmem>>, vector<16xi32>,
    tpu.vector_store %arg9[%swap3A_2895], %add3A_2894 {strides = array<i32>} : memref<10240xi32, #tpu.memory_space<vmem>>, vector<16xi32>,
    %add3A_2897 = arith.constant 700000 : i32
    %add3A_2898 = vector.broadcast %add3A_2897 : i32 to vector<16xi32>
    %add3A_2899 = arith.addi %get3A_2861, %add3A_2898 : vector<16xi32>
    %swap3A_2900 = arith.constant 4032 : index
    %swap3A_2901 = tpu.vector_load %arg9[%swap3A_2900] {strides = array<i32>} : memref<10240xi32, #tpu.memory_space<vmem>>, vector<16xi32>,
    tpu.vector_store %arg9[%swap3A_2900], %add3A_2899 {strides = array<i32>} : memref<10240xi32, #tpu.memory_space<vmem>>, vector<16xi32>,
    %add3A_2902 = arith.constant 800000 : i32
    %add3A_2903 = vector.broadcast %add3A_2902 : i32 to vector<16xi32>
    %add3A_2904 = arith.addi %get3A_2861, %add3A_2903 : vector<16xi32>
    %swap3A_2905 = arith.constant 4544 : index
    %swap3A_2906 = tpu.vector_load %arg9[%swap3A_2905] {strides = array<i32>} : memref<10240xi32, #tpu.memory_space<vmem>>, vector<16xi32>,
    tpu.vector_store %arg9[%swap3A_2905], %add3A_2904 {strides = array<i32>} : memref<10240xi32, #tpu.memory_space<vmem>>, vector<16xi32>,
    %add3A_2907 = arith.constant 900000 : i32
    %add3A_2908 = vector.broadcast %add3A_2907 : i32 to vector<16xi32>
    %add3A_2909 = arith.addi %get3A_2861, %add3A_2908 : vector<16xi32>
    %swap3A_2910 = arith.constant 5056 : index
    %swap3A_2911 = tpu.vector_load %arg9[%swap3A_2910] {strides = array<i32>} : memref<10240xi32, #tpu.memory_space<vmem>>, vector<16xi32>,
    tpu.vector_store %arg9[%swap3A_2910], %add3A_2909 {strides = array<i32>} : memref<10240xi32, #tpu.memory_space<vmem>>, vector<16xi32>,
    %add3A_2912 = arith.constant 1000000 : i32
    %add3A_2913 = vector.broadcast %add3A_2912 : i32 to vector<16xi32>
    %add3A_2914 = arith.addi %get3A_2861, %add3A_2913 : vector<16xi32>
    %swap3A_2915 = arith.constant 5568 : index
    %swap3A_2916 = tpu.vector_load %arg9[%swap3A_2915] {strides = array<i32>} : memref<10240xi32, #tpu.memory_space<vmem>>, vector<16xi32>,
    tpu.vector_store %arg9[%swap3A_2915], %add3A_2914 {strides = array<i32>} : memref<10240xi32, #tpu.memory_space<vmem>>, vector<16xi32>,
    %add3A_2917 = arith.constant 1100000 : i32
    %add3A_2918 = vector.broadcast %add3A_2917 : i32 to vector<16xi32>
    %add3A_2919 = arith.addi %get3A_2861, %add3A_2918 : vector<16xi32>
    %swap3A_2920 = arith.constant 6080 : index
    %swap3A_2921 = tpu.vector_load %arg9[%swap3A_2920] {strides = array<i32>} : memref<10240xi32, #tpu.memory_space<vmem>>, vector<16xi32>,
    tpu.vector_store %arg9[%swap3A_2920], %add3A_2919 {strides = array<i32>} : memref<10240xi32, #tpu.memory_space<vmem>>, vector<16xi32>,
    %add3A_2922 = arith.constant 1200000 : i32
    %add3A_2923 = vector.broadcast %add3A_2922 : i32 to vector<16xi32>
    %add3A_2924 = arith.addi %get3A_2861, %add3A_2923 : vector<16xi32>
    %swap3A_2925 = arith.constant 6592 : index
    %swap3A_2926 = tpu.vector_load %arg9[%swap3A_2925] {strides = array<i32>} : memref<10240xi32, #tpu.memory_space<vmem>>, vector<16xi32>,
    tpu.vector_store %arg9[%swap3A_2925], %add3A_2924 {strides = array<i32>} : memref<10240xi32, #tpu.memory_space<vmem>>, vector<16xi32>,
    %add3A_2927 = arith.constant 1300000 : i32
    %add3A_2928 = vector.broadcast %add3A_2927 : i32 to vector<16xi32>
    %add3A_2929 = arith.addi %get3A_2861, %add3A_2928 : vector<16xi32>
    %swap3A_2930 = arith.constant 7104 : index
    %swap3A_2931 = tpu.vector_load %arg9[%swap3A_2930] {strides = array<i32>} : memref<10240xi32, #tpu.memory_space<vmem>>, vector<16xi32>,
    tpu.vector_store %arg9[%swap3A_2930], %add3A_2929 {strides = array<i32>} : memref<10240xi32, #tpu.memory_space<vmem>>, vector<16xi32>,
    %add3A_2932 = arith.constant 1400000 : i32
    %add3A_2933 = vector.broadcast %add3A_2932 : i32 to vector<16xi32>
    %add3A_2934 = arith.addi %get3A_2861, %add3A_2933 : vector<16xi32>
    %swap3A_2935 = arith.constant 7616 : index
    %swap3A_2936 = tpu.vector_load %arg9[%swap3A_2935] {strides = array<i32>} : memref<10240xi32, #tpu.memory_space<vmem>>, vector<16xi32>,
    tpu.vector_store %arg9[%swap3A_2935], %add3A_2934 {strides = array<i32>} : memref<10240xi32, #tpu.memory_space<vmem>>, vector<16xi32>,
    %add3A_2937 = arith.constant 1500000 : i32
    %add3A_2938 = vector.broadcast %add3A_2937 : i32 to vector<16xi32>
    %add3A_2939 = arith.addi %get3A_2861, %add3A_2938 : vector<16xi32>
    %swap3A_2940 = arith.constant 8128 : index
    %swap3A_2941 = tpu.vector_load %arg9[%swap3A_2940] {strides = array<i32>} : memref<10240xi32, #tpu.memory_space<vmem>>, vector<16xi32>,
    tpu.vector_store %arg9[%swap3A_2940], %add3A_2939 {strides = array<i32>} : memref<10240xi32, #tpu.memory_space<vmem>>, vector<16xi32>,
    %add3A_2942 = arith.constant 1600000 : i32
    %add3A_2943 = vector.broadcast %add3A_2942 : i32 to vector<16xi32>
    %add3A_2944 = arith.addi %get3A_2861, %add3A_2943 : vector<16xi32>
    %swap3A_2945 = arith.constant 8640 : index
    %swap3A_2946 = tpu.vector_load %arg9[%swap3A_2945] {strides = array<i32>} : memref<10240xi32, #tpu.memory_space<vmem>>, vector<16xi32>,
    tpu.vector_store %arg9[%swap3A_2945], %add3A_2944 {strides = array<i32>} : memref<10240xi32, #tpu.memory_space<vmem>>, vector<16xi32>,
    %add3A_2947 = arith.constant 1700000 : i32
    %add3A_2948 = vector.broadcast %add3A_2947 : i32 to vector<16xi32>
    %add3A_2949 = arith.addi %get3A_2861, %add3A_2948 : vector<16xi32>
    %swap3A_2950 = arith.constant 9152 : index
    %swap3A_2951 = tpu.vector_load %arg9[%swap3A_2950] {strides = array<i32>} : memref<10240xi32, #tpu.memory_space<vmem>>, vector<16xi32>,
    tpu.vector_store %arg9[%swap3A_2950], %add3A_2949 {strides = array<i32>} : memref<10240xi32, #tpu.memory_space<vmem>>, vector<16xi32>,
    %add3A_2952 = arith.constant 1800000 : i32
    %add3A_2953 = vector.broadcast %add3A_2952 : i32 to vector<16xi32>
    %add3A_2954 = arith.addi %get3A_2861, %add3A_2953 : vector<16xi32>
    %swap3A_2955 = arith.constant 9664 : index
    %swap3A_2956 = tpu.vector_load %arg9[%swap3A_2955] {strides = array<i32>} : memref<10240xi32, #tpu.memory_space<vmem>>, vector<16xi32>,
    tpu.vector_store %arg9[%swap3A_2955], %add3A_2954 {strides = array<i32>} : memref<10240xi32, #tpu.memory_space<vmem>>, vector<16xi32>,
    %add3A_2957 = arith.constant 1900000 : i32
    %add3A_2958 = vector.broadcast %add3A_2957 : i32 to vector<16xi32>
    %add3A_2959 = arith.addi %get3A_2861, %add3A_2958 : vector<16xi32>
    %swap3A_2960 = arith.constant 10176 : index
    %swap3A_2961 = tpu.vector_load %arg9[%swap3A_2960] {strides = array<i32>} : memref<10240xi32, #tpu.memory_space<vmem>>, vector<16xi32>,
    tpu.vector_store %arg9[%swap3A_2960], %add3A_2959 {strides = array<i32>} : memref<10240xi32, #tpu.memory_space<vmem>>, vector<16xi32>,
    %get3A_2962 = arith.constant 464 : index
    %get3A_2963 = tpu.vector_load %arg8[%get3A_2962] {strides = array<i32>} : memref<512xi32, #tpu.memory_space<vmem>>, vector<16xi32>,
    %add3A_2964 = arith.constant 0 : i32
    %add3A_2965 = vector.broadcast %add3A_2964 : i32 to vector<16xi32>
    %add3A_2966 = arith.addi %get3A_2963, %add3A_2965 : vector<16xi32>
    %swap3A_2967 = arith.constant 464 : index
    %swap3A_2968 = tpu.vector_load %arg9[%swap3A_2967] {strides = array<i32>} : memref<10240xi32, #tpu.memory_space<vmem>>, vector<16xi32>,
    tpu.vector_store %arg9[%swap3A_2967], %add3A_2966 {strides = array<i32>} : memref<10240xi32, #tpu.memory_space<vmem>>, vector<16xi32>,
    %add3A_2969 = arith.constant 100000 : i32
    %add3A_2970 = vector.broadcast %add3A_2969 : i32 to vector<16xi32>
    %add3A_2971 = arith.addi %get3A_2963, %add3A_2970 : vector<16xi32>
    %swap3A_2972 = arith.constant 976 : index
    %swap3A_2973 = tpu.vector_load %arg9[%swap3A_2972] {strides = array<i32>} : memref<10240xi32, #tpu.memory_space<vmem>>, vector<16xi32>,
    tpu.vector_store %arg9[%swap3A_2972], %add3A_2971 {strides = array<i32>} : memref<10240xi32, #tpu.memory_space<vmem>>, vector<16xi32>,
    %add3A_2974 = arith.constant 200000 : i32
    %add3A_2975 = vector.broadcast %add3A_2974 : i32 to vector<16xi32>
    %add3A_2976 = arith.addi %get3A_2963, %add3A_2975 : vector<16xi32>
    %swap3A_2977 = arith.constant 1488 : index
    %swap3A_2978 = tpu.vector_load %arg9[%swap3A_2977] {strides = array<i32>} : memref<10240xi32, #tpu.memory_space<vmem>>, vector<16xi32>,
    tpu.vector_store %arg9[%swap3A_2977], %add3A_2976 {strides = array<i32>} : memref<10240xi32, #tpu.memory_space<vmem>>, vector<16xi32>,
    %add3A_2979 = arith.constant 300000 : i32
    %add3A_2980 = vector.broadcast %add3A_2979 : i32 to vector<16xi32>
    %add3A_2981 = arith.addi %get3A_2963, %add3A_2980 : vector<16xi32>
    %swap3A_2982 = arith.constant 2000 : index
    %swap3A_2983 = tpu.vector_load %arg9[%swap3A_2982] {strides = array<i32>} : memref<10240xi32, #tpu.memory_space<vmem>>, vector<16xi32>,
    tpu.vector_store %arg9[%swap3A_2982], %add3A_2981 {strides = array<i32>} : memref<10240xi32, #tpu.memory_space<vmem>>, vector<16xi32>,
    %add3A_2984 = arith.constant 400000 : i32
    %add3A_2985 = vector.broadcast %add3A_2984 : i32 to vector<16xi32>
    %add3A_2986 = arith.addi %get3A_2963, %add3A_2985 : vector<16xi32>
    %swap3A_2987 = arith.constant 2512 : index
    %swap3A_2988 = tpu.vector_load %arg9[%swap3A_2987] {strides = array<i32>} : memref<10240xi32, #tpu.memory_space<vmem>>, vector<16xi32>,
    tpu.vector_store %arg9[%swap3A_2987], %add3A_2986 {strides = array<i32>} : memref<10240xi32, #tpu.memory_space<vmem>>, vector<16xi32>,
    %add3A_2989 = arith.constant 500000 : i32
    %add3A_2990 = vector.broadcast %add3A_2989 : i32 to vector<16xi32>
    %add3A_2991 = arith.addi %get3A_2963, %add3A_2990 : vector<16xi32>
    %swap3A_2992 = arith.constant 3024 : index
    %swap3A_2993 = tpu.vector_load %arg9[%swap3A_2992] {strides = array<i32>} : memref<10240xi32, #tpu.memory_space<vmem>>, vector<16xi32>,
    tpu.vector_store %arg9[%swap3A_2992], %add3A_2991 {strides = array<i32>} : memref<10240xi32, #tpu.memory_space<vmem>>, vector<16xi32>,
    %add3A_2994 = arith.constant 600000 : i32
    %add3A_2995 = vector.broadcast %add3A_2994 : i32 to vector<16xi32>
    %add3A_2996 = arith.addi %get3A_2963, %add3A_2995 : vector<16xi32>
    %swap3A_2997 = arith.constant 3536 : index
    %swap3A_2998 = tpu.vector_load %arg9[%swap3A_2997] {strides = array<i32>} : memref<10240xi32, #tpu.memory_space<vmem>>, vector<16xi32>,
    tpu.vector_store %arg9[%swap3A_2997], %add3A_2996 {strides = array<i32>} : memref<10240xi32, #tpu.memory_space<vmem>>, vector<16xi32>,
    %add3A_2999 = arith.constant 700000 : i32
    %add3A_3000 = vector.broadcast %add3A_2999 : i32 to vector<16xi32>
    %add3A_3001 = arith.addi %get3A_2963, %add3A_3000 : vector<16xi32>
    %swap3A_3002 = arith.constant 4048 : index
    %swap3A_3003 = tpu.vector_load %arg9[%swap3A_3002] {strides = array<i32>} : memref<10240xi32, #tpu.memory_space<vmem>>, vector<16xi32>,
    tpu.vector_store %arg9[%swap3A_3002], %add3A_3001 {strides = array<i32>} : memref<10240xi32, #tpu.memory_space<vmem>>, vector<16xi32>,
    %add3A_3004 = arith.constant 800000 : i32
    %add3A_3005 = vector.broadcast %add3A_3004 : i32 to vector<16xi32>
    %add3A_3006 = arith.addi %get3A_2963, %add3A_3005 : vector<16xi32>
    %swap3A_3007 = arith.constant 4560 : index
    %swap3A_3008 = tpu.vector_load %arg9[%swap3A_3007] {strides = array<i32>} : memref<10240xi32, #tpu.memory_space<vmem>>, vector<16xi32>,
    tpu.vector_store %arg9[%swap3A_3007], %add3A_3006 {strides = array<i32>} : memref<10240xi32, #tpu.memory_space<vmem>>, vector<16xi32>,
    %add3A_3009 = arith.constant 900000 : i32
    %add3A_3010 = vector.broadcast %add3A_3009 : i32 to vector<16xi32>
    %add3A_3011 = arith.addi %get3A_2963, %add3A_3010 : vector<16xi32>
    %swap3A_3012 = arith.constant 5072 : index
    %swap3A_3013 = tpu.vector_load %arg9[%swap3A_3012] {strides = array<i32>} : memref<10240xi32, #tpu.memory_space<vmem>>, vector<16xi32>,
    tpu.vector_store %arg9[%swap3A_3012], %add3A_3011 {strides = array<i32>} : memref<10240xi32, #tpu.memory_space<vmem>>, vector<16xi32>,
    %add3A_3014 = arith.constant 1000000 : i32
    %add3A_3015 = vector.broadcast %add3A_3014 : i32 to vector<16xi32>
    %add3A_3016 = arith.addi %get3A_2963, %add3A_3015 : vector<16xi32>
    %swap3A_3017 = arith.constant 5584 : index
    %swap3A_3018 = tpu.vector_load %arg9[%swap3A_3017] {strides = array<i32>} : memref<10240xi32, #tpu.memory_space<vmem>>, vector<16xi32>,
    tpu.vector_store %arg9[%swap3A_3017], %add3A_3016 {strides = array<i32>} : memref<10240xi32, #tpu.memory_space<vmem>>, vector<16xi32>,
    %add3A_3019 = arith.constant 1100000 : i32
    %add3A_3020 = vector.broadcast %add3A_3019 : i32 to vector<16xi32>
    %add3A_3021 = arith.addi %get3A_2963, %add3A_3020 : vector<16xi32>
    %swap3A_3022 = arith.constant 6096 : index
    %swap3A_3023 = tpu.vector_load %arg9[%swap3A_3022] {strides = array<i32>} : memref<10240xi32, #tpu.memory_space<vmem>>, vector<16xi32>,
    tpu.vector_store %arg9[%swap3A_3022], %add3A_3021 {strides = array<i32>} : memref<10240xi32, #tpu.memory_space<vmem>>, vector<16xi32>,
    %add3A_3024 = arith.constant 1200000 : i32
    %add3A_3025 = vector.broadcast %add3A_3024 : i32 to vector<16xi32>
    %add3A_3026 = arith.addi %get3A_2963, %add3A_3025 : vector<16xi32>
    %swap3A_3027 = arith.constant 6608 : index
    %swap3A_3028 = tpu.vector_load %arg9[%swap3A_3027] {strides = array<i32>} : memref<10240xi32, #tpu.memory_space<vmem>>, vector<16xi32>,
    tpu.vector_store %arg9[%swap3A_3027], %add3A_3026 {strides = array<i32>} : memref<10240xi32, #tpu.memory_space<vmem>>, vector<16xi32>,
    %add3A_3029 = arith.constant 1300000 : i32
    %add3A_3030 = vector.broadcast %add3A_3029 : i32 to vector<16xi32>
    %add3A_3031 = arith.addi %get3A_2963, %add3A_3030 : vector<16xi32>
    %swap3A_3032 = arith.constant 7120 : index
    %swap3A_3033 = tpu.vector_load %arg9[%swap3A_3032] {strides = array<i32>} : memref<10240xi32, #tpu.memory_space<vmem>>, vector<16xi32>,
    tpu.vector_store %arg9[%swap3A_3032], %add3A_3031 {strides = array<i32>} : memref<10240xi32, #tpu.memory_space<vmem>>, vector<16xi32>,
    %add3A_3034 = arith.constant 1400000 : i32
    %add3A_3035 = vector.broadcast %add3A_3034 : i32 to vector<16xi32>
    %add3A_3036 = arith.addi %get3A_2963, %add3A_3035 : vector<16xi32>
    %swap3A_3037 = arith.constant 7632 : index
    %swap3A_3038 = tpu.vector_load %arg9[%swap3A_3037] {strides = array<i32>} : memref<10240xi32, #tpu.memory_space<vmem>>, vector<16xi32>,
    tpu.vector_store %arg9[%swap3A_3037], %add3A_3036 {strides = array<i32>} : memref<10240xi32, #tpu.memory_space<vmem>>, vector<16xi32>,
    %add3A_3039 = arith.constant 1500000 : i32
    %add3A_3040 = vector.broadcast %add3A_3039 : i32 to vector<16xi32>
    %add3A_3041 = arith.addi %get3A_2963, %add3A_3040 : vector<16xi32>
    %swap3A_3042 = arith.constant 8144 : index
    %swap3A_3043 = tpu.vector_load %arg9[%swap3A_3042] {strides = array<i32>} : memref<10240xi32, #tpu.memory_space<vmem>>, vector<16xi32>,
    tpu.vector_store %arg9[%swap3A_3042], %add3A_3041 {strides = array<i32>} : memref<10240xi32, #tpu.memory_space<vmem>>, vector<16xi32>,
    %add3A_3044 = arith.constant 1600000 : i32
    %add3A_3045 = vector.broadcast %add3A_3044 : i32 to vector<16xi32>
    %add3A_3046 = arith.addi %get3A_2963, %add3A_3045 : vector<16xi32>
    %swap3A_3047 = arith.constant 8656 : index
    %swap3A_3048 = tpu.vector_load %arg9[%swap3A_3047] {strides = array<i32>} : memref<10240xi32, #tpu.memory_space<vmem>>, vector<16xi32>,
    tpu.vector_store %arg9[%swap3A_3047], %add3A_3046 {strides = array<i32>} : memref<10240xi32, #tpu.memory_space<vmem>>, vector<16xi32>,
    %add3A_3049 = arith.constant 1700000 : i32
    %add3A_3050 = vector.broadcast %add3A_3049 : i32 to vector<16xi32>
    %add3A_3051 = arith.addi %get3A_2963, %add3A_3050 : vector<16xi32>
    %swap3A_3052 = arith.constant 9168 : index
    %swap3A_3053 = tpu.vector_load %arg9[%swap3A_3052] {strides = array<i32>} : memref<10240xi32, #tpu.memory_space<vmem>>, vector<16xi32>,
    tpu.vector_store %arg9[%swap3A_3052], %add3A_3051 {strides = array<i32>} : memref<10240xi32, #tpu.memory_space<vmem>>, vector<16xi32>,
    %add3A_3054 = arith.constant 1800000 : i32
    %add3A_3055 = vector.broadcast %add3A_3054 : i32 to vector<16xi32>
    %add3A_3056 = arith.addi %get3A_2963, %add3A_3055 : vector<16xi32>
    %swap3A_3057 = arith.constant 9680 : index
    %swap3A_3058 = tpu.vector_load %arg9[%swap3A_3057] {strides = array<i32>} : memref<10240xi32, #tpu.memory_space<vmem>>, vector<16xi32>,
    tpu.vector_store %arg9[%swap3A_3057], %add3A_3056 {strides = array<i32>} : memref<10240xi32, #tpu.memory_space<vmem>>, vector<16xi32>,
    %add3A_3059 = arith.constant 1900000 : i32
    %add3A_3060 = vector.broadcast %add3A_3059 : i32 to vector<16xi32>
    %add3A_3061 = arith.addi %get3A_2963, %add3A_3060 : vector<16xi32>
    %swap3A_3062 = arith.constant 10192 : index
    %swap3A_3063 = tpu.vector_load %arg9[%swap3A_3062] {strides = array<i32>} : memref<10240xi32, #tpu.memory_space<vmem>>, vector<16xi32>,
    tpu.vector_store %arg9[%swap3A_3062], %add3A_3061 {strides = array<i32>} : memref<10240xi32, #tpu.memory_space<vmem>>, vector<16xi32>,
    %get3A_3064 = arith.constant 480 : index
    %get3A_3065 = tpu.vector_load %arg8[%get3A_3064] {strides = array<i32>} : memref<512xi32, #tpu.memory_space<vmem>>, vector<16xi32>,
    %add3A_3066 = arith.constant 0 : i32
    %add3A_3067 = vector.broadcast %add3A_3066 : i32 to vector<16xi32>
    %add3A_3068 = arith.addi %get3A_3065, %add3A_3067 : vector<16xi32>
    %swap3A_3069 = arith.constant 480 : index
    %swap3A_3070 = tpu.vector_load %arg9[%swap3A_3069] {strides = array<i32>} : memref<10240xi32, #tpu.memory_space<vmem>>, vector<16xi32>,
    tpu.vector_store %arg9[%swap3A_3069], %add3A_3068 {strides = array<i32>} : memref<10240xi32, #tpu.memory_space<vmem>>, vector<16xi32>,
    %add3A_3071 = arith.constant 100000 : i32
    %add3A_3072 = vector.broadcast %add3A_3071 : i32 to vector<16xi32>
    %add3A_3073 = arith.addi %get3A_3065, %add3A_3072 : vector<16xi32>
    %swap3A_3074 = arith.constant 992 : index
    %swap3A_3075 = tpu.vector_load %arg9[%swap3A_3074] {strides = array<i32>} : memref<10240xi32, #tpu.memory_space<vmem>>, vector<16xi32>,
    tpu.vector_store %arg9[%swap3A_3074], %add3A_3073 {strides = array<i32>} : memref<10240xi32, #tpu.memory_space<vmem>>, vector<16xi32>,
    %add3A_3076 = arith.constant 200000 : i32
    %add3A_3077 = vector.broadcast %add3A_3076 : i32 to vector<16xi32>
    %add3A_3078 = arith.addi %get3A_3065, %add3A_3077 : vector<16xi32>
    %swap3A_3079 = arith.constant 1504 : index
    %swap3A_3080 = tpu.vector_load %arg9[%swap3A_3079] {strides = array<i32>} : memref<10240xi32, #tpu.memory_space<vmem>>, vector<16xi32>,
    tpu.vector_store %arg9[%swap3A_3079], %add3A_3078 {strides = array<i32>} : memref<10240xi32, #tpu.memory_space<vmem>>, vector<16xi32>,
    %add3A_3081 = arith.constant 300000 : i32
    %add3A_3082 = vector.broadcast %add3A_3081 : i32 to vector<16xi32>
    %add3A_3083 = arith.addi %get3A_3065, %add3A_3082 : vector<16xi32>
    %swap3A_3084 = arith.constant 2016 : index
    %swap3A_3085 = tpu.vector_load %arg9[%swap3A_3084] {strides = array<i32>} : memref<10240xi32, #tpu.memory_space<vmem>>, vector<16xi32>,
    tpu.vector_store %arg9[%swap3A_3084], %add3A_3083 {strides = array<i32>} : memref<10240xi32, #tpu.memory_space<vmem>>, vector<16xi32>,
    %add3A_3086 = arith.constant 400000 : i32
    %add3A_3087 = vector.broadcast %add3A_3086 : i32 to vector<16xi32>
    %add3A_3088 = arith.addi %get3A_3065, %add3A_3087 : vector<16xi32>
    %swap3A_3089 = arith.constant 2528 : index
    %swap3A_3090 = tpu.vector_load %arg9[%swap3A_3089] {strides = array<i32>} : memref<10240xi32, #tpu.memory_space<vmem>>, vector<16xi32>,
    tpu.vector_store %arg9[%swap3A_3089], %add3A_3088 {strides = array<i32>} : memref<10240xi32, #tpu.memory_space<vmem>>, vector<16xi32>,
    %add3A_3091 = arith.constant 500000 : i32
    %add3A_3092 = vector.broadcast %add3A_3091 : i32 to vector<16xi32>
    %add3A_3093 = arith.addi %get3A_3065, %add3A_3092 : vector<16xi32>
    %swap3A_3094 = arith.constant 3040 : index
    %swap3A_3095 = tpu.vector_load %arg9[%swap3A_3094] {strides = array<i32>} : memref<10240xi32, #tpu.memory_space<vmem>>, vector<16xi32>,
    tpu.vector_store %arg9[%swap3A_3094], %add3A_3093 {strides = array<i32>} : memref<10240xi32, #tpu.memory_space<vmem>>, vector<16xi32>,
    %add3A_3096 = arith.constant 600000 : i32
    %add3A_3097 = vector.broadcast %add3A_3096 : i32 to vector<16xi32>
    %add3A_3098 = arith.addi %get3A_3065, %add3A_3097 : vector<16xi32>
    %swap3A_3099 = arith.constant 3552 : index
    %swap3A_3100 = tpu.vector_load %arg9[%swap3A_3099] {strides = array<i32>} : memref<10240xi32, #tpu.memory_space<vmem>>, vector<16xi32>,
    tpu.vector_store %arg9[%swap3A_3099], %add3A_3098 {strides = array<i32>} : memref<10240xi32, #tpu.memory_space<vmem>>, vector<16xi32>,
    %add3A_3101 = arith.constant 700000 : i32
    %add3A_3102 = vector.broadcast %add3A_3101 : i32 to vector<16xi32>
    %add3A_3103 = arith.addi %get3A_3065, %add3A_3102 : vector<16xi32>
    %swap3A_3104 = arith.constant 4064 : index
    %swap3A_3105 = tpu.vector_load %arg9[%swap3A_3104] {strides = array<i32>} : memref<10240xi32, #tpu.memory_space<vmem>>, vector<16xi32>,
    tpu.vector_store %arg9[%swap3A_3104], %add3A_3103 {strides = array<i32>} : memref<10240xi32, #tpu.memory_space<vmem>>, vector<16xi32>,
    %add3A_3106 = arith.constant 800000 : i32
    %add3A_3107 = vector.broadcast %add3A_3106 : i32 to vector<16xi32>
    %add3A_3108 = arith.addi %get3A_3065, %add3A_3107 : vector<16xi32>
    %swap3A_3109 = arith.constant 4576 : index
    %swap3A_3110 = tpu.vector_load %arg9[%swap3A_3109] {strides = array<i32>} : memref<10240xi32, #tpu.memory_space<vmem>>, vector<16xi32>,
    tpu.vector_store %arg9[%swap3A_3109], %add3A_3108 {strides = array<i32>} : memref<10240xi32, #tpu.memory_space<vmem>>, vector<16xi32>,
    %add3A_3111 = arith.constant 900000 : i32
    %add3A_3112 = vector.broadcast %add3A_3111 : i32 to vector<16xi32>
    %add3A_3113 = arith.addi %get3A_3065, %add3A_3112 : vector<16xi32>
    %swap3A_3114 = arith.constant 5088 : index
    %swap3A_3115 = tpu.vector_load %arg9[%swap3A_3114] {strides = array<i32>} : memref<10240xi32, #tpu.memory_space<vmem>>, vector<16xi32>,
    tpu.vector_store %arg9[%swap3A_3114], %add3A_3113 {strides = array<i32>} : memref<10240xi32, #tpu.memory_space<vmem>>, vector<16xi32>,
    %add3A_3116 = arith.constant 1000000 : i32
    %add3A_3117 = vector.broadcast %add3A_3116 : i32 to vector<16xi32>
    %add3A_3118 = arith.addi %get3A_3065, %add3A_3117 : vector<16xi32>
    %swap3A_3119 = arith.constant 5600 : index
    %swap3A_3120 = tpu.vector_load %arg9[%swap3A_3119] {strides = array<i32>} : memref<10240xi32, #tpu.memory_space<vmem>>, vector<16xi32>,
    tpu.vector_store %arg9[%swap3A_3119], %add3A_3118 {strides = array<i32>} : memref<10240xi32, #tpu.memory_space<vmem>>, vector<16xi32>,
    %add3A_3121 = arith.constant 1100000 : i32
    %add3A_3122 = vector.broadcast %add3A_3121 : i32 to vector<16xi32>
    %add3A_3123 = arith.addi %get3A_3065, %add3A_3122 : vector<16xi32>
    %swap3A_3124 = arith.constant 6112 : index
    %swap3A_3125 = tpu.vector_load %arg9[%swap3A_3124] {strides = array<i32>} : memref<10240xi32, #tpu.memory_space<vmem>>, vector<16xi32>,
    tpu.vector_store %arg9[%swap3A_3124], %add3A_3123 {strides = array<i32>} : memref<10240xi32, #tpu.memory_space<vmem>>, vector<16xi32>,
    %add3A_3126 = arith.constant 1200000 : i32
    %add3A_3127 = vector.broadcast %add3A_3126 : i32 to vector<16xi32>
    %add3A_3128 = arith.addi %get3A_3065, %add3A_3127 : vector<16xi32>
    %swap3A_3129 = arith.constant 6624 : index
    %swap3A_3130 = tpu.vector_load %arg9[%swap3A_3129] {strides = array<i32>} : memref<10240xi32, #tpu.memory_space<vmem>>, vector<16xi32>,
    tpu.vector_store %arg9[%swap3A_3129], %add3A_3128 {strides = array<i32>} : memref<10240xi32, #tpu.memory_space<vmem>>, vector<16xi32>,
    %add3A_3131 = arith.constant 1300000 : i32
    %add3A_3132 = vector.broadcast %add3A_3131 : i32 to vector<16xi32>
    %add3A_3133 = arith.addi %get3A_3065, %add3A_3132 : vector<16xi32>
    %swap3A_3134 = arith.constant 7136 : index
    %swap3A_3135 = tpu.vector_load %arg9[%swap3A_3134] {strides = array<i32>} : memref<10240xi32, #tpu.memory_space<vmem>>, vector<16xi32>,
    tpu.vector_store %arg9[%swap3A_3134], %add3A_3133 {strides = array<i32>} : memref<10240xi32, #tpu.memory_space<vmem>>, vector<16xi32>,
    %add3A_3136 = arith.constant 1400000 : i32
    %add3A_3137 = vector.broadcast %add3A_3136 : i32 to vector<16xi32>
    %add3A_3138 = arith.addi %get3A_3065, %add3A_3137 : vector<16xi32>
    %swap3A_3139 = arith.constant 7648 : index
    %swap3A_3140 = tpu.vector_load %arg9[%swap3A_3139] {strides = array<i32>} : memref<10240xi32, #tpu.memory_space<vmem>>, vector<16xi32>,
    tpu.vector_store %arg9[%swap3A_3139], %add3A_3138 {strides = array<i32>} : memref<10240xi32, #tpu.memory_space<vmem>>, vector<16xi32>,
    %add3A_3141 = arith.constant 1500000 : i32
    %add3A_3142 = vector.broadcast %add3A_3141 : i32 to vector<16xi32>
    %add3A_3143 = arith.addi %get3A_3065, %add3A_3142 : vector<16xi32>
    %swap3A_3144 = arith.constant 8160 : index
    %swap3A_3145 = tpu.vector_load %arg9[%swap3A_3144] {strides = array<i32>} : memref<10240xi32, #tpu.memory_space<vmem>>, vector<16xi32>,
    tpu.vector_store %arg9[%swap3A_3144], %add3A_3143 {strides = array<i32>} : memref<10240xi32, #tpu.memory_space<vmem>>, vector<16xi32>,
    %add3A_3146 = arith.constant 1600000 : i32
    %add3A_3147 = vector.broadcast %add3A_3146 : i32 to vector<16xi32>
    %add3A_3148 = arith.addi %get3A_3065, %add3A_3147 : vector<16xi32>
    %swap3A_3149 = arith.constant 8672 : index
    %swap3A_3150 = tpu.vector_load %arg9[%swap3A_3149] {strides = array<i32>} : memref<10240xi32, #tpu.memory_space<vmem>>, vector<16xi32>,
    tpu.vector_store %arg9[%swap3A_3149], %add3A_3148 {strides = array<i32>} : memref<10240xi32, #tpu.memory_space<vmem>>, vector<16xi32>,
    %add3A_3151 = arith.constant 1700000 : i32
    %add3A_3152 = vector.broadcast %add3A_3151 : i32 to vector<16xi32>
    %add3A_3153 = arith.addi %get3A_3065, %add3A_3152 : vector<16xi32>
    %swap3A_3154 = arith.constant 9184 : index
    %swap3A_3155 = tpu.vector_load %arg9[%swap3A_3154] {strides = array<i32>} : memref<10240xi32, #tpu.memory_space<vmem>>, vector<16xi32>,
    tpu.vector_store %arg9[%swap3A_3154], %add3A_3153 {strides = array<i32>} : memref<10240xi32, #tpu.memory_space<vmem>>, vector<16xi32>,
    %add3A_3156 = arith.constant 1800000 : i32
    %add3A_3157 = vector.broadcast %add3A_3156 : i32 to vector<16xi32>
    %add3A_3158 = arith.addi %get3A_3065, %add3A_3157 : vector<16xi32>
    %swap3A_3159 = arith.constant 9696 : index
    %swap3A_3160 = tpu.vector_load %arg9[%swap3A_3159] {strides = array<i32>} : memref<10240xi32, #tpu.memory_space<vmem>>, vector<16xi32>,
    tpu.vector_store %arg9[%swap3A_3159], %add3A_3158 {strides = array<i32>} : memref<10240xi32, #tpu.memory_space<vmem>>, vector<16xi32>,
    %add3A_3161 = arith.constant 1900000 : i32
    %add3A_3162 = vector.broadcast %add3A_3161 : i32 to vector<16xi32>
    %add3A_3163 = arith.addi %get3A_3065, %add3A_3162 : vector<16xi32>
    %swap3A_3164 = arith.constant 10208 : index
    %swap3A_3165 = tpu.vector_load %arg9[%swap3A_3164] {strides = array<i32>} : memref<10240xi32, #tpu.memory_space<vmem>>, vector<16xi32>,
    tpu.vector_store %arg9[%swap3A_3164], %add3A_3163 {strides = array<i32>} : memref<10240xi32, #tpu.memory_space<vmem>>, vector<16xi32>,
    %get3A_3166 = arith.constant 496 : index
    %get3A_3167 = tpu.vector_load %arg8[%get3A_3166] {strides = array<i32>} : memref<512xi32, #tpu.memory_space<vmem>>, vector<16xi32>,
    %add3A_3168 = arith.constant 0 : i32
    %add3A_3169 = vector.broadcast %add3A_3168 : i32 to vector<16xi32>
    %add3A_3170 = arith.addi %get3A_3167, %add3A_3169 : vector<16xi32>
    %swap3A_3171 = arith.constant 496 : index
    %swap3A_3172 = tpu.vector_load %arg9[%swap3A_3171] {strides = array<i32>} : memref<10240xi32, #tpu.memory_space<vmem>>, vector<16xi32>,
    tpu.vector_store %arg9[%swap3A_3171], %add3A_3170 {strides = array<i32>} : memref<10240xi32, #tpu.memory_space<vmem>>, vector<16xi32>,
    %add3A_3173 = arith.constant 100000 : i32
    %add3A_3174 = vector.broadcast %add3A_3173 : i32 to vector<16xi32>
    %add3A_3175 = arith.addi %get3A_3167, %add3A_3174 : vector<16xi32>
    %swap3A_3176 = arith.constant 1008 : index
    %swap3A_3177 = tpu.vector_load %arg9[%swap3A_3176] {strides = array<i32>} : memref<10240xi32, #tpu.memory_space<vmem>>, vector<16xi32>,
    tpu.vector_store %arg9[%swap3A_3176], %add3A_3175 {strides = array<i32>} : memref<10240xi32, #tpu.memory_space<vmem>>, vector<16xi32>,
    %add3A_3178 = arith.constant 200000 : i32
    %add3A_3179 = vector.broadcast %add3A_3178 : i32 to vector<16xi32>
    %add3A_3180 = arith.addi %get3A_3167, %add3A_3179 : vector<16xi32>
    %swap3A_3181 = arith.constant 1520 : index
    %swap3A_3182 = tpu.vector_load %arg9[%swap3A_3181] {strides = array<i32>} : memref<10240xi32, #tpu.memory_space<vmem>>, vector<16xi32>,
    tpu.vector_store %arg9[%swap3A_3181], %add3A_3180 {strides = array<i32>} : memref<10240xi32, #tpu.memory_space<vmem>>, vector<16xi32>,
    %add3A_3183 = arith.constant 300000 : i32
    %add3A_3184 = vector.broadcast %add3A_3183 : i32 to vector<16xi32>
    %add3A_3185 = arith.addi %get3A_3167, %add3A_3184 : vector<16xi32>
    %swap3A_3186 = arith.constant 2032 : index
    %swap3A_3187 = tpu.vector_load %arg9[%swap3A_3186] {strides = array<i32>} : memref<10240xi32, #tpu.memory_space<vmem>>, vector<16xi32>,
    tpu.vector_store %arg9[%swap3A_3186], %add3A_3185 {strides = array<i32>} : memref<10240xi32, #tpu.memory_space<vmem>>, vector<16xi32>,
    %add3A_3188 = arith.constant 400000 : i32
    %add3A_3189 = vector.broadcast %add3A_3188 : i32 to vector<16xi32>
    %add3A_3190 = arith.addi %get3A_3167, %add3A_3189 : vector<16xi32>
    %swap3A_3191 = arith.constant 2544 : index
    %swap3A_3192 = tpu.vector_load %arg9[%swap3A_3191] {strides = array<i32>} : memref<10240xi32, #tpu.memory_space<vmem>>, vector<16xi32>,
    tpu.vector_store %arg9[%swap3A_3191], %add3A_3190 {strides = array<i32>} : memref<10240xi32, #tpu.memory_space<vmem>>, vector<16xi32>,
    %add3A_3193 = arith.constant 500000 : i32
    %add3A_3194 = vector.broadcast %add3A_3193 : i32 to vector<16xi32>
    %add3A_3195 = arith.addi %get3A_3167, %add3A_3194 : vector<16xi32>
    %swap3A_3196 = arith.constant 3056 : index
    %swap3A_3197 = tpu.vector_load %arg9[%swap3A_3196] {strides = array<i32>} : memref<10240xi32, #tpu.memory_space<vmem>>, vector<16xi32>,
    tpu.vector_store %arg9[%swap3A_3196], %add3A_3195 {strides = array<i32>} : memref<10240xi32, #tpu.memory_space<vmem>>, vector<16xi32>,
    %add3A_3198 = arith.constant 600000 : i32
    %add3A_3199 = vector.broadcast %add3A_3198 : i32 to vector<16xi32>
    %add3A_3200 = arith.addi %get3A_3167, %add3A_3199 : vector<16xi32>
    %swap3A_3201 = arith.constant 3568 : index
    %swap3A_3202 = tpu.vector_load %arg9[%swap3A_3201] {strides = array<i32>} : memref<10240xi32, #tpu.memory_space<vmem>>, vector<16xi32>,
    tpu.vector_store %arg9[%swap3A_3201], %add3A_3200 {strides = array<i32>} : memref<10240xi32, #tpu.memory_space<vmem>>, vector<16xi32>,
    %add3A_3203 = arith.constant 700000 : i32
    %add3A_3204 = vector.broadcast %add3A_3203 : i32 to vector<16xi32>
    %add3A_3205 = arith.addi %get3A_3167, %add3A_3204 : vector<16xi32>
    %swap3A_3206 = arith.constant 4080 : index
    %swap3A_3207 = tpu.vector_load %arg9[%swap3A_3206] {strides = array<i32>} : memref<10240xi32, #tpu.memory_space<vmem>>, vector<16xi32>,
    tpu.vector_store %arg9[%swap3A_3206], %add3A_3205 {strides = array<i32>} : memref<10240xi32, #tpu.memory_space<vmem>>, vector<16xi32>,
    %add3A_3208 = arith.constant 800000 : i32
    %add3A_3209 = vector.broadcast %add3A_3208 : i32 to vector<16xi32>
    %add3A_3210 = arith.addi %get3A_3167, %add3A_3209 : vector<16xi32>
    %swap3A_3211 = arith.constant 4592 : index
    %swap3A_3212 = tpu.vector_load %arg9[%swap3A_3211] {strides = array<i32>} : memref<10240xi32, #tpu.memory_space<vmem>>, vector<16xi32>,
    tpu.vector_store %arg9[%swap3A_3211], %add3A_3210 {strides = array<i32>} : memref<10240xi32, #tpu.memory_space<vmem>>, vector<16xi32>,
    %add3A_3213 = arith.constant 900000 : i32
    %add3A_3214 = vector.broadcast %add3A_3213 : i32 to vector<16xi32>
    %add3A_3215 = arith.addi %get3A_3167, %add3A_3214 : vector<16xi32>
    %swap3A_3216 = arith.constant 5104 : index
    %swap3A_3217 = tpu.vector_load %arg9[%swap3A_3216] {strides = array<i32>} : memref<10240xi32, #tpu.memory_space<vmem>>, vector<16xi32>,
    tpu.vector_store %arg9[%swap3A_3216], %add3A_3215 {strides = array<i32>} : memref<10240xi32, #tpu.memory_space<vmem>>, vector<16xi32>,
    %add3A_3218 = arith.constant 1000000 : i32
    %add3A_3219 = vector.broadcast %add3A_3218 : i32 to vector<16xi32>
    %add3A_3220 = arith.addi %get3A_3167, %add3A_3219 : vector<16xi32>
    %swap3A_3221 = arith.constant 5616 : index
    %swap3A_3222 = tpu.vector_load %arg9[%swap3A_3221] {strides = array<i32>} : memref<10240xi32, #tpu.memory_space<vmem>>, vector<16xi32>,
    tpu.vector_store %arg9[%swap3A_3221], %add3A_3220 {strides = array<i32>} : memref<10240xi32, #tpu.memory_space<vmem>>, vector<16xi32>,
    %add3A_3223 = arith.constant 1100000 : i32
    %add3A_3224 = vector.broadcast %add3A_3223 : i32 to vector<16xi32>
    %add3A_3225 = arith.addi %get3A_3167, %add3A_3224 : vector<16xi32>
    %swap3A_3226 = arith.constant 6128 : index
    %swap3A_3227 = tpu.vector_load %arg9[%swap3A_3226] {strides = array<i32>} : memref<10240xi32, #tpu.memory_space<vmem>>, vector<16xi32>,
    tpu.vector_store %arg9[%swap3A_3226], %add3A_3225 {strides = array<i32>} : memref<10240xi32, #tpu.memory_space<vmem>>, vector<16xi32>,
    %add3A_3228 = arith.constant 1200000 : i32
    %add3A_3229 = vector.broadcast %add3A_3228 : i32 to vector<16xi32>
    %add3A_3230 = arith.addi %get3A_3167, %add3A_3229 : vector<16xi32>
    %swap3A_3231 = arith.constant 6640 : index
    %swap3A_3232 = tpu.vector_load %arg9[%swap3A_3231] {strides = array<i32>} : memref<10240xi32, #tpu.memory_space<vmem>>, vector<16xi32>,
    tpu.vector_store %arg9[%swap3A_3231], %add3A_3230 {strides = array<i32>} : memref<10240xi32, #tpu.memory_space<vmem>>, vector<16xi32>,
    %add3A_3233 = arith.constant 1300000 : i32
    %add3A_3234 = vector.broadcast %add3A_3233 : i32 to vector<16xi32>
    %add3A_3235 = arith.addi %get3A_3167, %add3A_3234 : vector<16xi32>
    %swap3A_3236 = arith.constant 7152 : index
    %swap3A_3237 = tpu.vector_load %arg9[%swap3A_3236] {strides = array<i32>} : memref<10240xi32, #tpu.memory_space<vmem>>, vector<16xi32>,
    tpu.vector_store %arg9[%swap3A_3236], %add3A_3235 {strides = array<i32>} : memref<10240xi32, #tpu.memory_space<vmem>>, vector<16xi32>,
    %add3A_3238 = arith.constant 1400000 : i32
    %add3A_3239 = vector.broadcast %add3A_3238 : i32 to vector<16xi32>
    %add3A_3240 = arith.addi %get3A_3167, %add3A_3239 : vector<16xi32>
    %swap3A_3241 = arith.constant 7664 : index
    %swap3A_3242 = tpu.vector_load %arg9[%swap3A_3241] {strides = array<i32>} : memref<10240xi32, #tpu.memory_space<vmem>>, vector<16xi32>,
    tpu.vector_store %arg9[%swap3A_3241], %add3A_3240 {strides = array<i32>} : memref<10240xi32, #tpu.memory_space<vmem>>, vector<16xi32>,
    %add3A_3243 = arith.constant 1500000 : i32
    %add3A_3244 = vector.broadcast %add3A_3243 : i32 to vector<16xi32>
    %add3A_3245 = arith.addi %get3A_3167, %add3A_3244 : vector<16xi32>
    %swap3A_3246 = arith.constant 8176 : index
    %swap3A_3247 = tpu.vector_load %arg9[%swap3A_3246] {strides = array<i32>} : memref<10240xi32, #tpu.memory_space<vmem>>, vector<16xi32>,
    tpu.vector_store %arg9[%swap3A_3246], %add3A_3245 {strides = array<i32>} : memref<10240xi32, #tpu.memory_space<vmem>>, vector<16xi32>,
    %add3A_3248 = arith.constant 1600000 : i32
    %add3A_3249 = vector.broadcast %add3A_3248 : i32 to vector<16xi32>
    %add3A_3250 = arith.addi %get3A_3167, %add3A_3249 : vector<16xi32>
    %swap3A_3251 = arith.constant 8688 : index
    %swap3A_3252 = tpu.vector_load %arg9[%swap3A_3251] {strides = array<i32>} : memref<10240xi32, #tpu.memory_space<vmem>>, vector<16xi32>,
    tpu.vector_store %arg9[%swap3A_3251], %add3A_3250 {strides = array<i32>} : memref<10240xi32, #tpu.memory_space<vmem>>, vector<16xi32>,
    %add3A_3253 = arith.constant 1700000 : i32
    %add3A_3254 = vector.broadcast %add3A_3253 : i32 to vector<16xi32>
    %add3A_3255 = arith.addi %get3A_3167, %add3A_3254 : vector<16xi32>
    %swap3A_3256 = arith.constant 9200 : index
    %swap3A_3257 = tpu.vector_load %arg9[%swap3A_3256] {strides = array<i32>} : memref<10240xi32, #tpu.memory_space<vmem>>, vector<16xi32>,
    tpu.vector_store %arg9[%swap3A_3256], %add3A_3255 {strides = array<i32>} : memref<10240xi32, #tpu.memory_space<vmem>>, vector<16xi32>,
    %add3A_3258 = arith.constant 1800000 : i32
    %add3A_3259 = vector.broadcast %add3A_3258 : i32 to vector<16xi32>
    %add3A_3260 = arith.addi %get3A_3167, %add3A_3259 : vector<16xi32>
    %swap3A_3261 = arith.constant 9712 : index
    %swap3A_3262 = tpu.vector_load %arg9[%swap3A_3261] {strides = array<i32>} : memref<10240xi32, #tpu.memory_space<vmem>>, vector<16xi32>,
    tpu.vector_store %arg9[%swap3A_3261], %add3A_3260 {strides = array<i32>} : memref<10240xi32, #tpu.memory_space<vmem>>, vector<16xi32>,
    %add3A_3263 = arith.constant 1900000 : i32
    %add3A_3264 = vector.broadcast %add3A_3263 : i32 to vector<16xi32>
    %add3A_3265 = arith.addi %get3A_3167, %add3A_3264 : vector<16xi32>
    %swap3A_3266 = arith.constant 10224 : index
    %swap3A_3267 = tpu.vector_load %arg9[%swap3A_3266] {strides = array<i32>} : memref<10240xi32, #tpu.memory_space<vmem>>, vector<16xi32>,
    tpu.vector_store %arg9[%swap3A_3266], %add3A_3265 {strides = array<i32>} : memref<10240xi32, #tpu.memory_space<vmem>>, vector<16xi32>,
    %dma_start3A_3268 = arith.constant 0 : i32
    %dma_start3A_3269 = tpu.memref_slice %arg6[%dma_start3A_3268] : memref<2000000xf32, #tpu.memory_space<hbm>> -> memref<2000000xf32, #tpu.memory_space<hbm>>
    tpu.enqueue_indirect_dma source(%dma_start3A_3269 : memref<2000000xf32, #tpu.memory_space<hbm>>) target(%arg10 : memref<10240xf32, #tpu.memory_space<vmem>>) offsets(%arg9 : memref<10240xi32, #tpu.memory_space<vmem>>) semaphore(%arg16 : memref<!tpu.dma_semaphore, #tpu.memory_space<semaphore_mem>>)
    "tpu.region"() ({
      %run_scoped3A = tpu.sem_alloc : memref<!tpu.dma_semaphore, #tpu.memory_space<semaphore_mem>>
      %dma_start3A_3280 = tpu.memref_slice %arg2[%mul3A_2] : memref<16384xf32, #tpu.memory_space<hbm>> -> memref<512xf32, #tpu.memory_space<hbm>>
      %dma_start3A_3281 = tpu.memref_slice %arg2[%mul3A_2] : memref<16384xf32, #tpu.memory_space<hbm>> -> memref<512xf32, #tpu.memory_space<hbm>>
      tpu.enqueue_dma source(%dma_start3A_3281 : memref<512xf32, #tpu.memory_space<hbm>>) target(%arg11 : memref<512xf32, #tpu.memory_space<vmem>>) target_semaphore(%run_scoped3A : memref<!tpu.dma_semaphore, #tpu.memory_space<semaphore_mem>>)
      %dma_wait3A_3282 = tpu.memref_slice %arg2[%mul3A_2] : memref<16384xf32, #tpu.memory_space<hbm>> -> memref<512xf32, #tpu.memory_space<hbm>>
      %dma_wait3A_3283 = tpu.memref_slice %arg2[%mul3A_2] : memref<16384xf32, #tpu.memory_space<hbm>> -> memref<512xf32, #tpu.memory_space<hbm>>
      tpu.wait_dma2 semaphore(%run_scoped3A : memref<!tpu.dma_semaphore, #tpu.memory_space<semaphore_mem>>) src(%dma_wait3A_3283 : memref<512xf32, #tpu.memory_space<hbm>>) dst(%arg11 : memref<512xf32, #tpu.memory_space<vmem>>)
      tpu.yield
    }) : () -> ()
    %dma_wait3A = arith.constant 0 : i32
    %dma_wait3A_3270 = tpu.memref_slice %arg4[%dma_wait3A] : memref<100000xf32, #tpu.memory_space<hbm>> -> memref<100000xf32, #tpu.memory_space<hbm>>
    tpu.wait_indirect_dma semaphore(%arg15 : memref<!tpu.dma_semaphore, #tpu.memory_space<semaphore_mem>>) src(%dma_wait3A_3270 : memref<100000xf32, #tpu.memory_space<hbm>>) dst(%arg12 : memref<512xf32, #tpu.memory_space<vmem>>)
    %dma_wait3A_3271 = arith.constant 0 : i32
    %dma_wait3A_3272 = tpu.memref_slice %arg5[%dma_wait3A_3271] : memref<100000xf32, #tpu.memory_space<hbm>> -> memref<100000xf32, #tpu.memory_space<hbm>>
    tpu.wait_indirect_dma semaphore(%arg15 : memref<!tpu.dma_semaphore, #tpu.memory_space<semaphore_mem>>) src(%dma_wait3A_3272 : memref<100000xf32, #tpu.memory_space<hbm>>) dst(%arg13 : memref<512xf32, #tpu.memory_space<vmem>>)
    %dma_wait3A_3273 = arith.constant 0 : i32
    %dma_wait3A_3274 = tpu.memref_slice %arg6[%dma_wait3A_3273] : memref<2000000xf32, #tpu.memory_space<hbm>> -> memref<2000000xf32, #tpu.memory_space<hbm>>
    tpu.wait_indirect_dma semaphore(%arg16 : memref<!tpu.dma_semaphore, #tpu.memory_space<semaphore_mem>>) src(%dma_wait3A_3274 : memref<2000000xf32, #tpu.memory_space<hbm>>) dst(%arg10 : memref<10240xf32, #tpu.memory_space<vmem>>)
    %scan3A = arith.constant 0 : i32
    %scan3A_3275 = arith.constant 0 : i32
    %scan3A_3276 = arith.constant 32 : i32
    %scan3A_3277 = arith.addi %scan3A_3275, %scan3A_3276 : i32
    %scan3A_3278 = arith.constant 1 : i32
    scf.for %scan3A_3280 = %scan3A_3275 to %scan3A_3277 step %scan3A_3278  : i32 {
      %mul3A_3281 = arith.constant 16 : i32
      %mul3A_3282 = arith.muli %scan3A_3280, %mul3A_3281 : i32
      %get3A_3283 = arith.index_cast %mul3A_3282 : i32 to index
      %get3A_3284 = tpu.vector_load %arg11[%get3A_3283] {strides = array<i32>} : memref<512xf32, #tpu.memory_space<vmem>>, vector<16xf32>,
      %get3A_3285 = arith.index_cast %mul3A_3282 : i32 to index
      %get3A_3286 = tpu.vector_load %arg12[%get3A_3285] {strides = array<i32>} : memref<512xf32, #tpu.memory_space<vmem>>, vector<16xf32>,
      %get3A_3287 = arith.index_cast %mul3A_3282 : i32 to index
      %get3A_3288 = tpu.vector_load %arg13[%get3A_3287] {strides = array<i32>} : memref<512xf32, #tpu.memory_space<vmem>>, vector<16xf32>,
      %mul3A_3289 = arith.mulf %get3A_3288, %get3A_3284 : vector<16xf32>
      %add3A_3290 = arith.addf %get3A_3286, %mul3A_3289 : vector<16xf32>
      %add3A_3291 = arith.constant 0 : i32
      %add3A_3292 = arith.addi %add3A_3291, %mul3A_3282 : i32
      %get3A_3293 = arith.index_cast %add3A_3292 : i32 to index
      %get3A_3294 = tpu.vector_load %arg10[%get3A_3293] {strides = array<i32>} : memref<10240xf32, #tpu.memory_space<vmem>>, vector<16xf32>,
      %sub3A = arith.constant 4.000000e+01 : f32
      %sub3A_3295 = vector.broadcast %sub3A : f32 to vector<16xf32>
      %sub3A_3296 = arith.subf %get3A_3284, %sub3A_3295 : vector<16xf32>
      %max3A = arith.constant 0.000000e+00 : f32
      %max3A_3297 = vector.broadcast %max3A : f32 to vector<16xf32>
      %max3A_3298 = arith.maximumf %sub3A_3296, %max3A_3297 : vector<16xf32>
      %mul3A_3299 = arith.mulf %get3A_3294, %max3A_3298 : vector<16xf32>
      %add3A_3300 = arith.addf %add3A_3290, %mul3A_3299 : vector<16xf32>
      %add3A_3301 = arith.constant 512 : i32
      %add3A_3302 = arith.addi %add3A_3301, %mul3A_3282 : i32
      %get3A_3303 = arith.index_cast %add3A_3302 : i32 to index
      %get3A_3304 = tpu.vector_load %arg10[%get3A_3303] {strides = array<i32>} : memref<10240xf32, #tpu.memory_space<vmem>>, vector<16xf32>,
      %sub3A_3305 = arith.constant 8.000000e+01 : f32
      %sub3A_3306 = vector.broadcast %sub3A_3305 : f32 to vector<16xf32>
      %sub3A_3307 = arith.subf %get3A_3284, %sub3A_3306 : vector<16xf32>
      %max3A_3308 = arith.constant 0.000000e+00 : f32
      %max3A_3309 = vector.broadcast %max3A_3308 : f32 to vector<16xf32>
      %max3A_3310 = arith.maximumf %sub3A_3307, %max3A_3309 : vector<16xf32>
      %mul3A_3311 = arith.mulf %get3A_3304, %max3A_3310 : vector<16xf32>
      %add3A_3312 = arith.addf %add3A_3300, %mul3A_3311 : vector<16xf32>
      %add3A_3313 = arith.constant 1024 : i32
      %add3A_3314 = arith.addi %add3A_3313, %mul3A_3282 : i32
      %get3A_3315 = arith.index_cast %add3A_3314 : i32 to index
      %get3A_3316 = tpu.vector_load %arg10[%get3A_3315] {strides = array<i32>} : memref<10240xf32, #tpu.memory_space<vmem>>, vector<16xf32>,
      %sub3A_3317 = arith.constant 1.200000e+02 : f32
      %sub3A_3318 = vector.broadcast %sub3A_3317 : f32 to vector<16xf32>
      %sub3A_3319 = arith.subf %get3A_3284, %sub3A_3318 : vector<16xf32>
      %max3A_3320 = arith.constant 0.000000e+00 : f32
      %max3A_3321 = vector.broadcast %max3A_3320 : f32 to vector<16xf32>
      %max3A_3322 = arith.maximumf %sub3A_3319, %max3A_3321 : vector<16xf32>
      %mul3A_3323 = arith.mulf %get3A_3316, %max3A_3322 : vector<16xf32>
      %add3A_3324 = arith.addf %add3A_3312, %mul3A_3323 : vector<16xf32>
      %add3A_3325 = arith.constant 1536 : i32
      %add3A_3326 = arith.addi %add3A_3325, %mul3A_3282 : i32
      %get3A_3327 = arith.index_cast %add3A_3326 : i32 to index
      %get3A_3328 = tpu.vector_load %arg10[%get3A_3327] {strides = array<i32>} : memref<10240xf32, #tpu.memory_space<vmem>>, vector<16xf32>,
      %sub3A_3329 = arith.constant 1.600000e+02 : f32
      %sub3A_3330 = vector.broadcast %sub3A_3329 : f32 to vector<16xf32>
      %sub3A_3331 = arith.subf %get3A_3284, %sub3A_3330 : vector<16xf32>
      %max3A_3332 = arith.constant 0.000000e+00 : f32
      %max3A_3333 = vector.broadcast %max3A_3332 : f32 to vector<16xf32>
      %max3A_3334 = arith.maximumf %sub3A_3331, %max3A_3333 : vector<16xf32>
      %mul3A_3335 = arith.mulf %get3A_3328, %max3A_3334 : vector<16xf32>
      %add3A_3336 = arith.addf %add3A_3324, %mul3A_3335 : vector<16xf32>
      %add3A_3337 = arith.constant 2048 : i32
      %add3A_3338 = arith.addi %add3A_3337, %mul3A_3282 : i32
      %get3A_3339 = arith.index_cast %add3A_3338 : i32 to index
      %get3A_3340 = tpu.vector_load %arg10[%get3A_3339] {strides = array<i32>} : memref<10240xf32, #tpu.memory_space<vmem>>, vector<16xf32>,
      %sub3A_3341 = arith.constant 2.000000e+02 : f32
      %sub3A_3342 = vector.broadcast %sub3A_3341 : f32 to vector<16xf32>
      %sub3A_3343 = arith.subf %get3A_3284, %sub3A_3342 : vector<16xf32>
      %max3A_3344 = arith.constant 0.000000e+00 : f32
      %max3A_3345 = vector.broadcast %max3A_3344 : f32 to vector<16xf32>
      %max3A_3346 = arith.maximumf %sub3A_3343, %max3A_3345 : vector<16xf32>
      %mul3A_3347 = arith.mulf %get3A_3340, %max3A_3346 : vector<16xf32>
      %add3A_3348 = arith.addf %add3A_3336, %mul3A_3347 : vector<16xf32>
      %add3A_3349 = arith.constant 2560 : i32
      %add3A_3350 = arith.addi %add3A_3349, %mul3A_3282 : i32
      %get3A_3351 = arith.index_cast %add3A_3350 : i32 to index
      %get3A_3352 = tpu.vector_load %arg10[%get3A_3351] {strides = array<i32>} : memref<10240xf32, #tpu.memory_space<vmem>>, vector<16xf32>,
      %sub3A_3353 = arith.constant 2.400000e+02 : f32
      %sub3A_3354 = vector.broadcast %sub3A_3353 : f32 to vector<16xf32>
      %sub3A_3355 = arith.subf %get3A_3284, %sub3A_3354 : vector<16xf32>
      %max3A_3356 = arith.constant 0.000000e+00 : f32
      %max3A_3357 = vector.broadcast %max3A_3356 : f32 to vector<16xf32>
      %max3A_3358 = arith.maximumf %sub3A_3355, %max3A_3357 : vector<16xf32>
      %mul3A_3359 = arith.mulf %get3A_3352, %max3A_3358 : vector<16xf32>
      %add3A_3360 = arith.addf %add3A_3348, %mul3A_3359 : vector<16xf32>
      %add3A_3361 = arith.constant 3072 : i32
      %add3A_3362 = arith.addi %add3A_3361, %mul3A_3282 : i32
      %get3A_3363 = arith.index_cast %add3A_3362 : i32 to index
      %get3A_3364 = tpu.vector_load %arg10[%get3A_3363] {strides = array<i32>} : memref<10240xf32, #tpu.memory_space<vmem>>, vector<16xf32>,
      %sub3A_3365 = arith.constant 2.800000e+02 : f32
      %sub3A_3366 = vector.broadcast %sub3A_3365 : f32 to vector<16xf32>
      %sub3A_3367 = arith.subf %get3A_3284, %sub3A_3366 : vector<16xf32>
      %max3A_3368 = arith.constant 0.000000e+00 : f32
      %max3A_3369 = vector.broadcast %max3A_3368 : f32 to vector<16xf32>
      %max3A_3370 = arith.maximumf %sub3A_3367, %max3A_3369 : vector<16xf32>
      %mul3A_3371 = arith.mulf %get3A_3364, %max3A_3370 : vector<16xf32>
      %add3A_3372 = arith.addf %add3A_3360, %mul3A_3371 : vector<16xf32>
      %add3A_3373 = arith.constant 3584 : i32
      %add3A_3374 = arith.addi %add3A_3373, %mul3A_3282 : i32
      %get3A_3375 = arith.index_cast %add3A_3374 : i32 to index
      %get3A_3376 = tpu.vector_load %arg10[%get3A_3375] {strides = array<i32>} : memref<10240xf32, #tpu.memory_space<vmem>>, vector<16xf32>,
      %sub3A_3377 = arith.constant 3.200000e+02 : f32
      %sub3A_3378 = vector.broadcast %sub3A_3377 : f32 to vector<16xf32>
      %sub3A_3379 = arith.subf %get3A_3284, %sub3A_3378 : vector<16xf32>
      %max3A_3380 = arith.constant 0.000000e+00 : f32
      %max3A_3381 = vector.broadcast %max3A_3380 : f32 to vector<16xf32>
      %max3A_3382 = arith.maximumf %sub3A_3379, %max3A_3381 : vector<16xf32>
      %mul3A_3383 = arith.mulf %get3A_3376, %max3A_3382 : vector<16xf32>
      %add3A_3384 = arith.addf %add3A_3372, %mul3A_3383 : vector<16xf32>
      %add3A_3385 = arith.constant 4096 : i32
      %add3A_3386 = arith.addi %add3A_3385, %mul3A_3282 : i32
      %get3A_3387 = arith.index_cast %add3A_3386 : i32 to index
      %get3A_3388 = tpu.vector_load %arg10[%get3A_3387] {strides = array<i32>} : memref<10240xf32, #tpu.memory_space<vmem>>, vector<16xf32>,
      %sub3A_3389 = arith.constant 3.600000e+02 : f32
      %sub3A_3390 = vector.broadcast %sub3A_3389 : f32 to vector<16xf32>
      %sub3A_3391 = arith.subf %get3A_3284, %sub3A_3390 : vector<16xf32>
      %max3A_3392 = arith.constant 0.000000e+00 : f32
      %max3A_3393 = vector.broadcast %max3A_3392 : f32 to vector<16xf32>
      %max3A_3394 = arith.maximumf %sub3A_3391, %max3A_3393 : vector<16xf32>
      %mul3A_3395 = arith.mulf %get3A_3388, %max3A_3394 : vector<16xf32>
      %add3A_3396 = arith.addf %add3A_3384, %mul3A_3395 : vector<16xf32>
      %add3A_3397 = arith.constant 4608 : i32
      %add3A_3398 = arith.addi %add3A_3397, %mul3A_3282 : i32
      %get3A_3399 = arith.index_cast %add3A_3398 : i32 to index
      %get3A_3400 = tpu.vector_load %arg10[%get3A_3399] {strides = array<i32>} : memref<10240xf32, #tpu.memory_space<vmem>>, vector<16xf32>,
      %sub3A_3401 = arith.constant 4.000000e+02 : f32
      %sub3A_3402 = vector.broadcast %sub3A_3401 : f32 to vector<16xf32>
      %sub3A_3403 = arith.subf %get3A_3284, %sub3A_3402 : vector<16xf32>
      %max3A_3404 = arith.constant 0.000000e+00 : f32
      %max3A_3405 = vector.broadcast %max3A_3404 : f32 to vector<16xf32>
      %max3A_3406 = arith.maximumf %sub3A_3403, %max3A_3405 : vector<16xf32>
      %mul3A_3407 = arith.mulf %get3A_3400, %max3A_3406 : vector<16xf32>
      %add3A_3408 = arith.addf %add3A_3396, %mul3A_3407 : vector<16xf32>
      %add3A_3409 = arith.constant 5120 : i32
      %add3A_3410 = arith.addi %add3A_3409, %mul3A_3282 : i32
      %get3A_3411 = arith.index_cast %add3A_3410 : i32 to index
      %get3A_3412 = tpu.vector_load %arg10[%get3A_3411] {strides = array<i32>} : memref<10240xf32, #tpu.memory_space<vmem>>, vector<16xf32>,
      %sub3A_3413 = arith.constant 4.400000e+02 : f32
      %sub3A_3414 = vector.broadcast %sub3A_3413 : f32 to vector<16xf32>
      %sub3A_3415 = arith.subf %get3A_3284, %sub3A_3414 : vector<16xf32>
      %max3A_3416 = arith.constant 0.000000e+00 : f32
      %max3A_3417 = vector.broadcast %max3A_3416 : f32 to vector<16xf32>
      %max3A_3418 = arith.maximumf %sub3A_3415, %max3A_3417 : vector<16xf32>
      %mul3A_3419 = arith.mulf %get3A_3412, %max3A_3418 : vector<16xf32>
      %add3A_3420 = arith.addf %add3A_3408, %mul3A_3419 : vector<16xf32>
      %add3A_3421 = arith.constant 5632 : i32
      %add3A_3422 = arith.addi %add3A_3421, %mul3A_3282 : i32
      %get3A_3423 = arith.index_cast %add3A_3422 : i32 to index
      %get3A_3424 = tpu.vector_load %arg10[%get3A_3423] {strides = array<i32>} : memref<10240xf32, #tpu.memory_space<vmem>>, vector<16xf32>,
      %sub3A_3425 = arith.constant 4.800000e+02 : f32
      %sub3A_3426 = vector.broadcast %sub3A_3425 : f32 to vector<16xf32>
      %sub3A_3427 = arith.subf %get3A_3284, %sub3A_3426 : vector<16xf32>
      %max3A_3428 = arith.constant 0.000000e+00 : f32
      %max3A_3429 = vector.broadcast %max3A_3428 : f32 to vector<16xf32>
      %max3A_3430 = arith.maximumf %sub3A_3427, %max3A_3429 : vector<16xf32>
      %mul3A_3431 = arith.mulf %get3A_3424, %max3A_3430 : vector<16xf32>
      %add3A_3432 = arith.addf %add3A_3420, %mul3A_3431 : vector<16xf32>
      %add3A_3433 = arith.constant 6144 : i32
      %add3A_3434 = arith.addi %add3A_3433, %mul3A_3282 : i32
      %get3A_3435 = arith.index_cast %add3A_3434 : i32 to index
      %get3A_3436 = tpu.vector_load %arg10[%get3A_3435] {strides = array<i32>} : memref<10240xf32, #tpu.memory_space<vmem>>, vector<16xf32>,
      %sub3A_3437 = arith.constant 5.200000e+02 : f32
      %sub3A_3438 = vector.broadcast %sub3A_3437 : f32 to vector<16xf32>
      %sub3A_3439 = arith.subf %get3A_3284, %sub3A_3438 : vector<16xf32>
      %max3A_3440 = arith.constant 0.000000e+00 : f32
      %max3A_3441 = vector.broadcast %max3A_3440 : f32 to vector<16xf32>
      %max3A_3442 = arith.maximumf %sub3A_3439, %max3A_3441 : vector<16xf32>
      %mul3A_3443 = arith.mulf %get3A_3436, %max3A_3442 : vector<16xf32>
      %add3A_3444 = arith.addf %add3A_3432, %mul3A_3443 : vector<16xf32>
      %add3A_3445 = arith.constant 6656 : i32
      %add3A_3446 = arith.addi %add3A_3445, %mul3A_3282 : i32
      %get3A_3447 = arith.index_cast %add3A_3446 : i32 to index
      %get3A_3448 = tpu.vector_load %arg10[%get3A_3447] {strides = array<i32>} : memref<10240xf32, #tpu.memory_space<vmem>>, vector<16xf32>,
      %sub3A_3449 = arith.constant 5.600000e+02 : f32
      %sub3A_3450 = vector.broadcast %sub3A_3449 : f32 to vector<16xf32>
      %sub3A_3451 = arith.subf %get3A_3284, %sub3A_3450 : vector<16xf32>
      %max3A_3452 = arith.constant 0.000000e+00 : f32
      %max3A_3453 = vector.broadcast %max3A_3452 : f32 to vector<16xf32>
      %max3A_3454 = arith.maximumf %sub3A_3451, %max3A_3453 : vector<16xf32>
      %mul3A_3455 = arith.mulf %get3A_3448, %max3A_3454 : vector<16xf32>
      %add3A_3456 = arith.addf %add3A_3444, %mul3A_3455 : vector<16xf32>
      %add3A_3457 = arith.constant 7168 : i32
      %add3A_3458 = arith.addi %add3A_3457, %mul3A_3282 : i32
      %get3A_3459 = arith.index_cast %add3A_3458 : i32 to index
      %get3A_3460 = tpu.vector_load %arg10[%get3A_3459] {strides = array<i32>} : memref<10240xf32, #tpu.memory_space<vmem>>, vector<16xf32>,
      %sub3A_3461 = arith.constant 6.000000e+02 : f32
      %sub3A_3462 = vector.broadcast %sub3A_3461 : f32 to vector<16xf32>
      %sub3A_3463 = arith.subf %get3A_3284, %sub3A_3462 : vector<16xf32>
      %max3A_3464 = arith.constant 0.000000e+00 : f32
      %max3A_3465 = vector.broadcast %max3A_3464 : f32 to vector<16xf32>
      %max3A_3466 = arith.maximumf %sub3A_3463, %max3A_3465 : vector<16xf32>
      %mul3A_3467 = arith.mulf %get3A_3460, %max3A_3466 : vector<16xf32>
      %add3A_3468 = arith.addf %add3A_3456, %mul3A_3467 : vector<16xf32>
      %add3A_3469 = arith.constant 7680 : i32
      %add3A_3470 = arith.addi %add3A_3469, %mul3A_3282 : i32
      %get3A_3471 = arith.index_cast %add3A_3470 : i32 to index
      %get3A_3472 = tpu.vector_load %arg10[%get3A_3471] {strides = array<i32>} : memref<10240xf32, #tpu.memory_space<vmem>>, vector<16xf32>,
      %sub3A_3473 = arith.constant 6.400000e+02 : f32
      %sub3A_3474 = vector.broadcast %sub3A_3473 : f32 to vector<16xf32>
      %sub3A_3475 = arith.subf %get3A_3284, %sub3A_3474 : vector<16xf32>
      %max3A_3476 = arith.constant 0.000000e+00 : f32
      %max3A_3477 = vector.broadcast %max3A_3476 : f32 to vector<16xf32>
      %max3A_3478 = arith.maximumf %sub3A_3475, %max3A_3477 : vector<16xf32>
      %mul3A_3479 = arith.mulf %get3A_3472, %max3A_3478 : vector<16xf32>
      %add3A_3480 = arith.addf %add3A_3468, %mul3A_3479 : vector<16xf32>
      %add3A_3481 = arith.constant 8192 : i32
      %add3A_3482 = arith.addi %add3A_3481, %mul3A_3282 : i32
      %get3A_3483 = arith.index_cast %add3A_3482 : i32 to index
      %get3A_3484 = tpu.vector_load %arg10[%get3A_3483] {strides = array<i32>} : memref<10240xf32, #tpu.memory_space<vmem>>, vector<16xf32>,
      %sub3A_3485 = arith.constant 6.800000e+02 : f32
      %sub3A_3486 = vector.broadcast %sub3A_3485 : f32 to vector<16xf32>
      %sub3A_3487 = arith.subf %get3A_3284, %sub3A_3486 : vector<16xf32>
      %max3A_3488 = arith.constant 0.000000e+00 : f32
      %max3A_3489 = vector.broadcast %max3A_3488 : f32 to vector<16xf32>
      %max3A_3490 = arith.maximumf %sub3A_3487, %max3A_3489 : vector<16xf32>
      %mul3A_3491 = arith.mulf %get3A_3484, %max3A_3490 : vector<16xf32>
      %add3A_3492 = arith.addf %add3A_3480, %mul3A_3491 : vector<16xf32>
      %add3A_3493 = arith.constant 8704 : i32
      %add3A_3494 = arith.addi %add3A_3493, %mul3A_3282 : i32
      %get3A_3495 = arith.index_cast %add3A_3494 : i32 to index
      %get3A_3496 = tpu.vector_load %arg10[%get3A_3495] {strides = array<i32>} : memref<10240xf32, #tpu.memory_space<vmem>>, vector<16xf32>,
      %sub3A_3497 = arith.constant 7.200000e+02 : f32
      %sub3A_3498 = vector.broadcast %sub3A_3497 : f32 to vector<16xf32>
      %sub3A_3499 = arith.subf %get3A_3284, %sub3A_3498 : vector<16xf32>
      %max3A_3500 = arith.constant 0.000000e+00 : f32
      %max3A_3501 = vector.broadcast %max3A_3500 : f32 to vector<16xf32>
      %max3A_3502 = arith.maximumf %sub3A_3499, %max3A_3501 : vector<16xf32>
      %mul3A_3503 = arith.mulf %get3A_3496, %max3A_3502 : vector<16xf32>
      %add3A_3504 = arith.addf %add3A_3492, %mul3A_3503 : vector<16xf32>
      %add3A_3505 = arith.constant 9216 : i32
      %add3A_3506 = arith.addi %add3A_3505, %mul3A_3282 : i32
      %get3A_3507 = arith.index_cast %add3A_3506 : i32 to index
      %get3A_3508 = tpu.vector_load %arg10[%get3A_3507] {strides = array<i32>} : memref<10240xf32, #tpu.memory_space<vmem>>, vector<16xf32>,
      %sub3A_3509 = arith.constant 7.600000e+02 : f32
      %sub3A_3510 = vector.broadcast %sub3A_3509 : f32 to vector<16xf32>
      %sub3A_3511 = arith.subf %get3A_3284, %sub3A_3510 : vector<16xf32>
      %max3A_3512 = arith.constant 0.000000e+00 : f32
      %max3A_3513 = vector.broadcast %max3A_3512 : f32 to vector<16xf32>
      %max3A_3514 = arith.maximumf %sub3A_3511, %max3A_3513 : vector<16xf32>
      %mul3A_3515 = arith.mulf %get3A_3508, %max3A_3514 : vector<16xf32>
      %add3A_3516 = arith.addf %add3A_3504, %mul3A_3515 : vector<16xf32>
      %add3A_3517 = arith.constant 9728 : i32
      %add3A_3518 = arith.addi %add3A_3517, %mul3A_3282 : i32
      %get3A_3519 = arith.index_cast %add3A_3518 : i32 to index
      %get3A_3520 = tpu.vector_load %arg10[%get3A_3519] {strides = array<i32>} : memref<10240xf32, #tpu.memory_space<vmem>>, vector<16xf32>,
      %sub3A_3521 = arith.constant 8.000000e+02 : f32
      %sub3A_3522 = vector.broadcast %sub3A_3521 : f32 to vector<16xf32>
      %sub3A_3523 = arith.subf %get3A_3284, %sub3A_3522 : vector<16xf32>
      %max3A_3524 = arith.constant 0.000000e+00 : f32
      %max3A_3525 = vector.broadcast %max3A_3524 : f32 to vector<16xf32>
      %max3A_3526 = arith.maximumf %sub3A_3523, %max3A_3525 : vector<16xf32>
      %mul3A_3527 = arith.mulf %get3A_3520, %max3A_3526 : vector<16xf32>
      %add3A_3528 = arith.addf %add3A_3516, %mul3A_3527 : vector<16xf32>
      %swap3A_3529 = arith.index_cast %mul3A_3282 : i32 to index
      %swap3A_3530 = tpu.vector_load %arg14[%swap3A_3529] {strides = array<i32>} : memref<512xf32, #tpu.memory_space<vmem>>, vector<16xf32>,
      tpu.vector_store %arg14[%swap3A_3529], %add3A_3528 {strides = array<i32>} : memref<512xf32, #tpu.memory_space<vmem>>, vector<16xf32>,
    }
    %scan3A_3279 = arith.constant 32 : i32
    "tpu.region"() ({
      %run_scoped3A = tpu.sem_alloc : memref<!tpu.dma_semaphore, #tpu.memory_space<semaphore_mem>>
      %dma_start3A_3280 = tpu.memref_slice %arg7[%mul3A_2] : memref<16384xf32, #tpu.memory_space<hbm>> -> memref<512xf32, #tpu.memory_space<hbm>>
      %dma_start3A_3281 = tpu.memref_slice %arg7[%mul3A_2] : memref<16384xf32, #tpu.memory_space<hbm>> -> memref<512xf32, #tpu.memory_space<hbm>>
      tpu.enqueue_dma source(%arg14 : memref<512xf32, #tpu.memory_space<vmem>>) target(%dma_start3A_3281 : memref<512xf32, #tpu.memory_space<hbm>>) target_semaphore(%run_scoped3A : memref<!tpu.dma_semaphore, #tpu.memory_space<semaphore_mem>>)
      %dma_wait3A_3282 = tpu.memref_slice %arg7[%mul3A_2] : memref<16384xf32, #tpu.memory_space<hbm>> -> memref<512xf32, #tpu.memory_space<hbm>>
      %dma_wait3A_3283 = tpu.memref_slice %arg7[%mul3A_2] : memref<16384xf32, #tpu.memory_space<hbm>> -> memref<512xf32, #tpu.memory_space<hbm>>
      tpu.wait_dma2 semaphore(%run_scoped3A : memref<!tpu.dma_semaphore, #tpu.memory_space<semaphore_mem>>) src(%arg14 : memref<512xf32, #tpu.memory_space<vmem>>) dst(%dma_wait3A_3283 : memref<512xf32, #tpu.memory_space<hbm>>)
      tpu.yield
    }) : () -> ()
    return
  }
}

</mosaic_0001>

<sc_bundles>
// kernel: _trend_sc.3.cloned.1.call-start
scs
__scs_entry_jumppad:
0x0: {  	(pc) =	sbr.rel $0x88, $3  }
0x1: {  	(tag) =	ssettag $0x0;
	lr =	simm.s32 $0x1  }
0x2: {  	[smem:$0x3F9C] =	sst lr;
	_ =	strace $0xD0000000  }
0x3: {  	_ = 	snop  }
0x4: {  	_ = 	snop  }
0x5: {  	_ = 	snop  }
0x6: {  	_ = 	snop  }
0x7: {  	_ = 	snop  }
__scs_overlays_trampoline_lowered:
0x8: {  	[smem:$0x3FAB] =	sst s0  }
0x9: {  	[smem:$0x3FAC] =	sst s1  }
0xa: {  	[smem:$0x3FAD] =	sst s2  }
0xb: {  	[smem:$0x3FAE] =	sst s3  }
0xc: {  	[smem:$0x3FAF] =	sst s4  }
0xd: {  	[smem:$0x3FB0] =	sst s5  }
0xe: {  	[smem:$0x3FB1] =	sst s6  }
0xf: {  	[smem:$0x3FB2] =	sst s7  }
0x10: {  	[smem:$0x3FB3] =	sst s8  }
0x11: {  	[smem:$0x3FB4] =	sst s9;
	s0 =	simm.s32 @!p0 $0x0  }
0x12: {  	s1 =	sld [smem:$0x3F9A];
	s0 =	simm.s32 @p0 $0x1  }
0x13: {  	[smem:$0x3FB5] =	sst s0;
	s0 =	simm.s32 @!p1 $0x0  }
0x14: {  	s2 =	sld [smem:$0x3F99];
	s0 =	simm.s32 @p1 $0x1  }
0x15: {  	[smem:$0x3FB6] =	sst s0;
	s0 =	simm.s32 @!p2 $0x0  }
0x16: {  	s3 =	sld [smem:$0x3FDB];
	s0 =	simm.s32 @p2 $0x1  }
0x17: {  	s4 =	simm.s32 $0x1BF5;
	[smem:$0x3FB8] =	sst s0  }
0x18: {  	s0 =	sld [smem:$0x3F9B];
	_ =	swait.ge [sflag:s4], $0x0  }
0x19: {  	s7 =	sld [smem:$0x3F9C]  }
0x1a: {  	s8 =	sadd.s32 $0xFFFFE003, lr  }
0x1b: {  	s9 =	sadd.s32 $0xFFFFFEF7, lr;
	s5 =	simm.s32 $0xFFFFFFFF;
	p2 =	slt.u32 s8, $0xFFFFF086  }
0x1c: {  	p1 =	slt.u32 s9, $0xF7A;
	s5 =	simm.s32 @!p2 $0x0  }
0x1d: {  	s5 =	simm.s32 @p1 $0x1;
	p0 =	seq.s32 s7, s2  }
0x1e: {  	s7 =	smul.u32 @!p0 $0xF7A, s2;
	p2 =	seq.s32 @!p0 s5, $0x0  }
0x1f: {  	s9 =	smul.u32 $0xF7A, s1;
	s8 =	simm.s32 @!p0 $0x1BF5;
	p2 =	por !p2, p0  }
0x20: {  	[sflag:s8] =	ssyncset.s32 @!p0 $0xFFFFF086;
	s6 =	sadd.s32 @!p0 s3, s7;
	s7 =	simm.s32 @!p0 $0x108  }
0x21: {  	s3 =	sadd.s32 s3, s9;
	s6 =	sadd.s32 @!p0 $0x88, s6;
	s7 =	simm.s32 @p2 $0x1082  }
0x22: {  	[simem:s7], [sflag:s8] =	dma.local @!p0 [hbm:s6], $0xF7A  }
0x23: {  	s9 =	sor.u32 $0xD0000000, s2;
	s6 =	simm.s32 $0x108;
	_ =	swait.ge @!p0 [sflag:s8], $0x0  }
0x24: {  	s3 =	sadd.s32 $0x88, s3;
	s6 =	simm.s32 @!p1 $0x1082;
	[sflag:s4] =	ssyncset.s32 $0xFFFFF086  }
0x25: {  	[simem:s6], [sflag:s4] =	dma.local [hbm:s3], $0xF7A  }
0x26: {  	[smem:$0x3F9C] =	sst s1;
	(tag) =	ssettag s2;
	_ =	strace s9  }
0x27: {  	s1 =	sld [smem:$0x3FAC]  }
0x28: {  	s2 =	sld [smem:$0x3FAD]  }
0x29: {  	s4 =	sld [smem:$0x3FAF]  }
0x2a: {  	p0 =	seq.s32 s5, $0x0;
	s5 =	sld [smem:$0x3FB0]  }
0x2b: {  	s6 =	sld [smem:$0x3FB1]  }
0x2c: {  	s7 =	sld [smem:$0x3FB2]  }
0x2d: {  	s3 =	simm.s32 $0x108;
	s8 =	sld [smem:$0x3FB3]  }
0x2e: {  	s3 =	simm.s32 @!p0 $0x1082;
	s9 =	sld [smem:$0x3FB4]  }
0x2f: {  	lr =	sadd.s32 s0, s3;
	s0 =	sld [smem:$0x3FAB]  }
0x30: {  	s3 =	sld [smem:$0x3FAE]  }
0x31: {  	[smem:$0x3FB7] =	sst s10  }
0x32: {  	s10 =	sld [smem:$0x3FB5];
	_ =	sdelay $0x3  }
0x33: {  	p0 =	seq.s32 s10, $0x1;
	s10 =	sld [smem:$0x3FB7];
	_ =	sdelay $0x3  }
0x34: {  	[smem:$0x3FB7] =	sst s10  }
0x35: {  	s10 =	sld [smem:$0x3FB6];
	_ =	sdelay $0x3  }
0x36: {  	p1 =	seq.s32 s10, $0x1;
	s10 =	sld [smem:$0x3FB7];
	_ =	sdelay $0x3  }
0x37: {  	[smem:$0x3FB7] =	sst s10  }
0x38: {  	s10 =	sld [smem:$0x3FB8]  }
0x39: {  	_ = 	snop;
	(pc) =	sbr.ind lr, $3  }
0x3a: {  	_ = 	snop  }
0x3b: {  	_ = 	snop  }
0x3c: {  	p2 =	seq.s32 s10, $0x1;
	s10 =	sld [smem:$0x3FB7]  }
0x3d: {  	_ =	shalt  }
0x3e: {  	_ =	shalt  }
0x3f: {  	_ =	shalt  }
0x40: {  	_ =	shalt  }
0x41: {  	_ =	shalt  }
0x42: {  	_ =	shalt  }
0x43: {  	_ =	shalt  }
0x44: {  	_ =	shalt  }
0x45: {  	_ =	shalt  }
0x46: {  	_ =	shalt  }
0x47: {  	_ =	shalt  }
0x48: {  	_ =	shalt  }
0x49: {  	_ =	shalt  }
0x4a: {  	_ =	shalt  }
0x4b: {  	_ =	shalt  }
0x4c: {  	_ =	shalt  }
0x4d: {  	_ =	shalt  }
0x4e: {  	_ =	shalt  }
0x4f: {  	_ =	shalt  }
0x50: {  	_ =	shalt  }
0x51: {  	_ =	shalt  }
0x52: {  	_ =	shalt  }
0x53: {  	_ =	shalt  }
0x54: {  	_ =	shalt  }
0x55: {  	_ =	shalt  }
0x56: {  	_ =	shalt  }
0x57: {  	_ =	shalt  }
0x58: {  	_ =	shalt  }
0x59: {  	_ =	shalt  }
0x5a: {  	_ =	shalt  }
0x5b: {  	_ =	shalt  }
0x5c: {  	_ =	shalt  }
0x5d: {  	_ =	shalt  }
0x5e: {  	_ =	shalt  }
0x5f: {  	_ =	shalt  }
0x60: {  	_ =	shalt  }
0x61: {  	_ =	shalt  }
0x62: {  	_ =	shalt  }
0x63: {  	_ =	shalt  }
0x64: {  	_ =	shalt  }
0x65: {  	_ =	shalt  }
0x66: {  	_ =	shalt  }
0x67: {  	_ =	shalt  }
0x68: {  	_ =	shalt  }
0x69: {  	_ =	shalt  }
0x6a: {  	_ =	shalt  }
0x6b: {  	_ =	shalt  }
0x6c: {  	_ =	shalt  }
0x6d: {  	_ =	shalt  }
0x6e: {  	_ =	shalt  }
0x6f: {  	_ =	shalt  }
0x70: {  	_ =	shalt  }
0x71: {  	_ =	shalt  }
0x72: {  	_ =	shalt  }
0x73: {  	_ =	shalt  }
0x74: {  	_ =	shalt  }
0x75: {  	_ =	shalt  }
0x76: {  	_ =	shalt  }
0x77: {  	_ =	shalt  }
0x78: {  	_ =	shalt  }
0x79: {  	_ =	shalt  }
0x7a: {  	_ =	shalt  }
0x7b: {  	_ =	shalt  }
0x7c: {  	_ =	shalt  }
0x7d: {  	_ =	shalt  }
0x7e: {  	_ =	shalt  }
0x7f: {  	_ =	shalt  }
0x80: {  	_ =	shalt  }
0x81: {  	_ =	shalt  }
0x82: {  	_ =	shalt  }
0x83: {  	_ =	shalt  }
0x84: {  	_ =	shalt  }
0x85: {  	_ =	shalt  }
0x86: {  	_ =	shalt  }
0x87: {  	_ =	shalt  }
.Lfunc_end0:
.L_simem_size_0:
called_computation_lowered:
.L_overlay_start_0:
0x88: {  	s2 =	sld [smem:$0x3FD9]  }
0x89: {  	s3 =	sld [smem:$0x3FFE];
	_ =	sdelay $0x1  }
0x8a: {  	s1 =	srdreg.scid  }
0x8b: {  	s0 =	sand.u32 $0x1, s1  }
0x8c: {  	s18 =	sshll.u32 s0, $0xA;
	s2 =	sadd.s32 s3, s2  }
0x8d: {  	s2 =	sadd.s32 s2, s18  }
0x8e: {  	[smem:$0x3FC3] =	sst s2  }
0x8f: {  	_ = 	snop  }
0x90: {  	s2 =	sld [smem:$0x3FC9]  }
0x91: {  	s19 =	sld [smem:$0x3FC8]  }
0x92: {  	s4 =	sld [smem:$0x3FC7]  }
0x93: {  	s5 =	sld [smem:$0x3FC6]  }
0x94: {  	s6 =	sld [smem:$0x3FC5]  }
0x95: {  	s7 =	sld [smem:$0x3FD0];
	(tm) =	ssettm $0x1  }
0x96: {  	s8 =	sld [smem:$0x3FFB];
	_ =	sdelay $0x3  }
0x97: {  	_ =	strace s8  }
0x98: {  	s8 =	sld [smem:$0x3FFC];
	_ =	sdelay $0x3  }
0x99: {  	_ =	strace s8  }
0x9a: {  	s8 =	sld [smem:$0x3FFD];
	_ =	sdelay $0x3  }
0x9b: {  	_ =	strace s8  }
0x9c: {  	_ =	strace $0x8FFFFFFF  }
0x9d: {  	s20 =	sld [smem:$0x3FDB];
	_ =	sdelay $0x1  }
0x9e: {  	s9 =	simm.s32 $_scs_section_size  }
0x9f: {  	s10 =	simm.s32 $_size__tile_overlayer_lowered;
	s11 =	simm.s32 $_tile_overlayer_lowered  }
0xa0: {  	s23 =	simm.s32 $0x1BFF;
	s22 =	sshll.u32 s11, $0x1;
	s8 =	sadd.s32 s9, s20  }
0xa1: {  	s12 =	simm.s32 $0x0;
	s21 =	sshll.u32 s10, $0x1;
	s10 =	sadd.s32 s22, s8  }
0xa2: {  	[timem:s12], [sflag:s23] =	dma.local [hbm:s10], s21  }
0xa3: {  	_ =	swait.ge [sflag:s23], s21  }
0xa4: {  	s9 =	ssub.s32 $0x0, s21;
	[sflag:s23] =	ssyncset.done $0x0  }
0xa5: {  	[sflag:s23] =	ssyncadd.s32 s9;
	_ =	sdelay $0x1  }
0xa6: {  	s24 =	simm.s32 $0x1B8B  }
0xa7: {  	_ =	swait.ge [sflag:s24], $0x1  }
0xa8: {  	[sflag:s24] =	ssyncset.done $0x0  }
0xa9: {  	s25 =	simm.s32 $0x1B8E;
	[sflag:s24] =	ssyncadd.s32 $0xFFFFFFFF  }
0xaa: {  	s26 =	simm.s32 $execute0_lowered;
	[smem:$0x3FD2] =	sst s25  }
0xab: {  	s9 =	sshll.u32 s26, $0x1;
	_ =	strace $0x80000046;
	[dreg:$0x1] =	wrdreg $0xFFFFFFFF  }
0xac: {  	s28 =	simm.s32 $_size_execute0_lowered;
	s8 =	sadd.s32 s8, s9;
	[dreg:$0x0] =	wrdreg $0x0  }
0xad: {  	s9 =	sshll.u32 s28, $0x1;
	[dreg:$0x2] =	wrdreg s8  }
0xae: {  	[dreg:$0x3] =	wrdreg s9  }
0xaf: {  	[dreg:$0x4] =	wrdreg $0xC0  }
0xb0: {  	_ =	task [dreg:s12], $0x5FFFF  }
0xb1: {  	[dreg:$0x1] =	wrdreg $0xFFFFFFFF  }
0xb2: {  	[dreg:$0x0] =	wrdreg $0x60  }
0xb3: {  	[dreg:$0x2] =	wrdreg s2  }
0xb4: {  	[dreg:$0x3] =	wrdreg s19  }
0xb5: {  	[dreg:$0x4] =	wrdreg s4  }
0xb6: {  	[dreg:$0x5] =	wrdreg s5  }
0xb7: {  	[dreg:$0x6] =	wrdreg s6  }
0xb8: {  	[dreg:$0x7] =	wrdreg s7  }
0xb9: {  	[dreg:$0x8] =	wrdreg $0x9  }
0xba: {  	_ =	task.clear_ibuf [dreg:s12], $0x9FFFF;
	_ =	strace $0x90000046  }
0xbb: {  	s29 =	simm.s32 $0x9;
	_ =	strace $0x80000048  }
0xbc: {  	_ =	swait.ge [sflag:s29], $0x1  }
0xbd: {  	[sflag:s29] =	ssyncadd.s32 $0xFFFFFFFF  }
0xbe: {  	_ =	strace $0x90000048  }
0xbf: {  	_ =	sfence  }
0xc0: {  	s30 =	sld [smem:$0x0];
	_ =	sdelay $0x2  }
0xc1: {  	s31 =	sshll.u32 s1, $0xD;
	s1 =	sshrl.u32 s1, $0x2  }
0xc2: {  	s3 =	sand.u32 $0x4000, s31;
	s1 =	sadd.s32 s1, s30  }
0xc3: {  	s0 =	sor.u32 s3, s0;
	s1 =	sshll.u32 s1, $0x11  }
0xc4: {  	s0 =	sor.u32 s1, s0  }
0xc5: {  	s0 =	sadd.s32 $0x8F2B, s0  }
0xc6: {  	[sflag:s0] =	ssyncadd.remote.s32 $0x1  }
0xc7: {  	_ =	sfence.sel $0xFFFF  }
0xc8: {  	[dreg:$0x0] =	wrdreg $0xFFFFFFFF;
	(pc) =	sbr.abs _section_cstart, $3  }
0xc9: {  	[dreg:$0x1] =	wrdreg $0xFFFFFFFF  }
0xca: {  	_ =	task.clear_ibuf [dreg:s12], $0x2FFFF;
	_ =	strace $0x9FFFFFFF  }
0xcb: {  	(tm) =	ssettm $0x7FFFFFFF  }
tec
execute0_lowered:
.L_overlay_start_1:
0x0: {  	(tag) =	ssettag $0x1  }
0x1: {  	s7 =	rddreg [dreg:$0x0]  }
0x2: {  	s6 =	rddreg [dreg:$0x1]  }
0x3: {  	s1 =	rddreg [dreg:$0x2]  }
0x4: {  	s2 =	rddreg [dreg:$0x3]  }
0x5: {  	s3 =	rddreg [dreg:$0x4]  }
0x6: {  	s8 =	rddreg [dreg:$0x5];
	s4 =	srdreg.scid  }
0x7: {  	s0 =	rddreg [dreg:$0x6];
	s5 =	simm.s32 $0x0;
	s13 =	simm.s32 $0x5600  }
0x8: {  	s14 =	simm.s32 $0x2800;
	s15 =	simm.s32 $0x2A00;
	s16 =	simm.s32 $0x5200  }
0x9: {  	s17 =	simm.s32 $0x1;
	s18 =	simm.s32 $0x2;
	s19 =	simm.s32 $0x5800  }
0xa: {  	s20 =	simm.s32 $0x0;
	s9 =	sand.u32 $0x1, s4;
	s4 =	stileid.u32  }
0xb: {  	[smem:$0x7FF] =	sst s5;
	s10 =	ssub.s32 $0x2, s9;
	s12 =	sshll.u32 s4, $0x7  }
0xc: {  	s9 =	sshll.u32 s9, $0x6;
	_ =	strace $0x80000047;
	s11 =	sshrl.u32 s10, $0x1  }
0xd: {  	s9 =	sor.u32 s9, s12;
	s12 =	simm.s32 $0x5400;
	s10 =	ssub.s32 s10, s11  }
0xe: {  	s6 =	sadd.s32 s6, s9;
	s7 =	sadd.s32 s7, s9;
	s8 =	sadd.s32 s8, s9  }
0xf: {  	s11 =	simm.s32 $0x200;
	s9 =	smax.u32 s10, $0x1;
	s10 =	simm.s32 $0x3  }
.LBB2_1:
0x10: {  	[tilespmem:s5], [sflag:$0x3] =	stream.linear.gather [hbm4b:s6+s5], $0x200, $0x38;
	[tilespmem:$0x5A00] =	vst v63  }
0x11: {  	_ =	swait.ge [sflag:s10], $0x200  }
0x12: {  	[sflag:s10] =	ssyncset.done $0x0  }
0x13: {  	[sflag:s10] =	ssyncadd.s32 $0xFFFFFE00  }
0x14: {  	[tilespmem:s12], [sflag:$0x1] =	stream.indirect.gather [hbm4b:s1+s11], $0x1, s5, s11, $0xb8;
	[tilespmem:$0x5A00] =	vst v63  }
0x15: {  	_ = 	snop  }
0x16: {  	[tilespmem:s13], [sflag:$0x1] =	stream.indirect.gather [hbm4b:s2+s11], $0x1, s5, s11, $0xb8;
	[tilespmem:$0x5A00] =	vst v63  }
0x17: {  	v0 =	vld [tilespmem:$0x0]  }
0x18: {  	v2 =	vld [tilespmem:$0x10];
	_ =	sdelay $0x3  }
0x19: {  	[tilespmem:$0x200] =	vst v0  }
0x1a: {  	v1 =	vadd.s32 $0x186A0, v0;
	[tilespmem:$0x210] =	vst v2  }
0x1b: {  	[tilespmem:$0x400] =	vst v1;
	v1 =	vadd.s32 $0x30D40, v0  }
0x1c: {  	[tilespmem:$0x600] =	vst v1;
	v1 =	vadd.s32 $0x493E0, v0  }
0x1d: {  	[tilespmem:$0x800] =	vst v1;
	v1 =	vadd.s32 $0x61A80, v0  }
0x1e: {  	[tilespmem:$0xA00] =	vst v1;
	v1 =	vadd.s32 $0x7A120, v0  }
0x1f: {  	[tilespmem:$0xC00] =	vst v1;
	v1 =	vadd.s32 $0x927C0, v0  }
0x20: {  	[tilespmem:$0xE00] =	vst v1;
	v1 =	vadd.s32 $0xAAE60, v0  }
0x21: {  	[tilespmem:$0x1000] =	vst v1;
	v1 =	vadd.s32 $0xC3500, v0  }
0x22: {  	[tilespmem:$0x1200] =	vst v1;
	v1 =	vadd.s32 $0xDBBA0, v0  }
0x23: {  	[tilespmem:$0x1400] =	vst v1;
	v1 =	vadd.s32 $0xF4240, v0  }
0x24: {  	[tilespmem:$0x1600] =	vst v1;
	v1 =	vadd.s32 $0x10C8E0, v0  }
0x25: {  	[tilespmem:$0x1800] =	vst v1;
	v1 =	vadd.s32 $0x124F80, v0  }
0x26: {  	[tilespmem:$0x1A00] =	vst v1;
	v1 =	vadd.s32 $0x13D620, v0  }
0x27: {  	[tilespmem:$0x1C00] =	vst v1;
	v1 =	vadd.s32 $0x155CC0, v0  }
0x28: {  	[tilespmem:$0x1E00] =	vst v1;
	v1 =	vadd.s32 $0x16E360, v0  }
0x29: {  	[tilespmem:$0x2000] =	vst v1;
	v1 =	vadd.s32 $0x186A00, v0  }
0x2a: {  	[tilespmem:$0x2200] =	vst v1;
	v1 =	vadd.s32 $0x19F0A0, v0  }
0x2b: {  	[tilespmem:$0x2400] =	vst v1;
	v1 =	vadd.s32 $0x1B7740, v0  }
0x2c: {  	v0 =	vadd.s32 $0x1CFDE0, v0;
	[tilespmem:$0x2600] =	vst v1  }
0x2d: {  	[tilespmem:$0x2800] =	vst v0;
	v0 =	vadd.s32 $0x186A0, v2  }
0x2e: {  	v1 =	vld [tilespmem:$0x20];
	[tilespmem:$0x410] =	vst v0;
	v0 =	vadd.s32 $0x30D40, v2  }
0x2f: {  	[tilespmem:$0x610] =	vst v0;
	v0 =	vadd.s32 $0x493E0, v2  }
0x30: {  	[tilespmem:$0x810] =	vst v0;
	v0 =	vadd.s32 $0x61A80, v2  }
0x31: {  	[tilespmem:$0xA10] =	vst v0;
	v0 =	vadd.s32 $0x7A120, v2  }
0x32: {  	[tilespmem:$0xC10] =	vst v0  }
0x33: {  	v0 =	vadd.s32 $0x927C0, v2;
	[tilespmem:$0x220] =	vst v1  }
0x34: {  	[tilespmem:$0xE10] =	vst v0;
	v0 =	vadd.s32 $0xAAE60, v2  }
0x35: {  	[tilespmem:$0x1010] =	vst v0;
	v0 =	vadd.s32 $0xC3500, v2  }
0x36: {  	[tilespmem:$0x1210] =	vst v0;
	v0 =	vadd.s32 $0xDBBA0, v2  }
0x37: {  	[tilespmem:$0x1410] =	vst v0;
	v0 =	vadd.s32 $0xF4240, v2  }
0x38: {  	[tilespmem:$0x1610] =	vst v0;
	v0 =	vadd.s32 $0x10C8E0, v2  }
0x39: {  	[tilespmem:$0x1810] =	vst v0;
	v0 =	vadd.s32 $0x124F80, v2  }
0x3a: {  	[tilespmem:$0x1A10] =	vst v0;
	v0 =	vadd.s32 $0x13D620, v2  }
0x3b: {  	[tilespmem:$0x1C10] =	vst v0;
	v0 =	vadd.s32 $0x155CC0, v2  }
0x3c: {  	[tilespmem:$0x1E10] =	vst v0;
	v0 =	vadd.s32 $0x16E360, v2  }
0x3d: {  	[tilespmem:$0x2010] =	vst v0;
	v0 =	vadd.s32 $0x186A00, v2  }
0x3e: {  	[tilespmem:$0x2210] =	vst v0;
	v0 =	vadd.s32 $0x19F0A0, v2  }
0x3f: {  	[tilespmem:$0x2410] =	vst v0;
	v0 =	vadd.s32 $0x1B7740, v2  }
0x40: {  	[tilespmem:$0x2610] =	vst v0;
	v0 =	vadd.s32 $0x1CFDE0, v2  }
0x41: {  	v2 =	vld [tilespmem:$0x30];
	[tilespmem:$0x2810] =	vst v0;
	v0 =	vadd.s32 $0x186A0, v1  }
0x42: {  	[tilespmem:$0x420] =	vst v0;
	v0 =	vadd.s32 $0x30D40, v1  }
0x43: {  	[tilespmem:$0x620] =	vst v0;
	v0 =	vadd.s32 $0x493E0, v1  }
0x44: {  	[tilespmem:$0x820] =	vst v0;
	v0 =	vadd.s32 $0x61A80, v1  }
0x45: {  	[tilespmem:$0xA20] =	vst v0  }
0x46: {  	v0 =	vadd.s32 $0x7A120, v1;
	[tilespmem:$0x230] =	vst v2  }
0x47: {  	[tilespmem:$0xC20] =	vst v0;
	v0 =	vadd.s32 $0x927C0, v1  }
0x48: {  	[tilespmem:$0xE20] =	vst v0;
	v0 =	vadd.s32 $0xAAE60, v1  }
0x49: {  	[tilespmem:$0x1020] =	vst v0;
	v0 =	vadd.s32 $0xC3500, v1  }
0x4a: {  	[tilespmem:$0x1220] =	vst v0;
	v0 =	vadd.s32 $0xDBBA0, v1  }
0x4b: {  	[tilespmem:$0x1420] =	vst v0;
	v0 =	vadd.s32 $0xF4240, v1  }
0x4c: {  	[tilespmem:$0x1620] =	vst v0;
	v0 =	vadd.s32 $0x10C8E0, v1  }
0x4d: {  	[tilespmem:$0x1820] =	vst v0;
	v0 =	vadd.s32 $0x124F80, v1  }
0x4e: {  	[tilespmem:$0x1A20] =	vst v0;
	v0 =	vadd.s32 $0x13D620, v1  }
0x4f: {  	[tilespmem:$0x1C20] =	vst v0;
	v0 =	vadd.s32 $0x155CC0, v1  }
0x50: {  	[tilespmem:$0x1E20] =	vst v0;
	v0 =	vadd.s32 $0x16E360, v1  }
0x51: {  	[tilespmem:$0x2020] =	vst v0;
	v0 =	vadd.s32 $0x186A00, v1  }
0x52: {  	[tilespmem:$0x2220] =	vst v0;
	v0 =	vadd.s32 $0x19F0A0, v1  }
0x53: {  	[tilespmem:$0x2420] =	vst v0;
	v0 =	vadd.s32 $0x1B7740, v1  }
0x54: {  	[tilespmem:$0x2620] =	vst v0;
	v0 =	vadd.s32 $0x1CFDE0, v1  }
0x55: {  	v1 =	vld [tilespmem:$0x40];
	[tilespmem:$0x2820] =	vst v0;
	v0 =	vadd.s32 $0x186A0, v2  }
0x56: {  	[tilespmem:$0x430] =	vst v0;
	v0 =	vadd.s32 $0x30D40, v2  }
0x57: {  	[tilespmem:$0x630] =	vst v0;
	v0 =	vadd.s32 $0x493E0, v2  }
0x58: {  	[tilespmem:$0x830] =	vst v0;
	v0 =	vadd.s32 $0x61A80, v2  }
0x59: {  	[tilespmem:$0xA30] =	vst v0  }
0x5a: {  	v0 =	vadd.s32 $0x7A120, v2;
	[tilespmem:$0x240] =	vst v1  }
0x5b: {  	[tilespmem:$0xC30] =	vst v0;
	v0 =	vadd.s32 $0x927C0, v2  }
0x5c: {  	[tilespmem:$0xE30] =	vst v0;
	v0 =	vadd.s32 $0xAAE60, v2  }
0x5d: {  	[tilespmem:$0x1030] =	vst v0;
	v0 =	vadd.s32 $0xC3500, v2  }
0x5e: {  	[tilespmem:$0x1230] =	vst v0;
	v0 =	vadd.s32 $0xDBBA0, v2  }
0x5f: {  	[tilespmem:$0x1430] =	vst v0;
	v0 =	vadd.s32 $0xF4240, v2  }
0x60: {  	[tilespmem:$0x1630] =	vst v0;
	v0 =	vadd.s32 $0x10C8E0, v2  }
0x61: {  	[tilespmem:$0x1830] =	vst v0;
	v0 =	vadd.s32 $0x124F80, v2  }
0x62: {  	[tilespmem:$0x1A30] =	vst v0;
	v0 =	vadd.s32 $0x13D620, v2  }
0x63: {  	[tilespmem:$0x1C30] =	vst v0;
	v0 =	vadd.s32 $0x155CC0, v2  }
0x64: {  	[tilespmem:$0x1E30] =	vst v0;
	v0 =	vadd.s32 $0x16E360, v2  }
0x65: {  	[tilespmem:$0x2030] =	vst v0;
	v0 =	vadd.s32 $0x186A00, v2  }
0x66: {  	[tilespmem:$0x2230] =	vst v0;
	v0 =	vadd.s32 $0x19F0A0, v2  }
0x67: {  	[tilespmem:$0x2430] =	vst v0;
	v0 =	vadd.s32 $0x1B7740, v2  }
0x68: {  	[tilespmem:$0x2630] =	vst v0;
	v0 =	vadd.s32 $0x1CFDE0, v2  }
0x69: {  	v2 =	vld [tilespmem:$0x50];
	[tilespmem:$0x2830] =	vst v0;
	v0 =	vadd.s32 $0x186A0, v1  }
0x6a: {  	[tilespmem:$0x440] =	vst v0;
	v0 =	vadd.s32 $0x30D40, v1  }
0x6b: {  	[tilespmem:$0x640] =	vst v0;
	v0 =	vadd.s32 $0x493E0, v1  }
0x6c: {  	[tilespmem:$0x840] =	vst v0;
	v0 =	vadd.s32 $0x61A80, v1  }
0x6d: {  	[tilespmem:$0xA40] =	vst v0  }
0x6e: {  	v0 =	vadd.s32 $0x7A120, v1;
	[tilespmem:$0x250] =	vst v2  }
0x6f: {  	[tilespmem:$0xC40] =	vst v0;
	v0 =	vadd.s32 $0x927C0, v1  }
0x70: {  	[tilespmem:$0xE40] =	vst v0;
	v0 =	vadd.s32 $0xAAE60, v1  }
0x71: {  	[tilespmem:$0x1040] =	vst v0;
	v0 =	vadd.s32 $0xC3500, v1  }
0x72: {  	[tilespmem:$0x1240] =	vst v0;
	v0 =	vadd.s32 $0xDBBA0, v1  }
0x73: {  	[tilespmem:$0x1440] =	vst v0;
	v0 =	vadd.s32 $0xF4240, v1  }
0x74: {  	[tilespmem:$0x1640] =	vst v0;
	v0 =	vadd.s32 $0x10C8E0, v1  }
0x75: {  	[tilespmem:$0x1840] =	vst v0;
	v0 =	vadd.s32 $0x124F80, v1  }
0x76: {  	[tilespmem:$0x1A40] =	vst v0;
	v0 =	vadd.s32 $0x13D620, v1  }
0x77: {  	[tilespmem:$0x1C40] =	vst v0;
	v0 =	vadd.s32 $0x155CC0, v1  }
0x78: {  	[tilespmem:$0x1E40] =	vst v0;
	v0 =	vadd.s32 $0x16E360, v1  }
0x79: {  	[tilespmem:$0x2040] =	vst v0;
	v0 =	vadd.s32 $0x186A00, v1  }
0x7a: {  	[tilespmem:$0x2240] =	vst v0;
	v0 =	vadd.s32 $0x19F0A0, v1  }
0x7b: {  	[tilespmem:$0x2440] =	vst v0;
	v0 =	vadd.s32 $0x1B7740, v1  }
0x7c: {  	[tilespmem:$0x2640] =	vst v0;
	v0 =	vadd.s32 $0x1CFDE0, v1  }
0x7d: {  	v1 =	vld [tilespmem:$0x60];
	[tilespmem:$0x2840] =	vst v0;
	v0 =	vadd.s32 $0x186A0, v2  }
0x7e: {  	[tilespmem:$0x450] =	vst v0;
	v0 =	vadd.s32 $0x30D40, v2  }
0x7f: {  	[tilespmem:$0x650] =	vst v0;
	v0 =	vadd.s32 $0x493E0, v2  }
0x80: {  	[tilespmem:$0x850] =	vst v0;
	v0 =	vadd.s32 $0x61A80, v2  }
0x81: {  	[tilespmem:$0xA50] =	vst v0  }
0x82: {  	v0 =	vadd.s32 $0x7A120, v2;
	[tilespmem:$0x260] =	vst v1  }
0x83: {  	[tilespmem:$0xC50] =	vst v0;
	v0 =	vadd.s32 $0x927C0, v2  }
0x84: {  	[tilespmem:$0xE50] =	vst v0;
	v0 =	vadd.s32 $0xAAE60, v2  }
0x85: {  	[tilespmem:$0x1050] =	vst v0;
	v0 =	vadd.s32 $0xC3500, v2  }
0x86: {  	[tilespmem:$0x1250] =	vst v0;
	v0 =	vadd.s32 $0xDBBA0, v2  }
0x87: {  	[tilespmem:$0x1450] =	vst v0;
	v0 =	vadd.s32 $0xF4240, v2  }
0x88: {  	[tilespmem:$0x1650] =	vst v0;
	v0 =	vadd.s32 $0x10C8E0, v2  }
0x89: {  	[tilespmem:$0x1850] =	vst v0;
	v0 =	vadd.s32 $0x124F80, v2  }
0x8a: {  	[tilespmem:$0x1A50] =	vst v0;
	v0 =	vadd.s32 $0x13D620, v2  }
0x8b: {  	[tilespmem:$0x1C50] =	vst v0;
	v0 =	vadd.s32 $0x155CC0, v2  }
0x8c: {  	[tilespmem:$0x1E50] =	vst v0;
	v0 =	vadd.s32 $0x16E360, v2  }
0x8d: {  	[tilespmem:$0x2050] =	vst v0;
	v0 =	vadd.s32 $0x186A00, v2  }
0x8e: {  	[tilespmem:$0x2250] =	vst v0;
	v0 =	vadd.s32 $0x19F0A0, v2  }
0x8f: {  	[tilespmem:$0x2450] =	vst v0;
	v0 =	vadd.s32 $0x1B7740, v2  }
0x90: {  	[tilespmem:$0x2650] =	vst v0;
	v0 =	vadd.s32 $0x1CFDE0, v2  }
0x91: {  	v2 =	vld [tilespmem:$0x70];
	[tilespmem:$0x2850] =	vst v0;
	v0 =	vadd.s32 $0x186A0, v1  }
0x92: {  	[tilespmem:$0x460] =	vst v0;
	v0 =	vadd.s32 $0x30D40, v1  }
0x93: {  	[tilespmem:$0x660] =	vst v0;
	v0 =	vadd.s32 $0x493E0, v1  }
0x94: {  	[tilespmem:$0x860] =	vst v0;
	v0 =	vadd.s32 $0x61A80, v1  }
0x95: {  	[tilespmem:$0xA60] =	vst v0  }
0x96: {  	v0 =	vadd.s32 $0x7A120, v1;
	[tilespmem:$0x270] =	vst v2  }
0x97: {  	[tilespmem:$0xC60] =	vst v0;
	v0 =	vadd.s32 $0x927C0, v1  }
0x98: {  	[tilespmem:$0xE60] =	vst v0;
	v0 =	vadd.s32 $0xAAE60, v1  }
0x99: {  	[tilespmem:$0x1060] =	vst v0;
	v0 =	vadd.s32 $0xC3500, v1  }
0x9a: {  	[tilespmem:$0x1260] =	vst v0;
	v0 =	vadd.s32 $0xDBBA0, v1  }
0x9b: {  	[tilespmem:$0x1460] =	vst v0;
	v0 =	vadd.s32 $0xF4240, v1  }
0x9c: {  	[tilespmem:$0x1660] =	vst v0;
	v0 =	vadd.s32 $0x10C8E0, v1  }
0x9d: {  	[tilespmem:$0x1860] =	vst v0;
	v0 =	vadd.s32 $0x124F80, v1  }
0x9e: {  	[tilespmem:$0x1A60] =	vst v0;
	v0 =	vadd.s32 $0x13D620, v1  }
0x9f: {  	[tilespmem:$0x1C60] =	vst v0;
	v0 =	vadd.s32 $0x155CC0, v1  }
0xa0: {  	[tilespmem:$0x1E60] =	vst v0;
	v0 =	vadd.s32 $0x16E360, v1  }
0xa1: {  	[tilespmem:$0x2060] =	vst v0;
	v0 =	vadd.s32 $0x186A00, v1  }
0xa2: {  	[tilespmem:$0x2260] =	vst v0;
	v0 =	vadd.s32 $0x19F0A0, v1  }
0xa3: {  	[tilespmem:$0x2460] =	vst v0;
	v0 =	vadd.s32 $0x1B7740, v1  }
0xa4: {  	[tilespmem:$0x2660] =	vst v0;
	v0 =	vadd.s32 $0x1CFDE0, v1  }
0xa5: {  	v1 =	vld [tilespmem:$0x80];
	[tilespmem:$0x2860] =	vst v0;
	v0 =	vadd.s32 $0x186A0, v2  }
0xa6: {  	[tilespmem:$0x470] =	vst v0;
	v0 =	vadd.s32 $0x30D40, v2  }
0xa7: {  	[tilespmem:$0x670] =	vst v0;
	v0 =	vadd.s32 $0x493E0, v2  }
0xa8: {  	[tilespmem:$0x870] =	vst v0;
	v0 =	vadd.s32 $0x61A80, v2  }
0xa9: {  	[tilespmem:$0xA70] =	vst v0  }
0xaa: {  	v0 =	vadd.s32 $0x7A120, v2;
	[tilespmem:$0x280] =	vst v1  }
0xab: {  	[tilespmem:$0xC70] =	vst v0;
	v0 =	vadd.s32 $0x927C0, v2  }
0xac: {  	[tilespmem:$0xE70] =	vst v0;
	v0 =	vadd.s32 $0xAAE60, v2  }
0xad: {  	[tilespmem:$0x1070] =	vst v0;
	v0 =	vadd.s32 $0xC3500, v2  }
0xae: {  	[tilespmem:$0x1270] =	vst v0;
	v0 =	vadd.s32 $0xDBBA0, v2  }
0xaf: {  	[tilespmem:$0x1470] =	vst v0;
	v0 =	vadd.s32 $0xF4240, v2  }
0xb0: {  	[tilespmem:$0x1670] =	vst v0;
	v0 =	vadd.s32 $0x10C8E0, v2  }
0xb1: {  	[tilespmem:$0x1870] =	vst v0;
	v0 =	vadd.s32 $0x124F80, v2  }
0xb2: {  	[tilespmem:$0x1A70] =	vst v0;
	v0 =	vadd.s32 $0x13D620, v2  }
0xb3: {  	[tilespmem:$0x1C70] =	vst v0;
	v0 =	vadd.s32 $0x155CC0, v2  }
0xb4: {  	[tilespmem:$0x1E70] =	vst v0;
	v0 =	vadd.s32 $0x16E360, v2  }
0xb5: {  	[tilespmem:$0x2070] =	vst v0;
	v0 =	vadd.s32 $0x186A00, v2  }
0xb6: {  	[tilespmem:$0x2270] =	vst v0;
	v0 =	vadd.s32 $0x19F0A0, v2  }
0xb7: {  	[tilespmem:$0x2470] =	vst v0;
	v0 =	vadd.s32 $0x1B7740, v2  }
0xb8: {  	[tilespmem:$0x2670] =	vst v0;
	v0 =	vadd.s32 $0x1CFDE0, v2  }
0xb9: {  	v2 =	vld [tilespmem:$0x90];
	[tilespmem:$0x2870] =	vst v0;
	v0 =	vadd.s32 $0x186A0, v1  }
0xba: {  	[tilespmem:$0x480] =	vst v0;
	v0 =	vadd.s32 $0x30D40, v1  }
0xbb: {  	[tilespmem:$0x680] =	vst v0;
	v0 =	vadd.s32 $0x493E0, v1  }
0xbc: {  	[tilespmem:$0x880] =	vst v0;
	v0 =	vadd.s32 $0x61A80, v1  }
0xbd: {  	[tilespmem:$0xA80] =	vst v0  }
0xbe: {  	v0 =	vadd.s32 $0x7A120, v1;
	[tilespmem:$0x290] =	vst v2  }
0xbf: {  	[tilespmem:$0xC80] =	vst v0;
	v0 =	vadd.s32 $0x927C0, v1  }
0xc0: {  	[tilespmem:$0xE80] =	vst v0;
	v0 =	vadd.s32 $0xAAE60, v1  }
0xc1: {  	[tilespmem:$0x1080] =	vst v0;
	v0 =	vadd.s32 $0xC3500, v1  }
0xc2: {  	[tilespmem:$0x1280] =	vst v0;
	v0 =	vadd.s32 $0xDBBA0, v1  }
0xc3: {  	[tilespmem:$0x1480] =	vst v0;
	v0 =	vadd.s32 $0xF4240, v1  }
0xc4: {  	[tilespmem:$0x1680] =	vst v0;
	v0 =	vadd.s32 $0x10C8E0, v1  }
0xc5: {  	[tilespmem:$0x1880] =	vst v0;
	v0 =	vadd.s32 $0x124F80, v1  }
0xc6: {  	[tilespmem:$0x1A80] =	vst v0;
	v0 =	vadd.s32 $0x13D620, v1  }
0xc7: {  	[tilespmem:$0x1C80] =	vst v0;
	v0 =	vadd.s32 $0x155CC0, v1  }
0xc8: {  	[tilespmem:$0x1E80] =	vst v0;
	v0 =	vadd.s32 $0x16E360, v1  }
0xc9: {  	[tilespmem:$0x2080] =	vst v0;
	v0 =	vadd.s32 $0x186A00, v1  }
0xca: {  	[tilespmem:$0x2280] =	vst v0;
	v0 =	vadd.s32 $0x19F0A0, v1  }
0xcb: {  	[tilespmem:$0x2480] =	vst v0;
	v0 =	vadd.s32 $0x1B7740, v1  }
0xcc: {  	[tilespmem:$0x2680] =	vst v0;
	v0 =	vadd.s32 $0x1CFDE0, v1  }
0xcd: {  	[tilespmem:$0x2880] =	vst v0;
	v0 =	vadd.s32 $0x186A0, v2  }
0xce: {  	[tilespmem:$0x490] =	vst v0;
	v0 =	vadd.s32 $0x30D40, v2  }
0xcf: {  	[tilespmem:$0x690] =	vst v0;
	v0 =	vadd.s32 $0x493E0, v2  }
0xd0: {  	[tilespmem:$0x890] =	vst v0;
	v0 =	vadd.s32 $0x61A80, v2  }
0xd1: {  	[tilespmem:$0xA90] =	vst v0;
	v0 =	vadd.s32 $0x7A120, v2  }
0xd2: {  	[tilespmem:$0xC90] =	vst v0;
	v0 =	vadd.s32 $0x927C0, v2  }
0xd3: {  	[tilespmem:$0xE90] =	vst v0;
	v0 =	vadd.s32 $0xAAE60, v2  }
0xd4: {  	[tilespmem:$0x1090] =	vst v0;
	v0 =	vadd.s32 $0xC3500, v2  }
0xd5: {  	[tilespmem:$0x1290] =	vst v0;
	v0 =	vadd.s32 $0xDBBA0, v2  }
0xd6: {  	[tilespmem:$0x1490] =	vst v0;
	v0 =	vadd.s32 $0xF4240, v2  }
0xd7: {  	[tilespmem:$0x1690] =	vst v0;
	v0 =	vadd.s32 $0x10C8E0, v2  }
0xd8: {  	[tilespmem:$0x1890] =	vst v0;
	v0 =	vadd.s32 $0x124F80, v2  }
0xd9: {  	v1 =	vld [tilespmem:$0xA0];
	[tilespmem:$0x1A90] =	vst v0;
	v0 =	vadd.s32 $0x13D620, v2  }
0xda: {  	[tilespmem:$0x1C90] =	vst v0;
	v0 =	vadd.s32 $0x155CC0, v2  }
0xdb: {  	[tilespmem:$0x1E90] =	vst v0;
	v0 =	vadd.s32 $0x16E360, v2  }
0xdc: {  	[tilespmem:$0x2090] =	vst v0;
	v0 =	vadd.s32 $0x186A00, v2  }
0xdd: {  	[tilespmem:$0x2290] =	vst v0  }
0xde: {  	v0 =	vadd.s32 $0x19F0A0, v2;
	[tilespmem:$0x2A0] =	vst v1  }
0xdf: {  	[tilespmem:$0x2490] =	vst v0;
	v0 =	vadd.s32 $0x1B7740, v2  }
0xe0: {  	[tilespmem:$0x2690] =	vst v0;
	v0 =	vadd.s32 $0x1CFDE0, v2  }
0xe1: {  	v2 =	vld [tilespmem:$0xB0];
	[tilespmem:$0x2890] =	vst v0;
	v0 =	vadd.s32 $0x186A0, v1  }
0xe2: {  	[tilespmem:$0x4A0] =	vst v0;
	v0 =	vadd.s32 $0x30D40, v1  }
0xe3: {  	[tilespmem:$0x6A0] =	vst v0;
	v0 =	vadd.s32 $0x493E0, v1  }
0xe4: {  	[tilespmem:$0x8A0] =	vst v0;
	v0 =	vadd.s32 $0x61A80, v1  }
0xe5: {  	[tilespmem:$0xAA0] =	vst v0  }
0xe6: {  	v0 =	vadd.s32 $0x7A120, v1;
	[tilespmem:$0x2B0] =	vst v2  }
0xe7: {  	[tilespmem:$0xCA0] =	vst v0;
	v0 =	vadd.s32 $0x927C0, v1  }
0xe8: {  	[tilespmem:$0xEA0] =	vst v0;
	v0 =	vadd.s32 $0xAAE60, v1  }
0xe9: {  	[tilespmem:$0x10A0] =	vst v0;
	v0 =	vadd.s32 $0xC3500, v1  }
0xea: {  	[tilespmem:$0x12A0] =	vst v0;
	v0 =	vadd.s32 $0xDBBA0, v1  }
0xeb: {  	[tilespmem:$0x14A0] =	vst v0;
	v0 =	vadd.s32 $0xF4240, v1  }
0xec: {  	[tilespmem:$0x16A0] =	vst v0;
	v0 =	vadd.s32 $0x10C8E0, v1  }
0xed: {  	[tilespmem:$0x18A0] =	vst v0;
	v0 =	vadd.s32 $0x124F80, v1  }
0xee: {  	[tilespmem:$0x1AA0] =	vst v0;
	v0 =	vadd.s32 $0x13D620, v1  }
0xef: {  	[tilespmem:$0x1CA0] =	vst v0;
	v0 =	vadd.s32 $0x155CC0, v1  }
0xf0: {  	[tilespmem:$0x1EA0] =	vst v0;
	v0 =	vadd.s32 $0x16E360, v1  }
0xf1: {  	[tilespmem:$0x20A0] =	vst v0;
	v0 =	vadd.s32 $0x186A00, v1  }
0xf2: {  	[tilespmem:$0x22A0] =	vst v0;
	v0 =	vadd.s32 $0x19F0A0, v1  }
0xf3: {  	[tilespmem:$0x24A0] =	vst v0;
	v0 =	vadd.s32 $0x1B7740, v1  }
0xf4: {  	[tilespmem:$0x26A0] =	vst v0;
	v0 =	vadd.s32 $0x1CFDE0, v1  }
0xf5: {  	v1 =	vld [tilespmem:$0xC0];
	[tilespmem:$0x28A0] =	vst v0;
	v0 =	vadd.s32 $0x186A0, v2  }
0xf6: {  	[tilespmem:$0x4B0] =	vst v0;
	v0 =	vadd.s32 $0x30D40, v2  }
0xf7: {  	[tilespmem:$0x6B0] =	vst v0;
	v0 =	vadd.s32 $0x493E0, v2  }
0xf8: {  	[tilespmem:$0x8B0] =	vst v0;
	v0 =	vadd.s32 $0x61A80, v2  }
0xf9: {  	[tilespmem:$0xAB0] =	vst v0  }
0xfa: {  	v0 =	vadd.s32 $0x7A120, v2;
	[tilespmem:$0x2C0] =	vst v1  }
0xfb: {  	[tilespmem:$0xCB0] =	vst v0;
	v0 =	vadd.s32 $0x927C0, v2  }
0xfc: {  	[tilespmem:$0xEB0] =	vst v0;
	v0 =	vadd.s32 $0xAAE60, v2  }
0xfd: {  	[tilespmem:$0x10B0] =	vst v0;
	v0 =	vadd.s32 $0xC3500, v2  }
0xfe: {  	[tilespmem:$0x12B0] =	vst v0;
	v0 =	vadd.s32 $0xDBBA0, v2  }
0xff: {  	[tilespmem:$0x14B0] =	vst v0;
	v0 =	vadd.s32 $0xF4240, v2  }
0x100: {  	[tilespmem:$0x16B0] =	vst v0;
	v0 =	vadd.s32 $0x10C8E0, v2  }
0x101: {  	[tilespmem:$0x18B0] =	vst v0;
	v0 =	vadd.s32 $0x124F80, v2  }
0x102: {  	[tilespmem:$0x1AB0] =	vst v0;
	v0 =	vadd.s32 $0x13D620, v2  }
0x103: {  	[tilespmem:$0x1CB0] =	vst v0;
	v0 =	vadd.s32 $0x155CC0, v2  }
0x104: {  	[tilespmem:$0x1EB0] =	vst v0;
	v0 =	vadd.s32 $0x16E360, v2  }
0x105: {  	[tilespmem:$0x20B0] =	vst v0;
	v0 =	vadd.s32 $0x186A00, v2  }
0x106: {  	[tilespmem:$0x22B0] =	vst v0;
	v0 =	vadd.s32 $0x19F0A0, v2  }
0x107: {  	[tilespmem:$0x24B0] =	vst v0;
	v0 =	vadd.s32 $0x1B7740, v2  }
0x108: {  	[tilespmem:$0x26B0] =	vst v0;
	v0 =	vadd.s32 $0x1CFDE0, v2  }
0x109: {  	v2 =	vld [tilespmem:$0xD0];
	[tilespmem:$0x28B0] =	vst v0;
	v0 =	vadd.s32 $0x186A0, v1  }
0x10a: {  	[tilespmem:$0x4C0] =	vst v0;
	v0 =	vadd.s32 $0x30D40, v1  }
0x10b: {  	[tilespmem:$0x6C0] =	vst v0;
	v0 =	vadd.s32 $0x493E0, v1  }
0x10c: {  	[tilespmem:$0x8C0] =	vst v0;
	v0 =	vadd.s32 $0x61A80, v1  }
0x10d: {  	[tilespmem:$0xAC0] =	vst v0  }
0x10e: {  	v0 =	vadd.s32 $0x7A120, v1;
	[tilespmem:$0x2D0] =	vst v2  }
0x10f: {  	[tilespmem:$0xCC0] =	vst v0;
	v0 =	vadd.s32 $0x927C0, v1  }
0x110: {  	[tilespmem:$0xEC0] =	vst v0;
	v0 =	vadd.s32 $0xAAE60, v1  }
0x111: {  	[tilespmem:$0x10C0] =	vst v0;
	v0 =	vadd.s32 $0xC3500, v1  }
0x112: {  	[tilespmem:$0x12C0] =	vst v0;
	v0 =	vadd.s32 $0xDBBA0, v1  }
0x113: {  	[tilespmem:$0x14C0] =	vst v0;
	v0 =	vadd.s32 $0xF4240, v1  }
0x114: {  	[tilespmem:$0x16C0] =	vst v0;
	v0 =	vadd.s32 $0x10C8E0, v1  }
0x115: {  	[tilespmem:$0x18C0] =	vst v0;
	v0 =	vadd.s32 $0x124F80, v1  }
0x116: {  	[tilespmem:$0x1AC0] =	vst v0;
	v0 =	vadd.s32 $0x13D620, v1  }
0x117: {  	[tilespmem:$0x1CC0] =	vst v0;
	v0 =	vadd.s32 $0x155CC0, v1  }
0x118: {  	[tilespmem:$0x1EC0] =	vst v0;
	v0 =	vadd.s32 $0x16E360, v1  }
0x119: {  	[tilespmem:$0x20C0] =	vst v0;
	v0 =	vadd.s32 $0x186A00, v1  }
0x11a: {  	[tilespmem:$0x22C0] =	vst v0;
	v0 =	vadd.s32 $0x19F0A0, v1  }
0x11b: {  	[tilespmem:$0x24C0] =	vst v0;
	v0 =	vadd.s32 $0x1B7740, v1  }
0x11c: {  	[tilespmem:$0x26C0] =	vst v0;
	v0 =	vadd.s32 $0x1CFDE0, v1  }
0x11d: {  	v1 =	vld [tilespmem:$0xE0];
	[tilespmem:$0x28C0] =	vst v0;
	v0 =	vadd.s32 $0x186A0, v2  }
0x11e: {  	[tilespmem:$0x4D0] =	vst v0;
	v0 =	vadd.s32 $0x30D40, v2  }
0x11f: {  	[tilespmem:$0x6D0] =	vst v0;
	v0 =	vadd.s32 $0x493E0, v2  }
0x120: {  	[tilespmem:$0x8D0] =	vst v0;
	v0 =	vadd.s32 $0x61A80, v2  }
0x121: {  	[tilespmem:$0xAD0] =	vst v0  }
0x122: {  	v0 =	vadd.s32 $0x7A120, v2;
	[tilespmem:$0x2E0] =	vst v1  }
0x123: {  	[tilespmem:$0xCD0] =	vst v0;
	v0 =	vadd.s32 $0x927C0, v2  }
0x124: {  	[tilespmem:$0xED0] =	vst v0;
	v0 =	vadd.s32 $0xAAE60, v2  }
0x125: {  	[tilespmem:$0x10D0] =	vst v0;
	v0 =	vadd.s32 $0xC3500, v2  }
0x126: {  	[tilespmem:$0x12D0] =	vst v0;
	v0 =	vadd.s32 $0xDBBA0, v2  }
0x127: {  	[tilespmem:$0x14D0] =	vst v0;
	v0 =	vadd.s32 $0xF4240, v2  }
0x128: {  	[tilespmem:$0x16D0] =	vst v0;
	v0 =	vadd.s32 $0x10C8E0, v2  }
0x129: {  	[tilespmem:$0x18D0] =	vst v0;
	v0 =	vadd.s32 $0x124F80, v2  }
0x12a: {  	[tilespmem:$0x1AD0] =	vst v0;
	v0 =	vadd.s32 $0x13D620, v2  }
0x12b: {  	[tilespmem:$0x1CD0] =	vst v0;
	v0 =	vadd.s32 $0x155CC0, v2  }
0x12c: {  	[tilespmem:$0x1ED0] =	vst v0;
	v0 =	vadd.s32 $0x16E360, v2  }
0x12d: {  	[tilespmem:$0x20D0] =	vst v0;
	v0 =	vadd.s32 $0x186A00, v2  }
0x12e: {  	[tilespmem:$0x22D0] =	vst v0;
	v0 =	vadd.s32 $0x19F0A0, v2  }
0x12f: {  	[tilespmem:$0x24D0] =	vst v0;
	v0 =	vadd.s32 $0x1B7740, v2  }
0x130: {  	[tilespmem:$0x26D0] =	vst v0;
	v0 =	vadd.s32 $0x1CFDE0, v2  }
0x131: {  	v2 =	vld [tilespmem:$0xF0];
	[tilespmem:$0x28D0] =	vst v0;
	v0 =	vadd.s32 $0x186A0, v1  }
0x132: {  	[tilespmem:$0x4E0] =	vst v0;
	v0 =	vadd.s32 $0x30D40, v1  }
0x133: {  	[tilespmem:$0x6E0] =	vst v0;
	v0 =	vadd.s32 $0x493E0, v1  }
0x134: {  	[tilespmem:$0x8E0] =	vst v0;
	v0 =	vadd.s32 $0x61A80, v1  }
0x135: {  	[tilespmem:$0xAE0] =	vst v0  }
0x136: {  	v0 =	vadd.s32 $0x7A120, v1;
	[tilespmem:$0x2F0] =	vst v2  }
0x137: {  	[tilespmem:$0xCE0] =	vst v0;
	v0 =	vadd.s32 $0x927C0, v1  }
0x138: {  	[tilespmem:$0xEE0] =	vst v0;
	v0 =	vadd.s32 $0xAAE60, v1  }
0x139: {  	[tilespmem:$0x10E0] =	vst v0;
	v0 =	vadd.s32 $0xC3500, v1  }
0x13a: {  	[tilespmem:$0x12E0] =	vst v0;
	v0 =	vadd.s32 $0xDBBA0, v1  }
0x13b: {  	[tilespmem:$0x14E0] =	vst v0;
	v0 =	vadd.s32 $0xF4240, v1  }
0x13c: {  	[tilespmem:$0x16E0] =	vst v0;
	v0 =	vadd.s32 $0x10C8E0, v1  }
0x13d: {  	[tilespmem:$0x18E0] =	vst v0;
	v0 =	vadd.s32 $0x124F80, v1  }
0x13e: {  	[tilespmem:$0x1AE0] =	vst v0;
	v0 =	vadd.s32 $0x13D620, v1  }
0x13f: {  	[tilespmem:$0x1CE0] =	vst v0;
	v0 =	vadd.s32 $0x155CC0, v1  }
0x140: {  	[tilespmem:$0x1EE0] =	vst v0;
	v0 =	vadd.s32 $0x16E360, v1  }
0x141: {  	[tilespmem:$0x20E0] =	vst v0;
	v0 =	vadd.s32 $0x186A00, v1  }
0x142: {  	[tilespmem:$0x22E0] =	vst v0;
	v0 =	vadd.s32 $0x19F0A0, v1  }
0x143: {  	[tilespmem:$0x24E0] =	vst v0;
	v0 =	vadd.s32 $0x1B7740, v1  }
0x144: {  	[tilespmem:$0x26E0] =	vst v0;
	v0 =	vadd.s32 $0x1CFDE0, v1  }
0x145: {  	v1 =	vld [tilespmem:$0x100];
	[tilespmem:$0x28E0] =	vst v0;
	v0 =	vadd.s32 $0x186A0, v2  }
0x146: {  	[tilespmem:$0x4F0] =	vst v0;
	v0 =	vadd.s32 $0x30D40, v2  }
0x147: {  	[tilespmem:$0x6F0] =	vst v0;
	v0 =	vadd.s32 $0x493E0, v2  }
0x148: {  	[tilespmem:$0x8F0] =	vst v0;
	v0 =	vadd.s32 $0x61A80, v2  }
0x149: {  	[tilespmem:$0xAF0] =	vst v0  }
0x14a: {  	v0 =	vadd.s32 $0x7A120, v2;
	[tilespmem:$0x300] =	vst v1  }
0x14b: {  	[tilespmem:$0xCF0] =	vst v0;
	v0 =	vadd.s32 $0x927C0, v2  }
0x14c: {  	[tilespmem:$0xEF0] =	vst v0;
	v0 =	vadd.s32 $0xAAE60, v2  }
0x14d: {  	[tilespmem:$0x10F0] =	vst v0;
	v0 =	vadd.s32 $0xC3500, v2  }
0x14e: {  	[tilespmem:$0x12F0] =	vst v0;
	v0 =	vadd.s32 $0xDBBA0, v2  }
0x14f: {  	[tilespmem:$0x14F0] =	vst v0;
	v0 =	vadd.s32 $0xF4240, v2  }
0x150: {  	[tilespmem:$0x16F0] =	vst v0;
	v0 =	vadd.s32 $0x10C8E0, v2  }
0x151: {  	[tilespmem:$0x18F0] =	vst v0;
	v0 =	vadd.s32 $0x124F80, v2  }
0x152: {  	[tilespmem:$0x1AF0] =	vst v0;
	v0 =	vadd.s32 $0x13D620, v2  }
0x153: {  	[tilespmem:$0x1CF0] =	vst v0;
	v0 =	vadd.s32 $0x155CC0, v2  }
0x154: {  	[tilespmem:$0x1EF0] =	vst v0;
	v0 =	vadd.s32 $0x16E360, v2  }
0x155: {  	[tilespmem:$0x20F0] =	vst v0;
	v0 =	vadd.s32 $0x186A00, v2  }
0x156: {  	[tilespmem:$0x22F0] =	vst v0;
	v0 =	vadd.s32 $0x19F0A0, v2  }
0x157: {  	[tilespmem:$0x24F0] =	vst v0;
	v0 =	vadd.s32 $0x1B7740, v2  }
0x158: {  	[tilespmem:$0x26F0] =	vst v0;
	v0 =	vadd.s32 $0x1CFDE0, v2  }
0x159: {  	v2 =	vld [tilespmem:$0x110];
	[tilespmem:$0x28F0] =	vst v0;
	v0 =	vadd.s32 $0x186A0, v1  }
0x15a: {  	[tilespmem:$0x500] =	vst v0;
	v0 =	vadd.s32 $0x30D40, v1  }
0x15b: {  	[tilespmem:$0x700] =	vst v0;
	v0 =	vadd.s32 $0x493E0, v1  }
0x15c: {  	[tilespmem:$0x900] =	vst v0;
	v0 =	vadd.s32 $0x61A80, v1  }
0x15d: {  	[tilespmem:$0xB00] =	vst v0  }
0x15e: {  	v0 =	vadd.s32 $0x7A120, v1;
	[tilespmem:$0x310] =	vst v2  }
0x15f: {  	[tilespmem:$0xD00] =	vst v0;
	v0 =	vadd.s32 $0x927C0, v1  }
0x160: {  	[tilespmem:$0xF00] =	vst v0;
	v0 =	vadd.s32 $0xAAE60, v1  }
0x161: {  	[tilespmem:$0x1100] =	vst v0;
	v0 =	vadd.s32 $0xC3500, v1  }
0x162: {  	[tilespmem:$0x1300] =	vst v0;
	v0 =	vadd.s32 $0xDBBA0, v1  }
0x163: {  	[tilespmem:$0x1500] =	vst v0;
	v0 =	vadd.s32 $0xF4240, v1  }
0x164: {  	[tilespmem:$0x1700] =	vst v0;
	v0 =	vadd.s32 $0x10C8E0, v1  }
0x165: {  	[tilespmem:$0x1900] =	vst v0;
	v0 =	vadd.s32 $0x124F80, v1  }
0x166: {  	[tilespmem:$0x1B00] =	vst v0;
	v0 =	vadd.s32 $0x13D620, v1  }
0x167: {  	[tilespmem:$0x1D00] =	vst v0;
	v0 =	vadd.s32 $0x155CC0, v1  }
0x168: {  	[tilespmem:$0x1F00] =	vst v0;
	v0 =	vadd.s32 $0x16E360, v1  }
0x169: {  	[tilespmem:$0x2100] =	vst v0;
	v0 =	vadd.s32 $0x186A00, v1  }
0x16a: {  	[tilespmem:$0x2300] =	vst v0;
	v0 =	vadd.s32 $0x19F0A0, v1  }
0x16b: {  	[tilespmem:$0x2500] =	vst v0;
	v0 =	vadd.s32 $0x1B7740, v1  }
0x16c: {  	[tilespmem:$0x2700] =	vst v0;
	v0 =	vadd.s32 $0x1CFDE0, v1  }
0x16d: {  	v1 =	vld [tilespmem:$0x120];
	[tilespmem:$0x2900] =	vst v0;
	v0 =	vadd.s32 $0x186A0, v2  }
0x16e: {  	[tilespmem:$0x510] =	vst v0;
	v0 =	vadd.s32 $0x30D40, v2  }
0x16f: {  	[tilespmem:$0x710] =	vst v0;
	v0 =	vadd.s32 $0x493E0, v2  }
0x170: {  	[tilespmem:$0x910] =	vst v0;
	v0 =	vadd.s32 $0x61A80, v2  }
0x171: {  	[tilespmem:$0xB10] =	vst v0  }
0x172: {  	v0 =	vadd.s32 $0x7A120, v2;
	[tilespmem:$0x320] =	vst v1  }
0x173: {  	[tilespmem:$0xD10] =	vst v0;
	v0 =	vadd.s32 $0x927C0, v2  }
0x174: {  	[tilespmem:$0xF10] =	vst v0;
	v0 =	vadd.s32 $0xAAE60, v2  }
0x175: {  	[tilespmem:$0x1110] =	vst v0;
	v0 =	vadd.s32 $0xC3500, v2  }
0x176: {  	[tilespmem:$0x1310] =	vst v0;
	v0 =	vadd.s32 $0xDBBA0, v2  }
0x177: {  	[tilespmem:$0x1510] =	vst v0;
	v0 =	vadd.s32 $0xF4240, v2  }
0x178: {  	[tilespmem:$0x1710] =	vst v0;
	v0 =	vadd.s32 $0x10C8E0, v2  }
0x179: {  	[tilespmem:$0x1910] =	vst v0;
	v0 =	vadd.s32 $0x124F80, v2  }
0x17a: {  	[tilespmem:$0x1B10] =	vst v0;
	v0 =	vadd.s32 $0x13D620, v2  }
0x17b: {  	[tilespmem:$0x1D10] =	vst v0;
	v0 =	vadd.s32 $0x155CC0, v2  }
0x17c: {  	[tilespmem:$0x1F10] =	vst v0;
	v0 =	vadd.s32 $0x16E360, v2  }
0x17d: {  	[tilespmem:$0x2110] =	vst v0;
	v0 =	vadd.s32 $0x186A00, v2  }
0x17e: {  	[tilespmem:$0x2310] =	vst v0;
	v0 =	vadd.s32 $0x19F0A0, v2  }
0x17f: {  	[tilespmem:$0x2510] =	vst v0;
	v0 =	vadd.s32 $0x1B7740, v2  }
0x180: {  	[tilespmem:$0x2710] =	vst v0;
	v0 =	vadd.s32 $0x1CFDE0, v2  }
0x181: {  	v2 =	vld [tilespmem:$0x130];
	[tilespmem:$0x2910] =	vst v0;
	v0 =	vadd.s32 $0x186A0, v1  }
0x182: {  	[tilespmem:$0x520] =	vst v0;
	v0 =	vadd.s32 $0x30D40, v1  }
0x183: {  	[tilespmem:$0x720] =	vst v0;
	v0 =	vadd.s32 $0x493E0, v1  }
0x184: {  	[tilespmem:$0x920] =	vst v0;
	v0 =	vadd.s32 $0x61A80, v1  }
0x185: {  	[tilespmem:$0xB20] =	vst v0  }
0x186: {  	v0 =	vadd.s32 $0x7A120, v1;
	[tilespmem:$0x330] =	vst v2  }
0x187: {  	[tilespmem:$0xD20] =	vst v0;
	v0 =	vadd.s32 $0x927C0, v1  }
0x188: {  	[tilespmem:$0xF20] =	vst v0;
	v0 =	vadd.s32 $0xAAE60, v1  }
0x189: {  	[tilespmem:$0x1120] =	vst v0;
	v0 =	vadd.s32 $0xC3500, v1  }
0x18a: {  	[tilespmem:$0x1320] =	vst v0;
	v0 =	vadd.s32 $0xDBBA0, v1  }
0x18b: {  	[tilespmem:$0x1520] =	vst v0;
	v0 =	vadd.s32 $0xF4240, v1  }
0x18c: {  	[tilespmem:$0x1720] =	vst v0;
	v0 =	vadd.s32 $0x10C8E0, v1  }
0x18d: {  	[tilespmem:$0x1920] =	vst v0;
	v0 =	vadd.s32 $0x124F80, v1  }
0x18e: {  	[tilespmem:$0x1B20] =	vst v0;
	v0 =	vadd.s32 $0x13D620, v1  }
0x18f: {  	[tilespmem:$0x1D20] =	vst v0;
	v0 =	vadd.s32 $0x155CC0, v1  }
0x190: {  	[tilespmem:$0x1F20] =	vst v0;
	v0 =	vadd.s32 $0x16E360, v1  }
0x191: {  	[tilespmem:$0x2120] =	vst v0;
	v0 =	vadd.s32 $0x186A00, v1  }
0x192: {  	[tilespmem:$0x2320] =	vst v0;
	v0 =	vadd.s32 $0x19F0A0, v1  }
0x193: {  	[tilespmem:$0x2520] =	vst v0;
	v0 =	vadd.s32 $0x1B7740, v1  }
0x194: {  	[tilespmem:$0x2720] =	vst v0;
	v0 =	vadd.s32 $0x1CFDE0, v1  }
0x195: {  	v1 =	vld [tilespmem:$0x140];
	[tilespmem:$0x2920] =	vst v0;
	v0 =	vadd.s32 $0x186A0, v2  }
0x196: {  	[tilespmem:$0x530] =	vst v0;
	v0 =	vadd.s32 $0x30D40, v2  }
0x197: {  	[tilespmem:$0x730] =	vst v0;
	v0 =	vadd.s32 $0x493E0, v2  }
0x198: {  	[tilespmem:$0x930] =	vst v0;
	v0 =	vadd.s32 $0x61A80, v2  }
0x199: {  	[tilespmem:$0xB30] =	vst v0  }
0x19a: {  	v0 =	vadd.s32 $0x7A120, v2;
	[tilespmem:$0x340] =	vst v1  }
0x19b: {  	[tilespmem:$0xD30] =	vst v0;
	v0 =	vadd.s32 $0x927C0, v2  }
0x19c: {  	[tilespmem:$0xF30] =	vst v0;
	v0 =	vadd.s32 $0xAAE60, v2  }
0x19d: {  	[tilespmem:$0x1130] =	vst v0;
	v0 =	vadd.s32 $0xC3500, v2  }
0x19e: {  	[tilespmem:$0x1330] =	vst v0;
	v0 =	vadd.s32 $0xDBBA0, v2  }
0x19f: {  	[tilespmem:$0x1530] =	vst v0;
	v0 =	vadd.s32 $0xF4240, v2  }
0x1a0: {  	[tilespmem:$0x1730] =	vst v0;
	v0 =	vadd.s32 $0x10C8E0, v2  }
0x1a1: {  	[tilespmem:$0x1930] =	vst v0;
	v0 =	vadd.s32 $0x124F80, v2  }
0x1a2: {  	[tilespmem:$0x1B30] =	vst v0;
	v0 =	vadd.s32 $0x13D620, v2  }
0x1a3: {  	[tilespmem:$0x1D30] =	vst v0;
	v0 =	vadd.s32 $0x155CC0, v2  }
0x1a4: {  	[tilespmem:$0x1F30] =	vst v0;
	v0 =	vadd.s32 $0x16E360, v2  }
0x1a5: {  	[tilespmem:$0x2130] =	vst v0;
	v0 =	vadd.s32 $0x186A00, v2  }
0x1a6: {  	[tilespmem:$0x2330] =	vst v0;
	v0 =	vadd.s32 $0x19F0A0, v2  }
0x1a7: {  	[tilespmem:$0x2530] =	vst v0;
	v0 =	vadd.s32 $0x1B7740, v2  }
0x1a8: {  	[tilespmem:$0x2730] =	vst v0;
	v0 =	vadd.s32 $0x1CFDE0, v2  }
0x1a9: {  	v2 =	vld [tilespmem:$0x150];
	[tilespmem:$0x2930] =	vst v0;
	v0 =	vadd.s32 $0x186A0, v1  }
0x1aa: {  	[tilespmem:$0x540] =	vst v0;
	v0 =	vadd.s32 $0x30D40, v1  }
0x1ab: {  	[tilespmem:$0x740] =	vst v0;
	v0 =	vadd.s32 $0x493E0, v1  }
0x1ac: {  	[tilespmem:$0x940] =	vst v0;
	v0 =	vadd.s32 $0x61A80, v1  }
0x1ad: {  	[tilespmem:$0xB40] =	vst v0  }
0x1ae: {  	v0 =	vadd.s32 $0x7A120, v1;
	[tilespmem:$0x350] =	vst v2  }
0x1af: {  	[tilespmem:$0xD40] =	vst v0;
	v0 =	vadd.s32 $0x927C0, v1  }
0x1b0: {  	[tilespmem:$0xF40] =	vst v0;
	v0 =	vadd.s32 $0xAAE60, v1  }
0x1b1: {  	[tilespmem:$0x1140] =	vst v0;
	v0 =	vadd.s32 $0xC3500, v1  }
0x1b2: {  	[tilespmem:$0x1340] =	vst v0;
	v0 =	vadd.s32 $0xDBBA0, v1  }
0x1b3: {  	[tilespmem:$0x1540] =	vst v0;
	v0 =	vadd.s32 $0xF4240, v1  }
0x1b4: {  	[tilespmem:$0x1740] =	vst v0;
	v0 =	vadd.s32 $0x10C8E0, v1  }
0x1b5: {  	[tilespmem:$0x1940] =	vst v0;
	v0 =	vadd.s32 $0x124F80, v1  }
0x1b6: {  	[tilespmem:$0x1B40] =	vst v0;
	v0 =	vadd.s32 $0x13D620, v1  }
0x1b7: {  	[tilespmem:$0x1D40] =	vst v0;
	v0 =	vadd.s32 $0x155CC0, v1  }
0x1b8: {  	[tilespmem:$0x1F40] =	vst v0;
	v0 =	vadd.s32 $0x16E360, v1  }
0x1b9: {  	[tilespmem:$0x2140] =	vst v0;
	v0 =	vadd.s32 $0x186A00, v1  }
0x1ba: {  	[tilespmem:$0x2340] =	vst v0;
	v0 =	vadd.s32 $0x19F0A0, v1  }
0x1bb: {  	[tilespmem:$0x2540] =	vst v0;
	v0 =	vadd.s32 $0x1B7740, v1  }
0x1bc: {  	[tilespmem:$0x2740] =	vst v0;
	v0 =	vadd.s32 $0x1CFDE0, v1  }
0x1bd: {  	v1 =	vadd.s32 $0x186A00, v2;
	[tilespmem:$0x2940] =	vst v0  }
0x1be: {  	v0 =	vadd.s32 $0x186A0, v2;
	[tilespmem:$0x2350] =	vst v1  }
0x1bf: {  	v1 =	vadd.s32 $0x19F0A0, v2;
	[tilespmem:$0x550] =	vst v0  }
0x1c0: {  	v0 =	vadd.s32 $0x30D40, v2;
	[tilespmem:$0x2550] =	vst v1  }
0x1c1: {  	v1 =	vadd.s32 $0x1B7740, v2;
	[tilespmem:$0x750] =	vst v0  }
0x1c2: {  	v0 =	vadd.s32 $0x493E0, v2;
	[tilespmem:$0x2750] =	vst v1  }
0x1c3: {  	v1 =	vadd.s32 $0x1CFDE0, v2;
	[tilespmem:$0x950] =	vst v0  }
0x1c4: {  	v0 =	vadd.s32 $0x61A80, v2;
	[tilespmem:$0x2950] =	vst v1  }
0x1c5: {  	v1 =	vld [tilespmem:$0x1F0];
	[tilespmem:$0xB50] =	vst v0;
	v0 =	vadd.s32 $0x7A120, v2  }
0x1c6: {  	[tilespmem:$0xD50] =	vst v0;
	v0 =	vadd.s32 $0x927C0, v2  }
0x1c7: {  	[tilespmem:$0xF50] =	vst v0;
	v0 =	vadd.s32 $0xAAE60, v2  }
0x1c8: {  	[tilespmem:$0x1150] =	vst v0;
	v0 =	vadd.s32 $0xC3500, v2  }
0x1c9: {  	[tilespmem:$0x1350] =	vst v0  }
0x1ca: {  	v0 =	vadd.s32 $0xDBBA0, v2;
	[tilespmem:$0x3F0] =	vst v1  }
0x1cb: {  	v3 =	vadd.s32 $0x186A00, v1;
	[tilespmem:$0x1550] =	vst v0  }
0x1cc: {  	v4 =	vadd.s32 $0x493E0, v1;
	[tilespmem:$0x23F0] =	vst v3  }
0x1cd: {  	v0 =	vadd.s32 $0xF4240, v2;
	[tilespmem:$0x9F0] =	vst v4  }
0x1ce: {  	[tilespmem:$0x1750] =	vst v0;
	v0 =	vadd.s32 $0x10C8E0, v2  }
0x1cf: {  	[tilespmem:$0x1950] =	vst v0;
	v0 =	vadd.s32 $0x124F80, v2  }
0x1d0: {  	[tilespmem:$0x1B50] =	vst v0;
	v0 =	vadd.s32 $0x13D620, v2  }
0x1d1: {  	[tilespmem:$0x1D50] =	vst v0;
	v0 =	vadd.s32 $0x155CC0, v2  }
0x1d2: {  	[tilespmem:$0x1F50] =	vst v0;
	v0 =	vadd.s32 $0x16E360, v2  }
0x1d3: {  	v3 =	vadd.s32 $0x155CC0, v1;
	[tilespmem:$0x2150] =	vst v0;
	v0 =	vld [tilespmem:$0x160]  }
0x1d4: {  	v4 =	vadd.s32 $0x30D40, v1;
	[tilespmem:$0x1FF0] =	vst v3  }
0x1d5: {  	v3 =	vadd.s32 $0x124F80, v1;
	[tilespmem:$0x7F0] =	vst v4  }
0x1d6: {  	[tilespmem:$0x1BF0] =	vst v3;
	v3 =	vadd.s32 $0xF4240, v1  }
0x1d7: {  	[tilespmem:$0x17F0] =	vst v3;
	v3 =	vadd.s32 $0xC3500, v1  }
0x1d8: {  	[tilespmem:$0x13F0] =	vst v3;
	v2 =	vadd.s32 $0x186A0, v0  }
0x1d9: {  	[tilespmem:$0x560] =	vst v2;
	v2 =	vadd.s32 $0x30D40, v0  }
0x1da: {  	[tilespmem:$0x760] =	vst v2;
	v2 =	vadd.s32 $0x493E0, v0  }
0x1db: {  	[tilespmem:$0x960] =	vst v2;
	v2 =	vadd.s32 $0x61A80, v0  }
0x1dc: {  	[tilespmem:$0xB60] =	vst v2;
	v2 =	vadd.s32 $0x7A120, v0  }
0x1dd: {  	[tilespmem:$0xD60] =	vst v2;
	v2 =	vadd.s32 $0x19F0A0, v1  }
0x1de: {  	[tilespmem:$0x25F0] =	vst v2;
	v2 =	vadd.s32 $0x16E360, v1  }
0x1df: {  	[tilespmem:$0x21F0] =	vst v2;
	v2 =	vadd.s32 $0x13D620, v1  }
0x1e0: {  	[tilespmem:$0x1DF0] =	vst v2;
	v2 =	vadd.s32 $0x10C8E0, v1  }
0x1e1: {  	[tilespmem:$0x19F0] =	vst v2;
	v2 =	vadd.s32 $0xDBBA0, v1  }
0x1e2: {  	[tilespmem:$0x15F0] =	vst v2;
	v2 =	vadd.s32 $0xAAE60, v1  }
0x1e3: {  	[tilespmem:$0x11F0] =	vst v2;
	v2 =	vadd.s32 $0x7A120, v1  }
0x1e4: {  	v3 =	vadd.s32 $0x927C0, v1;
	[tilespmem:$0xDF0] =	vst v2;
	v2 =	vld [tilespmem:$0x1E0]  }
0x1e5: {  	[tilespmem:$0xFF0] =	vst v3;
	v3 =	vadd.s32 $0x61A80, v1  }
0x1e6: {  	[tilespmem:$0xBF0] =	vst v3;
	v3 =	vadd.s32 $0x186A0, v1  }
0x1e7: {  	[tilespmem:$0x5F0] =	vst v3  }
0x1e8: {  	[tilespmem:$0x360] =	vst v0  }
0x1e9: {  	v3 =	vadd.s32 $0x1CFDE0, v2;
	[tilespmem:$0x3E0] =	vst v2  }
0x1ea: {  	v4 =	vadd.s32 $0x1B7740, v2;
	[tilespmem:$0x29E0] =	vst v3  }
0x1eb: {  	v5 =	vadd.s32 $0x493E0, v2;
	[tilespmem:$0x27E0] =	vst v4  }
0x1ec: {  	v3 =	vadd.s32 $0x19F0A0, v2;
	[tilespmem:$0x9E0] =	vst v5  }
0x1ed: {  	v4 =	vadd.s32 $0x186A00, v2;
	[tilespmem:$0x25E0] =	vst v3  }
0x1ee: {  	v5 =	vadd.s32 $0x30D40, v2;
	[tilespmem:$0x23E0] =	vst v4  }
0x1ef: {  	v3 =	vadd.s32 $0x16E360, v2;
	[tilespmem:$0x7E0] =	vst v5  }
0x1f0: {  	v4 =	vadd.s32 $0x155CC0, v2;
	[tilespmem:$0x21E0] =	vst v3  }
0x1f1: {  	v3 =	vadd.s32 $0x13D620, v2;
	[tilespmem:$0x1FE0] =	vst v4  }
0x1f2: {  	v4 =	vadd.s32 $0x124F80, v2;
	[tilespmem:$0x1DE0] =	vst v3  }
0x1f3: {  	v3 =	vadd.s32 $0x10C8E0, v2;
	[tilespmem:$0x1BE0] =	vst v4  }
0x1f4: {  	v4 =	vadd.s32 $0xF4240, v2;
	[tilespmem:$0x19E0] =	vst v3  }
0x1f5: {  	v3 =	vadd.s32 $0xDBBA0, v2;
	[tilespmem:$0x17E0] =	vst v4  }
0x1f6: {  	[tilespmem:$0x15E0] =	vst v3;
	v3 =	vadd.s32 $0xAAE60, v2  }
0x1f7: {  	[tilespmem:$0x11E0] =	vst v3;
	v3 =	vadd.s32 $0x7A120, v2  }
0x1f8: {  	v4 =	vadd.s32 $0xC3500, v2;
	[tilespmem:$0xDE0] =	vst v3;
	v3 =	vld [tilespmem:$0x1D0]  }
0x1f9: {  	[tilespmem:$0x13E0] =	vst v4;
	v4 =	vadd.s32 $0x927C0, v2  }
0x1fa: {  	[tilespmem:$0xFE0] =	vst v4;
	v4 =	vadd.s32 $0x61A80, v2  }
0x1fb: {  	[tilespmem:$0xBE0] =	vst v4;
	v4 =	vadd.s32 $0x186A0, v2  }
0x1fc: {  	[tilespmem:$0x5E0] =	vst v4  }
0x1fd: {  	v4 =	vadd.s32 $0x1CFDE0, v3;
	[tilespmem:$0x3D0] =	vst v3  }
0x1fe: {  	v2 =	vadd.s32 $0x1B7740, v3;
	[tilespmem:$0x29D0] =	vst v4  }
0x1ff: {  	v5 =	vadd.s32 $0x493E0, v3;
	[tilespmem:$0x27D0] =	vst v2  }
0x200: {  	v4 =	vadd.s32 $0x19F0A0, v3;
	[tilespmem:$0x9D0] =	vst v5  }
0x201: {  	v2 =	vadd.s32 $0x186A00, v3;
	[tilespmem:$0x25D0] =	vst v4  }
0x202: {  	v5 =	vadd.s32 $0x30D40, v3;
	[tilespmem:$0x23D0] =	vst v2  }
0x203: {  	v4 =	vadd.s32 $0x16E360, v3;
	[tilespmem:$0x7D0] =	vst v5  }
0x204: {  	v2 =	vadd.s32 $0x155CC0, v3;
	[tilespmem:$0x21D0] =	vst v4  }
0x205: {  	v4 =	vadd.s32 $0x13D620, v3;
	[tilespmem:$0x1FD0] =	vst v2  }
0x206: {  	v2 =	vadd.s32 $0x124F80, v3;
	[tilespmem:$0x1DD0] =	vst v4  }
0x207: {  	v4 =	vadd.s32 $0x10C8E0, v3;
	[tilespmem:$0x1BD0] =	vst v2  }
0x208: {  	v2 =	vadd.s32 $0xF4240, v3;
	[tilespmem:$0x19D0] =	vst v4  }
0x209: {  	v4 =	vadd.s32 $0xDBBA0, v3;
	[tilespmem:$0x17D0] =	vst v2  }
0x20a: {  	[tilespmem:$0x15D0] =	vst v4;
	v4 =	vadd.s32 $0xAAE60, v3  }
0x20b: {  	[tilespmem:$0x11D0] =	vst v4;
	v4 =	vadd.s32 $0x7A120, v3  }
0x20c: {  	v2 =	vadd.s32 $0xC3500, v3;
	[tilespmem:$0xDD0] =	vst v4;
	v4 =	vld [tilespmem:$0x1C0]  }
0x20d: {  	[tilespmem:$0x13D0] =	vst v2;
	v2 =	vadd.s32 $0x927C0, v3  }
0x20e: {  	[tilespmem:$0xFD0] =	vst v2;
	v2 =	vadd.s32 $0x61A80, v3  }
0x20f: {  	[tilespmem:$0xBD0] =	vst v2;
	v2 =	vadd.s32 $0x186A0, v3  }
0x210: {  	[tilespmem:$0x5D0] =	vst v2  }
0x211: {  	v2 =	vadd.s32 $0x1CFDE0, v4;
	[tilespmem:$0x3C0] =	vst v4  }
0x212: {  	v3 =	vadd.s32 $0x1B7740, v4;
	[tilespmem:$0x29C0] =	vst v2  }
0x213: {  	v5 =	vadd.s32 $0x493E0, v4;
	[tilespmem:$0x27C0] =	vst v3  }
0x214: {  	v2 =	vadd.s32 $0x19F0A0, v4;
	[tilespmem:$0x9C0] =	vst v5  }
0x215: {  	v3 =	vadd.s32 $0x186A00, v4;
	[tilespmem:$0x25C0] =	vst v2  }
0x216: {  	v5 =	vadd.s32 $0x30D40, v4;
	[tilespmem:$0x23C0] =	vst v3  }
0x217: {  	v2 =	vadd.s32 $0x16E360, v4;
	[tilespmem:$0x7C0] =	vst v5  }
0x218: {  	v3 =	vadd.s32 $0x155CC0, v4;
	[tilespmem:$0x21C0] =	vst v2  }
0x219: {  	v2 =	vadd.s32 $0x13D620, v4;
	[tilespmem:$0x1FC0] =	vst v3  }
0x21a: {  	v3 =	vadd.s32 $0x124F80, v4;
	[tilespmem:$0x1DC0] =	vst v2  }
0x21b: {  	v2 =	vadd.s32 $0x10C8E0, v4;
	[tilespmem:$0x1BC0] =	vst v3  }
0x21c: {  	v3 =	vadd.s32 $0xF4240, v4;
	[tilespmem:$0x19C0] =	vst v2  }
0x21d: {  	v2 =	vadd.s32 $0xDBBA0, v4;
	[tilespmem:$0x17C0] =	vst v3  }
0x21e: {  	[tilespmem:$0x15C0] =	vst v2;
	v2 =	vadd.s32 $0xAAE60, v4  }
0x21f: {  	[tilespmem:$0x11C0] =	vst v2;
	v2 =	vadd.s32 $0x7A120, v4  }
0x220: {  	v3 =	vadd.s32 $0xC3500, v4;
	[tilespmem:$0xDC0] =	vst v2;
	v2 =	vld [tilespmem:$0x1B0]  }
0x221: {  	[tilespmem:$0x13C0] =	vst v3;
	v3 =	vadd.s32 $0x927C0, v4  }
0x222: {  	[tilespmem:$0xFC0] =	vst v3;
	v3 =	vadd.s32 $0x61A80, v4  }
0x223: {  	[tilespmem:$0xBC0] =	vst v3;
	v3 =	vadd.s32 $0x186A0, v4  }
0x224: {  	[tilespmem:$0x5C0] =	vst v3  }
0x225: {  	v3 =	vadd.s32 $0x1CFDE0, v2;
	[tilespmem:$0x3B0] =	vst v2  }
0x226: {  	v4 =	vadd.s32 $0x1B7740, v2;
	[tilespmem:$0x29B0] =	vst v3  }
0x227: {  	v5 =	vadd.s32 $0x493E0, v2;
	[tilespmem:$0x27B0] =	vst v4  }
0x228: {  	v3 =	vadd.s32 $0x19F0A0, v2;
	[tilespmem:$0x9B0] =	vst v5  }
0x229: {  	v4 =	vadd.s32 $0x186A00, v2;
	[tilespmem:$0x25B0] =	vst v3  }
0x22a: {  	v5 =	vadd.s32 $0x30D40, v2;
	[tilespmem:$0x23B0] =	vst v4  }
0x22b: {  	v3 =	vadd.s32 $0x16E360, v2;
	[tilespmem:$0x7B0] =	vst v5  }
0x22c: {  	v4 =	vadd.s32 $0x155CC0, v2;
	[tilespmem:$0x21B0] =	vst v3  }
0x22d: {  	v3 =	vadd.s32 $0x13D620, v2;
	[tilespmem:$0x1FB0] =	vst v4  }
0x22e: {  	v4 =	vadd.s32 $0x124F80, v2;
	[tilespmem:$0x1DB0] =	vst v3  }
0x22f: {  	v3 =	vadd.s32 $0x10C8E0, v2;
	[tilespmem:$0x1BB0] =	vst v4  }
0x230: {  	v4 =	vadd.s32 $0xF4240, v2;
	[tilespmem:$0x19B0] =	vst v3  }
0x231: {  	v3 =	vadd.s32 $0xDBBA0, v2;
	[tilespmem:$0x17B0] =	vst v4  }
0x232: {  	[tilespmem:$0x15B0] =	vst v3;
	v3 =	vadd.s32 $0xAAE60, v2  }
0x233: {  	[tilespmem:$0x11B0] =	vst v3;
	v3 =	vadd.s32 $0x7A120, v2  }
0x234: {  	v4 =	vadd.s32 $0xC3500, v2;
	[tilespmem:$0xDB0] =	vst v3;
	v3 =	vld [tilespmem:$0x1A0]  }
0x235: {  	[tilespmem:$0x13B0] =	vst v4;
	v4 =	vadd.s32 $0x927C0, v2  }
0x236: {  	[tilespmem:$0xFB0] =	vst v4;
	v4 =	vadd.s32 $0x61A80, v2  }
0x237: {  	[tilespmem:$0xBB0] =	vst v4;
	v4 =	vadd.s32 $0x186A0, v2  }
0x238: {  	[tilespmem:$0x5B0] =	vst v4  }
0x239: {  	v4 =	vadd.s32 $0x1CFDE0, v3;
	[tilespmem:$0x3A0] =	vst v3  }
0x23a: {  	v2 =	vadd.s32 $0x1B7740, v3;
	[tilespmem:$0x29A0] =	vst v4  }
0x23b: {  	v5 =	vadd.s32 $0x493E0, v3;
	[tilespmem:$0x27A0] =	vst v2  }
0x23c: {  	v4 =	vadd.s32 $0x19F0A0, v3;
	[tilespmem:$0x9A0] =	vst v5  }
0x23d: {  	v2 =	vadd.s32 $0x186A00, v3;
	[tilespmem:$0x25A0] =	vst v4  }
0x23e: {  	v5 =	vadd.s32 $0x30D40, v3;
	[tilespmem:$0x23A0] =	vst v2  }
0x23f: {  	v4 =	vadd.s32 $0x16E360, v3;
	[tilespmem:$0x7A0] =	vst v5  }
0x240: {  	v2 =	vadd.s32 $0x155CC0, v3;
	[tilespmem:$0x21A0] =	vst v4  }
0x241: {  	v4 =	vadd.s32 $0x13D620, v3;
	[tilespmem:$0x1FA0] =	vst v2  }
0x242: {  	v2 =	vadd.s32 $0x124F80, v3;
	[tilespmem:$0x1DA0] =	vst v4  }
0x243: {  	v4 =	vadd.s32 $0x10C8E0, v3;
	[tilespmem:$0x1BA0] =	vst v2  }
0x244: {  	v2 =	vadd.s32 $0xF4240, v3;
	[tilespmem:$0x19A0] =	vst v4  }
0x245: {  	v4 =	vadd.s32 $0xDBBA0, v3;
	[tilespmem:$0x17A0] =	vst v2  }
0x246: {  	[tilespmem:$0x15A0] =	vst v4;
	v4 =	vadd.s32 $0xAAE60, v3  }
0x247: {  	[tilespmem:$0x11A0] =	vst v4;
	v4 =	vadd.s32 $0x7A120, v3  }
0x248: {  	v2 =	vadd.s32 $0xC3500, v3;
	[tilespmem:$0xDA0] =	vst v4;
	v4 =	vld [tilespmem:$0x190]  }
0x249: {  	[tilespmem:$0x13A0] =	vst v2;
	v2 =	vadd.s32 $0x927C0, v3  }
0x24a: {  	[tilespmem:$0xFA0] =	vst v2;
	v2 =	vadd.s32 $0x61A80, v3  }
0x24b: {  	[tilespmem:$0xBA0] =	vst v2;
	v2 =	vadd.s32 $0x186A0, v3  }
0x24c: {  	[tilespmem:$0x5A0] =	vst v2  }
0x24d: {  	v2 =	vadd.s32 $0x1CFDE0, v4;
	[tilespmem:$0x390] =	vst v4  }
0x24e: {  	v3 =	vadd.s32 $0x1B7740, v4;
	[tilespmem:$0x2990] =	vst v2  }
0x24f: {  	v5 =	vadd.s32 $0x493E0, v4;
	[tilespmem:$0x2790] =	vst v3  }
0x250: {  	v2 =	vadd.s32 $0x19F0A0, v4;
	[tilespmem:$0x990] =	vst v5  }
0x251: {  	v3 =	vadd.s32 $0x186A00, v4;
	[tilespmem:$0x2590] =	vst v2  }
0x252: {  	v5 =	vadd.s32 $0x30D40, v4;
	[tilespmem:$0x2390] =	vst v3  }
0x253: {  	v2 =	vadd.s32 $0x16E360, v4;
	[tilespmem:$0x790] =	vst v5  }
0x254: {  	v3 =	vadd.s32 $0x155CC0, v4;
	[tilespmem:$0x2190] =	vst v2  }
0x255: {  	v2 =	vadd.s32 $0x13D620, v4;
	[tilespmem:$0x1F90] =	vst v3  }
0x256: {  	v3 =	vadd.s32 $0x124F80, v4;
	[tilespmem:$0x1D90] =	vst v2  }
0x257: {  	v2 =	vadd.s32 $0x10C8E0, v4;
	[tilespmem:$0x1B90] =	vst v3  }
0x258: {  	v3 =	vadd.s32 $0xF4240, v4;
	[tilespmem:$0x1990] =	vst v2  }
0x259: {  	v2 =	vadd.s32 $0xDBBA0, v4;
	[tilespmem:$0x1790] =	vst v3  }
0x25a: {  	[tilespmem:$0x1590] =	vst v2;
	v2 =	vadd.s32 $0xAAE60, v4  }
0x25b: {  	[tilespmem:$0x1190] =	vst v2;
	v2 =	vadd.s32 $0x7A120, v4  }
0x25c: {  	v3 =	vadd.s32 $0xC3500, v4;
	[tilespmem:$0xD90] =	vst v2;
	v2 =	vld [tilespmem:$0x180]  }
0x25d: {  	[tilespmem:$0x1390] =	vst v3;
	v3 =	vadd.s32 $0x927C0, v4  }
0x25e: {  	[tilespmem:$0xF90] =	vst v3;
	v3 =	vadd.s32 $0x61A80, v4  }
0x25f: {  	[tilespmem:$0xB90] =	vst v3;
	v3 =	vadd.s32 $0x186A0, v4  }
0x260: {  	[tilespmem:$0x590] =	vst v3  }
0x261: {  	v3 =	vadd.s32 $0x1CFDE0, v2;
	[tilespmem:$0x380] =	vst v2  }
0x262: {  	v4 =	vadd.s32 $0x1B7740, v2;
	[tilespmem:$0x2980] =	vst v3  }
0x263: {  	v5 =	vadd.s32 $0x30D40, v2;
	[tilespmem:$0x2780] =	vst v4  }
0x264: {  	v3 =	vadd.s32 $0x19F0A0, v2;
	[tilespmem:$0x780] =	vst v5  }
0x265: {  	v4 =	vadd.s32 $0x186A00, v2;
	[tilespmem:$0x2580] =	vst v3  }
0x266: {  	v5 =	vadd.s32 $0x1B7740, v1;
	[tilespmem:$0x2380] =	vst v4  }
0x267: {  	v1 =	vadd.s32 $0x1CFDE0, v1;
	[tilespmem:$0x27F0] =	vst v5  }
0x268: {  	v3 =	vadd.s32 $0x16E360, v2;
	[tilespmem:$0x29F0] =	vst v1  }
0x269: {  	v4 =	vadd.s32 $0x155CC0, v2;
	[tilespmem:$0x2180] =	vst v3  }
0x26a: {  	v3 =	vadd.s32 $0x13D620, v2;
	[tilespmem:$0x1F80] =	vst v4  }
0x26b: {  	v4 =	vadd.s32 $0x124F80, v2;
	[tilespmem:$0x1D80] =	vst v3  }
0x26c: {  	v3 =	vadd.s32 $0x10C8E0, v2;
	[tilespmem:$0x1B80] =	vst v4  }
0x26d: {  	v4 =	vadd.s32 $0xF4240, v2;
	[tilespmem:$0x1980] =	vst v3  }
0x26e: {  	v3 =	vadd.s32 $0xDBBA0, v2;
	[tilespmem:$0x1780] =	vst v4  }
0x26f: {  	v4 =	vadd.s32 $0xC3500, v2;
	[tilespmem:$0x1580] =	vst v3  }
0x270: {  	[tilespmem:$0x1380] =	vst v4;
	v4 =	vadd.s32 $0x927C0, v2  }
0x271: {  	[tilespmem:$0xF80] =	vst v4;
	v4 =	vadd.s32 $0x61A80, v2  }
0x272: {  	v3 =	vadd.s32 $0xAAE60, v2;
	[tilespmem:$0xB80] =	vst v4;
	v4 =	vld [tilespmem:$0x170]  }
0x273: {  	[tilespmem:$0x1180] =	vst v3;
	v3 =	vadd.s32 $0x7A120, v2  }
0x274: {  	[tilespmem:$0xD80] =	vst v3;
	v3 =	vadd.s32 $0x493E0, v2  }
0x275: {  	[tilespmem:$0x980] =	vst v3;
	v3 =	vadd.s32 $0x186A0, v2  }
0x276: {  	[tilespmem:$0x580] =	vst v3  }
0x277: {  	v3 =	vadd.s32 $0x1CFDE0, v4;
	[tilespmem:$0x370] =	vst v4  }
0x278: {  	v2 =	vadd.s32 $0x1B7740, v4;
	[tilespmem:$0x2970] =	vst v3  }
0x279: {  	v3 =	vadd.s32 $0x19F0A0, v4;
	[tilespmem:$0x2770] =	vst v2  }
0x27a: {  	v2 =	vadd.s32 $0x186A00, v4;
	[tilespmem:$0x2570] =	vst v3  }
0x27b: {  	v3 =	vadd.s32 $0x16E360, v4;
	[tilespmem:$0x2370] =	vst v2  }
0x27c: {  	v2 =	vadd.s32 $0x155CC0, v4;
	[tilespmem:$0x2170] =	vst v3  }
0x27d: {  	v3 =	vadd.s32 $0x13D620, v4;
	[tilespmem:$0x1F70] =	vst v2  }
0x27e: {  	v2 =	vadd.s32 $0x124F80, v4;
	[tilespmem:$0x1D70] =	vst v3  }
0x27f: {  	v3 =	vadd.s32 $0x10C8E0, v4;
	[tilespmem:$0x1B70] =	vst v2  }
0x280: {  	v2 =	vadd.s32 $0xF4240, v4;
	[tilespmem:$0x1970] =	vst v3  }
0x281: {  	v3 =	vadd.s32 $0xDBBA0, v4;
	[tilespmem:$0x1770] =	vst v2  }
0x282: {  	v2 =	vadd.s32 $0xC3500, v4;
	[tilespmem:$0x1570] =	vst v3  }
0x283: {  	v3 =	vadd.s32 $0xAAE60, v4;
	[tilespmem:$0x1370] =	vst v2  }
0x284: {  	v2 =	vadd.s32 $0x927C0, v4;
	[tilespmem:$0x1170] =	vst v3  }
0x285: {  	v3 =	vadd.s32 $0x7A120, v4;
	[tilespmem:$0xF70] =	vst v2  }
0x286: {  	v2 =	vadd.s32 $0x61A80, v4;
	[tilespmem:$0xD70] =	vst v3  }
0x287: {  	v3 =	vadd.s32 $0x493E0, v4;
	[tilespmem:$0xB70] =	vst v2  }
0x288: {  	v2 =	vadd.s32 $0x30D40, v4;
	[tilespmem:$0x970] =	vst v3  }
0x289: {  	v3 =	vadd.s32 $0x186A0, v4;
	[tilespmem:$0x770] =	vst v2  }
0x28a: {  	v2 =	vadd.s32 $0x1CFDE0, v0;
	[tilespmem:$0x570] =	vst v3  }
0x28b: {  	[tilespmem:$0x2960] =	vst v2;
	v2 =	vadd.s32 $0x1B7740, v0  }
0x28c: {  	v3 =	vadd.s32 $0x19F0A0, v0;
	[tilespmem:$0x2760] =	vst v2  }
0x28d: {  	[tilespmem:$0x2560] =	vst v3;
	v2 =	vadd.s32 $0x186A00, v0  }
0x28e: {  	v3 =	vadd.s32 $0x16E360, v0;
	[tilespmem:$0x2360] =	vst v2  }
0x28f: {  	[tilespmem:$0x2160] =	vst v3;
	v2 =	vadd.s32 $0x155CC0, v0  }
0x290: {  	v3 =	vadd.s32 $0x13D620, v0;
	[tilespmem:$0x1F60] =	vst v2  }
0x291: {  	[tilespmem:$0x1D60] =	vst v3;
	v2 =	vadd.s32 $0x124F80, v0  }
0x292: {  	v3 =	vadd.s32 $0x10C8E0, v0;
	[tilespmem:$0x1B60] =	vst v2  }
0x293: {  	[tilespmem:$0x1960] =	vst v3;
	v2 =	vadd.s32 $0xF4240, v0  }
0x294: {  	v3 =	vadd.s32 $0xDBBA0, v0;
	[tilespmem:$0x1760] =	vst v2  }
0x295: {  	[tilespmem:$0x1560] =	vst v3;
	v2 =	vadd.s32 $0xC3500, v0  }
0x296: {  	v3 =	vadd.s32 $0xAAE60, v0;
	[tilespmem:$0x1360] =	vst v2  }
0x297: {  	v0 =	vadd.s32 $0x927C0, v0;
	[tilespmem:$0x1160] =	vst v3  }
0x298: {  	[tilespmem:$0xF60] =	vst v0  }
0x299: {  	[tilespmem:s15], [sflag:$0x2] =	stream.indirect.gather [hbm4b:s3+s14], $0x1, s11, s14, $0xb8;
	[tilespmem:$0x5A00] =	vst v63  }
0x29a: {  	_ = 	snop  }
0x29b: {  	[tilespmem:s16], [sflag:$0x3] =	stream.linear.gather [hbm4b:s7+s5], $0x200, $0x38;
	[tilespmem:$0x5A00] =	vst v63  }
0x29c: {  	_ =	swait.ge [sflag:s10], $0x200  }
0x29d: {  	[sflag:s10] =	ssyncset.done $0x0  }
0x29e: {  	[sflag:s10] =	ssyncadd.s32 $0xFFFFFE00  }
0x29f: {  	_ =	swait.ge [sflag:s17], $0x200  }
0x2a0: {  	[sflag:s17] =	ssyncset.done $0x0  }
0x2a1: {  	[sflag:s17] =	ssyncadd.s32 $0xFFFFFE00  }
0x2a2: {  	_ =	swait.ge [sflag:s17], $0x200  }
0x2a3: {  	[sflag:s17] =	ssyncset.done $0x0  }
0x2a4: {  	[sflag:s17] =	ssyncadd.s32 $0xFFFFFE00  }
0x2a5: {  	_ =	swait.ge [sflag:s18], $0x2800  }
0x2a6: {  	[sflag:s18] =	ssyncset.done $0x0  }
0x2a7: {  	s22 =	simm.s32 $0x0;
	[sflag:s18] =	ssyncadd.s32 $0xFFFFD800  }
0x2a8: {  	v0 =	vld [tilespmem:s22+$0x5200]  }
0x2a9: {  	v1 =	vld [tilespmem:s22+$0x5600]  }
0x2aa: {  	v2 =	vld [tilespmem:s22+$0x5400]  }
0x2ab: {  	v3 =	vld [tilespmem:s22+$0x2A00];
	_ =	sdelay $0x1  }
0x2ac: {  	v5 =	vld [tilespmem:s22+$0x2C00];
	v4 =	vadd.f32 $-4.000000000e+01, v0  }
0x2ad: {  	v1 =	vmul.f32 v1, v0  }
0x2ae: {  	v7 =	vld [tilespmem:s22+$0x2E00];
	v6 =	vadd.f32 $-8.000000000e+01, v0;
	v4 =	vmax.f32 v4, $0.0e+00  }
0x2af: {  	v1 =	vadd.f32 v1, v2;
	v2 =	vmul.f32 v3, v4  }
0x2b0: {  	v3 =	vadd.f32 $-1.200000000e+02, v0;
	v4 =	vmax.f32 v6, $0.0e+00;
	v6 =	vld [tilespmem:s22+$0x3000]  }
0x2b1: {  	v1 =	vadd.f32 v2, v1;
	v2 =	vmul.f32 v5, v4  }
0x2b2: {  	v4 =	vadd.f32 $-1.600000000e+02, v0;
	v3 =	vmax.f32 v3, $0.0e+00;
	v5 =	vld [tilespmem:s22+$0x3200]  }
0x2b3: {  	v1 =	vadd.f32 v2, v1;
	v2 =	vmul.f32 v7, v3  }
0x2b4: {  	v3 =	vadd.f32 $-2.000000000e+02, v0;
	v4 =	vmax.f32 v4, $0.0e+00;
	v7 =	vld [tilespmem:s22+$0x3400]  }
0x2b5: {  	v1 =	vadd.f32 v2, v1;
	v2 =	vmul.f32 v6, v4  }
0x2b6: {  	v4 =	vadd.f32 $-2.400000000e+02, v0;
	v3 =	vmax.f32 v3, $0.0e+00;
	v6 =	vld [tilespmem:s22+$0x3600]  }
0x2b7: {  	v1 =	vadd.f32 v2, v1;
	v2 =	vmul.f32 v5, v3  }
0x2b8: {  	v3 =	vmax.f32 v4, $0.0e+00;
	v4 =	vadd.f32 $-2.800000000e+02, v0;
	v5 =	vld [tilespmem:s22+$0x3800]  }
0x2b9: {  	v1 =	vadd.f32 v2, v1;
	v2 =	vmul.f32 v7, v3  }
0x2ba: {  	v3 =	vmax.f32 v4, $0.0e+00;
	v4 =	vadd.f32 $-3.200000000e+02, v0;
	v7 =	vld [tilespmem:s22+$0x3A00]  }
0x2bb: {  	v1 =	vadd.f32 v2, v1;
	v2 =	vmul.f32 v6, v3  }
0x2bc: {  	v14 =	vadd.f32 $-4.400000000e+02, v0;
	v3 =	vmax.f32 v4, $0.0e+00;
	v4 =	vadd.f32 $-3.600000000e+02, v0;
	v6 =	vld [tilespmem:s22+$0x3C00]  }
0x2bd: {  	v9 =	vadd.f32 $-4.000000000e+02, v0;
	v5 =	vmul.f32 v5, v3;
	v8 =	vadd.f32 v2, v1  }
0x2be: {  	s21 =	simm.s32 $0x10;
	v10 =	vld [tilespmem:s22+$0x3E00];
	v15 =	vmax.f32 v14, $0.0e+00;
	v14 =	vadd.f32 $-4.800000000e+02, v0;
	v4 =	vmax.f32 v4, $0.0e+00  }
0x2bf: {  	v3 =	vadd.f32 $-7.600000000e+02, v0;
	v2 =	vld [tilespmem:s21+$0x5200];
	v7 =	vmul.f32 v7, v4;
	v8 =	vadd.f32 v5, v8  }
0x2c0: {  	v11 =	vmax.f32 v9, $0.0e+00;
	v9 =	vld [tilespmem:s22+$0x4000];
	v1 =	vadd.f32 $-8.000000000e+02, v0;
	v4 =	vadd.f32 $-7.200000000e+02, v0  }
0x2c1: {  	v5 =	vadd.f32 $-6.800000000e+02, v0;
	v13 =	vmul.f32 v6, v11;
	v6 =	vld [tilespmem:s22+$0x4600];
	v12 =	vadd.f32 v7, v8  }
0x2c2: {  	s23 =	simm.s32 $0x80;
	v11 =	vld [tilespmem:s22+$0x4200];
	v7 =	vadd.f32 $-6.400000000e+02, v0;
	v8 =	vadd.f32 $-6.000000000e+02, v0  }
.LBB2_2:
0x2c3: {  	p0 =	sne.s32 s23, $0x7C0;
	v16 =	vld [tilespmem:s21+$0x5600];
	v12 =	vadd.f32 v13, v12;
	v10 =	vmul.f32 v10, v15;
	v13 =	vadd.f32 $-5.600000000e+02, v0  }
0x2c4: {  	v17 =	vadd.f32 $-5.200000000e+02, v0;
	v15 =	vadd.f32 $-2.400000000e+02, v2;
	v14 =	vmax.f32 v14, $0.0e+00;
	v18 =	vld [tilespmem:s22+$0x4400];
	v0 =	vmovc v2  }
0x2c5: {  	v2 =	vld [tilespmem:s21+$0x5400];
	v19 =	vadd.f32 $-2.000000000e+02, v0;
	v10 =	vadd.f32 v10, v12;
	v9 =	vmul.f32 v9, v14  }
0x2c6: {  	v14 =	vadd.f32 $-1.200000000e+02, v0;
	v20 =	vadd.f32 $-1.600000000e+02, v0;
	v17 =	vmax.f32 v17, $0.0e+00;
	v12 =	vld [tilespmem:s21+$0x2A00]  }
0x2c7: {  	v21 =	vadd.f32 $-8.000000000e+01, v0;
	v9 =	vadd.f32 v9, v10;
	v10 =	vmul.f32 v11, v17;
	v11 =	vld [tilespmem:s22+$0x4800]  }
0x2c8: {  	v13 =	vmax.f32 v13, $0.0e+00;
	v17 =	vadd.f32 $-4.000000000e+01, v0;
	v16 =	vmul.f32 v16, v0;
	v22 =	vld [tilespmem:s21+$0x2C00]  }
0x2c9: {  	v7 =	vmax.f32 v7, $0.0e+00;
	v9 =	vadd.f32 v10, v9;
	v10 =	vmul.f32 v18, v13;
	v13 =	vld [tilespmem:s22+$0x4A00]  }
0x2ca: {  	v8 =	vmax.f32 v8, $0.0e+00;
	v2 =	vadd.f32 v16, v2;
	v16 =	vmax.f32 v17, $0.0e+00;
	v17 =	vld [tilespmem:s21+$0x2E00]  }
0x2cb: {  	v6 =	vmul.f32 v6, v8;
	v12 =	vmul.f32 v12, v16;
	v9 =	vadd.f32 v10, v9;
	v8 =	vld [tilespmem:s22+$0x4C00]  }
0x2cc: {  	v5 =	vmax.f32 v5, $0.0e+00;
	v10 =	vmax.f32 v21, $0.0e+00;
	v16 =	vld [tilespmem:s21+$0x3000];
	v7 =	vmul.f32 v11, v7  }
0x2cd: {  	v2 =	vadd.f32 v12, v2;
	v10 =	vmul.f32 v22, v10;
	v6 =	vadd.f32 v6, v9;
	v9 =	vld [tilespmem:s22+$0x4E00]  }
0x2ce: {  	v4 =	vmax.f32 v4, $0.0e+00;
	v11 =	vmax.f32 v14, $0.0e+00;
	v12 =	vld [tilespmem:s21+$0x3200];
	v5 =	vmul.f32 v13, v5  }
0x2cf: {  	v2 =	vadd.f32 v10, v2;
	v10 =	vmul.f32 v17, v11;
	v6 =	vadd.f32 v7, v6;
	v7 =	vld [tilespmem:s22+$0x5000]  }
0x2d0: {  	v3 =	vmax.f32 v3, $0.0e+00;
	v11 =	vmax.f32 v20, $0.0e+00;
	v13 =	vld [tilespmem:s21+$0x3400];
	v4 =	vmul.f32 v8, v4  }
0x2d1: {  	v2 =	vadd.f32 v10, v2;
	v8 =	vmul.f32 v16, v11;
	v5 =	vadd.f32 v5, v6  }
0x2d2: {  	v1 =	vmax.f32 v1, $0.0e+00;
	v6 =	vmax.f32 v19, $0.0e+00;
	v10 =	vld [tilespmem:s21+$0x3600];
	v3 =	vmul.f32 v9, v3  }
0x2d3: {  	v2 =	vadd.f32 v8, v2;
	v6 =	vmul.f32 v12, v6;
	v4 =	vadd.f32 v4, v5  }
0x2d4: {  	v5 =	vmax.f32 v15, $0.0e+00;
	v8 =	vadd.f32 $-2.800000000e+02, v0;
	v9 =	vld [tilespmem:s21+$0x3800];
	v1 =	vmul.f32 v7, v1  }
0x2d5: {  	v2 =	vadd.f32 v6, v2;
	v5 =	vmul.f32 v13, v5;
	v3 =	vadd.f32 v3, v4  }
0x2d6: {  	v4 =	vmax.f32 v8, $0.0e+00;
	v6 =	vadd.f32 $-3.200000000e+02, v0;
	v7 =	vld [tilespmem:s21+$0x3A00]  }
0x2d7: {  	v2 =	vadd.f32 v5, v2;
	v4 =	vmul.f32 v10, v4;
	v3 =	vadd.f32 v1, v3  }
0x2d8: {  	v1 =	vmax.f32 v6, $0.0e+00;
	v5 =	vadd.f32 $-3.600000000e+02, v0;
	v6 =	vld [tilespmem:s21+$0x3C00]  }
0x2d9: {  	v4 =	vadd.f32 v4, v2;
	v8 =	vmul.f32 v9, v1;
	v1 =	vadd.f32 $-8.000000000e+02, v0;
	[tilespmem:s22+$0x5800] =	vst v3;
	s22 =	smov.u32 s21  }
.Ltmp0:
0x2da: {  	s21 =	sshra.s32 s23, $0x2;
	v5 =	vmax.f32 v5, $0.0e+00;
	v9 =	vadd.f32 $-4.000000000e+02, v0;
	v3 =	vadd.f32 $-7.600000000e+02, v0;
	v10 =	vld [tilespmem:s22+$0x3E00];
	(pc) =	sbr.rel @p0 .LBB2_2-.Ltmp0, $4  }
0x2db: {  	v2 =	vld [tilespmem:s21+$0x5200];
	v8 =	vadd.f32 v8, v4;
	v7 =	vmul.f32 v7, v5;
	v4 =	vadd.f32 $-7.200000000e+02, v0  }
0x2dc: {  	v14 =	vadd.f32 $-4.400000000e+02, v0;
	v11 =	vmax.f32 v9, $0.0e+00;
	v5 =	vadd.f32 $-6.800000000e+02, v0;
	v9 =	vld [tilespmem:s22+$0x4000]  }
0x2dd: {  	v12 =	vadd.f32 v7, v8;
	v13 =	vmul.f32 v6, v11;
	v6 =	vld [tilespmem:s22+$0x4600];
	v7 =	vadd.f32 $-6.400000000e+02, v0  }
0x2de: {  	v15 =	vmax.f32 v14, $0.0e+00;
	v14 =	vadd.f32 $-4.800000000e+02, v0;
	s23 =	sadd.s32 $0x40, s23;
	v8 =	vadd.f32 $-6.000000000e+02, v0;
	v11 =	vld [tilespmem:s22+$0x4200]  }
0x2df: {  	v16 =	vld [tilespmem:s21+$0x5600];
	v12 =	vadd.f32 v13, v12;
	v10 =	vmul.f32 v10, v15;
	v42 =	vadd.f32 $-5.600000000e+02, v0  }
0x2e0: {  	v44 =	vadd.f32 $-5.200000000e+02, v0;
	v17 =	vld [tilespmem:s22+$0x4400];
	v7 =	vmax.f32 v7, $0.0e+00;
	v14 =	vmax.f32 v14, $0.0e+00  }
0x2e1: {  	v18 =	vld [tilespmem:s21+$0x5400];
	v5 =	vmax.f32 v5, $0.0e+00;
	v10 =	vadd.f32 v10, v12;
	v9 =	vmul.f32 v9, v14  }
0x2e2: {  	v45 =	vld [tilespmem:s21+$0x2A00];
	v4 =	vmax.f32 v4, $0.0e+00;
	v3 =	vmax.f32 v3, $0.0e+00;
	v0 =	vmax.f32 v44, $0.0e+00  }
0x2e3: {  	v47 =	vld [tilespmem:s22+$0x4800];
	v1 =	vmax.f32 v1, $0.0e+00;
	v9 =	vadd.f32 v9, v10;
	v0 =	vmul.f32 v11, v0  }
0x2e4: {  	v22 =	vld [tilespmem:s21+$0x2C00];
	v49 =	vadd.f32 $-4.000000000e+01, v2;
	v8 =	vmax.f32 v8, $0.0e+00;
	v13 =	vmax.f32 v42, $0.0e+00  }
0x2e5: {  	v51 =	vld [tilespmem:s22+$0x4A00];
	v48 =	vmul.f32 v16, v2;
	v50 =	vmul.f32 v17, v13;
	v0 =	vadd.f32 v0, v9  }
0x2e6: {  	v52 =	vld [tilespmem:s21+$0x2E00];
	v21 =	vadd.f32 $-8.000000000e+01, v2;
	v6 =	vmul.f32 v6, v8;
	v16 =	vmax.f32 v49, $0.0e+00  }
0x2e7: {  	v53 =	vld [tilespmem:s22+$0x4C00];
	v12 =	vmul.f32 v45, v16;
	v11 =	vadd.f32 v48, v18;
	v0 =	vadd.f32 v50, v0  }
0x2e8: {  	v55 =	vld [tilespmem:s21+$0x3000];
	v46 =	vadd.f32 $-1.200000000e+02, v2;
	v54 =	vmax.f32 v21, $0.0e+00;
	v7 =	vmul.f32 v47, v7  }
0x2e9: {  	v57 =	vld [tilespmem:s22+$0x4E00];
	v9 =	vmul.f32 v22, v54;
	v56 =	vadd.f32 v12, v11;
	v0 =	vadd.f32 v6, v0  }
0x2ea: {  	v59 =	vld [tilespmem:s21+$0x3200];
	v20 =	vadd.f32 $-1.600000000e+02, v2;
	v58 =	vmax.f32 v46, $0.0e+00;
	v5 =	vmul.f32 v51, v5  }
0x2eb: {  	v61 =	vld [tilespmem:s22+$0x5000];
	v60 =	vmul.f32 v52, v58;
	v9 =	vadd.f32 v9, v56;
	v0 =	vadd.f32 v7, v0  }
0x2ec: {  	v63 =	vld [tilespmem:s21+$0x3400];
	v19 =	vadd.f32 $-2.000000000e+02, v2;
	v62 =	vmax.f32 v20, $0.0e+00;
	v4 =	vmul.f32 v53, v4  }
0x2ed: {  	v17 =	vmul.f32 v55, v62;
	v14 =	vadd.f32 v60, v9;
	v0 =	vadd.f32 v5, v0  }
0x2ee: {  	v43 =	vadd.f32 $-2.400000000e+02, v2;
	v3 =	vmul.f32 v57, v3;
	v18 =	vmax.f32 v19, $0.0e+00;
	v19 =	vld [tilespmem:s21+$0x3600]  }
0x2ef: {  	v5 =	vmul.f32 v59, v18;
	v20 =	vadd.f32 v17, v14;
	v0 =	vadd.f32 v4, v0  }
0x2f0: {  	v23 =	vld [tilespmem:s21+$0x3800];
	v21 =	vmax.f32 v43, $0.0e+00;
	v1 =	vmul.f32 v61, v1;
	v22 =	vadd.f32 $-2.800000000e+02, v2  }
0x2f1: {  	v4 =	vmul.f32 v63, v21;
	v5 =	vadd.f32 v5, v20;
	v0 =	vadd.f32 v3, v0  }
0x2f2: {  	v26 =	vld [tilespmem:s21+$0x3A00];
	v25 =	vadd.f32 $-3.200000000e+02, v2;
	v24 =	vmax.f32 v22, $0.0e+00  }
0x2f3: {  	v3 =	vmul.f32 v19, v24;
	v4 =	vadd.f32 v4, v5;
	v0 =	vadd.f32 v1, v0  }
0x2f4: {  	v29 =	vld [tilespmem:s21+$0x3C00];
	v28 =	vadd.f32 $-3.600000000e+02, v2;
	v27 =	vmax.f32 v25, $0.0e+00  }
0x2f5: {  	v1 =	vmul.f32 v23, v27;
	v3 =	vadd.f32 v3, v4;
	[tilespmem:s22+$0x5800] =	vst v0  }
0x2f6: {  	v31 =	vadd.f32 $-4.000000000e+02, v2;
	v30 =	vmax.f32 v28, $0.0e+00;
	v32 =	vld [tilespmem:s21+$0x3E00]  }
0x2f7: {  	v0 =	vmul.f32 v26, v30;
	v1 =	vadd.f32 v1, v3  }
0x2f8: {  	v34 =	vadd.f32 $-4.400000000e+02, v2;
	v33 =	vmax.f32 v31, $0.0e+00;
	v35 =	vld [tilespmem:s21+$0x4000]  }
0x2f9: {  	v36 =	vmul.f32 v29, v33;
	v0 =	vadd.f32 v0, v1  }
0x2fa: {  	v38 =	vadd.f32 $-4.800000000e+02, v2;
	v37 =	vmax.f32 v34, $0.0e+00;
	v39 =	vld [tilespmem:s21+$0x4200]  }
0x2fb: {  	v0 =	vadd.f32 v36, v0;
	v40 =	vmul.f32 v32, v37  }
0x2fc: {  	v42 =	vadd.f32 $-5.200000000e+02, v2;
	v41 =	vmax.f32 v38, $0.0e+00;
	v43 =	vld [tilespmem:s21+$0x4400]  }
0x2fd: {  	v44 =	vmul.f32 v35, v41;
	v0 =	vadd.f32 v40, v0  }
0x2fe: {  	v46 =	vadd.f32 $-5.600000000e+02, v2;
	v4 =	vmax.f32 v42, $0.0e+00;
	v45 =	vld [tilespmem:s21+$0x4600]  }
0x2ff: {  	v47 =	vmul.f32 v39, v4;
	v0 =	vadd.f32 v44, v0  }
0x300: {  	v48 =	vadd.f32 $-6.000000000e+02, v2;
	v7 =	vmax.f32 v46, $0.0e+00;
	v49 =	vld [tilespmem:s21+$0x4800]  }
0x301: {  	v50 =	vmul.f32 v43, v7;
	v0 =	vadd.f32 v47, v0  }
0x302: {  	v51 =	vadd.f32 $-6.400000000e+02, v2;
	v52 =	vld [tilespmem:s21+$0x4A00];
	v4 =	vmax.f32 v48, $0.0e+00  }
0x303: {  	v53 =	vmul.f32 v45, v4;
	v0 =	vadd.f32 v50, v0  }
0x304: {  	v54 =	vadd.f32 $-6.800000000e+02, v2;
	v55 =	vmax.f32 v51, $0.0e+00;
	v56 =	vld [tilespmem:s21+$0x4C00]  }
0x305: {  	v4 =	vmul.f32 v49, v55;
	v0 =	vadd.f32 v53, v0  }
0x306: {  	v57 =	vadd.f32 $-7.200000000e+02, v2;
	v3 =	vmax.f32 v54, $0.0e+00;
	v58 =	vld [tilespmem:s21+$0x4E00]  }
0x307: {  	v3 =	vmul.f32 v52, v3;
	v0 =	vadd.f32 v4, v0  }
0x308: {  	v59 =	vadd.f32 $-7.600000000e+02, v2;
	v60 =	vld [tilespmem:s21+$0x5000];
	v1 =	vmax.f32 v57, $0.0e+00  }
0x309: {  	v1 =	vmul.f32 v56, v1;
	v0 =	vadd.f32 v3, v0  }
0x30a: {  	v61 =	vadd.f32 $-8.000000000e+02, v2;
	v62 =	vmax.f32 v59, $0.0e+00  }
0x30b: {  	v3 =	vmul.f32 v58, v62;
	v0 =	vadd.f32 v1, v0  }
0x30c: {  	v63 =	vmax.f32 v61, $0.0e+00  }
0x30d: {  	v1 =	vmul.f32 v60, v63;
	v0 =	vadd.f32 v3, v0;
	_ =	sdelay $0x1  }
0x30e: {  	s20 =	sadd.s32 $0x1, s20;
	v0 =	vadd.f32 v1, v0  }
0x30f: {  	p0 =	sne.s32 s20, s9  }
.Ltmp1:
0x310: {  	[tilespmem:s21+$0x5800] =	vst v0;
	(pc) =	sbr.rel @p0 .LBB2_1-.Ltmp1, $4  }
0x311: {  	[hbm4b:s8+s5] =	stream.linear.scatter [tilespmem:s19], [sflag:$0x3], $0x200, $0x38;
	[tilespmem:$0x5A00] =	vst v63  }
0x312: {  	_ =	swait.ge [sflag:s10], $0x200  }
0x313: {  	[sflag:s10] =	ssyncset.done $0x0  }
0x314: {  	[sflag:s10] =	ssyncadd.s32 $0xFFFFFE00  }
0x315: {  	_ =	sfence.sel $0x180000  }
0x316: {  	[bflag:$0x0] =	sbarrier.arrive $0xFFFF  }
0x317: {  	p0 =	sne.s32 s4, $0x0;
	_ =	strace $0x90000047  }
0x318: {  	s0 =	sadd.s32 @!p0 $0x100000, s0;
	[bflag:$0x2] =	sbarrier.arrive $0xFFFF  }
0x319: {  	[sflag:s0] =	ssyncadd.tile.s32 @!p0 $0x1;
	_ =	shalt  }
.Lfunc_end2:
_tile_overlayer_lowered:
.L_overlay_start_2:
0x31a: {  	(tag) =	ssettag $0x2  }
0x31b: {  	s0 =	rddreg [dreg:$0x0];
	s2 =	stileid.u32  }
0x31c: {  	s1 =	rddreg [dreg:$0x1];
	p0 =	sne.s32 s2, $0x0  }
0x31d: {  	s3 =	rddreg [dreg:$0x2];
	[bflag:$0x3] =	sbarrier.arrive $0xFFFF;
	s2 =	simm.s32 @!p0 $0x1C03  }
0x31e: {  	[timem:s3], [sflag:s2] =	dma.local @!p0 [hbm:s0], s1  }
0x31f: {  	s0 =	simm.s32 @!p0 $0x3  }
0x320: {  	_ =	swait.ge @!p0 [sflag:s0], s1  }
0x321: {  	s1 =	ssub.s32 @!p0 $0x0, s1;
	[sflag:s0] =	ssyncset.done @!p0 $0x0  }
0x322: {  	[sflag:s0] =	ssyncadd.s32 @!p0 s1  }
0x323: {  	[bflag:$0x3] =	sbarrier.arrive $0xFFFF  }
0x324: {  	_ =	shalt  }

</sc_bundles>
